<compile_context>
chip_gen: v7x
topology: tpu7x:2x2x1
jax: 0.10.2.dev20260603
libtpu: 0.0.44.dev20260713+nightly
codegen_flags: <defaults>
</compile_context>

<pallas_src>
import functools

import jax
import jax.numpy as jnp
from jax import lax
from jax.experimental import pallas as pl
from jax.experimental.pallas import tpu as pltpu
from jax.experimental.pallas import tpu_sc as plsc

DIM = 64
MAXLEN = 200
BATCH = 4096

_info = plsc.get_sparse_core_info()
NC, NS = _info.num_cores, _info.num_subcores
NW = NC * NS
SEQ_PER_W = BATCH // NW
NB = 8
ROUNDS = SEQ_PER_W // NB

_mesh = plsc.VectorSubcoreMesh(core_axis_name="c", subcore_axis_name="s")


@functools.partial(
    pl.kernel,
    out_type=jax.ShapeDtypeStruct((BATCH, MAXLEN, DIM), jnp.float32),
    mesh=_mesh,
    scratch_types=[
        pltpu.VMEM_SHARED((MAXLEN, DIM), jnp.float32),
        pltpu.VMEM((NB, MAXLEN, DIM), jnp.float32),
        pltpu.VMEM((NB, MAXLEN), jnp.int32),
        pltpu.SemaphoreType.DMA((NB,)),
        pltpu.SemaphoreType.DMA((NB,)),
        pltpu.SemaphoreType.DMA((NB,)),
    ],
    compiler_params=pltpu.CompilerParams(use_tc_tiling_on_sc=False,
                                         skip_device_barrier=True),
)
def _embed_kernel(x_hbm, table_hbm, pe_hbm, out_hbm,
                  pe_sh, rows, idxs, semf, semg, semo):
    wid = lax.axis_index("s") * NC + lax.axis_index("c")
    sbase = wid * SEQ_PER_W
    @pl.when(lax.axis_index("s") == 0)
    def _():
        pltpu.sync_copy(pe_hbm.at[0], pe_sh)

    plsc.subcore_barrier()

    def do_round(r, first):
        for k in range(NB):
            b = sbase + r * NB + k
            if not first:
                pltpu.make_async_copy(rows.at[k], out_hbm.at[b], semo.at[k]).wait()
            pltpu.async_copy(pe_sh, rows.at[k], semf.at[k])
            pltpu.sync_copy(x_hbm.at[b], idxs.at[k])
        for k in range(NB):
            pltpu.make_async_copy(pe_sh, rows.at[k], semf.at[k]).wait()
            pltpu.async_copy(table_hbm.at[idxs.at[k]], rows.at[k], semg.at[k],
                             add=True)
        for k in range(NB):
            b = sbase + r * NB + k
            pltpu.make_async_copy(table_hbm.at[idxs.at[k]], rows.at[k],
                                  semg.at[k]).wait()
            pltpu.async_copy(rows.at[k], out_hbm.at[b], semo.at[k])

    do_round(0, True)

    def body(r, _):
        do_round(r, False)
        return ()

    lax.fori_loop(1, ROUNDS, body, ())

    for k in range(NB):
        b = sbase + (ROUNDS - 1) * NB + k
        pltpu.make_async_copy(rows.at[k], out_hbm.at[b], semo.at[k]).wait()


@jax.jit
def kernel(x, table, pe):
    tbl = lax.optimization_barrier(table.reshape(500000, 2 * DIM))
    tbl = tbl.reshape(1000000, DIM)
    return _embed_kernel(x.astype(jnp.int32), tbl,
                         pe.astype(jnp.float32))

# --- scband reference (transcript-rebuilt; emitter-appended) ---
"""Pipeline reference for scband-position-embedding-53858889892341 (READ-ONLY COPY).

The authoritative reference and input builder live on the scoring server;
editing this copy changes nothing except your own understanding.
"""

import jax, jax.numpy as jnp
import numpy as np

VOCAB = 1000000
DIM = 64
MAXLEN = 200
BATCH = 4096


def _make_pe():
    # Faithful to the torch loop: fenmu = 10000 ** (i / dim); pe = pos / fenmu;
    # sin for even i, cos for odd i.
    pos = np.arange(MAXLEN, dtype=np.float64)[:, None]
    i = np.arange(DIM, dtype=np.float64)[None, :]
    angle = pos / (10000.0 ** (i / DIM))
    even_mask = (np.arange(DIM)[None, :] % 2) == 0
    pe = np.where(even_mask, np.sin(angle), np.cos(angle))
    return jnp.asarray(pe[None, :, :], dtype=jnp.float32)  # [1, MAXLEN, DIM]


def setup_inputs(seed: int = 0) -> dict:
    key = jax.random.key(seed)
    k1, k2 = jax.random.split(key)
    x = jax.random.randint(k1, (BATCH, MAXLEN), 0, VOCAB)
    # Embedding table initialized as normal(0, 0.1), matching weight.data.normal_(0, 0.1)
    table = jax.random.normal(k2, (VOCAB, DIM), dtype=jnp.float32) * 0.1
    pe = _make_pe()
    return {"x": x, "table": table, "pe": pe}


def reference(x, table, pe):
    embed = jnp.take(table, x, axis=0)  # [B, MAXLEN, DIM] gather
    return embed + pe

if __name__ == "__main__":
    import jax
    _d = setup_inputs()
    print(jax.jit(kernel)(*tuple(_d.values())))

</pallas_src>

<mosaic_0001>
#map = affine_map<(d0, d1) -> (0, 0)>
#map1 = affine_map<(d0, d1) -> (0, 0, 0)>
module attributes {stable_mosaic.version = 14 : i64} {
  func.func @_embed_kernel(%arg0: i32, %arg1: i32, %arg2: memref<4096x200xi32, #tpu.memory_space<hbm>>, %arg3: memref<1000000x64xf32, #tpu.memory_space<hbm>>, %arg4: memref<1x200x64xf32, #tpu.memory_space<hbm>>, %arg5: memref<4096x200x64xf32, #tpu.memory_space<hbm>>, %arg6: memref<200x64xf32, #tpu.memory_space<vmem_shared>>, %arg7: memref<8x200x64xf32, #tpu.memory_space<vmem>>, %arg8: memref<8x200xi32, #tpu.memory_space<vmem>>, %arg9: memref<8x!tpu.dma_semaphore, #tpu.memory_space<semaphore_mem>>, %arg10: memref<8x!tpu.dma_semaphore, #tpu.memory_space<semaphore_mem>>, %arg11: memref<8x!tpu.dma_semaphore, #tpu.memory_space<semaphore_mem>>) attributes {dimension_semantics = [#tpu.dimension_semantics<core_parallel>, #tpu.dimension_semantics<subcore_parallel>], iteration_bounds = array<i64: 2, 16>, scalar_prefetch = 0 : i64, scratch_operands = 6 : i64, tpu.core_type = #tpu.core_type<sc_vector_subcore>, window_params = [{transform_indices = #map}, {transform_indices = #map}, {transform_indices = #map1}, {transform_indices = #map1}]} {
    %mul3A = arith.constant 2 : i32
    %mul3A_0 = arith.muli %arg1, %mul3A : i32
    %add3A = arith.addi %mul3A_0, %arg0 : i32
    %mul3A_1 = arith.constant 128 : i32
    %mul3A_2 = arith.muli %add3A, %mul3A_1 : i32
    %eq3A = arith.constant 0 : i32
    %eq3A_3 = arith.cmpi eq, %arg1, %eq3A : i32
    %convert_element_type3A = arith.extui %eq3A_3 : i1 to i32
    %cond3A = arith.constant 0 : i32
    %cond3A_4 = arith.cmpi ne, %convert_element_type3A, %cond3A : i32
    scf.if %cond3A_4 {
      %run_scoped3A_862 = arith.constant 0 : i32
      "tpu.region"() ({
        %run_scoped3A_863 = tpu.sem_alloc : memref<!tpu.dma_semaphore, #tpu.memory_space<semaphore_mem>>
        %dma_start3A_864 = arith.constant 0 : i32
        %dma_start3A_865 = arith.constant 0 : i32
        %dma_start3A_866 = tpu.memref_slice %arg4[%run_scoped3A_862, %dma_start3A_864, %dma_start3A_865] : memref<1x200x64xf32, #tpu.memory_space<hbm>> -> memref<1x200x64xf32, #tpu.memory_space<hbm>>
        %dma_start3A_867 = tpu.memref_squeeze %dma_start3A_866 : memref<1x200x64xf32, #tpu.memory_space<hbm>> -> memref<200x64xf32, #tpu.memory_space<hbm>>
        tpu.enqueue_dma source(%dma_start3A_867 : memref<200x64xf32, #tpu.memory_space<hbm>>) target(%arg6 : memref<200x64xf32, #tpu.memory_space<vmem_shared>>) target_semaphore(%run_scoped3A_863 : memref<!tpu.dma_semaphore, #tpu.memory_space<semaphore_mem>>)
        %dma_wait3A_868 = arith.constant 0 : i32
        %dma_wait3A_869 = arith.constant 0 : i32
        %dma_wait3A_870 = tpu.memref_slice %arg4[%run_scoped3A_862, %dma_wait3A_868, %dma_wait3A_869] : memref<1x200x64xf32, #tpu.memory_space<hbm>> -> memref<1x200x64xf32, #tpu.memory_space<hbm>>
        %dma_wait3A_871 = tpu.memref_squeeze %dma_wait3A_870 : memref<1x200x64xf32, #tpu.memory_space<hbm>> -> memref<200x64xf32, #tpu.memory_space<hbm>>
        tpu.wait_dma2 semaphore(%run_scoped3A_863 : memref<!tpu.dma_semaphore, #tpu.memory_space<semaphore_mem>>) src(%dma_wait3A_871 : memref<200x64xf32, #tpu.memory_space<hbm>>) dst(%arg6 : memref<200x64xf32, #tpu.memory_space<vmem_shared>>)
        tpu.yield
      }) : () -> ()
    } else {
    }
    %barrier3A = arith.constant 0 : index
    tpu.barrier barrier_id(%barrier3A)
    %add3A_5 = arith.constant 0 : i32
    %add3A_6 = arith.addi %mul3A_2, %add3A_5 : i32
    %add3A_7 = arith.constant 0 : i32
    %add3A_8 = arith.addi %add3A_6, %add3A_7 : i32
    %dma_start3A = arith.constant 0 : i32
    %dma_start3A_9 = arith.constant 0 : i32
    %dma_start3A_10 = arith.constant 0 : i32
    %dma_start3A_11 = arith.constant 0 : i32
    %dma_start3A_12 = tpu.memref_slice %arg7[%dma_start3A, %dma_start3A_10, %dma_start3A_11] : memref<8x200x64xf32, #tpu.memory_space<vmem>> -> memref<1x200x64xf32, #tpu.memory_space<vmem>>
    %dma_start3A_13 = tpu.memref_squeeze %dma_start3A_12 : memref<1x200x64xf32, #tpu.memory_space<vmem>> -> memref<200x64xf32, #tpu.memory_space<vmem>>
    %dma_start3A_14 = tpu.memref_slice %arg9[%dma_start3A_9] : memref<8x!tpu.dma_semaphore, #tpu.memory_space<semaphore_mem>> -> memref<1x!tpu.dma_semaphore, #tpu.memory_space<semaphore_mem>>
    %dma_start3A_15 = tpu.memref_squeeze %dma_start3A_14 : memref<1x!tpu.dma_semaphore, #tpu.memory_space<semaphore_mem>> -> memref<!tpu.dma_semaphore, #tpu.memory_space<semaphore_mem>>
    %dma_start3A_16 = arith.constant 0 : i32
    %dma_start3A_17 = arith.constant 0 : i32
    %dma_start3A_18 = tpu.memref_slice %arg7[%dma_start3A, %dma_start3A_16, %dma_start3A_17] : memref<8x200x64xf32, #tpu.memory_space<vmem>> -> memref<1x200x64xf32, #tpu.memory_space<vmem>>
    %dma_start3A_19 = tpu.memref_squeeze %dma_start3A_18 : memref<1x200x64xf32, #tpu.memory_space<vmem>> -> memref<200x64xf32, #tpu.memory_space<vmem>>
    tpu.enqueue_dma source(%arg6 : memref<200x64xf32, #tpu.memory_space<vmem_shared>>) target(%dma_start3A_19 : memref<200x64xf32, #tpu.memory_space<vmem>>) target_semaphore(%dma_start3A_15 : memref<!tpu.dma_semaphore, #tpu.memory_space<semaphore_mem>>)
    %run_scoped3A = arith.constant 0 : i32
    "tpu.region"() ({
      %run_scoped3A_862 = tpu.sem_alloc : memref<!tpu.dma_semaphore, #tpu.memory_space<semaphore_mem>>
      %dma_start3A_863 = arith.constant 0 : i32
      %dma_start3A_864 = tpu.memref_slice %arg8[%run_scoped3A, %dma_start3A_863] : memref<8x200xi32, #tpu.memory_space<vmem>> -> memref<1x200xi32, #tpu.memory_space<vmem>>
      %dma_start3A_865 = tpu.memref_squeeze %dma_start3A_864 : memref<1x200xi32, #tpu.memory_space<vmem>> -> memref<200xi32, #tpu.memory_space<vmem>>
      %dma_start3A_866 = arith.constant 0 : i32
      %dma_start3A_867 = tpu.memref_slice %arg2[%add3A_8, %dma_start3A_866] : memref<4096x200xi32, #tpu.memory_space<hbm>> -> memref<1x200xi32, #tpu.memory_space<hbm>>
      %dma_start3A_868 = tpu.memref_squeeze %dma_start3A_867 : memref<1x200xi32, #tpu.memory_space<hbm>> -> memref<200xi32, #tpu.memory_space<hbm>>
      %dma_start3A_869 = arith.constant 0 : i32
      %dma_start3A_870 = tpu.memref_slice %arg8[%run_scoped3A, %dma_start3A_869] : memref<8x200xi32, #tpu.memory_space<vmem>> -> memref<1x200xi32, #tpu.memory_space<vmem>>
      %dma_start3A_871 = tpu.memref_squeeze %dma_start3A_870 : memref<1x200xi32, #tpu.memory_space<vmem>> -> memref<200xi32, #tpu.memory_space<vmem>>
      %dma_start3A_872 = arith.constant 0 : i32
      %dma_start3A_873 = tpu.memref_slice %arg2[%add3A_8, %dma_start3A_872] : memref<4096x200xi32, #tpu.memory_space<hbm>> -> memref<1x200xi32, #tpu.memory_space<hbm>>
      %dma_start3A_874 = tpu.memref_squeeze %dma_start3A_873 : memref<1x200xi32, #tpu.memory_space<hbm>> -> memref<200xi32, #tpu.memory_space<hbm>>
      tpu.enqueue_dma source(%dma_start3A_874 : memref<200xi32, #tpu.memory_space<hbm>>) target(%dma_start3A_871 : memref<200xi32, #tpu.memory_space<vmem>>) target_semaphore(%run_scoped3A_862 : memref<!tpu.dma_semaphore, #tpu.memory_space<semaphore_mem>>)
      %dma_wait3A_875 = arith.constant 0 : i32
      %dma_wait3A_876 = tpu.memref_slice %arg8[%run_scoped3A, %dma_wait3A_875] : memref<8x200xi32, #tpu.memory_space<vmem>> -> memref<1x200xi32, #tpu.memory_space<vmem>>
      %dma_wait3A_877 = tpu.memref_squeeze %dma_wait3A_876 : memref<1x200xi32, #tpu.memory_space<vmem>> -> memref<200xi32, #tpu.memory_space<vmem>>
      %dma_wait3A_878 = arith.constant 0 : i32
      %dma_wait3A_879 = tpu.memref_slice %arg2[%add3A_8, %dma_wait3A_878] : memref<4096x200xi32, #tpu.memory_space<hbm>> -> memref<1x200xi32, #tpu.memory_space<hbm>>
      %dma_wait3A_880 = tpu.memref_squeeze %dma_wait3A_879 : memref<1x200xi32, #tpu.memory_space<hbm>> -> memref<200xi32, #tpu.memory_space<hbm>>
      %dma_wait3A_881 = arith.constant 0 : i32
      %dma_wait3A_882 = tpu.memref_slice %arg8[%run_scoped3A, %dma_wait3A_881] : memref<8x200xi32, #tpu.memory_space<vmem>> -> memref<1x200xi32, #tpu.memory_space<vmem>>
      %dma_wait3A_883 = tpu.memref_squeeze %dma_wait3A_882 : memref<1x200xi32, #tpu.memory_space<vmem>> -> memref<200xi32, #tpu.memory_space<vmem>>
      %dma_wait3A_884 = arith.constant 0 : i32
      %dma_wait3A_885 = tpu.memref_slice %arg2[%add3A_8, %dma_wait3A_884] : memref<4096x200xi32, #tpu.memory_space<hbm>> -> memref<1x200xi32, #tpu.memory_space<hbm>>
      %dma_wait3A_886 = tpu.memref_squeeze %dma_wait3A_885 : memref<1x200xi32, #tpu.memory_space<hbm>> -> memref<200xi32, #tpu.memory_space<hbm>>
      tpu.wait_dma2 semaphore(%run_scoped3A_862 : memref<!tpu.dma_semaphore, #tpu.memory_space<semaphore_mem>>) src(%dma_wait3A_886 : memref<200xi32, #tpu.memory_space<hbm>>) dst(%dma_wait3A_883 : memref<200xi32, #tpu.memory_space<vmem>>)
      tpu.yield
    }) : () -> ()
    %add3A_20 = arith.constant 0 : i32
    %add3A_21 = arith.addi %mul3A_2, %add3A_20 : i32
    %add3A_22 = arith.constant 1 : i32
    %add3A_23 = arith.addi %add3A_21, %add3A_22 : i32
    %dma_start3A_24 = arith.constant 1 : i32
    %dma_start3A_25 = arith.constant 1 : i32
    %dma_start3A_26 = arith.constant 0 : i32
    %dma_start3A_27 = arith.constant 0 : i32
    %dma_start3A_28 = tpu.memref_slice %arg7[%dma_start3A_24, %dma_start3A_26, %dma_start3A_27] : memref<8x200x64xf32, #tpu.memory_space<vmem>> -> memref<1x200x64xf32, #tpu.memory_space<vmem>>
    %dma_start3A_29 = tpu.memref_squeeze %dma_start3A_28 : memref<1x200x64xf32, #tpu.memory_space<vmem>> -> memref<200x64xf32, #tpu.memory_space<vmem>>
    %dma_start3A_30 = tpu.memref_slice %arg9[%dma_start3A_25] : memref<8x!tpu.dma_semaphore, #tpu.memory_space<semaphore_mem>> -> memref<1x!tpu.dma_semaphore, #tpu.memory_space<semaphore_mem>>
    %dma_start3A_31 = tpu.memref_squeeze %dma_start3A_30 : memref<1x!tpu.dma_semaphore, #tpu.memory_space<semaphore_mem>> -> memref<!tpu.dma_semaphore, #tpu.memory_space<semaphore_mem>>
    %dma_start3A_32 = arith.constant 0 : i32
    %dma_start3A_33 = arith.constant 0 : i32
    %dma_start3A_34 = tpu.memref_slice %arg7[%dma_start3A_24, %dma_start3A_32, %dma_start3A_33] : memref<8x200x64xf32, #tpu.memory_space<vmem>> -> memref<1x200x64xf32, #tpu.memory_space<vmem>>
    %dma_start3A_35 = tpu.memref_squeeze %dma_start3A_34 : memref<1x200x64xf32, #tpu.memory_space<vmem>> -> memref<200x64xf32, #tpu.memory_space<vmem>>
    tpu.enqueue_dma source(%arg6 : memref<200x64xf32, #tpu.memory_space<vmem_shared>>) target(%dma_start3A_35 : memref<200x64xf32, #tpu.memory_space<vmem>>) target_semaphore(%dma_start3A_31 : memref<!tpu.dma_semaphore, #tpu.memory_space<semaphore_mem>>)
    %run_scoped3A_36 = arith.constant 1 : i32
    "tpu.region"() ({
      %run_scoped3A_862 = tpu.sem_alloc : memref<!tpu.dma_semaphore, #tpu.memory_space<semaphore_mem>>
      %dma_start3A_863 = arith.constant 0 : i32
      %dma_start3A_864 = tpu.memref_slice %arg8[%run_scoped3A_36, %dma_start3A_863] : memref<8x200xi32, #tpu.memory_space<vmem>> -> memref<1x200xi32, #tpu.memory_space<vmem>>
      %dma_start3A_865 = tpu.memref_squeeze %dma_start3A_864 : memref<1x200xi32, #tpu.memory_space<vmem>> -> memref<200xi32, #tpu.memory_space<vmem>>
      %dma_start3A_866 = arith.constant 0 : i32
      %dma_start3A_867 = tpu.memref_slice %arg2[%add3A_23, %dma_start3A_866] : memref<4096x200xi32, #tpu.memory_space<hbm>> -> memref<1x200xi32, #tpu.memory_space<hbm>>
      %dma_start3A_868 = tpu.memref_squeeze %dma_start3A_867 : memref<1x200xi32, #tpu.memory_space<hbm>> -> memref<200xi32, #tpu.memory_space<hbm>>
      %dma_start3A_869 = arith.constant 0 : i32
      %dma_start3A_870 = tpu.memref_slice %arg8[%run_scoped3A_36, %dma_start3A_869] : memref<8x200xi32, #tpu.memory_space<vmem>> -> memref<1x200xi32, #tpu.memory_space<vmem>>
      %dma_start3A_871 = tpu.memref_squeeze %dma_start3A_870 : memref<1x200xi32, #tpu.memory_space<vmem>> -> memref<200xi32, #tpu.memory_space<vmem>>
      %dma_start3A_872 = arith.constant 0 : i32
      %dma_start3A_873 = tpu.memref_slice %arg2[%add3A_23, %dma_start3A_872] : memref<4096x200xi32, #tpu.memory_space<hbm>> -> memref<1x200xi32, #tpu.memory_space<hbm>>
      %dma_start3A_874 = tpu.memref_squeeze %dma_start3A_873 : memref<1x200xi32, #tpu.memory_space<hbm>> -> memref<200xi32, #tpu.memory_space<hbm>>
      tpu.enqueue_dma source(%dma_start3A_874 : memref<200xi32, #tpu.memory_space<hbm>>) target(%dma_start3A_871 : memref<200xi32, #tpu.memory_space<vmem>>) target_semaphore(%run_scoped3A_862 : memref<!tpu.dma_semaphore, #tpu.memory_space<semaphore_mem>>)
      %dma_wait3A_875 = arith.constant 0 : i32
      %dma_wait3A_876 = tpu.memref_slice %arg8[%run_scoped3A_36, %dma_wait3A_875] : memref<8x200xi32, #tpu.memory_space<vmem>> -> memref<1x200xi32, #tpu.memory_space<vmem>>
      %dma_wait3A_877 = tpu.memref_squeeze %dma_wait3A_876 : memref<1x200xi32, #tpu.memory_space<vmem>> -> memref<200xi32, #tpu.memory_space<vmem>>
      %dma_wait3A_878 = arith.constant 0 : i32
      %dma_wait3A_879 = tpu.memref_slice %arg2[%add3A_23, %dma_wait3A_878] : memref<4096x200xi32, #tpu.memory_space<hbm>> -> memref<1x200xi32, #tpu.memory_space<hbm>>
      %dma_wait3A_880 = tpu.memref_squeeze %dma_wait3A_879 : memref<1x200xi32, #tpu.memory_space<hbm>> -> memref<200xi32, #tpu.memory_space<hbm>>
      %dma_wait3A_881 = arith.constant 0 : i32
      %dma_wait3A_882 = tpu.memref_slice %arg8[%run_scoped3A_36, %dma_wait3A_881] : memref<8x200xi32, #tpu.memory_space<vmem>> -> memref<1x200xi32, #tpu.memory_space<vmem>>
      %dma_wait3A_883 = tpu.memref_squeeze %dma_wait3A_882 : memref<1x200xi32, #tpu.memory_space<vmem>> -> memref<200xi32, #tpu.memory_space<vmem>>
      %dma_wait3A_884 = arith.constant 0 : i32
      %dma_wait3A_885 = tpu.memref_slice %arg2[%add3A_23, %dma_wait3A_884] : memref<4096x200xi32, #tpu.memory_space<hbm>> -> memref<1x200xi32, #tpu.memory_space<hbm>>
      %dma_wait3A_886 = tpu.memref_squeeze %dma_wait3A_885 : memref<1x200xi32, #tpu.memory_space<hbm>> -> memref<200xi32, #tpu.memory_space<hbm>>
      tpu.wait_dma2 semaphore(%run_scoped3A_862 : memref<!tpu.dma_semaphore, #tpu.memory_space<semaphore_mem>>) src(%dma_wait3A_886 : memref<200xi32, #tpu.memory_space<hbm>>) dst(%dma_wait3A_883 : memref<200xi32, #tpu.memory_space<vmem>>)
      tpu.yield
    }) : () -> ()
    %add3A_37 = arith.constant 0 : i32
    %add3A_38 = arith.addi %mul3A_2, %add3A_37 : i32
    %add3A_39 = arith.constant 2 : i32
    %add3A_40 = arith.addi %add3A_38, %add3A_39 : i32
    %dma_start3A_41 = arith.constant 2 : i32
    %dma_start3A_42 = arith.constant 2 : i32
    %dma_start3A_43 = arith.constant 0 : i32
    %dma_start3A_44 = arith.constant 0 : i32
    %dma_start3A_45 = tpu.memref_slice %arg7[%dma_start3A_41, %dma_start3A_43, %dma_start3A_44] : memref<8x200x64xf32, #tpu.memory_space<vmem>> -> memref<1x200x64xf32, #tpu.memory_space<vmem>>
    %dma_start3A_46 = tpu.memref_squeeze %dma_start3A_45 : memref<1x200x64xf32, #tpu.memory_space<vmem>> -> memref<200x64xf32, #tpu.memory_space<vmem>>
    %dma_start3A_47 = tpu.memref_slice %arg9[%dma_start3A_42] : memref<8x!tpu.dma_semaphore, #tpu.memory_space<semaphore_mem>> -> memref<1x!tpu.dma_semaphore, #tpu.memory_space<semaphore_mem>>
    %dma_start3A_48 = tpu.memref_squeeze %dma_start3A_47 : memref<1x!tpu.dma_semaphore, #tpu.memory_space<semaphore_mem>> -> memref<!tpu.dma_semaphore, #tpu.memory_space<semaphore_mem>>
    %dma_start3A_49 = arith.constant 0 : i32
    %dma_start3A_50 = arith.constant 0 : i32
    %dma_start3A_51 = tpu.memref_slice %arg7[%dma_start3A_41, %dma_start3A_49, %dma_start3A_50] : memref<8x200x64xf32, #tpu.memory_space<vmem>> -> memref<1x200x64xf32, #tpu.memory_space<vmem>>
    %dma_start3A_52 = tpu.memref_squeeze %dma_start3A_51 : memref<1x200x64xf32, #tpu.memory_space<vmem>> -> memref<200x64xf32, #tpu.memory_space<vmem>>
    tpu.enqueue_dma source(%arg6 : memref<200x64xf32, #tpu.memory_space<vmem_shared>>) target(%dma_start3A_52 : memref<200x64xf32, #tpu.memory_space<vmem>>) target_semaphore(%dma_start3A_48 : memref<!tpu.dma_semaphore, #tpu.memory_space<semaphore_mem>>)
    %run_scoped3A_53 = arith.constant 2 : i32
    "tpu.region"() ({
      %run_scoped3A_862 = tpu.sem_alloc : memref<!tpu.dma_semaphore, #tpu.memory_space<semaphore_mem>>
      %dma_start3A_863 = arith.constant 0 : i32
      %dma_start3A_864 = tpu.memref_slice %arg8[%run_scoped3A_53, %dma_start3A_863] : memref<8x200xi32, #tpu.memory_space<vmem>> -> memref<1x200xi32, #tpu.memory_space<vmem>>
      %dma_start3A_865 = tpu.memref_squeeze %dma_start3A_864 : memref<1x200xi32, #tpu.memory_space<vmem>> -> memref<200xi32, #tpu.memory_space<vmem>>
      %dma_start3A_866 = arith.constant 0 : i32
      %dma_start3A_867 = tpu.memref_slice %arg2[%add3A_40, %dma_start3A_866] : memref<4096x200xi32, #tpu.memory_space<hbm>> -> memref<1x200xi32, #tpu.memory_space<hbm>>
      %dma_start3A_868 = tpu.memref_squeeze %dma_start3A_867 : memref<1x200xi32, #tpu.memory_space<hbm>> -> memref<200xi32, #tpu.memory_space<hbm>>
      %dma_start3A_869 = arith.constant 0 : i32
      %dma_start3A_870 = tpu.memref_slice %arg8[%run_scoped3A_53, %dma_start3A_869] : memref<8x200xi32, #tpu.memory_space<vmem>> -> memref<1x200xi32, #tpu.memory_space<vmem>>
      %dma_start3A_871 = tpu.memref_squeeze %dma_start3A_870 : memref<1x200xi32, #tpu.memory_space<vmem>> -> memref<200xi32, #tpu.memory_space<vmem>>
      %dma_start3A_872 = arith.constant 0 : i32
      %dma_start3A_873 = tpu.memref_slice %arg2[%add3A_40, %dma_start3A_872] : memref<4096x200xi32, #tpu.memory_space<hbm>> -> memref<1x200xi32, #tpu.memory_space<hbm>>
      %dma_start3A_874 = tpu.memref_squeeze %dma_start3A_873 : memref<1x200xi32, #tpu.memory_space<hbm>> -> memref<200xi32, #tpu.memory_space<hbm>>
      tpu.enqueue_dma source(%dma_start3A_874 : memref<200xi32, #tpu.memory_space<hbm>>) target(%dma_start3A_871 : memref<200xi32, #tpu.memory_space<vmem>>) target_semaphore(%run_scoped3A_862 : memref<!tpu.dma_semaphore, #tpu.memory_space<semaphore_mem>>)
      %dma_wait3A_875 = arith.constant 0 : i32
      %dma_wait3A_876 = tpu.memref_slice %arg8[%run_scoped3A_53, %dma_wait3A_875] : memref<8x200xi32, #tpu.memory_space<vmem>> -> memref<1x200xi32, #tpu.memory_space<vmem>>
      %dma_wait3A_877 = tpu.memref_squeeze %dma_wait3A_876 : memref<1x200xi32, #tpu.memory_space<vmem>> -> memref<200xi32, #tpu.memory_space<vmem>>
      %dma_wait3A_878 = arith.constant 0 : i32
      %dma_wait3A_879 = tpu.memref_slice %arg2[%add3A_40, %dma_wait3A_878] : memref<4096x200xi32, #tpu.memory_space<hbm>> -> memref<1x200xi32, #tpu.memory_space<hbm>>
      %dma_wait3A_880 = tpu.memref_squeeze %dma_wait3A_879 : memref<1x200xi32, #tpu.memory_space<hbm>> -> memref<200xi32, #tpu.memory_space<hbm>>
      %dma_wait3A_881 = arith.constant 0 : i32
      %dma_wait3A_882 = tpu.memref_slice %arg8[%run_scoped3A_53, %dma_wait3A_881] : memref<8x200xi32, #tpu.memory_space<vmem>> -> memref<1x200xi32, #tpu.memory_space<vmem>>
      %dma_wait3A_883 = tpu.memref_squeeze %dma_wait3A_882 : memref<1x200xi32, #tpu.memory_space<vmem>> -> memref<200xi32, #tpu.memory_space<vmem>>
      %dma_wait3A_884 = arith.constant 0 : i32
      %dma_wait3A_885 = tpu.memref_slice %arg2[%add3A_40, %dma_wait3A_884] : memref<4096x200xi32, #tpu.memory_space<hbm>> -> memref<1x200xi32, #tpu.memory_space<hbm>>
      %dma_wait3A_886 = tpu.memref_squeeze %dma_wait3A_885 : memref<1x200xi32, #tpu.memory_space<hbm>> -> memref<200xi32, #tpu.memory_space<hbm>>
      tpu.wait_dma2 semaphore(%run_scoped3A_862 : memref<!tpu.dma_semaphore, #tpu.memory_space<semaphore_mem>>) src(%dma_wait3A_886 : memref<200xi32, #tpu.memory_space<hbm>>) dst(%dma_wait3A_883 : memref<200xi32, #tpu.memory_space<vmem>>)
      tpu.yield
    }) : () -> ()
    %add3A_54 = arith.constant 0 : i32
    %add3A_55 = arith.addi %mul3A_2, %add3A_54 : i32
    %add3A_56 = arith.constant 3 : i32
    %add3A_57 = arith.addi %add3A_55, %add3A_56 : i32
    %dma_start3A_58 = arith.constant 3 : i32
    %dma_start3A_59 = arith.constant 3 : i32
    %dma_start3A_60 = arith.constant 0 : i32
    %dma_start3A_61 = arith.constant 0 : i32
    %dma_start3A_62 = tpu.memref_slice %arg7[%dma_start3A_58, %dma_start3A_60, %dma_start3A_61] : memref<8x200x64xf32, #tpu.memory_space<vmem>> -> memref<1x200x64xf32, #tpu.memory_space<vmem>>
    %dma_start3A_63 = tpu.memref_squeeze %dma_start3A_62 : memref<1x200x64xf32, #tpu.memory_space<vmem>> -> memref<200x64xf32, #tpu.memory_space<vmem>>
    %dma_start3A_64 = tpu.memref_slice %arg9[%dma_start3A_59] : memref<8x!tpu.dma_semaphore, #tpu.memory_space<semaphore_mem>> -> memref<1x!tpu.dma_semaphore, #tpu.memory_space<semaphore_mem>>
    %dma_start3A_65 = tpu.memref_squeeze %dma_start3A_64 : memref<1x!tpu.dma_semaphore, #tpu.memory_space<semaphore_mem>> -> memref<!tpu.dma_semaphore, #tpu.memory_space<semaphore_mem>>
    %dma_start3A_66 = arith.constant 0 : i32
    %dma_start3A_67 = arith.constant 0 : i32
    %dma_start3A_68 = tpu.memref_slice %arg7[%dma_start3A_58, %dma_start3A_66, %dma_start3A_67] : memref<8x200x64xf32, #tpu.memory_space<vmem>> -> memref<1x200x64xf32, #tpu.memory_space<vmem>>
    %dma_start3A_69 = tpu.memref_squeeze %dma_start3A_68 : memref<1x200x64xf32, #tpu.memory_space<vmem>> -> memref<200x64xf32, #tpu.memory_space<vmem>>
    tpu.enqueue_dma source(%arg6 : memref<200x64xf32, #tpu.memory_space<vmem_shared>>) target(%dma_start3A_69 : memref<200x64xf32, #tpu.memory_space<vmem>>) target_semaphore(%dma_start3A_65 : memref<!tpu.dma_semaphore, #tpu.memory_space<semaphore_mem>>)
    %run_scoped3A_70 = arith.constant 3 : i32
    "tpu.region"() ({
      %run_scoped3A_862 = tpu.sem_alloc : memref<!tpu.dma_semaphore, #tpu.memory_space<semaphore_mem>>
      %dma_start3A_863 = arith.constant 0 : i32
      %dma_start3A_864 = tpu.memref_slice %arg8[%run_scoped3A_70, %dma_start3A_863] : memref<8x200xi32, #tpu.memory_space<vmem>> -> memref<1x200xi32, #tpu.memory_space<vmem>>
      %dma_start3A_865 = tpu.memref_squeeze %dma_start3A_864 : memref<1x200xi32, #tpu.memory_space<vmem>> -> memref<200xi32, #tpu.memory_space<vmem>>
      %dma_start3A_866 = arith.constant 0 : i32
      %dma_start3A_867 = tpu.memref_slice %arg2[%add3A_57, %dma_start3A_866] : memref<4096x200xi32, #tpu.memory_space<hbm>> -> memref<1x200xi32, #tpu.memory_space<hbm>>
      %dma_start3A_868 = tpu.memref_squeeze %dma_start3A_867 : memref<1x200xi32, #tpu.memory_space<hbm>> -> memref<200xi32, #tpu.memory_space<hbm>>
      %dma_start3A_869 = arith.constant 0 : i32
      %dma_start3A_870 = tpu.memref_slice %arg8[%run_scoped3A_70, %dma_start3A_869] : memref<8x200xi32, #tpu.memory_space<vmem>> -> memref<1x200xi32, #tpu.memory_space<vmem>>
      %dma_start3A_871 = tpu.memref_squeeze %dma_start3A_870 : memref<1x200xi32, #tpu.memory_space<vmem>> -> memref<200xi32, #tpu.memory_space<vmem>>
      %dma_start3A_872 = arith.constant 0 : i32
      %dma_start3A_873 = tpu.memref_slice %arg2[%add3A_57, %dma_start3A_872] : memref<4096x200xi32, #tpu.memory_space<hbm>> -> memref<1x200xi32, #tpu.memory_space<hbm>>
      %dma_start3A_874 = tpu.memref_squeeze %dma_start3A_873 : memref<1x200xi32, #tpu.memory_space<hbm>> -> memref<200xi32, #tpu.memory_space<hbm>>
      tpu.enqueue_dma source(%dma_start3A_874 : memref<200xi32, #tpu.memory_space<hbm>>) target(%dma_start3A_871 : memref<200xi32, #tpu.memory_space<vmem>>) target_semaphore(%run_scoped3A_862 : memref<!tpu.dma_semaphore, #tpu.memory_space<semaphore_mem>>)
      %dma_wait3A_875 = arith.constant 0 : i32
      %dma_wait3A_876 = tpu.memref_slice %arg8[%run_scoped3A_70, %dma_wait3A_875] : memref<8x200xi32, #tpu.memory_space<vmem>> -> memref<1x200xi32, #tpu.memory_space<vmem>>
      %dma_wait3A_877 = tpu.memref_squeeze %dma_wait3A_876 : memref<1x200xi32, #tpu.memory_space<vmem>> -> memref<200xi32, #tpu.memory_space<vmem>>
      %dma_wait3A_878 = arith.constant 0 : i32
      %dma_wait3A_879 = tpu.memref_slice %arg2[%add3A_57, %dma_wait3A_878] : memref<4096x200xi32, #tpu.memory_space<hbm>> -> memref<1x200xi32, #tpu.memory_space<hbm>>
      %dma_wait3A_880 = tpu.memref_squeeze %dma_wait3A_879 : memref<1x200xi32, #tpu.memory_space<hbm>> -> memref<200xi32, #tpu.memory_space<hbm>>
      %dma_wait3A_881 = arith.constant 0 : i32
      %dma_wait3A_882 = tpu.memref_slice %arg8[%run_scoped3A_70, %dma_wait3A_881] : memref<8x200xi32, #tpu.memory_space<vmem>> -> memref<1x200xi32, #tpu.memory_space<vmem>>
      %dma_wait3A_883 = tpu.memref_squeeze %dma_wait3A_882 : memref<1x200xi32, #tpu.memory_space<vmem>> -> memref<200xi32, #tpu.memory_space<vmem>>
      %dma_wait3A_884 = arith.constant 0 : i32
      %dma_wait3A_885 = tpu.memref_slice %arg2[%add3A_57, %dma_wait3A_884] : memref<4096x200xi32, #tpu.memory_space<hbm>> -> memref<1x200xi32, #tpu.memory_space<hbm>>
      %dma_wait3A_886 = tpu.memref_squeeze %dma_wait3A_885 : memref<1x200xi32, #tpu.memory_space<hbm>> -> memref<200xi32, #tpu.memory_space<hbm>>
      tpu.wait_dma2 semaphore(%run_scoped3A_862 : memref<!tpu.dma_semaphore, #tpu.memory_space<semaphore_mem>>) src(%dma_wait3A_886 : memref<200xi32, #tpu.memory_space<hbm>>) dst(%dma_wait3A_883 : memref<200xi32, #tpu.memory_space<vmem>>)
      tpu.yield
    }) : () -> ()
    %add3A_71 = arith.constant 0 : i32
    %add3A_72 = arith.addi %mul3A_2, %add3A_71 : i32
    %add3A_73 = arith.constant 4 : i32
    %add3A_74 = arith.addi %add3A_72, %add3A_73 : i32
    %dma_start3A_75 = arith.constant 4 : i32
    %dma_start3A_76 = arith.constant 4 : i32
    %dma_start3A_77 = arith.constant 0 : i32
    %dma_start3A_78 = arith.constant 0 : i32
    %dma_start3A_79 = tpu.memref_slice %arg7[%dma_start3A_75, %dma_start3A_77, %dma_start3A_78] : memref<8x200x64xf32, #tpu.memory_space<vmem>> -> memref<1x200x64xf32, #tpu.memory_space<vmem>>
    %dma_start3A_80 = tpu.memref_squeeze %dma_start3A_79 : memref<1x200x64xf32, #tpu.memory_space<vmem>> -> memref<200x64xf32, #tpu.memory_space<vmem>>
    %dma_start3A_81 = tpu.memref_slice %arg9[%dma_start3A_76] : memref<8x!tpu.dma_semaphore, #tpu.memory_space<semaphore_mem>> -> memref<1x!tpu.dma_semaphore, #tpu.memory_space<semaphore_mem>>
    %dma_start3A_82 = tpu.memref_squeeze %dma_start3A_81 : memref<1x!tpu.dma_semaphore, #tpu.memory_space<semaphore_mem>> -> memref<!tpu.dma_semaphore, #tpu.memory_space<semaphore_mem>>
    %dma_start3A_83 = arith.constant 0 : i32
    %dma_start3A_84 = arith.constant 0 : i32
    %dma_start3A_85 = tpu.memref_slice %arg7[%dma_start3A_75, %dma_start3A_83, %dma_start3A_84] : memref<8x200x64xf32, #tpu.memory_space<vmem>> -> memref<1x200x64xf32, #tpu.memory_space<vmem>>
    %dma_start3A_86 = tpu.memref_squeeze %dma_start3A_85 : memref<1x200x64xf32, #tpu.memory_space<vmem>> -> memref<200x64xf32, #tpu.memory_space<vmem>>
    tpu.enqueue_dma source(%arg6 : memref<200x64xf32, #tpu.memory_space<vmem_shared>>) target(%dma_start3A_86 : memref<200x64xf32, #tpu.memory_space<vmem>>) target_semaphore(%dma_start3A_82 : memref<!tpu.dma_semaphore, #tpu.memory_space<semaphore_mem>>)
    %run_scoped3A_87 = arith.constant 4 : i32
    "tpu.region"() ({
      %run_scoped3A_862 = tpu.sem_alloc : memref<!tpu.dma_semaphore, #tpu.memory_space<semaphore_mem>>
      %dma_start3A_863 = arith.constant 0 : i32
      %dma_start3A_864 = tpu.memref_slice %arg8[%run_scoped3A_87, %dma_start3A_863] : memref<8x200xi32, #tpu.memory_space<vmem>> -> memref<1x200xi32, #tpu.memory_space<vmem>>
      %dma_start3A_865 = tpu.memref_squeeze %dma_start3A_864 : memref<1x200xi32, #tpu.memory_space<vmem>> -> memref<200xi32, #tpu.memory_space<vmem>>
      %dma_start3A_866 = arith.constant 0 : i32
      %dma_start3A_867 = tpu.memref_slice %arg2[%add3A_74, %dma_start3A_866] : memref<4096x200xi32, #tpu.memory_space<hbm>> -> memref<1x200xi32, #tpu.memory_space<hbm>>
      %dma_start3A_868 = tpu.memref_squeeze %dma_start3A_867 : memref<1x200xi32, #tpu.memory_space<hbm>> -> memref<200xi32, #tpu.memory_space<hbm>>
      %dma_start3A_869 = arith.constant 0 : i32
      %dma_start3A_870 = tpu.memref_slice %arg8[%run_scoped3A_87, %dma_start3A_869] : memref<8x200xi32, #tpu.memory_space<vmem>> -> memref<1x200xi32, #tpu.memory_space<vmem>>
      %dma_start3A_871 = tpu.memref_squeeze %dma_start3A_870 : memref<1x200xi32, #tpu.memory_space<vmem>> -> memref<200xi32, #tpu.memory_space<vmem>>
      %dma_start3A_872 = arith.constant 0 : i32
      %dma_start3A_873 = tpu.memref_slice %arg2[%add3A_74, %dma_start3A_872] : memref<4096x200xi32, #tpu.memory_space<hbm>> -> memref<1x200xi32, #tpu.memory_space<hbm>>
      %dma_start3A_874 = tpu.memref_squeeze %dma_start3A_873 : memref<1x200xi32, #tpu.memory_space<hbm>> -> memref<200xi32, #tpu.memory_space<hbm>>
      tpu.enqueue_dma source(%dma_start3A_874 : memref<200xi32, #tpu.memory_space<hbm>>) target(%dma_start3A_871 : memref<200xi32, #tpu.memory_space<vmem>>) target_semaphore(%run_scoped3A_862 : memref<!tpu.dma_semaphore, #tpu.memory_space<semaphore_mem>>)
      %dma_wait3A_875 = arith.constant 0 : i32
      %dma_wait3A_876 = tpu.memref_slice %arg8[%run_scoped3A_87, %dma_wait3A_875] : memref<8x200xi32, #tpu.memory_space<vmem>> -> memref<1x200xi32, #tpu.memory_space<vmem>>
      %dma_wait3A_877 = tpu.memref_squeeze %dma_wait3A_876 : memref<1x200xi32, #tpu.memory_space<vmem>> -> memref<200xi32, #tpu.memory_space<vmem>>
      %dma_wait3A_878 = arith.constant 0 : i32
      %dma_wait3A_879 = tpu.memref_slice %arg2[%add3A_74, %dma_wait3A_878] : memref<4096x200xi32, #tpu.memory_space<hbm>> -> memref<1x200xi32, #tpu.memory_space<hbm>>
      %dma_wait3A_880 = tpu.memref_squeeze %dma_wait3A_879 : memref<1x200xi32, #tpu.memory_space<hbm>> -> memref<200xi32, #tpu.memory_space<hbm>>
      %dma_wait3A_881 = arith.constant 0 : i32
      %dma_wait3A_882 = tpu.memref_slice %arg8[%run_scoped3A_87, %dma_wait3A_881] : memref<8x200xi32, #tpu.memory_space<vmem>> -> memref<1x200xi32, #tpu.memory_space<vmem>>
      %dma_wait3A_883 = tpu.memref_squeeze %dma_wait3A_882 : memref<1x200xi32, #tpu.memory_space<vmem>> -> memref<200xi32, #tpu.memory_space<vmem>>
      %dma_wait3A_884 = arith.constant 0 : i32
      %dma_wait3A_885 = tpu.memref_slice %arg2[%add3A_74, %dma_wait3A_884] : memref<4096x200xi32, #tpu.memory_space<hbm>> -> memref<1x200xi32, #tpu.memory_space<hbm>>
      %dma_wait3A_886 = tpu.memref_squeeze %dma_wait3A_885 : memref<1x200xi32, #tpu.memory_space<hbm>> -> memref<200xi32, #tpu.memory_space<hbm>>
      tpu.wait_dma2 semaphore(%run_scoped3A_862 : memref<!tpu.dma_semaphore, #tpu.memory_space<semaphore_mem>>) src(%dma_wait3A_886 : memref<200xi32, #tpu.memory_space<hbm>>) dst(%dma_wait3A_883 : memref<200xi32, #tpu.memory_space<vmem>>)
      tpu.yield
    }) : () -> ()
    %add3A_88 = arith.constant 0 : i32
    %add3A_89 = arith.addi %mul3A_2, %add3A_88 : i32
    %add3A_90 = arith.constant 5 : i32
    %add3A_91 = arith.addi %add3A_89, %add3A_90 : i32
    %dma_start3A_92 = arith.constant 5 : i32
    %dma_start3A_93 = arith.constant 5 : i32
    %dma_start3A_94 = arith.constant 0 : i32
    %dma_start3A_95 = arith.constant 0 : i32
    %dma_start3A_96 = tpu.memref_slice %arg7[%dma_start3A_92, %dma_start3A_94, %dma_start3A_95] : memref<8x200x64xf32, #tpu.memory_space<vmem>> -> memref<1x200x64xf32, #tpu.memory_space<vmem>>
    %dma_start3A_97 = tpu.memref_squeeze %dma_start3A_96 : memref<1x200x64xf32, #tpu.memory_space<vmem>> -> memref<200x64xf32, #tpu.memory_space<vmem>>
    %dma_start3A_98 = tpu.memref_slice %arg9[%dma_start3A_93] : memref<8x!tpu.dma_semaphore, #tpu.memory_space<semaphore_mem>> -> memref<1x!tpu.dma_semaphore, #tpu.memory_space<semaphore_mem>>
    %dma_start3A_99 = tpu.memref_squeeze %dma_start3A_98 : memref<1x!tpu.dma_semaphore, #tpu.memory_space<semaphore_mem>> -> memref<!tpu.dma_semaphore, #tpu.memory_space<semaphore_mem>>
    %dma_start3A_100 = arith.constant 0 : i32
    %dma_start3A_101 = arith.constant 0 : i32
    %dma_start3A_102 = tpu.memref_slice %arg7[%dma_start3A_92, %dma_start3A_100, %dma_start3A_101] : memref<8x200x64xf32, #tpu.memory_space<vmem>> -> memref<1x200x64xf32, #tpu.memory_space<vmem>>
    %dma_start3A_103 = tpu.memref_squeeze %dma_start3A_102 : memref<1x200x64xf32, #tpu.memory_space<vmem>> -> memref<200x64xf32, #tpu.memory_space<vmem>>
    tpu.enqueue_dma source(%arg6 : memref<200x64xf32, #tpu.memory_space<vmem_shared>>) target(%dma_start3A_103 : memref<200x64xf32, #tpu.memory_space<vmem>>) target_semaphore(%dma_start3A_99 : memref<!tpu.dma_semaphore, #tpu.memory_space<semaphore_mem>>)
    %run_scoped3A_104 = arith.constant 5 : i32
    "tpu.region"() ({
      %run_scoped3A_862 = tpu.sem_alloc : memref<!tpu.dma_semaphore, #tpu.memory_space<semaphore_mem>>
      %dma_start3A_863 = arith.constant 0 : i32
      %dma_start3A_864 = tpu.memref_slice %arg8[%run_scoped3A_104, %dma_start3A_863] : memref<8x200xi32, #tpu.memory_space<vmem>> -> memref<1x200xi32, #tpu.memory_space<vmem>>
      %dma_start3A_865 = tpu.memref_squeeze %dma_start3A_864 : memref<1x200xi32, #tpu.memory_space<vmem>> -> memref<200xi32, #tpu.memory_space<vmem>>
      %dma_start3A_866 = arith.constant 0 : i32
      %dma_start3A_867 = tpu.memref_slice %arg2[%add3A_91, %dma_start3A_866] : memref<4096x200xi32, #tpu.memory_space<hbm>> -> memref<1x200xi32, #tpu.memory_space<hbm>>
      %dma_start3A_868 = tpu.memref_squeeze %dma_start3A_867 : memref<1x200xi32, #tpu.memory_space<hbm>> -> memref<200xi32, #tpu.memory_space<hbm>>
      %dma_start3A_869 = arith.constant 0 : i32
      %dma_start3A_870 = tpu.memref_slice %arg8[%run_scoped3A_104, %dma_start3A_869] : memref<8x200xi32, #tpu.memory_space<vmem>> -> memref<1x200xi32, #tpu.memory_space<vmem>>
      %dma_start3A_871 = tpu.memref_squeeze %dma_start3A_870 : memref<1x200xi32, #tpu.memory_space<vmem>> -> memref<200xi32, #tpu.memory_space<vmem>>
      %dma_start3A_872 = arith.constant 0 : i32
      %dma_start3A_873 = tpu.memref_slice %arg2[%add3A_91, %dma_start3A_872] : memref<4096x200xi32, #tpu.memory_space<hbm>> -> memref<1x200xi32, #tpu.memory_space<hbm>>
      %dma_start3A_874 = tpu.memref_squeeze %dma_start3A_873 : memref<1x200xi32, #tpu.memory_space<hbm>> -> memref<200xi32, #tpu.memory_space<hbm>>
      tpu.enqueue_dma source(%dma_start3A_874 : memref<200xi32, #tpu.memory_space<hbm>>) target(%dma_start3A_871 : memref<200xi32, #tpu.memory_space<vmem>>) target_semaphore(%run_scoped3A_862 : memref<!tpu.dma_semaphore, #tpu.memory_space<semaphore_mem>>)
      %dma_wait3A_875 = arith.constant 0 : i32
      %dma_wait3A_876 = tpu.memref_slice %arg8[%run_scoped3A_104, %dma_wait3A_875] : memref<8x200xi32, #tpu.memory_space<vmem>> -> memref<1x200xi32, #tpu.memory_space<vmem>>
      %dma_wait3A_877 = tpu.memref_squeeze %dma_wait3A_876 : memref<1x200xi32, #tpu.memory_space<vmem>> -> memref<200xi32, #tpu.memory_space<vmem>>
      %dma_wait3A_878 = arith.constant 0 : i32
      %dma_wait3A_879 = tpu.memref_slice %arg2[%add3A_91, %dma_wait3A_878] : memref<4096x200xi32, #tpu.memory_space<hbm>> -> memref<1x200xi32, #tpu.memory_space<hbm>>
      %dma_wait3A_880 = tpu.memref_squeeze %dma_wait3A_879 : memref<1x200xi32, #tpu.memory_space<hbm>> -> memref<200xi32, #tpu.memory_space<hbm>>
      %dma_wait3A_881 = arith.constant 0 : i32
      %dma_wait3A_882 = tpu.memref_slice %arg8[%run_scoped3A_104, %dma_wait3A_881] : memref<8x200xi32, #tpu.memory_space<vmem>> -> memref<1x200xi32, #tpu.memory_space<vmem>>
      %dma_wait3A_883 = tpu.memref_squeeze %dma_wait3A_882 : memref<1x200xi32, #tpu.memory_space<vmem>> -> memref<200xi32, #tpu.memory_space<vmem>>
      %dma_wait3A_884 = arith.constant 0 : i32
      %dma_wait3A_885 = tpu.memref_slice %arg2[%add3A_91, %dma_wait3A_884] : memref<4096x200xi32, #tpu.memory_space<hbm>> -> memref<1x200xi32, #tpu.memory_space<hbm>>
      %dma_wait3A_886 = tpu.memref_squeeze %dma_wait3A_885 : memref<1x200xi32, #tpu.memory_space<hbm>> -> memref<200xi32, #tpu.memory_space<hbm>>
      tpu.wait_dma2 semaphore(%run_scoped3A_862 : memref<!tpu.dma_semaphore, #tpu.memory_space<semaphore_mem>>) src(%dma_wait3A_886 : memref<200xi32, #tpu.memory_space<hbm>>) dst(%dma_wait3A_883 : memref<200xi32, #tpu.memory_space<vmem>>)
      tpu.yield
    }) : () -> ()
    %add3A_105 = arith.constant 0 : i32
    %add3A_106 = arith.addi %mul3A_2, %add3A_105 : i32
    %add3A_107 = arith.constant 6 : i32
    %add3A_108 = arith.addi %add3A_106, %add3A_107 : i32
    %dma_start3A_109 = arith.constant 6 : i32
    %dma_start3A_110 = arith.constant 6 : i32
    %dma_start3A_111 = arith.constant 0 : i32
    %dma_start3A_112 = arith.constant 0 : i32
    %dma_start3A_113 = tpu.memref_slice %arg7[%dma_start3A_109, %dma_start3A_111, %dma_start3A_112] : memref<8x200x64xf32, #tpu.memory_space<vmem>> -> memref<1x200x64xf32, #tpu.memory_space<vmem>>
    %dma_start3A_114 = tpu.memref_squeeze %dma_start3A_113 : memref<1x200x64xf32, #tpu.memory_space<vmem>> -> memref<200x64xf32, #tpu.memory_space<vmem>>
    %dma_start3A_115 = tpu.memref_slice %arg9[%dma_start3A_110] : memref<8x!tpu.dma_semaphore, #tpu.memory_space<semaphore_mem>> -> memref<1x!tpu.dma_semaphore, #tpu.memory_space<semaphore_mem>>
    %dma_start3A_116 = tpu.memref_squeeze %dma_start3A_115 : memref<1x!tpu.dma_semaphore, #tpu.memory_space<semaphore_mem>> -> memref<!tpu.dma_semaphore, #tpu.memory_space<semaphore_mem>>
    %dma_start3A_117 = arith.constant 0 : i32
    %dma_start3A_118 = arith.constant 0 : i32
    %dma_start3A_119 = tpu.memref_slice %arg7[%dma_start3A_109, %dma_start3A_117, %dma_start3A_118] : memref<8x200x64xf32, #tpu.memory_space<vmem>> -> memref<1x200x64xf32, #tpu.memory_space<vmem>>
    %dma_start3A_120 = tpu.memref_squeeze %dma_start3A_119 : memref<1x200x64xf32, #tpu.memory_space<vmem>> -> memref<200x64xf32, #tpu.memory_space<vmem>>
    tpu.enqueue_dma source(%arg6 : memref<200x64xf32, #tpu.memory_space<vmem_shared>>) target(%dma_start3A_120 : memref<200x64xf32, #tpu.memory_space<vmem>>) target_semaphore(%dma_start3A_116 : memref<!tpu.dma_semaphore, #tpu.memory_space<semaphore_mem>>)
    %run_scoped3A_121 = arith.constant 6 : i32
    "tpu.region"() ({
      %run_scoped3A_862 = tpu.sem_alloc : memref<!tpu.dma_semaphore, #tpu.memory_space<semaphore_mem>>
      %dma_start3A_863 = arith.constant 0 : i32
      %dma_start3A_864 = tpu.memref_slice %arg8[%run_scoped3A_121, %dma_start3A_863] : memref<8x200xi32, #tpu.memory_space<vmem>> -> memref<1x200xi32, #tpu.memory_space<vmem>>
      %dma_start3A_865 = tpu.memref_squeeze %dma_start3A_864 : memref<1x200xi32, #tpu.memory_space<vmem>> -> memref<200xi32, #tpu.memory_space<vmem>>
      %dma_start3A_866 = arith.constant 0 : i32
      %dma_start3A_867 = tpu.memref_slice %arg2[%add3A_108, %dma_start3A_866] : memref<4096x200xi32, #tpu.memory_space<hbm>> -> memref<1x200xi32, #tpu.memory_space<hbm>>
      %dma_start3A_868 = tpu.memref_squeeze %dma_start3A_867 : memref<1x200xi32, #tpu.memory_space<hbm>> -> memref<200xi32, #tpu.memory_space<hbm>>
      %dma_start3A_869 = arith.constant 0 : i32
      %dma_start3A_870 = tpu.memref_slice %arg8[%run_scoped3A_121, %dma_start3A_869] : memref<8x200xi32, #tpu.memory_space<vmem>> -> memref<1x200xi32, #tpu.memory_space<vmem>>
      %dma_start3A_871 = tpu.memref_squeeze %dma_start3A_870 : memref<1x200xi32, #tpu.memory_space<vmem>> -> memref<200xi32, #tpu.memory_space<vmem>>
      %dma_start3A_872 = arith.constant 0 : i32
      %dma_start3A_873 = tpu.memref_slice %arg2[%add3A_108, %dma_start3A_872] : memref<4096x200xi32, #tpu.memory_space<hbm>> -> memref<1x200xi32, #tpu.memory_space<hbm>>
      %dma_start3A_874 = tpu.memref_squeeze %dma_start3A_873 : memref<1x200xi32, #tpu.memory_space<hbm>> -> memref<200xi32, #tpu.memory_space<hbm>>
      tpu.enqueue_dma source(%dma_start3A_874 : memref<200xi32, #tpu.memory_space<hbm>>) target(%dma_start3A_871 : memref<200xi32, #tpu.memory_space<vmem>>) target_semaphore(%run_scoped3A_862 : memref<!tpu.dma_semaphore, #tpu.memory_space<semaphore_mem>>)
      %dma_wait3A_875 = arith.constant 0 : i32
      %dma_wait3A_876 = tpu.memref_slice %arg8[%run_scoped3A_121, %dma_wait3A_875] : memref<8x200xi32, #tpu.memory_space<vmem>> -> memref<1x200xi32, #tpu.memory_space<vmem>>
      %dma_wait3A_877 = tpu.memref_squeeze %dma_wait3A_876 : memref<1x200xi32, #tpu.memory_space<vmem>> -> memref<200xi32, #tpu.memory_space<vmem>>
      %dma_wait3A_878 = arith.constant 0 : i32
      %dma_wait3A_879 = tpu.memref_slice %arg2[%add3A_108, %dma_wait3A_878] : memref<4096x200xi32, #tpu.memory_space<hbm>> -> memref<1x200xi32, #tpu.memory_space<hbm>>
      %dma_wait3A_880 = tpu.memref_squeeze %dma_wait3A_879 : memref<1x200xi32, #tpu.memory_space<hbm>> -> memref<200xi32, #tpu.memory_space<hbm>>
      %dma_wait3A_881 = arith.constant 0 : i32
      %dma_wait3A_882 = tpu.memref_slice %arg8[%run_scoped3A_121, %dma_wait3A_881] : memref<8x200xi32, #tpu.memory_space<vmem>> -> memref<1x200xi32, #tpu.memory_space<vmem>>
      %dma_wait3A_883 = tpu.memref_squeeze %dma_wait3A_882 : memref<1x200xi32, #tpu.memory_space<vmem>> -> memref<200xi32, #tpu.memory_space<vmem>>
      %dma_wait3A_884 = arith.constant 0 : i32
      %dma_wait3A_885 = tpu.memref_slice %arg2[%add3A_108, %dma_wait3A_884] : memref<4096x200xi32, #tpu.memory_space<hbm>> -> memref<1x200xi32, #tpu.memory_space<hbm>>
      %dma_wait3A_886 = tpu.memref_squeeze %dma_wait3A_885 : memref<1x200xi32, #tpu.memory_space<hbm>> -> memref<200xi32, #tpu.memory_space<hbm>>
      tpu.wait_dma2 semaphore(%run_scoped3A_862 : memref<!tpu.dma_semaphore, #tpu.memory_space<semaphore_mem>>) src(%dma_wait3A_886 : memref<200xi32, #tpu.memory_space<hbm>>) dst(%dma_wait3A_883 : memref<200xi32, #tpu.memory_space<vmem>>)
      tpu.yield
    }) : () -> ()
    %add3A_122 = arith.constant 0 : i32
    %add3A_123 = arith.addi %mul3A_2, %add3A_122 : i32
    %add3A_124 = arith.constant 7 : i32
    %add3A_125 = arith.addi %add3A_123, %add3A_124 : i32
    %dma_start3A_126 = arith.constant 7 : i32
    %dma_start3A_127 = arith.constant 7 : i32
    %dma_start3A_128 = arith.constant 0 : i32
    %dma_start3A_129 = arith.constant 0 : i32
    %dma_start3A_130 = tpu.memref_slice %arg7[%dma_start3A_126, %dma_start3A_128, %dma_start3A_129] : memref<8x200x64xf32, #tpu.memory_space<vmem>> -> memref<1x200x64xf32, #tpu.memory_space<vmem>>
    %dma_start3A_131 = tpu.memref_squeeze %dma_start3A_130 : memref<1x200x64xf32, #tpu.memory_space<vmem>> -> memref<200x64xf32, #tpu.memory_space<vmem>>
    %dma_start3A_132 = tpu.memref_slice %arg9[%dma_start3A_127] : memref<8x!tpu.dma_semaphore, #tpu.memory_space<semaphore_mem>> -> memref<1x!tpu.dma_semaphore, #tpu.memory_space<semaphore_mem>>
    %dma_start3A_133 = tpu.memref_squeeze %dma_start3A_132 : memref<1x!tpu.dma_semaphore, #tpu.memory_space<semaphore_mem>> -> memref<!tpu.dma_semaphore, #tpu.memory_space<semaphore_mem>>
    %dma_start3A_134 = arith.constant 0 : i32
    %dma_start3A_135 = arith.constant 0 : i32
    %dma_start3A_136 = tpu.memref_slice %arg7[%dma_start3A_126, %dma_start3A_134, %dma_start3A_135] : memref<8x200x64xf32, #tpu.memory_space<vmem>> -> memref<1x200x64xf32, #tpu.memory_space<vmem>>
    %dma_start3A_137 = tpu.memref_squeeze %dma_start3A_136 : memref<1x200x64xf32, #tpu.memory_space<vmem>> -> memref<200x64xf32, #tpu.memory_space<vmem>>
    tpu.enqueue_dma source(%arg6 : memref<200x64xf32, #tpu.memory_space<vmem_shared>>) target(%dma_start3A_137 : memref<200x64xf32, #tpu.memory_space<vmem>>) target_semaphore(%dma_start3A_133 : memref<!tpu.dma_semaphore, #tpu.memory_space<semaphore_mem>>)
    %run_scoped3A_138 = arith.constant 7 : i32
    "tpu.region"() ({
      %run_scoped3A_862 = tpu.sem_alloc : memref<!tpu.dma_semaphore, #tpu.memory_space<semaphore_mem>>
      %dma_start3A_863 = arith.constant 0 : i32
      %dma_start3A_864 = tpu.memref_slice %arg8[%run_scoped3A_138, %dma_start3A_863] : memref<8x200xi32, #tpu.memory_space<vmem>> -> memref<1x200xi32, #tpu.memory_space<vmem>>
      %dma_start3A_865 = tpu.memref_squeeze %dma_start3A_864 : memref<1x200xi32, #tpu.memory_space<vmem>> -> memref<200xi32, #tpu.memory_space<vmem>>
      %dma_start3A_866 = arith.constant 0 : i32
      %dma_start3A_867 = tpu.memref_slice %arg2[%add3A_125, %dma_start3A_866] : memref<4096x200xi32, #tpu.memory_space<hbm>> -> memref<1x200xi32, #tpu.memory_space<hbm>>
      %dma_start3A_868 = tpu.memref_squeeze %dma_start3A_867 : memref<1x200xi32, #tpu.memory_space<hbm>> -> memref<200xi32, #tpu.memory_space<hbm>>
      %dma_start3A_869 = arith.constant 0 : i32
      %dma_start3A_870 = tpu.memref_slice %arg8[%run_scoped3A_138, %dma_start3A_869] : memref<8x200xi32, #tpu.memory_space<vmem>> -> memref<1x200xi32, #tpu.memory_space<vmem>>
      %dma_start3A_871 = tpu.memref_squeeze %dma_start3A_870 : memref<1x200xi32, #tpu.memory_space<vmem>> -> memref<200xi32, #tpu.memory_space<vmem>>
      %dma_start3A_872 = arith.constant 0 : i32
      %dma_start3A_873 = tpu.memref_slice %arg2[%add3A_125, %dma_start3A_872] : memref<4096x200xi32, #tpu.memory_space<hbm>> -> memref<1x200xi32, #tpu.memory_space<hbm>>
      %dma_start3A_874 = tpu.memref_squeeze %dma_start3A_873 : memref<1x200xi32, #tpu.memory_space<hbm>> -> memref<200xi32, #tpu.memory_space<hbm>>
      tpu.enqueue_dma source(%dma_start3A_874 : memref<200xi32, #tpu.memory_space<hbm>>) target(%dma_start3A_871 : memref<200xi32, #tpu.memory_space<vmem>>) target_semaphore(%run_scoped3A_862 : memref<!tpu.dma_semaphore, #tpu.memory_space<semaphore_mem>>)
      %dma_wait3A_875 = arith.constant 0 : i32
      %dma_wait3A_876 = tpu.memref_slice %arg8[%run_scoped3A_138, %dma_wait3A_875] : memref<8x200xi32, #tpu.memory_space<vmem>> -> memref<1x200xi32, #tpu.memory_space<vmem>>
      %dma_wait3A_877 = tpu.memref_squeeze %dma_wait3A_876 : memref<1x200xi32, #tpu.memory_space<vmem>> -> memref<200xi32, #tpu.memory_space<vmem>>
      %dma_wait3A_878 = arith.constant 0 : i32
      %dma_wait3A_879 = tpu.memref_slice %arg2[%add3A_125, %dma_wait3A_878] : memref<4096x200xi32, #tpu.memory_space<hbm>> -> memref<1x200xi32, #tpu.memory_space<hbm>>
      %dma_wait3A_880 = tpu.memref_squeeze %dma_wait3A_879 : memref<1x200xi32, #tpu.memory_space<hbm>> -> memref<200xi32, #tpu.memory_space<hbm>>
      %dma_wait3A_881 = arith.constant 0 : i32
      %dma_wait3A_882 = tpu.memref_slice %arg8[%run_scoped3A_138, %dma_wait3A_881] : memref<8x200xi32, #tpu.memory_space<vmem>> -> memref<1x200xi32, #tpu.memory_space<vmem>>
      %dma_wait3A_883 = tpu.memref_squeeze %dma_wait3A_882 : memref<1x200xi32, #tpu.memory_space<vmem>> -> memref<200xi32, #tpu.memory_space<vmem>>
      %dma_wait3A_884 = arith.constant 0 : i32
      %dma_wait3A_885 = tpu.memref_slice %arg2[%add3A_125, %dma_wait3A_884] : memref<4096x200xi32, #tpu.memory_space<hbm>> -> memref<1x200xi32, #tpu.memory_space<hbm>>
      %dma_wait3A_886 = tpu.memref_squeeze %dma_wait3A_885 : memref<1x200xi32, #tpu.memory_space<hbm>> -> memref<200xi32, #tpu.memory_space<hbm>>
      tpu.wait_dma2 semaphore(%run_scoped3A_862 : memref<!tpu.dma_semaphore, #tpu.memory_space<semaphore_mem>>) src(%dma_wait3A_886 : memref<200xi32, #tpu.memory_space<hbm>>) dst(%dma_wait3A_883 : memref<200xi32, #tpu.memory_space<vmem>>)
      tpu.yield
    }) : () -> ()
    %dma_wait3A = arith.constant 0 : i32
    %dma_wait3A_139 = arith.constant 0 : i32
    %dma_wait3A_140 = arith.constant 0 : i32
    %dma_wait3A_141 = arith.constant 0 : i32
    %dma_wait3A_142 = tpu.memref_slice %arg7[%dma_wait3A, %dma_wait3A_140, %dma_wait3A_141] : memref<8x200x64xf32, #tpu.memory_space<vmem>> -> memref<1x200x64xf32, #tpu.memory_space<vmem>>
    %dma_wait3A_143 = tpu.memref_squeeze %dma_wait3A_142 : memref<1x200x64xf32, #tpu.memory_space<vmem>> -> memref<200x64xf32, #tpu.memory_space<vmem>>
    %dma_wait3A_144 = tpu.memref_slice %arg9[%dma_wait3A_139] : memref<8x!tpu.dma_semaphore, #tpu.memory_space<semaphore_mem>> -> memref<1x!tpu.dma_semaphore, #tpu.memory_space<semaphore_mem>>
    %dma_wait3A_145 = tpu.memref_squeeze %dma_wait3A_144 : memref<1x!tpu.dma_semaphore, #tpu.memory_space<semaphore_mem>> -> memref<!tpu.dma_semaphore, #tpu.memory_space<semaphore_mem>>
    %dma_wait3A_146 = arith.constant 0 : i32
    %dma_wait3A_147 = arith.constant 0 : i32
    %dma_wait3A_148 = tpu.memref_slice %arg7[%dma_wait3A, %dma_wait3A_146, %dma_wait3A_147] : memref<8x200x64xf32, #tpu.memory_space<vmem>> -> memref<1x200x64xf32, #tpu.memory_space<vmem>>
    %dma_wait3A_149 = tpu.memref_squeeze %dma_wait3A_148 : memref<1x200x64xf32, #tpu.memory_space<vmem>> -> memref<200x64xf32, #tpu.memory_space<vmem>>
    tpu.wait_dma2 semaphore(%dma_wait3A_145 : memref<!tpu.dma_semaphore, #tpu.memory_space<semaphore_mem>>) src(%arg6 : memref<200x64xf32, #tpu.memory_space<vmem_shared>>) dst(%dma_wait3A_149 : memref<200x64xf32, #tpu.memory_space<vmem>>)
    %dma_start3A_150 = arith.constant 0 : i32
    %dma_start3A_151 = arith.constant 0 : i32
    %dma_start3A_152 = arith.constant 0 : i32
    %dma_start3A_153 = arith.constant 0 : i32
    %dma_start3A_154 = arith.constant 0 : i32
    %dma_start3A_155 = tpu.memref_slice %arg7[%dma_start3A_151, %dma_start3A_153, %dma_start3A_154] : memref<8x200x64xf32, #tpu.memory_space<vmem>> -> memref<1x200x64xf32, #tpu.memory_space<vmem>>
    %dma_start3A_156 = tpu.memref_squeeze %dma_start3A_155 : memref<1x200x64xf32, #tpu.memory_space<vmem>> -> memref<200x64xf32, #tpu.memory_space<vmem>>
    %dma_start3A_157 = arith.constant 0 : i32
    %dma_start3A_158 = tpu.memref_slice %arg8[%dma_start3A_150, %dma_start3A_157] : memref<8x200xi32, #tpu.memory_space<vmem>> -> memref<1x200xi32, #tpu.memory_space<vmem>>
    %dma_start3A_159 = tpu.memref_squeeze %dma_start3A_158 : memref<1x200xi32, #tpu.memory_space<vmem>> -> memref<200xi32, #tpu.memory_space<vmem>>
    %dma_start3A_160 = arith.constant 0 : i32
    %dma_start3A_161 = arith.constant 0 : i32
    %dma_start3A_162 = tpu.memref_slice %arg3[%dma_start3A_160, %dma_start3A_161] : memref<1000000x64xf32, #tpu.memory_space<hbm>> -> memref<1000000x64xf32, #tpu.memory_space<hbm>>
    %dma_start3A_163 = tpu.memref_slice %arg10[%dma_start3A_152] : memref<8x!tpu.dma_semaphore, #tpu.memory_space<semaphore_mem>> -> memref<1x!tpu.dma_semaphore, #tpu.memory_space<semaphore_mem>>
    %dma_start3A_164 = tpu.memref_squeeze %dma_start3A_163 : memref<1x!tpu.dma_semaphore, #tpu.memory_space<semaphore_mem>> -> memref<!tpu.dma_semaphore, #tpu.memory_space<semaphore_mem>>
    tpu.enqueue_indirect_dma source(%dma_start3A_162 : memref<1000000x64xf32, #tpu.memory_space<hbm>>) target(%dma_start3A_156 : memref<200x64xf32, #tpu.memory_space<vmem>>) offsets(%dma_start3A_159 : memref<200xi32, #tpu.memory_space<vmem>>) semaphore(%dma_start3A_164 : memref<!tpu.dma_semaphore, #tpu.memory_space<semaphore_mem>>) {add = true}
    %dma_wait3A_165 = arith.constant 1 : i32
    %dma_wait3A_166 = arith.constant 1 : i32
    %dma_wait3A_167 = arith.constant 0 : i32
    %dma_wait3A_168 = arith.constant 0 : i32
    %dma_wait3A_169 = tpu.memref_slice %arg7[%dma_wait3A_165, %dma_wait3A_167, %dma_wait3A_168] : memref<8x200x64xf32, #tpu.memory_space<vmem>> -> memref<1x200x64xf32, #tpu.memory_space<vmem>>
    %dma_wait3A_170 = tpu.memref_squeeze %dma_wait3A_169 : memref<1x200x64xf32, #tpu.memory_space<vmem>> -> memref<200x64xf32, #tpu.memory_space<vmem>>
    %dma_wait3A_171 = tpu.memref_slice %arg9[%dma_wait3A_166] : memref<8x!tpu.dma_semaphore, #tpu.memory_space<semaphore_mem>> -> memref<1x!tpu.dma_semaphore, #tpu.memory_space<semaphore_mem>>
    %dma_wait3A_172 = tpu.memref_squeeze %dma_wait3A_171 : memref<1x!tpu.dma_semaphore, #tpu.memory_space<semaphore_mem>> -> memref<!tpu.dma_semaphore, #tpu.memory_space<semaphore_mem>>
    %dma_wait3A_173 = arith.constant 0 : i32
    %dma_wait3A_174 = arith.constant 0 : i32
    %dma_wait3A_175 = tpu.memref_slice %arg7[%dma_wait3A_165, %dma_wait3A_173, %dma_wait3A_174] : memref<8x200x64xf32, #tpu.memory_space<vmem>> -> memref<1x200x64xf32, #tpu.memory_space<vmem>>
    %dma_wait3A_176 = tpu.memref_squeeze %dma_wait3A_175 : memref<1x200x64xf32, #tpu.memory_space<vmem>> -> memref<200x64xf32, #tpu.memory_space<vmem>>
    tpu.wait_dma2 semaphore(%dma_wait3A_172 : memref<!tpu.dma_semaphore, #tpu.memory_space<semaphore_mem>>) src(%arg6 : memref<200x64xf32, #tpu.memory_space<vmem_shared>>) dst(%dma_wait3A_176 : memref<200x64xf32, #tpu.memory_space<vmem>>)
    %dma_start3A_177 = arith.constant 1 : i32
    %dma_start3A_178 = arith.constant 1 : i32
    %dma_start3A_179 = arith.constant 1 : i32
    %dma_start3A_180 = arith.constant 0 : i32
    %dma_start3A_181 = arith.constant 0 : i32
    %dma_start3A_182 = tpu.memref_slice %arg7[%dma_start3A_178, %dma_start3A_180, %dma_start3A_181] : memref<8x200x64xf32, #tpu.memory_space<vmem>> -> memref<1x200x64xf32, #tpu.memory_space<vmem>>
    %dma_start3A_183 = tpu.memref_squeeze %dma_start3A_182 : memref<1x200x64xf32, #tpu.memory_space<vmem>> -> memref<200x64xf32, #tpu.memory_space<vmem>>
    %dma_start3A_184 = arith.constant 0 : i32
    %dma_start3A_185 = tpu.memref_slice %arg8[%dma_start3A_177, %dma_start3A_184] : memref<8x200xi32, #tpu.memory_space<vmem>> -> memref<1x200xi32, #tpu.memory_space<vmem>>
    %dma_start3A_186 = tpu.memref_squeeze %dma_start3A_185 : memref<1x200xi32, #tpu.memory_space<vmem>> -> memref<200xi32, #tpu.memory_space<vmem>>
    %dma_start3A_187 = arith.constant 0 : i32
    %dma_start3A_188 = arith.constant 0 : i32
    %dma_start3A_189 = tpu.memref_slice %arg3[%dma_start3A_187, %dma_start3A_188] : memref<1000000x64xf32, #tpu.memory_space<hbm>> -> memref<1000000x64xf32, #tpu.memory_space<hbm>>
    %dma_start3A_190 = tpu.memref_slice %arg10[%dma_start3A_179] : memref<8x!tpu.dma_semaphore, #tpu.memory_space<semaphore_mem>> -> memref<1x!tpu.dma_semaphore, #tpu.memory_space<semaphore_mem>>
    %dma_start3A_191 = tpu.memref_squeeze %dma_start3A_190 : memref<1x!tpu.dma_semaphore, #tpu.memory_space<semaphore_mem>> -> memref<!tpu.dma_semaphore, #tpu.memory_space<semaphore_mem>>
    tpu.enqueue_indirect_dma source(%dma_start3A_189 : memref<1000000x64xf32, #tpu.memory_space<hbm>>) target(%dma_start3A_183 : memref<200x64xf32, #tpu.memory_space<vmem>>) offsets(%dma_start3A_186 : memref<200xi32, #tpu.memory_space<vmem>>) semaphore(%dma_start3A_191 : memref<!tpu.dma_semaphore, #tpu.memory_space<semaphore_mem>>) {add = true}
    %dma_wait3A_192 = arith.constant 2 : i32
    %dma_wait3A_193 = arith.constant 2 : i32
    %dma_wait3A_194 = arith.constant 0 : i32
    %dma_wait3A_195 = arith.constant 0 : i32
    %dma_wait3A_196 = tpu.memref_slice %arg7[%dma_wait3A_192, %dma_wait3A_194, %dma_wait3A_195] : memref<8x200x64xf32, #tpu.memory_space<vmem>> -> memref<1x200x64xf32, #tpu.memory_space<vmem>>
    %dma_wait3A_197 = tpu.memref_squeeze %dma_wait3A_196 : memref<1x200x64xf32, #tpu.memory_space<vmem>> -> memref<200x64xf32, #tpu.memory_space<vmem>>
    %dma_wait3A_198 = tpu.memref_slice %arg9[%dma_wait3A_193] : memref<8x!tpu.dma_semaphore, #tpu.memory_space<semaphore_mem>> -> memref<1x!tpu.dma_semaphore, #tpu.memory_space<semaphore_mem>>
    %dma_wait3A_199 = tpu.memref_squeeze %dma_wait3A_198 : memref<1x!tpu.dma_semaphore, #tpu.memory_space<semaphore_mem>> -> memref<!tpu.dma_semaphore, #tpu.memory_space<semaphore_mem>>
    %dma_wait3A_200 = arith.constant 0 : i32
    %dma_wait3A_201 = arith.constant 0 : i32
    %dma_wait3A_202 = tpu.memref_slice %arg7[%dma_wait3A_192, %dma_wait3A_200, %dma_wait3A_201] : memref<8x200x64xf32, #tpu.memory_space<vmem>> -> memref<1x200x64xf32, #tpu.memory_space<vmem>>
    %dma_wait3A_203 = tpu.memref_squeeze %dma_wait3A_202 : memref<1x200x64xf32, #tpu.memory_space<vmem>> -> memref<200x64xf32, #tpu.memory_space<vmem>>
    tpu.wait_dma2 semaphore(%dma_wait3A_199 : memref<!tpu.dma_semaphore, #tpu.memory_space<semaphore_mem>>) src(%arg6 : memref<200x64xf32, #tpu.memory_space<vmem_shared>>) dst(%dma_wait3A_203 : memref<200x64xf32, #tpu.memory_space<vmem>>)
    %dma_start3A_204 = arith.constant 2 : i32
    %dma_start3A_205 = arith.constant 2 : i32
    %dma_start3A_206 = arith.constant 2 : i32
    %dma_start3A_207 = arith.constant 0 : i32
    %dma_start3A_208 = arith.constant 0 : i32
    %dma_start3A_209 = tpu.memref_slice %arg7[%dma_start3A_205, %dma_start3A_207, %dma_start3A_208] : memref<8x200x64xf32, #tpu.memory_space<vmem>> -> memref<1x200x64xf32, #tpu.memory_space<vmem>>
    %dma_start3A_210 = tpu.memref_squeeze %dma_start3A_209 : memref<1x200x64xf32, #tpu.memory_space<vmem>> -> memref<200x64xf32, #tpu.memory_space<vmem>>
    %dma_start3A_211 = arith.constant 0 : i32
    %dma_start3A_212 = tpu.memref_slice %arg8[%dma_start3A_204, %dma_start3A_211] : memref<8x200xi32, #tpu.memory_space<vmem>> -> memref<1x200xi32, #tpu.memory_space<vmem>>
    %dma_start3A_213 = tpu.memref_squeeze %dma_start3A_212 : memref<1x200xi32, #tpu.memory_space<vmem>> -> memref<200xi32, #tpu.memory_space<vmem>>
    %dma_start3A_214 = arith.constant 0 : i32
    %dma_start3A_215 = arith.constant 0 : i32
    %dma_start3A_216 = tpu.memref_slice %arg3[%dma_start3A_214, %dma_start3A_215] : memref<1000000x64xf32, #tpu.memory_space<hbm>> -> memref<1000000x64xf32, #tpu.memory_space<hbm>>
    %dma_start3A_217 = tpu.memref_slice %arg10[%dma_start3A_206] : memref<8x!tpu.dma_semaphore, #tpu.memory_space<semaphore_mem>> -> memref<1x!tpu.dma_semaphore, #tpu.memory_space<semaphore_mem>>
    %dma_start3A_218 = tpu.memref_squeeze %dma_start3A_217 : memref<1x!tpu.dma_semaphore, #tpu.memory_space<semaphore_mem>> -> memref<!tpu.dma_semaphore, #tpu.memory_space<semaphore_mem>>
    tpu.enqueue_indirect_dma source(%dma_start3A_216 : memref<1000000x64xf32, #tpu.memory_space<hbm>>) target(%dma_start3A_210 : memref<200x64xf32, #tpu.memory_space<vmem>>) offsets(%dma_start3A_213 : memref<200xi32, #tpu.memory_space<vmem>>) semaphore(%dma_start3A_218 : memref<!tpu.dma_semaphore, #tpu.memory_space<semaphore_mem>>) {add = true}
    %dma_wait3A_219 = arith.constant 3 : i32
    %dma_wait3A_220 = arith.constant 3 : i32
    %dma_wait3A_221 = arith.constant 0 : i32
    %dma_wait3A_222 = arith.constant 0 : i32
    %dma_wait3A_223 = tpu.memref_slice %arg7[%dma_wait3A_219, %dma_wait3A_221, %dma_wait3A_222] : memref<8x200x64xf32, #tpu.memory_space<vmem>> -> memref<1x200x64xf32, #tpu.memory_space<vmem>>
    %dma_wait3A_224 = tpu.memref_squeeze %dma_wait3A_223 : memref<1x200x64xf32, #tpu.memory_space<vmem>> -> memref<200x64xf32, #tpu.memory_space<vmem>>
    %dma_wait3A_225 = tpu.memref_slice %arg9[%dma_wait3A_220] : memref<8x!tpu.dma_semaphore, #tpu.memory_space<semaphore_mem>> -> memref<1x!tpu.dma_semaphore, #tpu.memory_space<semaphore_mem>>
    %dma_wait3A_226 = tpu.memref_squeeze %dma_wait3A_225 : memref<1x!tpu.dma_semaphore, #tpu.memory_space<semaphore_mem>> -> memref<!tpu.dma_semaphore, #tpu.memory_space<semaphore_mem>>
    %dma_wait3A_227 = arith.constant 0 : i32
    %dma_wait3A_228 = arith.constant 0 : i32
    %dma_wait3A_229 = tpu.memref_slice %arg7[%dma_wait3A_219, %dma_wait3A_227, %dma_wait3A_228] : memref<8x200x64xf32, #tpu.memory_space<vmem>> -> memref<1x200x64xf32, #tpu.memory_space<vmem>>
    %dma_wait3A_230 = tpu.memref_squeeze %dma_wait3A_229 : memref<1x200x64xf32, #tpu.memory_space<vmem>> -> memref<200x64xf32, #tpu.memory_space<vmem>>
    tpu.wait_dma2 semaphore(%dma_wait3A_226 : memref<!tpu.dma_semaphore, #tpu.memory_space<semaphore_mem>>) src(%arg6 : memref<200x64xf32, #tpu.memory_space<vmem_shared>>) dst(%dma_wait3A_230 : memref<200x64xf32, #tpu.memory_space<vmem>>)
    %dma_start3A_231 = arith.constant 3 : i32
    %dma_start3A_232 = arith.constant 3 : i32
    %dma_start3A_233 = arith.constant 3 : i32
    %dma_start3A_234 = arith.constant 0 : i32
    %dma_start3A_235 = arith.constant 0 : i32
    %dma_start3A_236 = tpu.memref_slice %arg7[%dma_start3A_232, %dma_start3A_234, %dma_start3A_235] : memref<8x200x64xf32, #tpu.memory_space<vmem>> -> memref<1x200x64xf32, #tpu.memory_space<vmem>>
    %dma_start3A_237 = tpu.memref_squeeze %dma_start3A_236 : memref<1x200x64xf32, #tpu.memory_space<vmem>> -> memref<200x64xf32, #tpu.memory_space<vmem>>
    %dma_start3A_238 = arith.constant 0 : i32
    %dma_start3A_239 = tpu.memref_slice %arg8[%dma_start3A_231, %dma_start3A_238] : memref<8x200xi32, #tpu.memory_space<vmem>> -> memref<1x200xi32, #tpu.memory_space<vmem>>
    %dma_start3A_240 = tpu.memref_squeeze %dma_start3A_239 : memref<1x200xi32, #tpu.memory_space<vmem>> -> memref<200xi32, #tpu.memory_space<vmem>>
    %dma_start3A_241 = arith.constant 0 : i32
    %dma_start3A_242 = arith.constant 0 : i32
    %dma_start3A_243 = tpu.memref_slice %arg3[%dma_start3A_241, %dma_start3A_242] : memref<1000000x64xf32, #tpu.memory_space<hbm>> -> memref<1000000x64xf32, #tpu.memory_space<hbm>>
    %dma_start3A_244 = tpu.memref_slice %arg10[%dma_start3A_233] : memref<8x!tpu.dma_semaphore, #tpu.memory_space<semaphore_mem>> -> memref<1x!tpu.dma_semaphore, #tpu.memory_space<semaphore_mem>>
    %dma_start3A_245 = tpu.memref_squeeze %dma_start3A_244 : memref<1x!tpu.dma_semaphore, #tpu.memory_space<semaphore_mem>> -> memref<!tpu.dma_semaphore, #tpu.memory_space<semaphore_mem>>
    tpu.enqueue_indirect_dma source(%dma_start3A_243 : memref<1000000x64xf32, #tpu.memory_space<hbm>>) target(%dma_start3A_237 : memref<200x64xf32, #tpu.memory_space<vmem>>) offsets(%dma_start3A_240 : memref<200xi32, #tpu.memory_space<vmem>>) semaphore(%dma_start3A_245 : memref<!tpu.dma_semaphore, #tpu.memory_space<semaphore_mem>>) {add = true}
    %dma_wait3A_246 = arith.constant 4 : i32
    %dma_wait3A_247 = arith.constant 4 : i32
    %dma_wait3A_248 = arith.constant 0 : i32
    %dma_wait3A_249 = arith.constant 0 : i32
    %dma_wait3A_250 = tpu.memref_slice %arg7[%dma_wait3A_246, %dma_wait3A_248, %dma_wait3A_249] : memref<8x200x64xf32, #tpu.memory_space<vmem>> -> memref<1x200x64xf32, #tpu.memory_space<vmem>>
    %dma_wait3A_251 = tpu.memref_squeeze %dma_wait3A_250 : memref<1x200x64xf32, #tpu.memory_space<vmem>> -> memref<200x64xf32, #tpu.memory_space<vmem>>
    %dma_wait3A_252 = tpu.memref_slice %arg9[%dma_wait3A_247] : memref<8x!tpu.dma_semaphore, #tpu.memory_space<semaphore_mem>> -> memref<1x!tpu.dma_semaphore, #tpu.memory_space<semaphore_mem>>
    %dma_wait3A_253 = tpu.memref_squeeze %dma_wait3A_252 : memref<1x!tpu.dma_semaphore, #tpu.memory_space<semaphore_mem>> -> memref<!tpu.dma_semaphore, #tpu.memory_space<semaphore_mem>>
    %dma_wait3A_254 = arith.constant 0 : i32
    %dma_wait3A_255 = arith.constant 0 : i32
    %dma_wait3A_256 = tpu.memref_slice %arg7[%dma_wait3A_246, %dma_wait3A_254, %dma_wait3A_255] : memref<8x200x64xf32, #tpu.memory_space<vmem>> -> memref<1x200x64xf32, #tpu.memory_space<vmem>>
    %dma_wait3A_257 = tpu.memref_squeeze %dma_wait3A_256 : memref<1x200x64xf32, #tpu.memory_space<vmem>> -> memref<200x64xf32, #tpu.memory_space<vmem>>
    tpu.wait_dma2 semaphore(%dma_wait3A_253 : memref<!tpu.dma_semaphore, #tpu.memory_space<semaphore_mem>>) src(%arg6 : memref<200x64xf32, #tpu.memory_space<vmem_shared>>) dst(%dma_wait3A_257 : memref<200x64xf32, #tpu.memory_space<vmem>>)
    %dma_start3A_258 = arith.constant 4 : i32
    %dma_start3A_259 = arith.constant 4 : i32
    %dma_start3A_260 = arith.constant 4 : i32
    %dma_start3A_261 = arith.constant 0 : i32
    %dma_start3A_262 = arith.constant 0 : i32
    %dma_start3A_263 = tpu.memref_slice %arg7[%dma_start3A_259, %dma_start3A_261, %dma_start3A_262] : memref<8x200x64xf32, #tpu.memory_space<vmem>> -> memref<1x200x64xf32, #tpu.memory_space<vmem>>
    %dma_start3A_264 = tpu.memref_squeeze %dma_start3A_263 : memref<1x200x64xf32, #tpu.memory_space<vmem>> -> memref<200x64xf32, #tpu.memory_space<vmem>>
    %dma_start3A_265 = arith.constant 0 : i32
    %dma_start3A_266 = tpu.memref_slice %arg8[%dma_start3A_258, %dma_start3A_265] : memref<8x200xi32, #tpu.memory_space<vmem>> -> memref<1x200xi32, #tpu.memory_space<vmem>>
    %dma_start3A_267 = tpu.memref_squeeze %dma_start3A_266 : memref<1x200xi32, #tpu.memory_space<vmem>> -> memref<200xi32, #tpu.memory_space<vmem>>
    %dma_start3A_268 = arith.constant 0 : i32
    %dma_start3A_269 = arith.constant 0 : i32
    %dma_start3A_270 = tpu.memref_slice %arg3[%dma_start3A_268, %dma_start3A_269] : memref<1000000x64xf32, #tpu.memory_space<hbm>> -> memref<1000000x64xf32, #tpu.memory_space<hbm>>
    %dma_start3A_271 = tpu.memref_slice %arg10[%dma_start3A_260] : memref<8x!tpu.dma_semaphore, #tpu.memory_space<semaphore_mem>> -> memref<1x!tpu.dma_semaphore, #tpu.memory_space<semaphore_mem>>
    %dma_start3A_272 = tpu.memref_squeeze %dma_start3A_271 : memref<1x!tpu.dma_semaphore, #tpu.memory_space<semaphore_mem>> -> memref<!tpu.dma_semaphore, #tpu.memory_space<semaphore_mem>>
    tpu.enqueue_indirect_dma source(%dma_start3A_270 : memref<1000000x64xf32, #tpu.memory_space<hbm>>) target(%dma_start3A_264 : memref<200x64xf32, #tpu.memory_space<vmem>>) offsets(%dma_start3A_267 : memref<200xi32, #tpu.memory_space<vmem>>) semaphore(%dma_start3A_272 : memref<!tpu.dma_semaphore, #tpu.memory_space<semaphore_mem>>) {add = true}
    %dma_wait3A_273 = arith.constant 5 : i32
    %dma_wait3A_274 = arith.constant 5 : i32
    %dma_wait3A_275 = arith.constant 0 : i32
    %dma_wait3A_276 = arith.constant 0 : i32
    %dma_wait3A_277 = tpu.memref_slice %arg7[%dma_wait3A_273, %dma_wait3A_275, %dma_wait3A_276] : memref<8x200x64xf32, #tpu.memory_space<vmem>> -> memref<1x200x64xf32, #tpu.memory_space<vmem>>
    %dma_wait3A_278 = tpu.memref_squeeze %dma_wait3A_277 : memref<1x200x64xf32, #tpu.memory_space<vmem>> -> memref<200x64xf32, #tpu.memory_space<vmem>>
    %dma_wait3A_279 = tpu.memref_slice %arg9[%dma_wait3A_274] : memref<8x!tpu.dma_semaphore, #tpu.memory_space<semaphore_mem>> -> memref<1x!tpu.dma_semaphore, #tpu.memory_space<semaphore_mem>>
    %dma_wait3A_280 = tpu.memref_squeeze %dma_wait3A_279 : memref<1x!tpu.dma_semaphore, #tpu.memory_space<semaphore_mem>> -> memref<!tpu.dma_semaphore, #tpu.memory_space<semaphore_mem>>
    %dma_wait3A_281 = arith.constant 0 : i32
    %dma_wait3A_282 = arith.constant 0 : i32
    %dma_wait3A_283 = tpu.memref_slice %arg7[%dma_wait3A_273, %dma_wait3A_281, %dma_wait3A_282] : memref<8x200x64xf32, #tpu.memory_space<vmem>> -> memref<1x200x64xf32, #tpu.memory_space<vmem>>
    %dma_wait3A_284 = tpu.memref_squeeze %dma_wait3A_283 : memref<1x200x64xf32, #tpu.memory_space<vmem>> -> memref<200x64xf32, #tpu.memory_space<vmem>>
    tpu.wait_dma2 semaphore(%dma_wait3A_280 : memref<!tpu.dma_semaphore, #tpu.memory_space<semaphore_mem>>) src(%arg6 : memref<200x64xf32, #tpu.memory_space<vmem_shared>>) dst(%dma_wait3A_284 : memref<200x64xf32, #tpu.memory_space<vmem>>)
    %dma_start3A_285 = arith.constant 5 : i32
    %dma_start3A_286 = arith.constant 5 : i32
    %dma_start3A_287 = arith.constant 5 : i32
    %dma_start3A_288 = arith.constant 0 : i32
    %dma_start3A_289 = arith.constant 0 : i32
    %dma_start3A_290 = tpu.memref_slice %arg7[%dma_start3A_286, %dma_start3A_288, %dma_start3A_289] : memref<8x200x64xf32, #tpu.memory_space<vmem>> -> memref<1x200x64xf32, #tpu.memory_space<vmem>>
    %dma_start3A_291 = tpu.memref_squeeze %dma_start3A_290 : memref<1x200x64xf32, #tpu.memory_space<vmem>> -> memref<200x64xf32, #tpu.memory_space<vmem>>
    %dma_start3A_292 = arith.constant 0 : i32
    %dma_start3A_293 = tpu.memref_slice %arg8[%dma_start3A_285, %dma_start3A_292] : memref<8x200xi32, #tpu.memory_space<vmem>> -> memref<1x200xi32, #tpu.memory_space<vmem>>
    %dma_start3A_294 = tpu.memref_squeeze %dma_start3A_293 : memref<1x200xi32, #tpu.memory_space<vmem>> -> memref<200xi32, #tpu.memory_space<vmem>>
    %dma_start3A_295 = arith.constant 0 : i32
    %dma_start3A_296 = arith.constant 0 : i32
    %dma_start3A_297 = tpu.memref_slice %arg3[%dma_start3A_295, %dma_start3A_296] : memref<1000000x64xf32, #tpu.memory_space<hbm>> -> memref<1000000x64xf32, #tpu.memory_space<hbm>>
    %dma_start3A_298 = tpu.memref_slice %arg10[%dma_start3A_287] : memref<8x!tpu.dma_semaphore, #tpu.memory_space<semaphore_mem>> -> memref<1x!tpu.dma_semaphore, #tpu.memory_space<semaphore_mem>>
    %dma_start3A_299 = tpu.memref_squeeze %dma_start3A_298 : memref<1x!tpu.dma_semaphore, #tpu.memory_space<semaphore_mem>> -> memref<!tpu.dma_semaphore, #tpu.memory_space<semaphore_mem>>
    tpu.enqueue_indirect_dma source(%dma_start3A_297 : memref<1000000x64xf32, #tpu.memory_space<hbm>>) target(%dma_start3A_291 : memref<200x64xf32, #tpu.memory_space<vmem>>) offsets(%dma_start3A_294 : memref<200xi32, #tpu.memory_space<vmem>>) semaphore(%dma_start3A_299 : memref<!tpu.dma_semaphore, #tpu.memory_space<semaphore_mem>>) {add = true}
    %dma_wait3A_300 = arith.constant 6 : i32
    %dma_wait3A_301 = arith.constant 6 : i32
    %dma_wait3A_302 = arith.constant 0 : i32
    %dma_wait3A_303 = arith.constant 0 : i32
    %dma_wait3A_304 = tpu.memref_slice %arg7[%dma_wait3A_300, %dma_wait3A_302, %dma_wait3A_303] : memref<8x200x64xf32, #tpu.memory_space<vmem>> -> memref<1x200x64xf32, #tpu.memory_space<vmem>>
    %dma_wait3A_305 = tpu.memref_squeeze %dma_wait3A_304 : memref<1x200x64xf32, #tpu.memory_space<vmem>> -> memref<200x64xf32, #tpu.memory_space<vmem>>
    %dma_wait3A_306 = tpu.memref_slice %arg9[%dma_wait3A_301] : memref<8x!tpu.dma_semaphore, #tpu.memory_space<semaphore_mem>> -> memref<1x!tpu.dma_semaphore, #tpu.memory_space<semaphore_mem>>
    %dma_wait3A_307 = tpu.memref_squeeze %dma_wait3A_306 : memref<1x!tpu.dma_semaphore, #tpu.memory_space<semaphore_mem>> -> memref<!tpu.dma_semaphore, #tpu.memory_space<semaphore_mem>>
    %dma_wait3A_308 = arith.constant 0 : i32
    %dma_wait3A_309 = arith.constant 0 : i32
    %dma_wait3A_310 = tpu.memref_slice %arg7[%dma_wait3A_300, %dma_wait3A_308, %dma_wait3A_309] : memref<8x200x64xf32, #tpu.memory_space<vmem>> -> memref<1x200x64xf32, #tpu.memory_space<vmem>>
    %dma_wait3A_311 = tpu.memref_squeeze %dma_wait3A_310 : memref<1x200x64xf32, #tpu.memory_space<vmem>> -> memref<200x64xf32, #tpu.memory_space<vmem>>
    tpu.wait_dma2 semaphore(%dma_wait3A_307 : memref<!tpu.dma_semaphore, #tpu.memory_space<semaphore_mem>>) src(%arg6 : memref<200x64xf32, #tpu.memory_space<vmem_shared>>) dst(%dma_wait3A_311 : memref<200x64xf32, #tpu.memory_space<vmem>>)
    %dma_start3A_312 = arith.constant 6 : i32
    %dma_start3A_313 = arith.constant 6 : i32
    %dma_start3A_314 = arith.constant 6 : i32
    %dma_start3A_315 = arith.constant 0 : i32
    %dma_start3A_316 = arith.constant 0 : i32
    %dma_start3A_317 = tpu.memref_slice %arg7[%dma_start3A_313, %dma_start3A_315, %dma_start3A_316] : memref<8x200x64xf32, #tpu.memory_space<vmem>> -> memref<1x200x64xf32, #tpu.memory_space<vmem>>
    %dma_start3A_318 = tpu.memref_squeeze %dma_start3A_317 : memref<1x200x64xf32, #tpu.memory_space<vmem>> -> memref<200x64xf32, #tpu.memory_space<vmem>>
    %dma_start3A_319 = arith.constant 0 : i32
    %dma_start3A_320 = tpu.memref_slice %arg8[%dma_start3A_312, %dma_start3A_319] : memref<8x200xi32, #tpu.memory_space<vmem>> -> memref<1x200xi32, #tpu.memory_space<vmem>>
    %dma_start3A_321 = tpu.memref_squeeze %dma_start3A_320 : memref<1x200xi32, #tpu.memory_space<vmem>> -> memref<200xi32, #tpu.memory_space<vmem>>
    %dma_start3A_322 = arith.constant 0 : i32
    %dma_start3A_323 = arith.constant 0 : i32
    %dma_start3A_324 = tpu.memref_slice %arg3[%dma_start3A_322, %dma_start3A_323] : memref<1000000x64xf32, #tpu.memory_space<hbm>> -> memref<1000000x64xf32, #tpu.memory_space<hbm>>
    %dma_start3A_325 = tpu.memref_slice %arg10[%dma_start3A_314] : memref<8x!tpu.dma_semaphore, #tpu.memory_space<semaphore_mem>> -> memref<1x!tpu.dma_semaphore, #tpu.memory_space<semaphore_mem>>
    %dma_start3A_326 = tpu.memref_squeeze %dma_start3A_325 : memref<1x!tpu.dma_semaphore, #tpu.memory_space<semaphore_mem>> -> memref<!tpu.dma_semaphore, #tpu.memory_space<semaphore_mem>>
    tpu.enqueue_indirect_dma source(%dma_start3A_324 : memref<1000000x64xf32, #tpu.memory_space<hbm>>) target(%dma_start3A_318 : memref<200x64xf32, #tpu.memory_space<vmem>>) offsets(%dma_start3A_321 : memref<200xi32, #tpu.memory_space<vmem>>) semaphore(%dma_start3A_326 : memref<!tpu.dma_semaphore, #tpu.memory_space<semaphore_mem>>) {add = true}
    %dma_wait3A_327 = arith.constant 7 : i32
    %dma_wait3A_328 = arith.constant 7 : i32
    %dma_wait3A_329 = arith.constant 0 : i32
    %dma_wait3A_330 = arith.constant 0 : i32
    %dma_wait3A_331 = tpu.memref_slice %arg7[%dma_wait3A_327, %dma_wait3A_329, %dma_wait3A_330] : memref<8x200x64xf32, #tpu.memory_space<vmem>> -> memref<1x200x64xf32, #tpu.memory_space<vmem>>
    %dma_wait3A_332 = tpu.memref_squeeze %dma_wait3A_331 : memref<1x200x64xf32, #tpu.memory_space<vmem>> -> memref<200x64xf32, #tpu.memory_space<vmem>>
    %dma_wait3A_333 = tpu.memref_slice %arg9[%dma_wait3A_328] : memref<8x!tpu.dma_semaphore, #tpu.memory_space<semaphore_mem>> -> memref<1x!tpu.dma_semaphore, #tpu.memory_space<semaphore_mem>>
    %dma_wait3A_334 = tpu.memref_squeeze %dma_wait3A_333 : memref<1x!tpu.dma_semaphore, #tpu.memory_space<semaphore_mem>> -> memref<!tpu.dma_semaphore, #tpu.memory_space<semaphore_mem>>
    %dma_wait3A_335 = arith.constant 0 : i32
    %dma_wait3A_336 = arith.constant 0 : i32
    %dma_wait3A_337 = tpu.memref_slice %arg7[%dma_wait3A_327, %dma_wait3A_335, %dma_wait3A_336] : memref<8x200x64xf32, #tpu.memory_space<vmem>> -> memref<1x200x64xf32, #tpu.memory_space<vmem>>
    %dma_wait3A_338 = tpu.memref_squeeze %dma_wait3A_337 : memref<1x200x64xf32, #tpu.memory_space<vmem>> -> memref<200x64xf32, #tpu.memory_space<vmem>>
    tpu.wait_dma2 semaphore(%dma_wait3A_334 : memref<!tpu.dma_semaphore, #tpu.memory_space<semaphore_mem>>) src(%arg6 : memref<200x64xf32, #tpu.memory_space<vmem_shared>>) dst(%dma_wait3A_338 : memref<200x64xf32, #tpu.memory_space<vmem>>)
    %dma_start3A_339 = arith.constant 7 : i32
    %dma_start3A_340 = arith.constant 7 : i32
    %dma_start3A_341 = arith.constant 7 : i32
    %dma_start3A_342 = arith.constant 0 : i32
    %dma_start3A_343 = arith.constant 0 : i32
    %dma_start3A_344 = tpu.memref_slice %arg7[%dma_start3A_340, %dma_start3A_342, %dma_start3A_343] : memref<8x200x64xf32, #tpu.memory_space<vmem>> -> memref<1x200x64xf32, #tpu.memory_space<vmem>>
    %dma_start3A_345 = tpu.memref_squeeze %dma_start3A_344 : memref<1x200x64xf32, #tpu.memory_space<vmem>> -> memref<200x64xf32, #tpu.memory_space<vmem>>
    %dma_start3A_346 = arith.constant 0 : i32
    %dma_start3A_347 = tpu.memref_slice %arg8[%dma_start3A_339, %dma_start3A_346] : memref<8x200xi32, #tpu.memory_space<vmem>> -> memref<1x200xi32, #tpu.memory_space<vmem>>
    %dma_start3A_348 = tpu.memref_squeeze %dma_start3A_347 : memref<1x200xi32, #tpu.memory_space<vmem>> -> memref<200xi32, #tpu.memory_space<vmem>>
    %dma_start3A_349 = arith.constant 0 : i32
    %dma_start3A_350 = arith.constant 0 : i32
    %dma_start3A_351 = tpu.memref_slice %arg3[%dma_start3A_349, %dma_start3A_350] : memref<1000000x64xf32, #tpu.memory_space<hbm>> -> memref<1000000x64xf32, #tpu.memory_space<hbm>>
    %dma_start3A_352 = tpu.memref_slice %arg10[%dma_start3A_341] : memref<8x!tpu.dma_semaphore, #tpu.memory_space<semaphore_mem>> -> memref<1x!tpu.dma_semaphore, #tpu.memory_space<semaphore_mem>>
    %dma_start3A_353 = tpu.memref_squeeze %dma_start3A_352 : memref<1x!tpu.dma_semaphore, #tpu.memory_space<semaphore_mem>> -> memref<!tpu.dma_semaphore, #tpu.memory_space<semaphore_mem>>
    tpu.enqueue_indirect_dma source(%dma_start3A_351 : memref<1000000x64xf32, #tpu.memory_space<hbm>>) target(%dma_start3A_345 : memref<200x64xf32, #tpu.memory_space<vmem>>) offsets(%dma_start3A_348 : memref<200xi32, #tpu.memory_space<vmem>>) semaphore(%dma_start3A_353 : memref<!tpu.dma_semaphore, #tpu.memory_space<semaphore_mem>>) {add = true}
    %add3A_354 = arith.constant 0 : i32
    %add3A_355 = arith.addi %mul3A_2, %add3A_354 : i32
    %add3A_356 = arith.constant 0 : i32
    %add3A_357 = arith.addi %add3A_355, %add3A_356 : i32
    %dma_wait3A_358 = arith.constant 0 : i32
    %dma_wait3A_359 = arith.constant 0 : i32
    %dma_wait3A_360 = arith.constant 0 : i32
    %dma_wait3A_361 = arith.constant 0 : i32
    %dma_wait3A_362 = arith.constant 0 : i32
    %dma_wait3A_363 = tpu.memref_slice %arg7[%dma_wait3A_359, %dma_wait3A_361, %dma_wait3A_362] : memref<8x200x64xf32, #tpu.memory_space<vmem>> -> memref<1x200x64xf32, #tpu.memory_space<vmem>>
    %dma_wait3A_364 = tpu.memref_squeeze %dma_wait3A_363 : memref<1x200x64xf32, #tpu.memory_space<vmem>> -> memref<200x64xf32, #tpu.memory_space<vmem>>
    %dma_wait3A_365 = arith.constant 0 : i32
    %dma_wait3A_366 = tpu.memref_slice %arg8[%dma_wait3A_358, %dma_wait3A_365] : memref<8x200xi32, #tpu.memory_space<vmem>> -> memref<1x200xi32, #tpu.memory_space<vmem>>
    %dma_wait3A_367 = tpu.memref_squeeze %dma_wait3A_366 : memref<1x200xi32, #tpu.memory_space<vmem>> -> memref<200xi32, #tpu.memory_space<vmem>>
    %dma_wait3A_368 = arith.constant 0 : i32
    %dma_wait3A_369 = arith.constant 0 : i32
    %dma_wait3A_370 = tpu.memref_slice %arg3[%dma_wait3A_368, %dma_wait3A_369] : memref<1000000x64xf32, #tpu.memory_space<hbm>> -> memref<1000000x64xf32, #tpu.memory_space<hbm>>
    %dma_wait3A_371 = tpu.memref_slice %arg10[%dma_wait3A_360] : memref<8x!tpu.dma_semaphore, #tpu.memory_space<semaphore_mem>> -> memref<1x!tpu.dma_semaphore, #tpu.memory_space<semaphore_mem>>
    %dma_wait3A_372 = tpu.memref_squeeze %dma_wait3A_371 : memref<1x!tpu.dma_semaphore, #tpu.memory_space<semaphore_mem>> -> memref<!tpu.dma_semaphore, #tpu.memory_space<semaphore_mem>>
    tpu.wait_indirect_dma semaphore(%dma_wait3A_372 : memref<!tpu.dma_semaphore, #tpu.memory_space<semaphore_mem>>) src(%dma_wait3A_370 : memref<1000000x64xf32, #tpu.memory_space<hbm>>) dst(%dma_wait3A_364 : memref<200x64xf32, #tpu.memory_space<vmem>>)
    %dma_start3A_373 = arith.constant 0 : i32
    %dma_start3A_374 = arith.constant 0 : i32
    %dma_start3A_375 = arith.constant 0 : i32
    %dma_start3A_376 = arith.constant 0 : i32
    %dma_start3A_377 = tpu.memref_slice %arg7[%dma_start3A_373, %dma_start3A_375, %dma_start3A_376] : memref<8x200x64xf32, #tpu.memory_space<vmem>> -> memref<1x200x64xf32, #tpu.memory_space<vmem>>
    %dma_start3A_378 = tpu.memref_squeeze %dma_start3A_377 : memref<1x200x64xf32, #tpu.memory_space<vmem>> -> memref<200x64xf32, #tpu.memory_space<vmem>>
    %dma_start3A_379 = arith.constant 0 : i32
    %dma_start3A_380 = arith.constant 0 : i32
    %dma_start3A_381 = tpu.memref_slice %arg5[%add3A_357, %dma_start3A_379, %dma_start3A_380] : memref<4096x200x64xf32, #tpu.memory_space<hbm>> -> memref<1x200x64xf32, #tpu.memory_space<hbm>>
    %dma_start3A_382 = tpu.memref_squeeze %dma_start3A_381 : memref<1x200x64xf32, #tpu.memory_space<hbm>> -> memref<200x64xf32, #tpu.memory_space<hbm>>
    %dma_start3A_383 = tpu.memref_slice %arg11[%dma_start3A_374] : memref<8x!tpu.dma_semaphore, #tpu.memory_space<semaphore_mem>> -> memref<1x!tpu.dma_semaphore, #tpu.memory_space<semaphore_mem>>
    %dma_start3A_384 = tpu.memref_squeeze %dma_start3A_383 : memref<1x!tpu.dma_semaphore, #tpu.memory_space<semaphore_mem>> -> memref<!tpu.dma_semaphore, #tpu.memory_space<semaphore_mem>>
    %dma_start3A_385 = arith.constant 0 : i32
    %dma_start3A_386 = arith.constant 0 : i32
    %dma_start3A_387 = tpu.memref_slice %arg5[%add3A_357, %dma_start3A_385, %dma_start3A_386] : memref<4096x200x64xf32, #tpu.memory_space<hbm>> -> memref<1x200x64xf32, #tpu.memory_space<hbm>>
    %dma_start3A_388 = tpu.memref_squeeze %dma_start3A_387 : memref<1x200x64xf32, #tpu.memory_space<hbm>> -> memref<200x64xf32, #tpu.memory_space<hbm>>
    %dma_start3A_389 = arith.constant 0 : i32
    %dma_start3A_390 = arith.constant 0 : i32
    %dma_start3A_391 = tpu.memref_slice %arg7[%dma_start3A_373, %dma_start3A_389, %dma_start3A_390] : memref<8x200x64xf32, #tpu.memory_space<vmem>> -> memref<1x200x64xf32, #tpu.memory_space<vmem>>
    %dma_start3A_392 = tpu.memref_squeeze %dma_start3A_391 : memref<1x200x64xf32, #tpu.memory_space<vmem>> -> memref<200x64xf32, #tpu.memory_space<vmem>>
    tpu.enqueue_dma source(%dma_start3A_392 : memref<200x64xf32, #tpu.memory_space<vmem>>) target(%dma_start3A_388 : memref<200x64xf32, #tpu.memory_space<hbm>>) target_semaphore(%dma_start3A_384 : memref<!tpu.dma_semaphore, #tpu.memory_space<semaphore_mem>>)
    %add3A_393 = arith.constant 0 : i32
    %add3A_394 = arith.addi %mul3A_2, %add3A_393 : i32
    %add3A_395 = arith.constant 1 : i32
    %add3A_396 = arith.addi %add3A_394, %add3A_395 : i32
    %dma_wait3A_397 = arith.constant 1 : i32
    %dma_wait3A_398 = arith.constant 1 : i32
    %dma_wait3A_399 = arith.constant 1 : i32
    %dma_wait3A_400 = arith.constant 0 : i32
    %dma_wait3A_401 = arith.constant 0 : i32
    %dma_wait3A_402 = tpu.memref_slice %arg7[%dma_wait3A_398, %dma_wait3A_400, %dma_wait3A_401] : memref<8x200x64xf32, #tpu.memory_space<vmem>> -> memref<1x200x64xf32, #tpu.memory_space<vmem>>
    %dma_wait3A_403 = tpu.memref_squeeze %dma_wait3A_402 : memref<1x200x64xf32, #tpu.memory_space<vmem>> -> memref<200x64xf32, #tpu.memory_space<vmem>>
    %dma_wait3A_404 = arith.constant 0 : i32
    %dma_wait3A_405 = tpu.memref_slice %arg8[%dma_wait3A_397, %dma_wait3A_404] : memref<8x200xi32, #tpu.memory_space<vmem>> -> memref<1x200xi32, #tpu.memory_space<vmem>>
    %dma_wait3A_406 = tpu.memref_squeeze %dma_wait3A_405 : memref<1x200xi32, #tpu.memory_space<vmem>> -> memref<200xi32, #tpu.memory_space<vmem>>
    %dma_wait3A_407 = arith.constant 0 : i32
    %dma_wait3A_408 = arith.constant 0 : i32
    %dma_wait3A_409 = tpu.memref_slice %arg3[%dma_wait3A_407, %dma_wait3A_408] : memref<1000000x64xf32, #tpu.memory_space<hbm>> -> memref<1000000x64xf32, #tpu.memory_space<hbm>>
    %dma_wait3A_410 = tpu.memref_slice %arg10[%dma_wait3A_399] : memref<8x!tpu.dma_semaphore, #tpu.memory_space<semaphore_mem>> -> memref<1x!tpu.dma_semaphore, #tpu.memory_space<semaphore_mem>>
    %dma_wait3A_411 = tpu.memref_squeeze %dma_wait3A_410 : memref<1x!tpu.dma_semaphore, #tpu.memory_space<semaphore_mem>> -> memref<!tpu.dma_semaphore, #tpu.memory_space<semaphore_mem>>
    tpu.wait_indirect_dma semaphore(%dma_wait3A_411 : memref<!tpu.dma_semaphore, #tpu.memory_space<semaphore_mem>>) src(%dma_wait3A_409 : memref<1000000x64xf32, #tpu.memory_space<hbm>>) dst(%dma_wait3A_403 : memref<200x64xf32, #tpu.memory_space<vmem>>)
    %dma_start3A_412 = arith.constant 1 : i32
    %dma_start3A_413 = arith.constant 1 : i32
    %dma_start3A_414 = arith.constant 0 : i32
    %dma_start3A_415 = arith.constant 0 : i32
    %dma_start3A_416 = tpu.memref_slice %arg7[%dma_start3A_412, %dma_start3A_414, %dma_start3A_415] : memref<8x200x64xf32, #tpu.memory_space<vmem>> -> memref<1x200x64xf32, #tpu.memory_space<vmem>>
    %dma_start3A_417 = tpu.memref_squeeze %dma_start3A_416 : memref<1x200x64xf32, #tpu.memory_space<vmem>> -> memref<200x64xf32, #tpu.memory_space<vmem>>
    %dma_start3A_418 = arith.constant 0 : i32
    %dma_start3A_419 = arith.constant 0 : i32
    %dma_start3A_420 = tpu.memref_slice %arg5[%add3A_396, %dma_start3A_418, %dma_start3A_419] : memref<4096x200x64xf32, #tpu.memory_space<hbm>> -> memref<1x200x64xf32, #tpu.memory_space<hbm>>
    %dma_start3A_421 = tpu.memref_squeeze %dma_start3A_420 : memref<1x200x64xf32, #tpu.memory_space<hbm>> -> memref<200x64xf32, #tpu.memory_space<hbm>>
    %dma_start3A_422 = tpu.memref_slice %arg11[%dma_start3A_413] : memref<8x!tpu.dma_semaphore, #tpu.memory_space<semaphore_mem>> -> memref<1x!tpu.dma_semaphore, #tpu.memory_space<semaphore_mem>>
    %dma_start3A_423 = tpu.memref_squeeze %dma_start3A_422 : memref<1x!tpu.dma_semaphore, #tpu.memory_space<semaphore_mem>> -> memref<!tpu.dma_semaphore, #tpu.memory_space<semaphore_mem>>
    %dma_start3A_424 = arith.constant 0 : i32
    %dma_start3A_425 = arith.constant 0 : i32
    %dma_start3A_426 = tpu.memref_slice %arg5[%add3A_396, %dma_start3A_424, %dma_start3A_425] : memref<4096x200x64xf32, #tpu.memory_space<hbm>> -> memref<1x200x64xf32, #tpu.memory_space<hbm>>
    %dma_start3A_427 = tpu.memref_squeeze %dma_start3A_426 : memref<1x200x64xf32, #tpu.memory_space<hbm>> -> memref<200x64xf32, #tpu.memory_space<hbm>>
    %dma_start3A_428 = arith.constant 0 : i32
    %dma_start3A_429 = arith.constant 0 : i32
    %dma_start3A_430 = tpu.memref_slice %arg7[%dma_start3A_412, %dma_start3A_428, %dma_start3A_429] : memref<8x200x64xf32, #tpu.memory_space<vmem>> -> memref<1x200x64xf32, #tpu.memory_space<vmem>>
    %dma_start3A_431 = tpu.memref_squeeze %dma_start3A_430 : memref<1x200x64xf32, #tpu.memory_space<vmem>> -> memref<200x64xf32, #tpu.memory_space<vmem>>
    tpu.enqueue_dma source(%dma_start3A_431 : memref<200x64xf32, #tpu.memory_space<vmem>>) target(%dma_start3A_427 : memref<200x64xf32, #tpu.memory_space<hbm>>) target_semaphore(%dma_start3A_423 : memref<!tpu.dma_semaphore, #tpu.memory_space<semaphore_mem>>)
    %add3A_432 = arith.constant 0 : i32
    %add3A_433 = arith.addi %mul3A_2, %add3A_432 : i32
    %add3A_434 = arith.constant 2 : i32
    %add3A_435 = arith.addi %add3A_433, %add3A_434 : i32
    %dma_wait3A_436 = arith.constant 2 : i32
    %dma_wait3A_437 = arith.constant 2 : i32
    %dma_wait3A_438 = arith.constant 2 : i32
    %dma_wait3A_439 = arith.constant 0 : i32
    %dma_wait3A_440 = arith.constant 0 : i32
    %dma_wait3A_441 = tpu.memref_slice %arg7[%dma_wait3A_437, %dma_wait3A_439, %dma_wait3A_440] : memref<8x200x64xf32, #tpu.memory_space<vmem>> -> memref<1x200x64xf32, #tpu.memory_space<vmem>>
    %dma_wait3A_442 = tpu.memref_squeeze %dma_wait3A_441 : memref<1x200x64xf32, #tpu.memory_space<vmem>> -> memref<200x64xf32, #tpu.memory_space<vmem>>
    %dma_wait3A_443 = arith.constant 0 : i32
    %dma_wait3A_444 = tpu.memref_slice %arg8[%dma_wait3A_436, %dma_wait3A_443] : memref<8x200xi32, #tpu.memory_space<vmem>> -> memref<1x200xi32, #tpu.memory_space<vmem>>
    %dma_wait3A_445 = tpu.memref_squeeze %dma_wait3A_444 : memref<1x200xi32, #tpu.memory_space<vmem>> -> memref<200xi32, #tpu.memory_space<vmem>>
    %dma_wait3A_446 = arith.constant 0 : i32
    %dma_wait3A_447 = arith.constant 0 : i32
    %dma_wait3A_448 = tpu.memref_slice %arg3[%dma_wait3A_446, %dma_wait3A_447] : memref<1000000x64xf32, #tpu.memory_space<hbm>> -> memref<1000000x64xf32, #tpu.memory_space<hbm>>
    %dma_wait3A_449 = tpu.memref_slice %arg10[%dma_wait3A_438] : memref<8x!tpu.dma_semaphore, #tpu.memory_space<semaphore_mem>> -> memref<1x!tpu.dma_semaphore, #tpu.memory_space<semaphore_mem>>
    %dma_wait3A_450 = tpu.memref_squeeze %dma_wait3A_449 : memref<1x!tpu.dma_semaphore, #tpu.memory_space<semaphore_mem>> -> memref<!tpu.dma_semaphore, #tpu.memory_space<semaphore_mem>>
    tpu.wait_indirect_dma semaphore(%dma_wait3A_450 : memref<!tpu.dma_semaphore, #tpu.memory_space<semaphore_mem>>) src(%dma_wait3A_448 : memref<1000000x64xf32, #tpu.memory_space<hbm>>) dst(%dma_wait3A_442 : memref<200x64xf32, #tpu.memory_space<vmem>>)
    %dma_start3A_451 = arith.constant 2 : i32
    %dma_start3A_452 = arith.constant 2 : i32
    %dma_start3A_453 = arith.constant 0 : i32
    %dma_start3A_454 = arith.constant 0 : i32
    %dma_start3A_455 = tpu.memref_slice %arg7[%dma_start3A_451, %dma_start3A_453, %dma_start3A_454] : memref<8x200x64xf32, #tpu.memory_space<vmem>> -> memref<1x200x64xf32, #tpu.memory_space<vmem>>
    %dma_start3A_456 = tpu.memref_squeeze %dma_start3A_455 : memref<1x200x64xf32, #tpu.memory_space<vmem>> -> memref<200x64xf32, #tpu.memory_space<vmem>>
    %dma_start3A_457 = arith.constant 0 : i32
    %dma_start3A_458 = arith.constant 0 : i32
    %dma_start3A_459 = tpu.memref_slice %arg5[%add3A_435, %dma_start3A_457, %dma_start3A_458] : memref<4096x200x64xf32, #tpu.memory_space<hbm>> -> memref<1x200x64xf32, #tpu.memory_space<hbm>>
    %dma_start3A_460 = tpu.memref_squeeze %dma_start3A_459 : memref<1x200x64xf32, #tpu.memory_space<hbm>> -> memref<200x64xf32, #tpu.memory_space<hbm>>
    %dma_start3A_461 = tpu.memref_slice %arg11[%dma_start3A_452] : memref<8x!tpu.dma_semaphore, #tpu.memory_space<semaphore_mem>> -> memref<1x!tpu.dma_semaphore, #tpu.memory_space<semaphore_mem>>
    %dma_start3A_462 = tpu.memref_squeeze %dma_start3A_461 : memref<1x!tpu.dma_semaphore, #tpu.memory_space<semaphore_mem>> -> memref<!tpu.dma_semaphore, #tpu.memory_space<semaphore_mem>>
    %dma_start3A_463 = arith.constant 0 : i32
    %dma_start3A_464 = arith.constant 0 : i32
    %dma_start3A_465 = tpu.memref_slice %arg5[%add3A_435, %dma_start3A_463, %dma_start3A_464] : memref<4096x200x64xf32, #tpu.memory_space<hbm>> -> memref<1x200x64xf32, #tpu.memory_space<hbm>>
    %dma_start3A_466 = tpu.memref_squeeze %dma_start3A_465 : memref<1x200x64xf32, #tpu.memory_space<hbm>> -> memref<200x64xf32, #tpu.memory_space<hbm>>
    %dma_start3A_467 = arith.constant 0 : i32
    %dma_start3A_468 = arith.constant 0 : i32
    %dma_start3A_469 = tpu.memref_slice %arg7[%dma_start3A_451, %dma_start3A_467, %dma_start3A_468] : memref<8x200x64xf32, #tpu.memory_space<vmem>> -> memref<1x200x64xf32, #tpu.memory_space<vmem>>
    %dma_start3A_470 = tpu.memref_squeeze %dma_start3A_469 : memref<1x200x64xf32, #tpu.memory_space<vmem>> -> memref<200x64xf32, #tpu.memory_space<vmem>>
    tpu.enqueue_dma source(%dma_start3A_470 : memref<200x64xf32, #tpu.memory_space<vmem>>) target(%dma_start3A_466 : memref<200x64xf32, #tpu.memory_space<hbm>>) target_semaphore(%dma_start3A_462 : memref<!tpu.dma_semaphore, #tpu.memory_space<semaphore_mem>>)
    %add3A_471 = arith.constant 0 : i32
    %add3A_472 = arith.addi %mul3A_2, %add3A_471 : i32
    %add3A_473 = arith.constant 3 : i32
    %add3A_474 = arith.addi %add3A_472, %add3A_473 : i32
    %dma_wait3A_475 = arith.constant 3 : i32
    %dma_wait3A_476 = arith.constant 3 : i32
    %dma_wait3A_477 = arith.constant 3 : i32
    %dma_wait3A_478 = arith.constant 0 : i32
    %dma_wait3A_479 = arith.constant 0 : i32
    %dma_wait3A_480 = tpu.memref_slice %arg7[%dma_wait3A_476, %dma_wait3A_478, %dma_wait3A_479] : memref<8x200x64xf32, #tpu.memory_space<vmem>> -> memref<1x200x64xf32, #tpu.memory_space<vmem>>
    %dma_wait3A_481 = tpu.memref_squeeze %dma_wait3A_480 : memref<1x200x64xf32, #tpu.memory_space<vmem>> -> memref<200x64xf32, #tpu.memory_space<vmem>>
    %dma_wait3A_482 = arith.constant 0 : i32
    %dma_wait3A_483 = tpu.memref_slice %arg8[%dma_wait3A_475, %dma_wait3A_482] : memref<8x200xi32, #tpu.memory_space<vmem>> -> memref<1x200xi32, #tpu.memory_space<vmem>>
    %dma_wait3A_484 = tpu.memref_squeeze %dma_wait3A_483 : memref<1x200xi32, #tpu.memory_space<vmem>> -> memref<200xi32, #tpu.memory_space<vmem>>
    %dma_wait3A_485 = arith.constant 0 : i32
    %dma_wait3A_486 = arith.constant 0 : i32
    %dma_wait3A_487 = tpu.memref_slice %arg3[%dma_wait3A_485, %dma_wait3A_486] : memref<1000000x64xf32, #tpu.memory_space<hbm>> -> memref<1000000x64xf32, #tpu.memory_space<hbm>>
    %dma_wait3A_488 = tpu.memref_slice %arg10[%dma_wait3A_477] : memref<8x!tpu.dma_semaphore, #tpu.memory_space<semaphore_mem>> -> memref<1x!tpu.dma_semaphore, #tpu.memory_space<semaphore_mem>>
    %dma_wait3A_489 = tpu.memref_squeeze %dma_wait3A_488 : memref<1x!tpu.dma_semaphore, #tpu.memory_space<semaphore_mem>> -> memref<!tpu.dma_semaphore, #tpu.memory_space<semaphore_mem>>
    tpu.wait_indirect_dma semaphore(%dma_wait3A_489 : memref<!tpu.dma_semaphore, #tpu.memory_space<semaphore_mem>>) src(%dma_wait3A_487 : memref<1000000x64xf32, #tpu.memory_space<hbm>>) dst(%dma_wait3A_481 : memref<200x64xf32, #tpu.memory_space<vmem>>)
    %dma_start3A_490 = arith.constant 3 : i32
    %dma_start3A_491 = arith.constant 3 : i32
    %dma_start3A_492 = arith.constant 0 : i32
    %dma_start3A_493 = arith.constant 0 : i32
    %dma_start3A_494 = tpu.memref_slice %arg7[%dma_start3A_490, %dma_start3A_492, %dma_start3A_493] : memref<8x200x64xf32, #tpu.memory_space<vmem>> -> memref<1x200x64xf32, #tpu.memory_space<vmem>>
    %dma_start3A_495 = tpu.memref_squeeze %dma_start3A_494 : memref<1x200x64xf32, #tpu.memory_space<vmem>> -> memref<200x64xf32, #tpu.memory_space<vmem>>
    %dma_start3A_496 = arith.constant 0 : i32
    %dma_start3A_497 = arith.constant 0 : i32
    %dma_start3A_498 = tpu.memref_slice %arg5[%add3A_474, %dma_start3A_496, %dma_start3A_497] : memref<4096x200x64xf32, #tpu.memory_space<hbm>> -> memref<1x200x64xf32, #tpu.memory_space<hbm>>
    %dma_start3A_499 = tpu.memref_squeeze %dma_start3A_498 : memref<1x200x64xf32, #tpu.memory_space<hbm>> -> memref<200x64xf32, #tpu.memory_space<hbm>>
    %dma_start3A_500 = tpu.memref_slice %arg11[%dma_start3A_491] : memref<8x!tpu.dma_semaphore, #tpu.memory_space<semaphore_mem>> -> memref<1x!tpu.dma_semaphore, #tpu.memory_space<semaphore_mem>>
    %dma_start3A_501 = tpu.memref_squeeze %dma_start3A_500 : memref<1x!tpu.dma_semaphore, #tpu.memory_space<semaphore_mem>> -> memref<!tpu.dma_semaphore, #tpu.memory_space<semaphore_mem>>
    %dma_start3A_502 = arith.constant 0 : i32
    %dma_start3A_503 = arith.constant 0 : i32
    %dma_start3A_504 = tpu.memref_slice %arg5[%add3A_474, %dma_start3A_502, %dma_start3A_503] : memref<4096x200x64xf32, #tpu.memory_space<hbm>> -> memref<1x200x64xf32, #tpu.memory_space<hbm>>
    %dma_start3A_505 = tpu.memref_squeeze %dma_start3A_504 : memref<1x200x64xf32, #tpu.memory_space<hbm>> -> memref<200x64xf32, #tpu.memory_space<hbm>>
    %dma_start3A_506 = arith.constant 0 : i32
    %dma_start3A_507 = arith.constant 0 : i32
    %dma_start3A_508 = tpu.memref_slice %arg7[%dma_start3A_490, %dma_start3A_506, %dma_start3A_507] : memref<8x200x64xf32, #tpu.memory_space<vmem>> -> memref<1x200x64xf32, #tpu.memory_space<vmem>>
    %dma_start3A_509 = tpu.memref_squeeze %dma_start3A_508 : memref<1x200x64xf32, #tpu.memory_space<vmem>> -> memref<200x64xf32, #tpu.memory_space<vmem>>
    tpu.enqueue_dma source(%dma_start3A_509 : memref<200x64xf32, #tpu.memory_space<vmem>>) target(%dma_start3A_505 : memref<200x64xf32, #tpu.memory_space<hbm>>) target_semaphore(%dma_start3A_501 : memref<!tpu.dma_semaphore, #tpu.memory_space<semaphore_mem>>)
    %add3A_510 = arith.constant 0 : i32
    %add3A_511 = arith.addi %mul3A_2, %add3A_510 : i32
    %add3A_512 = arith.constant 4 : i32
    %add3A_513 = arith.addi %add3A_511, %add3A_512 : i32
    %dma_wait3A_514 = arith.constant 4 : i32
    %dma_wait3A_515 = arith.constant 4 : i32
    %dma_wait3A_516 = arith.constant 4 : i32
    %dma_wait3A_517 = arith.constant 0 : i32
    %dma_wait3A_518 = arith.constant 0 : i32
    %dma_wait3A_519 = tpu.memref_slice %arg7[%dma_wait3A_515, %dma_wait3A_517, %dma_wait3A_518] : memref<8x200x64xf32, #tpu.memory_space<vmem>> -> memref<1x200x64xf32, #tpu.memory_space<vmem>>
    %dma_wait3A_520 = tpu.memref_squeeze %dma_wait3A_519 : memref<1x200x64xf32, #tpu.memory_space<vmem>> -> memref<200x64xf32, #tpu.memory_space<vmem>>
    %dma_wait3A_521 = arith.constant 0 : i32
    %dma_wait3A_522 = tpu.memref_slice %arg8[%dma_wait3A_514, %dma_wait3A_521] : memref<8x200xi32, #tpu.memory_space<vmem>> -> memref<1x200xi32, #tpu.memory_space<vmem>>
    %dma_wait3A_523 = tpu.memref_squeeze %dma_wait3A_522 : memref<1x200xi32, #tpu.memory_space<vmem>> -> memref<200xi32, #tpu.memory_space<vmem>>
    %dma_wait3A_524 = arith.constant 0 : i32
    %dma_wait3A_525 = arith.constant 0 : i32
    %dma_wait3A_526 = tpu.memref_slice %arg3[%dma_wait3A_524, %dma_wait3A_525] : memref<1000000x64xf32, #tpu.memory_space<hbm>> -> memref<1000000x64xf32, #tpu.memory_space<hbm>>
    %dma_wait3A_527 = tpu.memref_slice %arg10[%dma_wait3A_516] : memref<8x!tpu.dma_semaphore, #tpu.memory_space<semaphore_mem>> -> memref<1x!tpu.dma_semaphore, #tpu.memory_space<semaphore_mem>>
    %dma_wait3A_528 = tpu.memref_squeeze %dma_wait3A_527 : memref<1x!tpu.dma_semaphore, #tpu.memory_space<semaphore_mem>> -> memref<!tpu.dma_semaphore, #tpu.memory_space<semaphore_mem>>
    tpu.wait_indirect_dma semaphore(%dma_wait3A_528 : memref<!tpu.dma_semaphore, #tpu.memory_space<semaphore_mem>>) src(%dma_wait3A_526 : memref<1000000x64xf32, #tpu.memory_space<hbm>>) dst(%dma_wait3A_520 : memref<200x64xf32, #tpu.memory_space<vmem>>)
    %dma_start3A_529 = arith.constant 4 : i32
    %dma_start3A_530 = arith.constant 4 : i32
    %dma_start3A_531 = arith.constant 0 : i32
    %dma_start3A_532 = arith.constant 0 : i32
    %dma_start3A_533 = tpu.memref_slice %arg7[%dma_start3A_529, %dma_start3A_531, %dma_start3A_532] : memref<8x200x64xf32, #tpu.memory_space<vmem>> -> memref<1x200x64xf32, #tpu.memory_space<vmem>>
    %dma_start3A_534 = tpu.memref_squeeze %dma_start3A_533 : memref<1x200x64xf32, #tpu.memory_space<vmem>> -> memref<200x64xf32, #tpu.memory_space<vmem>>
    %dma_start3A_535 = arith.constant 0 : i32
    %dma_start3A_536 = arith.constant 0 : i32
    %dma_start3A_537 = tpu.memref_slice %arg5[%add3A_513, %dma_start3A_535, %dma_start3A_536] : memref<4096x200x64xf32, #tpu.memory_space<hbm>> -> memref<1x200x64xf32, #tpu.memory_space<hbm>>
    %dma_start3A_538 = tpu.memref_squeeze %dma_start3A_537 : memref<1x200x64xf32, #tpu.memory_space<hbm>> -> memref<200x64xf32, #tpu.memory_space<hbm>>
    %dma_start3A_539 = tpu.memref_slice %arg11[%dma_start3A_530] : memref<8x!tpu.dma_semaphore, #tpu.memory_space<semaphore_mem>> -> memref<1x!tpu.dma_semaphore, #tpu.memory_space<semaphore_mem>>
    %dma_start3A_540 = tpu.memref_squeeze %dma_start3A_539 : memref<1x!tpu.dma_semaphore, #tpu.memory_space<semaphore_mem>> -> memref<!tpu.dma_semaphore, #tpu.memory_space<semaphore_mem>>
    %dma_start3A_541 = arith.constant 0 : i32
    %dma_start3A_542 = arith.constant 0 : i32
    %dma_start3A_543 = tpu.memref_slice %arg5[%add3A_513, %dma_start3A_541, %dma_start3A_542] : memref<4096x200x64xf32, #tpu.memory_space<hbm>> -> memref<1x200x64xf32, #tpu.memory_space<hbm>>
    %dma_start3A_544 = tpu.memref_squeeze %dma_start3A_543 : memref<1x200x64xf32, #tpu.memory_space<hbm>> -> memref<200x64xf32, #tpu.memory_space<hbm>>
    %dma_start3A_545 = arith.constant 0 : i32
    %dma_start3A_546 = arith.constant 0 : i32
    %dma_start3A_547 = tpu.memref_slice %arg7[%dma_start3A_529, %dma_start3A_545, %dma_start3A_546] : memref<8x200x64xf32, #tpu.memory_space<vmem>> -> memref<1x200x64xf32, #tpu.memory_space<vmem>>
    %dma_start3A_548 = tpu.memref_squeeze %dma_start3A_547 : memref<1x200x64xf32, #tpu.memory_space<vmem>> -> memref<200x64xf32, #tpu.memory_space<vmem>>
    tpu.enqueue_dma source(%dma_start3A_548 : memref<200x64xf32, #tpu.memory_space<vmem>>) target(%dma_start3A_544 : memref<200x64xf32, #tpu.memory_space<hbm>>) target_semaphore(%dma_start3A_540 : memref<!tpu.dma_semaphore, #tpu.memory_space<semaphore_mem>>)
    %add3A_549 = arith.constant 0 : i32
    %add3A_550 = arith.addi %mul3A_2, %add3A_549 : i32
    %add3A_551 = arith.constant 5 : i32
    %add3A_552 = arith.addi %add3A_550, %add3A_551 : i32
    %dma_wait3A_553 = arith.constant 5 : i32
    %dma_wait3A_554 = arith.constant 5 : i32
    %dma_wait3A_555 = arith.constant 5 : i32
    %dma_wait3A_556 = arith.constant 0 : i32
    %dma_wait3A_557 = arith.constant 0 : i32
    %dma_wait3A_558 = tpu.memref_slice %arg7[%dma_wait3A_554, %dma_wait3A_556, %dma_wait3A_557] : memref<8x200x64xf32, #tpu.memory_space<vmem>> -> memref<1x200x64xf32, #tpu.memory_space<vmem>>
    %dma_wait3A_559 = tpu.memref_squeeze %dma_wait3A_558 : memref<1x200x64xf32, #tpu.memory_space<vmem>> -> memref<200x64xf32, #tpu.memory_space<vmem>>
    %dma_wait3A_560 = arith.constant 0 : i32
    %dma_wait3A_561 = tpu.memref_slice %arg8[%dma_wait3A_553, %dma_wait3A_560] : memref<8x200xi32, #tpu.memory_space<vmem>> -> memref<1x200xi32, #tpu.memory_space<vmem>>
    %dma_wait3A_562 = tpu.memref_squeeze %dma_wait3A_561 : memref<1x200xi32, #tpu.memory_space<vmem>> -> memref<200xi32, #tpu.memory_space<vmem>>
    %dma_wait3A_563 = arith.constant 0 : i32
    %dma_wait3A_564 = arith.constant 0 : i32
    %dma_wait3A_565 = tpu.memref_slice %arg3[%dma_wait3A_563, %dma_wait3A_564] : memref<1000000x64xf32, #tpu.memory_space<hbm>> -> memref<1000000x64xf32, #tpu.memory_space<hbm>>
    %dma_wait3A_566 = tpu.memref_slice %arg10[%dma_wait3A_555] : memref<8x!tpu.dma_semaphore, #tpu.memory_space<semaphore_mem>> -> memref<1x!tpu.dma_semaphore, #tpu.memory_space<semaphore_mem>>
    %dma_wait3A_567 = tpu.memref_squeeze %dma_wait3A_566 : memref<1x!tpu.dma_semaphore, #tpu.memory_space<semaphore_mem>> -> memref<!tpu.dma_semaphore, #tpu.memory_space<semaphore_mem>>
    tpu.wait_indirect_dma semaphore(%dma_wait3A_567 : memref<!tpu.dma_semaphore, #tpu.memory_space<semaphore_mem>>) src(%dma_wait3A_565 : memref<1000000x64xf32, #tpu.memory_space<hbm>>) dst(%dma_wait3A_559 : memref<200x64xf32, #tpu.memory_space<vmem>>)
    %dma_start3A_568 = arith.constant 5 : i32
    %dma_start3A_569 = arith.constant 5 : i32
    %dma_start3A_570 = arith.constant 0 : i32
    %dma_start3A_571 = arith.constant 0 : i32
    %dma_start3A_572 = tpu.memref_slice %arg7[%dma_start3A_568, %dma_start3A_570, %dma_start3A_571] : memref<8x200x64xf32, #tpu.memory_space<vmem>> -> memref<1x200x64xf32, #tpu.memory_space<vmem>>
    %dma_start3A_573 = tpu.memref_squeeze %dma_start3A_572 : memref<1x200x64xf32, #tpu.memory_space<vmem>> -> memref<200x64xf32, #tpu.memory_space<vmem>>
    %dma_start3A_574 = arith.constant 0 : i32
    %dma_start3A_575 = arith.constant 0 : i32
    %dma_start3A_576 = tpu.memref_slice %arg5[%add3A_552, %dma_start3A_574, %dma_start3A_575] : memref<4096x200x64xf32, #tpu.memory_space<hbm>> -> memref<1x200x64xf32, #tpu.memory_space<hbm>>
    %dma_start3A_577 = tpu.memref_squeeze %dma_start3A_576 : memref<1x200x64xf32, #tpu.memory_space<hbm>> -> memref<200x64xf32, #tpu.memory_space<hbm>>
    %dma_start3A_578 = tpu.memref_slice %arg11[%dma_start3A_569] : memref<8x!tpu.dma_semaphore, #tpu.memory_space<semaphore_mem>> -> memref<1x!tpu.dma_semaphore, #tpu.memory_space<semaphore_mem>>
    %dma_start3A_579 = tpu.memref_squeeze %dma_start3A_578 : memref<1x!tpu.dma_semaphore, #tpu.memory_space<semaphore_mem>> -> memref<!tpu.dma_semaphore, #tpu.memory_space<semaphore_mem>>
    %dma_start3A_580 = arith.constant 0 : i32
    %dma_start3A_581 = arith.constant 0 : i32
    %dma_start3A_582 = tpu.memref_slice %arg5[%add3A_552, %dma_start3A_580, %dma_start3A_581] : memref<4096x200x64xf32, #tpu.memory_space<hbm>> -> memref<1x200x64xf32, #tpu.memory_space<hbm>>
    %dma_start3A_583 = tpu.memref_squeeze %dma_start3A_582 : memref<1x200x64xf32, #tpu.memory_space<hbm>> -> memref<200x64xf32, #tpu.memory_space<hbm>>
    %dma_start3A_584 = arith.constant 0 : i32
    %dma_start3A_585 = arith.constant 0 : i32
    %dma_start3A_586 = tpu.memref_slice %arg7[%dma_start3A_568, %dma_start3A_584, %dma_start3A_585] : memref<8x200x64xf32, #tpu.memory_space<vmem>> -> memref<1x200x64xf32, #tpu.memory_space<vmem>>
    %dma_start3A_587 = tpu.memref_squeeze %dma_start3A_586 : memref<1x200x64xf32, #tpu.memory_space<vmem>> -> memref<200x64xf32, #tpu.memory_space<vmem>>
    tpu.enqueue_dma source(%dma_start3A_587 : memref<200x64xf32, #tpu.memory_space<vmem>>) target(%dma_start3A_583 : memref<200x64xf32, #tpu.memory_space<hbm>>) target_semaphore(%dma_start3A_579 : memref<!tpu.dma_semaphore, #tpu.memory_space<semaphore_mem>>)
    %add3A_588 = arith.constant 0 : i32
    %add3A_589 = arith.addi %mul3A_2, %add3A_588 : i32
    %add3A_590 = arith.constant 6 : i32
    %add3A_591 = arith.addi %add3A_589, %add3A_590 : i32
    %dma_wait3A_592 = arith.constant 6 : i32
    %dma_wait3A_593 = arith.constant 6 : i32
    %dma_wait3A_594 = arith.constant 6 : i32
    %dma_wait3A_595 = arith.constant 0 : i32
    %dma_wait3A_596 = arith.constant 0 : i32
    %dma_wait3A_597 = tpu.memref_slice %arg7[%dma_wait3A_593, %dma_wait3A_595, %dma_wait3A_596] : memref<8x200x64xf32, #tpu.memory_space<vmem>> -> memref<1x200x64xf32, #tpu.memory_space<vmem>>
    %dma_wait3A_598 = tpu.memref_squeeze %dma_wait3A_597 : memref<1x200x64xf32, #tpu.memory_space<vmem>> -> memref<200x64xf32, #tpu.memory_space<vmem>>
    %dma_wait3A_599 = arith.constant 0 : i32
    %dma_wait3A_600 = tpu.memref_slice %arg8[%dma_wait3A_592, %dma_wait3A_599] : memref<8x200xi32, #tpu.memory_space<vmem>> -> memref<1x200xi32, #tpu.memory_space<vmem>>
    %dma_wait3A_601 = tpu.memref_squeeze %dma_wait3A_600 : memref<1x200xi32, #tpu.memory_space<vmem>> -> memref<200xi32, #tpu.memory_space<vmem>>
    %dma_wait3A_602 = arith.constant 0 : i32
    %dma_wait3A_603 = arith.constant 0 : i32
    %dma_wait3A_604 = tpu.memref_slice %arg3[%dma_wait3A_602, %dma_wait3A_603] : memref<1000000x64xf32, #tpu.memory_space<hbm>> -> memref<1000000x64xf32, #tpu.memory_space<hbm>>
    %dma_wait3A_605 = tpu.memref_slice %arg10[%dma_wait3A_594] : memref<8x!tpu.dma_semaphore, #tpu.memory_space<semaphore_mem>> -> memref<1x!tpu.dma_semaphore, #tpu.memory_space<semaphore_mem>>
    %dma_wait3A_606 = tpu.memref_squeeze %dma_wait3A_605 : memref<1x!tpu.dma_semaphore, #tpu.memory_space<semaphore_mem>> -> memref<!tpu.dma_semaphore, #tpu.memory_space<semaphore_mem>>
    tpu.wait_indirect_dma semaphore(%dma_wait3A_606 : memref<!tpu.dma_semaphore, #tpu.memory_space<semaphore_mem>>) src(%dma_wait3A_604 : memref<1000000x64xf32, #tpu.memory_space<hbm>>) dst(%dma_wait3A_598 : memref<200x64xf32, #tpu.memory_space<vmem>>)
    %dma_start3A_607 = arith.constant 6 : i32
    %dma_start3A_608 = arith.constant 6 : i32
    %dma_start3A_609 = arith.constant 0 : i32
    %dma_start3A_610 = arith.constant 0 : i32
    %dma_start3A_611 = tpu.memref_slice %arg7[%dma_start3A_607, %dma_start3A_609, %dma_start3A_610] : memref<8x200x64xf32, #tpu.memory_space<vmem>> -> memref<1x200x64xf32, #tpu.memory_space<vmem>>
    %dma_start3A_612 = tpu.memref_squeeze %dma_start3A_611 : memref<1x200x64xf32, #tpu.memory_space<vmem>> -> memref<200x64xf32, #tpu.memory_space<vmem>>
    %dma_start3A_613 = arith.constant 0 : i32
    %dma_start3A_614 = arith.constant 0 : i32
    %dma_start3A_615 = tpu.memref_slice %arg5[%add3A_591, %dma_start3A_613, %dma_start3A_614] : memref<4096x200x64xf32, #tpu.memory_space<hbm>> -> memref<1x200x64xf32, #tpu.memory_space<hbm>>
    %dma_start3A_616 = tpu.memref_squeeze %dma_start3A_615 : memref<1x200x64xf32, #tpu.memory_space<hbm>> -> memref<200x64xf32, #tpu.memory_space<hbm>>
    %dma_start3A_617 = tpu.memref_slice %arg11[%dma_start3A_608] : memref<8x!tpu.dma_semaphore, #tpu.memory_space<semaphore_mem>> -> memref<1x!tpu.dma_semaphore, #tpu.memory_space<semaphore_mem>>
    %dma_start3A_618 = tpu.memref_squeeze %dma_start3A_617 : memref<1x!tpu.dma_semaphore, #tpu.memory_space<semaphore_mem>> -> memref<!tpu.dma_semaphore, #tpu.memory_space<semaphore_mem>>
    %dma_start3A_619 = arith.constant 0 : i32
    %dma_start3A_620 = arith.constant 0 : i32
    %dma_start3A_621 = tpu.memref_slice %arg5[%add3A_591, %dma_start3A_619, %dma_start3A_620] : memref<4096x200x64xf32, #tpu.memory_space<hbm>> -> memref<1x200x64xf32, #tpu.memory_space<hbm>>
    %dma_start3A_622 = tpu.memref_squeeze %dma_start3A_621 : memref<1x200x64xf32, #tpu.memory_space<hbm>> -> memref<200x64xf32, #tpu.memory_space<hbm>>
    %dma_start3A_623 = arith.constant 0 : i32
    %dma_start3A_624 = arith.constant 0 : i32
    %dma_start3A_625 = tpu.memref_slice %arg7[%dma_start3A_607, %dma_start3A_623, %dma_start3A_624] : memref<8x200x64xf32, #tpu.memory_space<vmem>> -> memref<1x200x64xf32, #tpu.memory_space<vmem>>
    %dma_start3A_626 = tpu.memref_squeeze %dma_start3A_625 : memref<1x200x64xf32, #tpu.memory_space<vmem>> -> memref<200x64xf32, #tpu.memory_space<vmem>>
    tpu.enqueue_dma source(%dma_start3A_626 : memref<200x64xf32, #tpu.memory_space<vmem>>) target(%dma_start3A_622 : memref<200x64xf32, #tpu.memory_space<hbm>>) target_semaphore(%dma_start3A_618 : memref<!tpu.dma_semaphore, #tpu.memory_space<semaphore_mem>>)
    %add3A_627 = arith.constant 0 : i32
    %add3A_628 = arith.addi %mul3A_2, %add3A_627 : i32
    %add3A_629 = arith.constant 7 : i32
    %add3A_630 = arith.addi %add3A_628, %add3A_629 : i32
    %dma_wait3A_631 = arith.constant 7 : i32
    %dma_wait3A_632 = arith.constant 7 : i32
    %dma_wait3A_633 = arith.constant 7 : i32
    %dma_wait3A_634 = arith.constant 0 : i32
    %dma_wait3A_635 = arith.constant 0 : i32
    %dma_wait3A_636 = tpu.memref_slice %arg7[%dma_wait3A_632, %dma_wait3A_634, %dma_wait3A_635] : memref<8x200x64xf32, #tpu.memory_space<vmem>> -> memref<1x200x64xf32, #tpu.memory_space<vmem>>
    %dma_wait3A_637 = tpu.memref_squeeze %dma_wait3A_636 : memref<1x200x64xf32, #tpu.memory_space<vmem>> -> memref<200x64xf32, #tpu.memory_space<vmem>>
    %dma_wait3A_638 = arith.constant 0 : i32
    %dma_wait3A_639 = tpu.memref_slice %arg8[%dma_wait3A_631, %dma_wait3A_638] : memref<8x200xi32, #tpu.memory_space<vmem>> -> memref<1x200xi32, #tpu.memory_space<vmem>>
    %dma_wait3A_640 = tpu.memref_squeeze %dma_wait3A_639 : memref<1x200xi32, #tpu.memory_space<vmem>> -> memref<200xi32, #tpu.memory_space<vmem>>
    %dma_wait3A_641 = arith.constant 0 : i32
    %dma_wait3A_642 = arith.constant 0 : i32
    %dma_wait3A_643 = tpu.memref_slice %arg3[%dma_wait3A_641, %dma_wait3A_642] : memref<1000000x64xf32, #tpu.memory_space<hbm>> -> memref<1000000x64xf32, #tpu.memory_space<hbm>>
    %dma_wait3A_644 = tpu.memref_slice %arg10[%dma_wait3A_633] : memref<8x!tpu.dma_semaphore, #tpu.memory_space<semaphore_mem>> -> memref<1x!tpu.dma_semaphore, #tpu.memory_space<semaphore_mem>>
    %dma_wait3A_645 = tpu.memref_squeeze %dma_wait3A_644 : memref<1x!tpu.dma_semaphore, #tpu.memory_space<semaphore_mem>> -> memref<!tpu.dma_semaphore, #tpu.memory_space<semaphore_mem>>
    tpu.wait_indirect_dma semaphore(%dma_wait3A_645 : memref<!tpu.dma_semaphore, #tpu.memory_space<semaphore_mem>>) src(%dma_wait3A_643 : memref<1000000x64xf32, #tpu.memory_space<hbm>>) dst(%dma_wait3A_637 : memref<200x64xf32, #tpu.memory_space<vmem>>)
    %dma_start3A_646 = arith.constant 7 : i32
    %dma_start3A_647 = arith.constant 7 : i32
    %dma_start3A_648 = arith.constant 0 : i32
    %dma_start3A_649 = arith.constant 0 : i32
    %dma_start3A_650 = tpu.memref_slice %arg7[%dma_start3A_646, %dma_start3A_648, %dma_start3A_649] : memref<8x200x64xf32, #tpu.memory_space<vmem>> -> memref<1x200x64xf32, #tpu.memory_space<vmem>>
    %dma_start3A_651 = tpu.memref_squeeze %dma_start3A_650 : memref<1x200x64xf32, #tpu.memory_space<vmem>> -> memref<200x64xf32, #tpu.memory_space<vmem>>
    %dma_start3A_652 = arith.constant 0 : i32
    %dma_start3A_653 = arith.constant 0 : i32
    %dma_start3A_654 = tpu.memref_slice %arg5[%add3A_630, %dma_start3A_652, %dma_start3A_653] : memref<4096x200x64xf32, #tpu.memory_space<hbm>> -> memref<1x200x64xf32, #tpu.memory_space<hbm>>
    %dma_start3A_655 = tpu.memref_squeeze %dma_start3A_654 : memref<1x200x64xf32, #tpu.memory_space<hbm>> -> memref<200x64xf32, #tpu.memory_space<hbm>>
    %dma_start3A_656 = tpu.memref_slice %arg11[%dma_start3A_647] : memref<8x!tpu.dma_semaphore, #tpu.memory_space<semaphore_mem>> -> memref<1x!tpu.dma_semaphore, #tpu.memory_space<semaphore_mem>>
    %dma_start3A_657 = tpu.memref_squeeze %dma_start3A_656 : memref<1x!tpu.dma_semaphore, #tpu.memory_space<semaphore_mem>> -> memref<!tpu.dma_semaphore, #tpu.memory_space<semaphore_mem>>
    %dma_start3A_658 = arith.constant 0 : i32
    %dma_start3A_659 = arith.constant 0 : i32
    %dma_start3A_660 = tpu.memref_slice %arg5[%add3A_630, %dma_start3A_658, %dma_start3A_659] : memref<4096x200x64xf32, #tpu.memory_space<hbm>> -> memref<1x200x64xf32, #tpu.memory_space<hbm>>
    %dma_start3A_661 = tpu.memref_squeeze %dma_start3A_660 : memref<1x200x64xf32, #tpu.memory_space<hbm>> -> memref<200x64xf32, #tpu.memory_space<hbm>>
    %dma_start3A_662 = arith.constant 0 : i32
    %dma_start3A_663 = arith.constant 0 : i32
    %dma_start3A_664 = tpu.memref_slice %arg7[%dma_start3A_646, %dma_start3A_662, %dma_start3A_663] : memref<8x200x64xf32, #tpu.memory_space<vmem>> -> memref<1x200x64xf32, #tpu.memory_space<vmem>>
    %dma_start3A_665 = tpu.memref_squeeze %dma_start3A_664 : memref<1x200x64xf32, #tpu.memory_space<vmem>> -> memref<200x64xf32, #tpu.memory_space<vmem>>
    tpu.enqueue_dma source(%dma_start3A_665 : memref<200x64xf32, #tpu.memory_space<vmem>>) target(%dma_start3A_661 : memref<200x64xf32, #tpu.memory_space<hbm>>) target_semaphore(%dma_start3A_657 : memref<!tpu.dma_semaphore, #tpu.memory_space<semaphore_mem>>)
    %scan3A = arith.constant 1 : i32
    %scan3A_666 = arith.constant 15 : i32
    %scan3A_667 = arith.addi %scan3A, %scan3A_666 : i32
    %scan3A_668 = arith.constant 1 : i32
    scf.for %scan3A_862 = %scan3A to %scan3A_667 step %scan3A_668  : i32 {
      %mul3A_863 = arith.constant 8 : i32
      %mul3A_864 = arith.muli %scan3A_862, %mul3A_863 : i32
      %add3A_865 = arith.addi %mul3A_2, %mul3A_864 : i32
      %add3A_866 = arith.constant 0 : i32
      %add3A_867 = arith.addi %add3A_865, %add3A_866 : i32
      %dma_wait3A_868 = arith.constant 0 : i32
      %dma_wait3A_869 = arith.constant 0 : i32
      %dma_wait3A_870 = arith.constant 0 : i32
      %dma_wait3A_871 = arith.constant 0 : i32
      %dma_wait3A_872 = tpu.memref_slice %arg7[%dma_wait3A_868, %dma_wait3A_870, %dma_wait3A_871] : memref<8x200x64xf32, #tpu.memory_space<vmem>> -> memref<1x200x64xf32, #tpu.memory_space<vmem>>
      %dma_wait3A_873 = tpu.memref_squeeze %dma_wait3A_872 : memref<1x200x64xf32, #tpu.memory_space<vmem>> -> memref<200x64xf32, #tpu.memory_space<vmem>>
      %dma_wait3A_874 = arith.constant 0 : i32
      %dma_wait3A_875 = arith.constant 0 : i32
      %dma_wait3A_876 = tpu.memref_slice %arg5[%add3A_867, %dma_wait3A_874, %dma_wait3A_875] : memref<4096x200x64xf32, #tpu.memory_space<hbm>> -> memref<1x200x64xf32, #tpu.memory_space<hbm>>
      %dma_wait3A_877 = tpu.memref_squeeze %dma_wait3A_876 : memref<1x200x64xf32, #tpu.memory_space<hbm>> -> memref<200x64xf32, #tpu.memory_space<hbm>>
      %dma_wait3A_878 = tpu.memref_slice %arg11[%dma_wait3A_869] : memref<8x!tpu.dma_semaphore, #tpu.memory_space<semaphore_mem>> -> memref<1x!tpu.dma_semaphore, #tpu.memory_space<semaphore_mem>>
      %dma_wait3A_879 = tpu.memref_squeeze %dma_wait3A_878 : memref<1x!tpu.dma_semaphore, #tpu.memory_space<semaphore_mem>> -> memref<!tpu.dma_semaphore, #tpu.memory_space<semaphore_mem>>
      %dma_wait3A_880 = arith.constant 0 : i32
      %dma_wait3A_881 = arith.constant 0 : i32
      %dma_wait3A_882 = tpu.memref_slice %arg5[%add3A_867, %dma_wait3A_880, %dma_wait3A_881] : memref<4096x200x64xf32, #tpu.memory_space<hbm>> -> memref<1x200x64xf32, #tpu.memory_space<hbm>>
      %dma_wait3A_883 = tpu.memref_squeeze %dma_wait3A_882 : memref<1x200x64xf32, #tpu.memory_space<hbm>> -> memref<200x64xf32, #tpu.memory_space<hbm>>
      %dma_wait3A_884 = arith.constant 0 : i32
      %dma_wait3A_885 = arith.constant 0 : i32
      %dma_wait3A_886 = tpu.memref_slice %arg7[%dma_wait3A_868, %dma_wait3A_884, %dma_wait3A_885] : memref<8x200x64xf32, #tpu.memory_space<vmem>> -> memref<1x200x64xf32, #tpu.memory_space<vmem>>
      %dma_wait3A_887 = tpu.memref_squeeze %dma_wait3A_886 : memref<1x200x64xf32, #tpu.memory_space<vmem>> -> memref<200x64xf32, #tpu.memory_space<vmem>>
      tpu.wait_dma2 semaphore(%dma_wait3A_879 : memref<!tpu.dma_semaphore, #tpu.memory_space<semaphore_mem>>) src(%dma_wait3A_887 : memref<200x64xf32, #tpu.memory_space<vmem>>) dst(%dma_wait3A_883 : memref<200x64xf32, #tpu.memory_space<hbm>>)
      %dma_start3A_888 = arith.constant 0 : i32
      %dma_start3A_889 = arith.constant 0 : i32
      %dma_start3A_890 = arith.constant 0 : i32
      %dma_start3A_891 = arith.constant 0 : i32
      %dma_start3A_892 = tpu.memref_slice %arg7[%dma_start3A_888, %dma_start3A_890, %dma_start3A_891] : memref<8x200x64xf32, #tpu.memory_space<vmem>> -> memref<1x200x64xf32, #tpu.memory_space<vmem>>
      %dma_start3A_893 = tpu.memref_squeeze %dma_start3A_892 : memref<1x200x64xf32, #tpu.memory_space<vmem>> -> memref<200x64xf32, #tpu.memory_space<vmem>>
      %dma_start3A_894 = tpu.memref_slice %arg9[%dma_start3A_889] : memref<8x!tpu.dma_semaphore, #tpu.memory_space<semaphore_mem>> -> memref<1x!tpu.dma_semaphore, #tpu.memory_space<semaphore_mem>>
      %dma_start3A_895 = tpu.memref_squeeze %dma_start3A_894 : memref<1x!tpu.dma_semaphore, #tpu.memory_space<semaphore_mem>> -> memref<!tpu.dma_semaphore, #tpu.memory_space<semaphore_mem>>
      %dma_start3A_896 = arith.constant 0 : i32
      %dma_start3A_897 = arith.constant 0 : i32
      %dma_start3A_898 = tpu.memref_slice %arg7[%dma_start3A_888, %dma_start3A_896, %dma_start3A_897] : memref<8x200x64xf32, #tpu.memory_space<vmem>> -> memref<1x200x64xf32, #tpu.memory_space<vmem>>
      %dma_start3A_899 = tpu.memref_squeeze %dma_start3A_898 : memref<1x200x64xf32, #tpu.memory_space<vmem>> -> memref<200x64xf32, #tpu.memory_space<vmem>>
      tpu.enqueue_dma source(%arg6 : memref<200x64xf32, #tpu.memory_space<vmem_shared>>) target(%dma_start3A_899 : memref<200x64xf32, #tpu.memory_space<vmem>>) target_semaphore(%dma_start3A_895 : memref<!tpu.dma_semaphore, #tpu.memory_space<semaphore_mem>>)
      %run_scoped3A_900 = arith.constant 0 : i32
      "tpu.region"() ({
        %run_scoped3A_1703 = tpu.sem_alloc : memref<!tpu.dma_semaphore, #tpu.memory_space<semaphore_mem>>
        %dma_start3A_1704 = arith.constant 0 : i32
        %dma_start3A_1705 = tpu.memref_slice %arg8[%run_scoped3A_900, %dma_start3A_1704] : memref<8x200xi32, #tpu.memory_space<vmem>> -> memref<1x200xi32, #tpu.memory_space<vmem>>
        %dma_start3A_1706 = tpu.memref_squeeze %dma_start3A_1705 : memref<1x200xi32, #tpu.memory_space<vmem>> -> memref<200xi32, #tpu.memory_space<vmem>>
        %dma_start3A_1707 = arith.constant 0 : i32
        %dma_start3A_1708 = tpu.memref_slice %arg2[%add3A_867, %dma_start3A_1707] : memref<4096x200xi32, #tpu.memory_space<hbm>> -> memref<1x200xi32, #tpu.memory_space<hbm>>
        %dma_start3A_1709 = tpu.memref_squeeze %dma_start3A_1708 : memref<1x200xi32, #tpu.memory_space<hbm>> -> memref<200xi32, #tpu.memory_space<hbm>>
        %dma_start3A_1710 = arith.constant 0 : i32
        %dma_start3A_1711 = tpu.memref_slice %arg8[%run_scoped3A_900, %dma_start3A_1710] : memref<8x200xi32, #tpu.memory_space<vmem>> -> memref<1x200xi32, #tpu.memory_space<vmem>>
        %dma_start3A_1712 = tpu.memref_squeeze %dma_start3A_1711 : memref<1x200xi32, #tpu.memory_space<vmem>> -> memref<200xi32, #tpu.memory_space<vmem>>
        %dma_start3A_1713 = arith.constant 0 : i32
        %dma_start3A_1714 = tpu.memref_slice %arg2[%add3A_867, %dma_start3A_1713] : memref<4096x200xi32, #tpu.memory_space<hbm>> -> memref<1x200xi32, #tpu.memory_space<hbm>>
        %dma_start3A_1715 = tpu.memref_squeeze %dma_start3A_1714 : memref<1x200xi32, #tpu.memory_space<hbm>> -> memref<200xi32, #tpu.memory_space<hbm>>
        tpu.enqueue_dma source(%dma_start3A_1715 : memref<200xi32, #tpu.memory_space<hbm>>) target(%dma_start3A_1712 : memref<200xi32, #tpu.memory_space<vmem>>) target_semaphore(%run_scoped3A_1703 : memref<!tpu.dma_semaphore, #tpu.memory_space<semaphore_mem>>)
        %dma_wait3A_1716 = arith.constant 0 : i32
        %dma_wait3A_1717 = tpu.memref_slice %arg8[%run_scoped3A_900, %dma_wait3A_1716] : memref<8x200xi32, #tpu.memory_space<vmem>> -> memref<1x200xi32, #tpu.memory_space<vmem>>
        %dma_wait3A_1718 = tpu.memref_squeeze %dma_wait3A_1717 : memref<1x200xi32, #tpu.memory_space<vmem>> -> memref<200xi32, #tpu.memory_space<vmem>>
        %dma_wait3A_1719 = arith.constant 0 : i32
        %dma_wait3A_1720 = tpu.memref_slice %arg2[%add3A_867, %dma_wait3A_1719] : memref<4096x200xi32, #tpu.memory_space<hbm>> -> memref<1x200xi32, #tpu.memory_space<hbm>>
        %dma_wait3A_1721 = tpu.memref_squeeze %dma_wait3A_1720 : memref<1x200xi32, #tpu.memory_space<hbm>> -> memref<200xi32, #tpu.memory_space<hbm>>
        %dma_wait3A_1722 = arith.constant 0 : i32
        %dma_wait3A_1723 = tpu.memref_slice %arg8[%run_scoped3A_900, %dma_wait3A_1722] : memref<8x200xi32, #tpu.memory_space<vmem>> -> memref<1x200xi32, #tpu.memory_space<vmem>>
        %dma_wait3A_1724 = tpu.memref_squeeze %dma_wait3A_1723 : memref<1x200xi32, #tpu.memory_space<vmem>> -> memref<200xi32, #tpu.memory_space<vmem>>
        %dma_wait3A_1725 = arith.constant 0 : i32
        %dma_wait3A_1726 = tpu.memref_slice %arg2[%add3A_867, %dma_wait3A_1725] : memref<4096x200xi32, #tpu.memory_space<hbm>> -> memref<1x200xi32, #tpu.memory_space<hbm>>
        %dma_wait3A_1727 = tpu.memref_squeeze %dma_wait3A_1726 : memref<1x200xi32, #tpu.memory_space<hbm>> -> memref<200xi32, #tpu.memory_space<hbm>>
        tpu.wait_dma2 semaphore(%run_scoped3A_1703 : memref<!tpu.dma_semaphore, #tpu.memory_space<semaphore_mem>>) src(%dma_wait3A_1727 : memref<200xi32, #tpu.memory_space<hbm>>) dst(%dma_wait3A_1724 : memref<200xi32, #tpu.memory_space<vmem>>)
        tpu.yield
      }) : () -> ()
      %mul3A_901 = arith.constant 8 : i32
      %mul3A_902 = arith.muli %scan3A_862, %mul3A_901 : i32
      %add3A_903 = arith.addi %mul3A_2, %mul3A_902 : i32
      %add3A_904 = arith.constant 1 : i32
      %add3A_905 = arith.addi %add3A_903, %add3A_904 : i32
      %dma_wait3A_906 = arith.constant 1 : i32
      %dma_wait3A_907 = arith.constant 1 : i32
      %dma_wait3A_908 = arith.constant 0 : i32
      %dma_wait3A_909 = arith.constant 0 : i32
      %dma_wait3A_910 = tpu.memref_slice %arg7[%dma_wait3A_906, %dma_wait3A_908, %dma_wait3A_909] : memref<8x200x64xf32, #tpu.memory_space<vmem>> -> memref<1x200x64xf32, #tpu.memory_space<vmem>>
      %dma_wait3A_911 = tpu.memref_squeeze %dma_wait3A_910 : memref<1x200x64xf32, #tpu.memory_space<vmem>> -> memref<200x64xf32, #tpu.memory_space<vmem>>
      %dma_wait3A_912 = arith.constant 0 : i32
      %dma_wait3A_913 = arith.constant 0 : i32
      %dma_wait3A_914 = tpu.memref_slice %arg5[%add3A_905, %dma_wait3A_912, %dma_wait3A_913] : memref<4096x200x64xf32, #tpu.memory_space<hbm>> -> memref<1x200x64xf32, #tpu.memory_space<hbm>>
      %dma_wait3A_915 = tpu.memref_squeeze %dma_wait3A_914 : memref<1x200x64xf32, #tpu.memory_space<hbm>> -> memref<200x64xf32, #tpu.memory_space<hbm>>
      %dma_wait3A_916 = tpu.memref_slice %arg11[%dma_wait3A_907] : memref<8x!tpu.dma_semaphore, #tpu.memory_space<semaphore_mem>> -> memref<1x!tpu.dma_semaphore, #tpu.memory_space<semaphore_mem>>
      %dma_wait3A_917 = tpu.memref_squeeze %dma_wait3A_916 : memref<1x!tpu.dma_semaphore, #tpu.memory_space<semaphore_mem>> -> memref<!tpu.dma_semaphore, #tpu.memory_space<semaphore_mem>>
      %dma_wait3A_918 = arith.constant 0 : i32
      %dma_wait3A_919 = arith.constant 0 : i32
      %dma_wait3A_920 = tpu.memref_slice %arg5[%add3A_905, %dma_wait3A_918, %dma_wait3A_919] : memref<4096x200x64xf32, #tpu.memory_space<hbm>> -> memref<1x200x64xf32, #tpu.memory_space<hbm>>
      %dma_wait3A_921 = tpu.memref_squeeze %dma_wait3A_920 : memref<1x200x64xf32, #tpu.memory_space<hbm>> -> memref<200x64xf32, #tpu.memory_space<hbm>>
      %dma_wait3A_922 = arith.constant 0 : i32
      %dma_wait3A_923 = arith.constant 0 : i32
      %dma_wait3A_924 = tpu.memref_slice %arg7[%dma_wait3A_906, %dma_wait3A_922, %dma_wait3A_923] : memref<8x200x64xf32, #tpu.memory_space<vmem>> -> memref<1x200x64xf32, #tpu.memory_space<vmem>>
      %dma_wait3A_925 = tpu.memref_squeeze %dma_wait3A_924 : memref<1x200x64xf32, #tpu.memory_space<vmem>> -> memref<200x64xf32, #tpu.memory_space<vmem>>
      tpu.wait_dma2 semaphore(%dma_wait3A_917 : memref<!tpu.dma_semaphore, #tpu.memory_space<semaphore_mem>>) src(%dma_wait3A_925 : memref<200x64xf32, #tpu.memory_space<vmem>>) dst(%dma_wait3A_921 : memref<200x64xf32, #tpu.memory_space<hbm>>)
      %dma_start3A_926 = arith.constant 1 : i32
      %dma_start3A_927 = arith.constant 1 : i32
      %dma_start3A_928 = arith.constant 0 : i32
      %dma_start3A_929 = arith.constant 0 : i32
      %dma_start3A_930 = tpu.memref_slice %arg7[%dma_start3A_926, %dma_start3A_928, %dma_start3A_929] : memref<8x200x64xf32, #tpu.memory_space<vmem>> -> memref<1x200x64xf32, #tpu.memory_space<vmem>>
      %dma_start3A_931 = tpu.memref_squeeze %dma_start3A_930 : memref<1x200x64xf32, #tpu.memory_space<vmem>> -> memref<200x64xf32, #tpu.memory_space<vmem>>
      %dma_start3A_932 = tpu.memref_slice %arg9[%dma_start3A_927] : memref<8x!tpu.dma_semaphore, #tpu.memory_space<semaphore_mem>> -> memref<1x!tpu.dma_semaphore, #tpu.memory_space<semaphore_mem>>
      %dma_start3A_933 = tpu.memref_squeeze %dma_start3A_932 : memref<1x!tpu.dma_semaphore, #tpu.memory_space<semaphore_mem>> -> memref<!tpu.dma_semaphore, #tpu.memory_space<semaphore_mem>>
      %dma_start3A_934 = arith.constant 0 : i32
      %dma_start3A_935 = arith.constant 0 : i32
      %dma_start3A_936 = tpu.memref_slice %arg7[%dma_start3A_926, %dma_start3A_934, %dma_start3A_935] : memref<8x200x64xf32, #tpu.memory_space<vmem>> -> memref<1x200x64xf32, #tpu.memory_space<vmem>>
      %dma_start3A_937 = tpu.memref_squeeze %dma_start3A_936 : memref<1x200x64xf32, #tpu.memory_space<vmem>> -> memref<200x64xf32, #tpu.memory_space<vmem>>
      tpu.enqueue_dma source(%arg6 : memref<200x64xf32, #tpu.memory_space<vmem_shared>>) target(%dma_start3A_937 : memref<200x64xf32, #tpu.memory_space<vmem>>) target_semaphore(%dma_start3A_933 : memref<!tpu.dma_semaphore, #tpu.memory_space<semaphore_mem>>)
      %run_scoped3A_938 = arith.constant 1 : i32
      "tpu.region"() ({
        %run_scoped3A_1703 = tpu.sem_alloc : memref<!tpu.dma_semaphore, #tpu.memory_space<semaphore_mem>>
        %dma_start3A_1704 = arith.constant 0 : i32
        %dma_start3A_1705 = tpu.memref_slice %arg8[%run_scoped3A_938, %dma_start3A_1704] : memref<8x200xi32, #tpu.memory_space<vmem>> -> memref<1x200xi32, #tpu.memory_space<vmem>>
        %dma_start3A_1706 = tpu.memref_squeeze %dma_start3A_1705 : memref<1x200xi32, #tpu.memory_space<vmem>> -> memref<200xi32, #tpu.memory_space<vmem>>
        %dma_start3A_1707 = arith.constant 0 : i32
        %dma_start3A_1708 = tpu.memref_slice %arg2[%add3A_905, %dma_start3A_1707] : memref<4096x200xi32, #tpu.memory_space<hbm>> -> memref<1x200xi32, #tpu.memory_space<hbm>>
        %dma_start3A_1709 = tpu.memref_squeeze %dma_start3A_1708 : memref<1x200xi32, #tpu.memory_space<hbm>> -> memref<200xi32, #tpu.memory_space<hbm>>
        %dma_start3A_1710 = arith.constant 0 : i32
        %dma_start3A_1711 = tpu.memref_slice %arg8[%run_scoped3A_938, %dma_start3A_1710] : memref<8x200xi32, #tpu.memory_space<vmem>> -> memref<1x200xi32, #tpu.memory_space<vmem>>
        %dma_start3A_1712 = tpu.memref_squeeze %dma_start3A_1711 : memref<1x200xi32, #tpu.memory_space<vmem>> -> memref<200xi32, #tpu.memory_space<vmem>>
        %dma_start3A_1713 = arith.constant 0 : i32
        %dma_start3A_1714 = tpu.memref_slice %arg2[%add3A_905, %dma_start3A_1713] : memref<4096x200xi32, #tpu.memory_space<hbm>> -> memref<1x200xi32, #tpu.memory_space<hbm>>
        %dma_start3A_1715 = tpu.memref_squeeze %dma_start3A_1714 : memref<1x200xi32, #tpu.memory_space<hbm>> -> memref<200xi32, #tpu.memory_space<hbm>>
        tpu.enqueue_dma source(%dma_start3A_1715 : memref<200xi32, #tpu.memory_space<hbm>>) target(%dma_start3A_1712 : memref<200xi32, #tpu.memory_space<vmem>>) target_semaphore(%run_scoped3A_1703 : memref<!tpu.dma_semaphore, #tpu.memory_space<semaphore_mem>>)
        %dma_wait3A_1716 = arith.constant 0 : i32
        %dma_wait3A_1717 = tpu.memref_slice %arg8[%run_scoped3A_938, %dma_wait3A_1716] : memref<8x200xi32, #tpu.memory_space<vmem>> -> memref<1x200xi32, #tpu.memory_space<vmem>>
        %dma_wait3A_1718 = tpu.memref_squeeze %dma_wait3A_1717 : memref<1x200xi32, #tpu.memory_space<vmem>> -> memref<200xi32, #tpu.memory_space<vmem>>
        %dma_wait3A_1719 = arith.constant 0 : i32
        %dma_wait3A_1720 = tpu.memref_slice %arg2[%add3A_905, %dma_wait3A_1719] : memref<4096x200xi32, #tpu.memory_space<hbm>> -> memref<1x200xi32, #tpu.memory_space<hbm>>
        %dma_wait3A_1721 = tpu.memref_squeeze %dma_wait3A_1720 : memref<1x200xi32, #tpu.memory_space<hbm>> -> memref<200xi32, #tpu.memory_space<hbm>>
        %dma_wait3A_1722 = arith.constant 0 : i32
        %dma_wait3A_1723 = tpu.memref_slice %arg8[%run_scoped3A_938, %dma_wait3A_1722] : memref<8x200xi32, #tpu.memory_space<vmem>> -> memref<1x200xi32, #tpu.memory_space<vmem>>
        %dma_wait3A_1724 = tpu.memref_squeeze %dma_wait3A_1723 : memref<1x200xi32, #tpu.memory_space<vmem>> -> memref<200xi32, #tpu.memory_space<vmem>>
        %dma_wait3A_1725 = arith.constant 0 : i32
        %dma_wait3A_1726 = tpu.memref_slice %arg2[%add3A_905, %dma_wait3A_1725] : memref<4096x200xi32, #tpu.memory_space<hbm>> -> memref<1x200xi32, #tpu.memory_space<hbm>>
        %dma_wait3A_1727 = tpu.memref_squeeze %dma_wait3A_1726 : memref<1x200xi32, #tpu.memory_space<hbm>> -> memref<200xi32, #tpu.memory_space<hbm>>
        tpu.wait_dma2 semaphore(%run_scoped3A_1703 : memref<!tpu.dma_semaphore, #tpu.memory_space<semaphore_mem>>) src(%dma_wait3A_1727 : memref<200xi32, #tpu.memory_space<hbm>>) dst(%dma_wait3A_1724 : memref<200xi32, #tpu.memory_space<vmem>>)
        tpu.yield
      }) : () -> ()
      %mul3A_939 = arith.constant 8 : i32
      %mul3A_940 = arith.muli %scan3A_862, %mul3A_939 : i32
      %add3A_941 = arith.addi %mul3A_2, %mul3A_940 : i32
      %add3A_942 = arith.constant 2 : i32
      %add3A_943 = arith.addi %add3A_941, %add3A_942 : i32
      %dma_wait3A_944 = arith.constant 2 : i32
      %dma_wait3A_945 = arith.constant 2 : i32
      %dma_wait3A_946 = arith.constant 0 : i32
      %dma_wait3A_947 = arith.constant 0 : i32
      %dma_wait3A_948 = tpu.memref_slice %arg7[%dma_wait3A_944, %dma_wait3A_946, %dma_wait3A_947] : memref<8x200x64xf32, #tpu.memory_space<vmem>> -> memref<1x200x64xf32, #tpu.memory_space<vmem>>
      %dma_wait3A_949 = tpu.memref_squeeze %dma_wait3A_948 : memref<1x200x64xf32, #tpu.memory_space<vmem>> -> memref<200x64xf32, #tpu.memory_space<vmem>>
      %dma_wait3A_950 = arith.constant 0 : i32
      %dma_wait3A_951 = arith.constant 0 : i32
      %dma_wait3A_952 = tpu.memref_slice %arg5[%add3A_943, %dma_wait3A_950, %dma_wait3A_951] : memref<4096x200x64xf32, #tpu.memory_space<hbm>> -> memref<1x200x64xf32, #tpu.memory_space<hbm>>
      %dma_wait3A_953 = tpu.memref_squeeze %dma_wait3A_952 : memref<1x200x64xf32, #tpu.memory_space<hbm>> -> memref<200x64xf32, #tpu.memory_space<hbm>>
      %dma_wait3A_954 = tpu.memref_slice %arg11[%dma_wait3A_945] : memref<8x!tpu.dma_semaphore, #tpu.memory_space<semaphore_mem>> -> memref<1x!tpu.dma_semaphore, #tpu.memory_space<semaphore_mem>>
      %dma_wait3A_955 = tpu.memref_squeeze %dma_wait3A_954 : memref<1x!tpu.dma_semaphore, #tpu.memory_space<semaphore_mem>> -> memref<!tpu.dma_semaphore, #tpu.memory_space<semaphore_mem>>
      %dma_wait3A_956 = arith.constant 0 : i32
      %dma_wait3A_957 = arith.constant 0 : i32
      %dma_wait3A_958 = tpu.memref_slice %arg5[%add3A_943, %dma_wait3A_956, %dma_wait3A_957] : memref<4096x200x64xf32, #tpu.memory_space<hbm>> -> memref<1x200x64xf32, #tpu.memory_space<hbm>>
      %dma_wait3A_959 = tpu.memref_squeeze %dma_wait3A_958 : memref<1x200x64xf32, #tpu.memory_space<hbm>> -> memref<200x64xf32, #tpu.memory_space<hbm>>
      %dma_wait3A_960 = arith.constant 0 : i32
      %dma_wait3A_961 = arith.constant 0 : i32
      %dma_wait3A_962 = tpu.memref_slice %arg7[%dma_wait3A_944, %dma_wait3A_960, %dma_wait3A_961] : memref<8x200x64xf32, #tpu.memory_space<vmem>> -> memref<1x200x64xf32, #tpu.memory_space<vmem>>
      %dma_wait3A_963 = tpu.memref_squeeze %dma_wait3A_962 : memref<1x200x64xf32, #tpu.memory_space<vmem>> -> memref<200x64xf32, #tpu.memory_space<vmem>>
      tpu.wait_dma2 semaphore(%dma_wait3A_955 : memref<!tpu.dma_semaphore, #tpu.memory_space<semaphore_mem>>) src(%dma_wait3A_963 : memref<200x64xf32, #tpu.memory_space<vmem>>) dst(%dma_wait3A_959 : memref<200x64xf32, #tpu.memory_space<hbm>>)
      %dma_start3A_964 = arith.constant 2 : i32
      %dma_start3A_965 = arith.constant 2 : i32
      %dma_start3A_966 = arith.constant 0 : i32
      %dma_start3A_967 = arith.constant 0 : i32
      %dma_start3A_968 = tpu.memref_slice %arg7[%dma_start3A_964, %dma_start3A_966, %dma_start3A_967] : memref<8x200x64xf32, #tpu.memory_space<vmem>> -> memref<1x200x64xf32, #tpu.memory_space<vmem>>
      %dma_start3A_969 = tpu.memref_squeeze %dma_start3A_968 : memref<1x200x64xf32, #tpu.memory_space<vmem>> -> memref<200x64xf32, #tpu.memory_space<vmem>>
      %dma_start3A_970 = tpu.memref_slice %arg9[%dma_start3A_965] : memref<8x!tpu.dma_semaphore, #tpu.memory_space<semaphore_mem>> -> memref<1x!tpu.dma_semaphore, #tpu.memory_space<semaphore_mem>>
      %dma_start3A_971 = tpu.memref_squeeze %dma_start3A_970 : memref<1x!tpu.dma_semaphore, #tpu.memory_space<semaphore_mem>> -> memref<!tpu.dma_semaphore, #tpu.memory_space<semaphore_mem>>
      %dma_start3A_972 = arith.constant 0 : i32
      %dma_start3A_973 = arith.constant 0 : i32
      %dma_start3A_974 = tpu.memref_slice %arg7[%dma_start3A_964, %dma_start3A_972, %dma_start3A_973] : memref<8x200x64xf32, #tpu.memory_space<vmem>> -> memref<1x200x64xf32, #tpu.memory_space<vmem>>
      %dma_start3A_975 = tpu.memref_squeeze %dma_start3A_974 : memref<1x200x64xf32, #tpu.memory_space<vmem>> -> memref<200x64xf32, #tpu.memory_space<vmem>>
      tpu.enqueue_dma source(%arg6 : memref<200x64xf32, #tpu.memory_space<vmem_shared>>) target(%dma_start3A_975 : memref<200x64xf32, #tpu.memory_space<vmem>>) target_semaphore(%dma_start3A_971 : memref<!tpu.dma_semaphore, #tpu.memory_space<semaphore_mem>>)
      %run_scoped3A_976 = arith.constant 2 : i32
      "tpu.region"() ({
        %run_scoped3A_1703 = tpu.sem_alloc : memref<!tpu.dma_semaphore, #tpu.memory_space<semaphore_mem>>
        %dma_start3A_1704 = arith.constant 0 : i32
        %dma_start3A_1705 = tpu.memref_slice %arg8[%run_scoped3A_976, %dma_start3A_1704] : memref<8x200xi32, #tpu.memory_space<vmem>> -> memref<1x200xi32, #tpu.memory_space<vmem>>
        %dma_start3A_1706 = tpu.memref_squeeze %dma_start3A_1705 : memref<1x200xi32, #tpu.memory_space<vmem>> -> memref<200xi32, #tpu.memory_space<vmem>>
        %dma_start3A_1707 = arith.constant 0 : i32
        %dma_start3A_1708 = tpu.memref_slice %arg2[%add3A_943, %dma_start3A_1707] : memref<4096x200xi32, #tpu.memory_space<hbm>> -> memref<1x200xi32, #tpu.memory_space<hbm>>
        %dma_start3A_1709 = tpu.memref_squeeze %dma_start3A_1708 : memref<1x200xi32, #tpu.memory_space<hbm>> -> memref<200xi32, #tpu.memory_space<hbm>>
        %dma_start3A_1710 = arith.constant 0 : i32
        %dma_start3A_1711 = tpu.memref_slice %arg8[%run_scoped3A_976, %dma_start3A_1710] : memref<8x200xi32, #tpu.memory_space<vmem>> -> memref<1x200xi32, #tpu.memory_space<vmem>>
        %dma_start3A_1712 = tpu.memref_squeeze %dma_start3A_1711 : memref<1x200xi32, #tpu.memory_space<vmem>> -> memref<200xi32, #tpu.memory_space<vmem>>
        %dma_start3A_1713 = arith.constant 0 : i32
        %dma_start3A_1714 = tpu.memref_slice %arg2[%add3A_943, %dma_start3A_1713] : memref<4096x200xi32, #tpu.memory_space<hbm>> -> memref<1x200xi32, #tpu.memory_space<hbm>>
        %dma_start3A_1715 = tpu.memref_squeeze %dma_start3A_1714 : memref<1x200xi32, #tpu.memory_space<hbm>> -> memref<200xi32, #tpu.memory_space<hbm>>
        tpu.enqueue_dma source(%dma_start3A_1715 : memref<200xi32, #tpu.memory_space<hbm>>) target(%dma_start3A_1712 : memref<200xi32, #tpu.memory_space<vmem>>) target_semaphore(%run_scoped3A_1703 : memref<!tpu.dma_semaphore, #tpu.memory_space<semaphore_mem>>)
        %dma_wait3A_1716 = arith.constant 0 : i32
        %dma_wait3A_1717 = tpu.memref_slice %arg8[%run_scoped3A_976, %dma_wait3A_1716] : memref<8x200xi32, #tpu.memory_space<vmem>> -> memref<1x200xi32, #tpu.memory_space<vmem>>
        %dma_wait3A_1718 = tpu.memref_squeeze %dma_wait3A_1717 : memref<1x200xi32, #tpu.memory_space<vmem>> -> memref<200xi32, #tpu.memory_space<vmem>>
        %dma_wait3A_1719 = arith.constant 0 : i32
        %dma_wait3A_1720 = tpu.memref_slice %arg2[%add3A_943, %dma_wait3A_1719] : memref<4096x200xi32, #tpu.memory_space<hbm>> -> memref<1x200xi32, #tpu.memory_space<hbm>>
        %dma_wait3A_1721 = tpu.memref_squeeze %dma_wait3A_1720 : memref<1x200xi32, #tpu.memory_space<hbm>> -> memref<200xi32, #tpu.memory_space<hbm>>
        %dma_wait3A_1722 = arith.constant 0 : i32
        %dma_wait3A_1723 = tpu.memref_slice %arg8[%run_scoped3A_976, %dma_wait3A_1722] : memref<8x200xi32, #tpu.memory_space<vmem>> -> memref<1x200xi32, #tpu.memory_space<vmem>>
        %dma_wait3A_1724 = tpu.memref_squeeze %dma_wait3A_1723 : memref<1x200xi32, #tpu.memory_space<vmem>> -> memref<200xi32, #tpu.memory_space<vmem>>
        %dma_wait3A_1725 = arith.constant 0 : i32
        %dma_wait3A_1726 = tpu.memref_slice %arg2[%add3A_943, %dma_wait3A_1725] : memref<4096x200xi32, #tpu.memory_space<hbm>> -> memref<1x200xi32, #tpu.memory_space<hbm>>
        %dma_wait3A_1727 = tpu.memref_squeeze %dma_wait3A_1726 : memref<1x200xi32, #tpu.memory_space<hbm>> -> memref<200xi32, #tpu.memory_space<hbm>>
        tpu.wait_dma2 semaphore(%run_scoped3A_1703 : memref<!tpu.dma_semaphore, #tpu.memory_space<semaphore_mem>>) src(%dma_wait3A_1727 : memref<200xi32, #tpu.memory_space<hbm>>) dst(%dma_wait3A_1724 : memref<200xi32, #tpu.memory_space<vmem>>)
        tpu.yield
      }) : () -> ()
      %mul3A_977 = arith.constant 8 : i32
      %mul3A_978 = arith.muli %scan3A_862, %mul3A_977 : i32
      %add3A_979 = arith.addi %mul3A_2, %mul3A_978 : i32
      %add3A_980 = arith.constant 3 : i32
      %add3A_981 = arith.addi %add3A_979, %add3A_980 : i32
      %dma_wait3A_982 = arith.constant 3 : i32
      %dma_wait3A_983 = arith.constant 3 : i32
      %dma_wait3A_984 = arith.constant 0 : i32
      %dma_wait3A_985 = arith.constant 0 : i32
      %dma_wait3A_986 = tpu.memref_slice %arg7[%dma_wait3A_982, %dma_wait3A_984, %dma_wait3A_985] : memref<8x200x64xf32, #tpu.memory_space<vmem>> -> memref<1x200x64xf32, #tpu.memory_space<vmem>>
      %dma_wait3A_987 = tpu.memref_squeeze %dma_wait3A_986 : memref<1x200x64xf32, #tpu.memory_space<vmem>> -> memref<200x64xf32, #tpu.memory_space<vmem>>
      %dma_wait3A_988 = arith.constant 0 : i32
      %dma_wait3A_989 = arith.constant 0 : i32
      %dma_wait3A_990 = tpu.memref_slice %arg5[%add3A_981, %dma_wait3A_988, %dma_wait3A_989] : memref<4096x200x64xf32, #tpu.memory_space<hbm>> -> memref<1x200x64xf32, #tpu.memory_space<hbm>>
      %dma_wait3A_991 = tpu.memref_squeeze %dma_wait3A_990 : memref<1x200x64xf32, #tpu.memory_space<hbm>> -> memref<200x64xf32, #tpu.memory_space<hbm>>
      %dma_wait3A_992 = tpu.memref_slice %arg11[%dma_wait3A_983] : memref<8x!tpu.dma_semaphore, #tpu.memory_space<semaphore_mem>> -> memref<1x!tpu.dma_semaphore, #tpu.memory_space<semaphore_mem>>
      %dma_wait3A_993 = tpu.memref_squeeze %dma_wait3A_992 : memref<1x!tpu.dma_semaphore, #tpu.memory_space<semaphore_mem>> -> memref<!tpu.dma_semaphore, #tpu.memory_space<semaphore_mem>>
      %dma_wait3A_994 = arith.constant 0 : i32
      %dma_wait3A_995 = arith.constant 0 : i32
      %dma_wait3A_996 = tpu.memref_slice %arg5[%add3A_981, %dma_wait3A_994, %dma_wait3A_995] : memref<4096x200x64xf32, #tpu.memory_space<hbm>> -> memref<1x200x64xf32, #tpu.memory_space<hbm>>
      %dma_wait3A_997 = tpu.memref_squeeze %dma_wait3A_996 : memref<1x200x64xf32, #tpu.memory_space<hbm>> -> memref<200x64xf32, #tpu.memory_space<hbm>>
      %dma_wait3A_998 = arith.constant 0 : i32
      %dma_wait3A_999 = arith.constant 0 : i32
      %dma_wait3A_1000 = tpu.memref_slice %arg7[%dma_wait3A_982, %dma_wait3A_998, %dma_wait3A_999] : memref<8x200x64xf32, #tpu.memory_space<vmem>> -> memref<1x200x64xf32, #tpu.memory_space<vmem>>
      %dma_wait3A_1001 = tpu.memref_squeeze %dma_wait3A_1000 : memref<1x200x64xf32, #tpu.memory_space<vmem>> -> memref<200x64xf32, #tpu.memory_space<vmem>>
      tpu.wait_dma2 semaphore(%dma_wait3A_993 : memref<!tpu.dma_semaphore, #tpu.memory_space<semaphore_mem>>) src(%dma_wait3A_1001 : memref<200x64xf32, #tpu.memory_space<vmem>>) dst(%dma_wait3A_997 : memref<200x64xf32, #tpu.memory_space<hbm>>)
      %dma_start3A_1002 = arith.constant 3 : i32
      %dma_start3A_1003 = arith.constant 3 : i32
      %dma_start3A_1004 = arith.constant 0 : i32
      %dma_start3A_1005 = arith.constant 0 : i32
      %dma_start3A_1006 = tpu.memref_slice %arg7[%dma_start3A_1002, %dma_start3A_1004, %dma_start3A_1005] : memref<8x200x64xf32, #tpu.memory_space<vmem>> -> memref<1x200x64xf32, #tpu.memory_space<vmem>>
      %dma_start3A_1007 = tpu.memref_squeeze %dma_start3A_1006 : memref<1x200x64xf32, #tpu.memory_space<vmem>> -> memref<200x64xf32, #tpu.memory_space<vmem>>
      %dma_start3A_1008 = tpu.memref_slice %arg9[%dma_start3A_1003] : memref<8x!tpu.dma_semaphore, #tpu.memory_space<semaphore_mem>> -> memref<1x!tpu.dma_semaphore, #tpu.memory_space<semaphore_mem>>
      %dma_start3A_1009 = tpu.memref_squeeze %dma_start3A_1008 : memref<1x!tpu.dma_semaphore, #tpu.memory_space<semaphore_mem>> -> memref<!tpu.dma_semaphore, #tpu.memory_space<semaphore_mem>>
      %dma_start3A_1010 = arith.constant 0 : i32
      %dma_start3A_1011 = arith.constant 0 : i32
      %dma_start3A_1012 = tpu.memref_slice %arg7[%dma_start3A_1002, %dma_start3A_1010, %dma_start3A_1011] : memref<8x200x64xf32, #tpu.memory_space<vmem>> -> memref<1x200x64xf32, #tpu.memory_space<vmem>>
      %dma_start3A_1013 = tpu.memref_squeeze %dma_start3A_1012 : memref<1x200x64xf32, #tpu.memory_space<vmem>> -> memref<200x64xf32, #tpu.memory_space<vmem>>
      tpu.enqueue_dma source(%arg6 : memref<200x64xf32, #tpu.memory_space<vmem_shared>>) target(%dma_start3A_1013 : memref<200x64xf32, #tpu.memory_space<vmem>>) target_semaphore(%dma_start3A_1009 : memref<!tpu.dma_semaphore, #tpu.memory_space<semaphore_mem>>)
      %run_scoped3A_1014 = arith.constant 3 : i32
      "tpu.region"() ({
        %run_scoped3A_1703 = tpu.sem_alloc : memref<!tpu.dma_semaphore, #tpu.memory_space<semaphore_mem>>
        %dma_start3A_1704 = arith.constant 0 : i32
        %dma_start3A_1705 = tpu.memref_slice %arg8[%run_scoped3A_1014, %dma_start3A_1704] : memref<8x200xi32, #tpu.memory_space<vmem>> -> memref<1x200xi32, #tpu.memory_space<vmem>>
        %dma_start3A_1706 = tpu.memref_squeeze %dma_start3A_1705 : memref<1x200xi32, #tpu.memory_space<vmem>> -> memref<200xi32, #tpu.memory_space<vmem>>
        %dma_start3A_1707 = arith.constant 0 : i32
        %dma_start3A_1708 = tpu.memref_slice %arg2[%add3A_981, %dma_start3A_1707] : memref<4096x200xi32, #tpu.memory_space<hbm>> -> memref<1x200xi32, #tpu.memory_space<hbm>>
        %dma_start3A_1709 = tpu.memref_squeeze %dma_start3A_1708 : memref<1x200xi32, #tpu.memory_space<hbm>> -> memref<200xi32, #tpu.memory_space<hbm>>
        %dma_start3A_1710 = arith.constant 0 : i32
        %dma_start3A_1711 = tpu.memref_slice %arg8[%run_scoped3A_1014, %dma_start3A_1710] : memref<8x200xi32, #tpu.memory_space<vmem>> -> memref<1x200xi32, #tpu.memory_space<vmem>>
        %dma_start3A_1712 = tpu.memref_squeeze %dma_start3A_1711 : memref<1x200xi32, #tpu.memory_space<vmem>> -> memref<200xi32, #tpu.memory_space<vmem>>
        %dma_start3A_1713 = arith.constant 0 : i32
        %dma_start3A_1714 = tpu.memref_slice %arg2[%add3A_981, %dma_start3A_1713] : memref<4096x200xi32, #tpu.memory_space<hbm>> -> memref<1x200xi32, #tpu.memory_space<hbm>>
        %dma_start3A_1715 = tpu.memref_squeeze %dma_start3A_1714 : memref<1x200xi32, #tpu.memory_space<hbm>> -> memref<200xi32, #tpu.memory_space<hbm>>
        tpu.enqueue_dma source(%dma_start3A_1715 : memref<200xi32, #tpu.memory_space<hbm>>) target(%dma_start3A_1712 : memref<200xi32, #tpu.memory_space<vmem>>) target_semaphore(%run_scoped3A_1703 : memref<!tpu.dma_semaphore, #tpu.memory_space<semaphore_mem>>)
        %dma_wait3A_1716 = arith.constant 0 : i32
        %dma_wait3A_1717 = tpu.memref_slice %arg8[%run_scoped3A_1014, %dma_wait3A_1716] : memref<8x200xi32, #tpu.memory_space<vmem>> -> memref<1x200xi32, #tpu.memory_space<vmem>>
        %dma_wait3A_1718 = tpu.memref_squeeze %dma_wait3A_1717 : memref<1x200xi32, #tpu.memory_space<vmem>> -> memref<200xi32, #tpu.memory_space<vmem>>
        %dma_wait3A_1719 = arith.constant 0 : i32
        %dma_wait3A_1720 = tpu.memref_slice %arg2[%add3A_981, %dma_wait3A_1719] : memref<4096x200xi32, #tpu.memory_space<hbm>> -> memref<1x200xi32, #tpu.memory_space<hbm>>
        %dma_wait3A_1721 = tpu.memref_squeeze %dma_wait3A_1720 : memref<1x200xi32, #tpu.memory_space<hbm>> -> memref<200xi32, #tpu.memory_space<hbm>>
        %dma_wait3A_1722 = arith.constant 0 : i32
        %dma_wait3A_1723 = tpu.memref_slice %arg8[%run_scoped3A_1014, %dma_wait3A_1722] : memref<8x200xi32, #tpu.memory_space<vmem>> -> memref<1x200xi32, #tpu.memory_space<vmem>>
        %dma_wait3A_1724 = tpu.memref_squeeze %dma_wait3A_1723 : memref<1x200xi32, #tpu.memory_space<vmem>> -> memref<200xi32, #tpu.memory_space<vmem>>
        %dma_wait3A_1725 = arith.constant 0 : i32
        %dma_wait3A_1726 = tpu.memref_slice %arg2[%add3A_981, %dma_wait3A_1725] : memref<4096x200xi32, #tpu.memory_space<hbm>> -> memref<1x200xi32, #tpu.memory_space<hbm>>
        %dma_wait3A_1727 = tpu.memref_squeeze %dma_wait3A_1726 : memref<1x200xi32, #tpu.memory_space<hbm>> -> memref<200xi32, #tpu.memory_space<hbm>>
        tpu.wait_dma2 semaphore(%run_scoped3A_1703 : memref<!tpu.dma_semaphore, #tpu.memory_space<semaphore_mem>>) src(%dma_wait3A_1727 : memref<200xi32, #tpu.memory_space<hbm>>) dst(%dma_wait3A_1724 : memref<200xi32, #tpu.memory_space<vmem>>)
        tpu.yield
      }) : () -> ()
      %mul3A_1015 = arith.constant 8 : i32
      %mul3A_1016 = arith.muli %scan3A_862, %mul3A_1015 : i32
      %add3A_1017 = arith.addi %mul3A_2, %mul3A_1016 : i32
      %add3A_1018 = arith.constant 4 : i32
      %add3A_1019 = arith.addi %add3A_1017, %add3A_1018 : i32
      %dma_wait3A_1020 = arith.constant 4 : i32
      %dma_wait3A_1021 = arith.constant 4 : i32
      %dma_wait3A_1022 = arith.constant 0 : i32
      %dma_wait3A_1023 = arith.constant 0 : i32
      %dma_wait3A_1024 = tpu.memref_slice %arg7[%dma_wait3A_1020, %dma_wait3A_1022, %dma_wait3A_1023] : memref<8x200x64xf32, #tpu.memory_space<vmem>> -> memref<1x200x64xf32, #tpu.memory_space<vmem>>
      %dma_wait3A_1025 = tpu.memref_squeeze %dma_wait3A_1024 : memref<1x200x64xf32, #tpu.memory_space<vmem>> -> memref<200x64xf32, #tpu.memory_space<vmem>>
      %dma_wait3A_1026 = arith.constant 0 : i32
      %dma_wait3A_1027 = arith.constant 0 : i32
      %dma_wait3A_1028 = tpu.memref_slice %arg5[%add3A_1019, %dma_wait3A_1026, %dma_wait3A_1027] : memref<4096x200x64xf32, #tpu.memory_space<hbm>> -> memref<1x200x64xf32, #tpu.memory_space<hbm>>
      %dma_wait3A_1029 = tpu.memref_squeeze %dma_wait3A_1028 : memref<1x200x64xf32, #tpu.memory_space<hbm>> -> memref<200x64xf32, #tpu.memory_space<hbm>>
      %dma_wait3A_1030 = tpu.memref_slice %arg11[%dma_wait3A_1021] : memref<8x!tpu.dma_semaphore, #tpu.memory_space<semaphore_mem>> -> memref<1x!tpu.dma_semaphore, #tpu.memory_space<semaphore_mem>>
      %dma_wait3A_1031 = tpu.memref_squeeze %dma_wait3A_1030 : memref<1x!tpu.dma_semaphore, #tpu.memory_space<semaphore_mem>> -> memref<!tpu.dma_semaphore, #tpu.memory_space<semaphore_mem>>
      %dma_wait3A_1032 = arith.constant 0 : i32
      %dma_wait3A_1033 = arith.constant 0 : i32
      %dma_wait3A_1034 = tpu.memref_slice %arg5[%add3A_1019, %dma_wait3A_1032, %dma_wait3A_1033] : memref<4096x200x64xf32, #tpu.memory_space<hbm>> -> memref<1x200x64xf32, #tpu.memory_space<hbm>>
      %dma_wait3A_1035 = tpu.memref_squeeze %dma_wait3A_1034 : memref<1x200x64xf32, #tpu.memory_space<hbm>> -> memref<200x64xf32, #tpu.memory_space<hbm>>
      %dma_wait3A_1036 = arith.constant 0 : i32
      %dma_wait3A_1037 = arith.constant 0 : i32
      %dma_wait3A_1038 = tpu.memref_slice %arg7[%dma_wait3A_1020, %dma_wait3A_1036, %dma_wait3A_1037] : memref<8x200x64xf32, #tpu.memory_space<vmem>> -> memref<1x200x64xf32, #tpu.memory_space<vmem>>
      %dma_wait3A_1039 = tpu.memref_squeeze %dma_wait3A_1038 : memref<1x200x64xf32, #tpu.memory_space<vmem>> -> memref<200x64xf32, #tpu.memory_space<vmem>>
      tpu.wait_dma2 semaphore(%dma_wait3A_1031 : memref<!tpu.dma_semaphore, #tpu.memory_space<semaphore_mem>>) src(%dma_wait3A_1039 : memref<200x64xf32, #tpu.memory_space<vmem>>) dst(%dma_wait3A_1035 : memref<200x64xf32, #tpu.memory_space<hbm>>)
      %dma_start3A_1040 = arith.constant 4 : i32
      %dma_start3A_1041 = arith.constant 4 : i32
      %dma_start3A_1042 = arith.constant 0 : i32
      %dma_start3A_1043 = arith.constant 0 : i32
      %dma_start3A_1044 = tpu.memref_slice %arg7[%dma_start3A_1040, %dma_start3A_1042, %dma_start3A_1043] : memref<8x200x64xf32, #tpu.memory_space<vmem>> -> memref<1x200x64xf32, #tpu.memory_space<vmem>>
      %dma_start3A_1045 = tpu.memref_squeeze %dma_start3A_1044 : memref<1x200x64xf32, #tpu.memory_space<vmem>> -> memref<200x64xf32, #tpu.memory_space<vmem>>
      %dma_start3A_1046 = tpu.memref_slice %arg9[%dma_start3A_1041] : memref<8x!tpu.dma_semaphore, #tpu.memory_space<semaphore_mem>> -> memref<1x!tpu.dma_semaphore, #tpu.memory_space<semaphore_mem>>
      %dma_start3A_1047 = tpu.memref_squeeze %dma_start3A_1046 : memref<1x!tpu.dma_semaphore, #tpu.memory_space<semaphore_mem>> -> memref<!tpu.dma_semaphore, #tpu.memory_space<semaphore_mem>>
      %dma_start3A_1048 = arith.constant 0 : i32
      %dma_start3A_1049 = arith.constant 0 : i32
      %dma_start3A_1050 = tpu.memref_slice %arg7[%dma_start3A_1040, %dma_start3A_1048, %dma_start3A_1049] : memref<8x200x64xf32, #tpu.memory_space<vmem>> -> memref<1x200x64xf32, #tpu.memory_space<vmem>>
      %dma_start3A_1051 = tpu.memref_squeeze %dma_start3A_1050 : memref<1x200x64xf32, #tpu.memory_space<vmem>> -> memref<200x64xf32, #tpu.memory_space<vmem>>
      tpu.enqueue_dma source(%arg6 : memref<200x64xf32, #tpu.memory_space<vmem_shared>>) target(%dma_start3A_1051 : memref<200x64xf32, #tpu.memory_space<vmem>>) target_semaphore(%dma_start3A_1047 : memref<!tpu.dma_semaphore, #tpu.memory_space<semaphore_mem>>)
      %run_scoped3A_1052 = arith.constant 4 : i32
      "tpu.region"() ({
        %run_scoped3A_1703 = tpu.sem_alloc : memref<!tpu.dma_semaphore, #tpu.memory_space<semaphore_mem>>
        %dma_start3A_1704 = arith.constant 0 : i32
        %dma_start3A_1705 = tpu.memref_slice %arg8[%run_scoped3A_1052, %dma_start3A_1704] : memref<8x200xi32, #tpu.memory_space<vmem>> -> memref<1x200xi32, #tpu.memory_space<vmem>>
        %dma_start3A_1706 = tpu.memref_squeeze %dma_start3A_1705 : memref<1x200xi32, #tpu.memory_space<vmem>> -> memref<200xi32, #tpu.memory_space<vmem>>
        %dma_start3A_1707 = arith.constant 0 : i32
        %dma_start3A_1708 = tpu.memref_slice %arg2[%add3A_1019, %dma_start3A_1707] : memref<4096x200xi32, #tpu.memory_space<hbm>> -> memref<1x200xi32, #tpu.memory_space<hbm>>
        %dma_start3A_1709 = tpu.memref_squeeze %dma_start3A_1708 : memref<1x200xi32, #tpu.memory_space<hbm>> -> memref<200xi32, #tpu.memory_space<hbm>>
        %dma_start3A_1710 = arith.constant 0 : i32
        %dma_start3A_1711 = tpu.memref_slice %arg8[%run_scoped3A_1052, %dma_start3A_1710] : memref<8x200xi32, #tpu.memory_space<vmem>> -> memref<1x200xi32, #tpu.memory_space<vmem>>
        %dma_start3A_1712 = tpu.memref_squeeze %dma_start3A_1711 : memref<1x200xi32, #tpu.memory_space<vmem>> -> memref<200xi32, #tpu.memory_space<vmem>>
        %dma_start3A_1713 = arith.constant 0 : i32
        %dma_start3A_1714 = tpu.memref_slice %arg2[%add3A_1019, %dma_start3A_1713] : memref<4096x200xi32, #tpu.memory_space<hbm>> -> memref<1x200xi32, #tpu.memory_space<hbm>>
        %dma_start3A_1715 = tpu.memref_squeeze %dma_start3A_1714 : memref<1x200xi32, #tpu.memory_space<hbm>> -> memref<200xi32, #tpu.memory_space<hbm>>
        tpu.enqueue_dma source(%dma_start3A_1715 : memref<200xi32, #tpu.memory_space<hbm>>) target(%dma_start3A_1712 : memref<200xi32, #tpu.memory_space<vmem>>) target_semaphore(%run_scoped3A_1703 : memref<!tpu.dma_semaphore, #tpu.memory_space<semaphore_mem>>)
        %dma_wait3A_1716 = arith.constant 0 : i32
        %dma_wait3A_1717 = tpu.memref_slice %arg8[%run_scoped3A_1052, %dma_wait3A_1716] : memref<8x200xi32, #tpu.memory_space<vmem>> -> memref<1x200xi32, #tpu.memory_space<vmem>>
        %dma_wait3A_1718 = tpu.memref_squeeze %dma_wait3A_1717 : memref<1x200xi32, #tpu.memory_space<vmem>> -> memref<200xi32, #tpu.memory_space<vmem>>
        %dma_wait3A_1719 = arith.constant 0 : i32
        %dma_wait3A_1720 = tpu.memref_slice %arg2[%add3A_1019, %dma_wait3A_1719] : memref<4096x200xi32, #tpu.memory_space<hbm>> -> memref<1x200xi32, #tpu.memory_space<hbm>>
        %dma_wait3A_1721 = tpu.memref_squeeze %dma_wait3A_1720 : memref<1x200xi32, #tpu.memory_space<hbm>> -> memref<200xi32, #tpu.memory_space<hbm>>
        %dma_wait3A_1722 = arith.constant 0 : i32
        %dma_wait3A_1723 = tpu.memref_slice %arg8[%run_scoped3A_1052, %dma_wait3A_1722] : memref<8x200xi32, #tpu.memory_space<vmem>> -> memref<1x200xi32, #tpu.memory_space<vmem>>
        %dma_wait3A_1724 = tpu.memref_squeeze %dma_wait3A_1723 : memref<1x200xi32, #tpu.memory_space<vmem>> -> memref<200xi32, #tpu.memory_space<vmem>>
        %dma_wait3A_1725 = arith.constant 0 : i32
        %dma_wait3A_1726 = tpu.memref_slice %arg2[%add3A_1019, %dma_wait3A_1725] : memref<4096x200xi32, #tpu.memory_space<hbm>> -> memref<1x200xi32, #tpu.memory_space<hbm>>
        %dma_wait3A_1727 = tpu.memref_squeeze %dma_wait3A_1726 : memref<1x200xi32, #tpu.memory_space<hbm>> -> memref<200xi32, #tpu.memory_space<hbm>>
        tpu.wait_dma2 semaphore(%run_scoped3A_1703 : memref<!tpu.dma_semaphore, #tpu.memory_space<semaphore_mem>>) src(%dma_wait3A_1727 : memref<200xi32, #tpu.memory_space<hbm>>) dst(%dma_wait3A_1724 : memref<200xi32, #tpu.memory_space<vmem>>)
        tpu.yield
      }) : () -> ()
      %mul3A_1053 = arith.constant 8 : i32
      %mul3A_1054 = arith.muli %scan3A_862, %mul3A_1053 : i32
      %add3A_1055 = arith.addi %mul3A_2, %mul3A_1054 : i32
      %add3A_1056 = arith.constant 5 : i32
      %add3A_1057 = arith.addi %add3A_1055, %add3A_1056 : i32
      %dma_wait3A_1058 = arith.constant 5 : i32
      %dma_wait3A_1059 = arith.constant 5 : i32
      %dma_wait3A_1060 = arith.constant 0 : i32
      %dma_wait3A_1061 = arith.constant 0 : i32
      %dma_wait3A_1062 = tpu.memref_slice %arg7[%dma_wait3A_1058, %dma_wait3A_1060, %dma_wait3A_1061] : memref<8x200x64xf32, #tpu.memory_space<vmem>> -> memref<1x200x64xf32, #tpu.memory_space<vmem>>
      %dma_wait3A_1063 = tpu.memref_squeeze %dma_wait3A_1062 : memref<1x200x64xf32, #tpu.memory_space<vmem>> -> memref<200x64xf32, #tpu.memory_space<vmem>>
      %dma_wait3A_1064 = arith.constant 0 : i32
      %dma_wait3A_1065 = arith.constant 0 : i32
      %dma_wait3A_1066 = tpu.memref_slice %arg5[%add3A_1057, %dma_wait3A_1064, %dma_wait3A_1065] : memref<4096x200x64xf32, #tpu.memory_space<hbm>> -> memref<1x200x64xf32, #tpu.memory_space<hbm>>
      %dma_wait3A_1067 = tpu.memref_squeeze %dma_wait3A_1066 : memref<1x200x64xf32, #tpu.memory_space<hbm>> -> memref<200x64xf32, #tpu.memory_space<hbm>>
      %dma_wait3A_1068 = tpu.memref_slice %arg11[%dma_wait3A_1059] : memref<8x!tpu.dma_semaphore, #tpu.memory_space<semaphore_mem>> -> memref<1x!tpu.dma_semaphore, #tpu.memory_space<semaphore_mem>>
      %dma_wait3A_1069 = tpu.memref_squeeze %dma_wait3A_1068 : memref<1x!tpu.dma_semaphore, #tpu.memory_space<semaphore_mem>> -> memref<!tpu.dma_semaphore, #tpu.memory_space<semaphore_mem>>
      %dma_wait3A_1070 = arith.constant 0 : i32
      %dma_wait3A_1071 = arith.constant 0 : i32
      %dma_wait3A_1072 = tpu.memref_slice %arg5[%add3A_1057, %dma_wait3A_1070, %dma_wait3A_1071] : memref<4096x200x64xf32, #tpu.memory_space<hbm>> -> memref<1x200x64xf32, #tpu.memory_space<hbm>>
      %dma_wait3A_1073 = tpu.memref_squeeze %dma_wait3A_1072 : memref<1x200x64xf32, #tpu.memory_space<hbm>> -> memref<200x64xf32, #tpu.memory_space<hbm>>
      %dma_wait3A_1074 = arith.constant 0 : i32
      %dma_wait3A_1075 = arith.constant 0 : i32
      %dma_wait3A_1076 = tpu.memref_slice %arg7[%dma_wait3A_1058, %dma_wait3A_1074, %dma_wait3A_1075] : memref<8x200x64xf32, #tpu.memory_space<vmem>> -> memref<1x200x64xf32, #tpu.memory_space<vmem>>
      %dma_wait3A_1077 = tpu.memref_squeeze %dma_wait3A_1076 : memref<1x200x64xf32, #tpu.memory_space<vmem>> -> memref<200x64xf32, #tpu.memory_space<vmem>>
      tpu.wait_dma2 semaphore(%dma_wait3A_1069 : memref<!tpu.dma_semaphore, #tpu.memory_space<semaphore_mem>>) src(%dma_wait3A_1077 : memref<200x64xf32, #tpu.memory_space<vmem>>) dst(%dma_wait3A_1073 : memref<200x64xf32, #tpu.memory_space<hbm>>)
      %dma_start3A_1078 = arith.constant 5 : i32
      %dma_start3A_1079 = arith.constant 5 : i32
      %dma_start3A_1080 = arith.constant 0 : i32
      %dma_start3A_1081 = arith.constant 0 : i32
      %dma_start3A_1082 = tpu.memref_slice %arg7[%dma_start3A_1078, %dma_start3A_1080, %dma_start3A_1081] : memref<8x200x64xf32, #tpu.memory_space<vmem>> -> memref<1x200x64xf32, #tpu.memory_space<vmem>>
      %dma_start3A_1083 = tpu.memref_squeeze %dma_start3A_1082 : memref<1x200x64xf32, #tpu.memory_space<vmem>> -> memref<200x64xf32, #tpu.memory_space<vmem>>
      %dma_start3A_1084 = tpu.memref_slice %arg9[%dma_start3A_1079] : memref<8x!tpu.dma_semaphore, #tpu.memory_space<semaphore_mem>> -> memref<1x!tpu.dma_semaphore, #tpu.memory_space<semaphore_mem>>
      %dma_start3A_1085 = tpu.memref_squeeze %dma_start3A_1084 : memref<1x!tpu.dma_semaphore, #tpu.memory_space<semaphore_mem>> -> memref<!tpu.dma_semaphore, #tpu.memory_space<semaphore_mem>>
      %dma_start3A_1086 = arith.constant 0 : i32
      %dma_start3A_1087 = arith.constant 0 : i32
      %dma_start3A_1088 = tpu.memref_slice %arg7[%dma_start3A_1078, %dma_start3A_1086, %dma_start3A_1087] : memref<8x200x64xf32, #tpu.memory_space<vmem>> -> memref<1x200x64xf32, #tpu.memory_space<vmem>>
      %dma_start3A_1089 = tpu.memref_squeeze %dma_start3A_1088 : memref<1x200x64xf32, #tpu.memory_space<vmem>> -> memref<200x64xf32, #tpu.memory_space<vmem>>
      tpu.enqueue_dma source(%arg6 : memref<200x64xf32, #tpu.memory_space<vmem_shared>>) target(%dma_start3A_1089 : memref<200x64xf32, #tpu.memory_space<vmem>>) target_semaphore(%dma_start3A_1085 : memref<!tpu.dma_semaphore, #tpu.memory_space<semaphore_mem>>)
      %run_scoped3A_1090 = arith.constant 5 : i32
      "tpu.region"() ({
        %run_scoped3A_1703 = tpu.sem_alloc : memref<!tpu.dma_semaphore, #tpu.memory_space<semaphore_mem>>
        %dma_start3A_1704 = arith.constant 0 : i32
        %dma_start3A_1705 = tpu.memref_slice %arg8[%run_scoped3A_1090, %dma_start3A_1704] : memref<8x200xi32, #tpu.memory_space<vmem>> -> memref<1x200xi32, #tpu.memory_space<vmem>>
        %dma_start3A_1706 = tpu.memref_squeeze %dma_start3A_1705 : memref<1x200xi32, #tpu.memory_space<vmem>> -> memref<200xi32, #tpu.memory_space<vmem>>
        %dma_start3A_1707 = arith.constant 0 : i32
        %dma_start3A_1708 = tpu.memref_slice %arg2[%add3A_1057, %dma_start3A_1707] : memref<4096x200xi32, #tpu.memory_space<hbm>> -> memref<1x200xi32, #tpu.memory_space<hbm>>
        %dma_start3A_1709 = tpu.memref_squeeze %dma_start3A_1708 : memref<1x200xi32, #tpu.memory_space<hbm>> -> memref<200xi32, #tpu.memory_space<hbm>>
        %dma_start3A_1710 = arith.constant 0 : i32
        %dma_start3A_1711 = tpu.memref_slice %arg8[%run_scoped3A_1090, %dma_start3A_1710] : memref<8x200xi32, #tpu.memory_space<vmem>> -> memref<1x200xi32, #tpu.memory_space<vmem>>
        %dma_start3A_1712 = tpu.memref_squeeze %dma_start3A_1711 : memref<1x200xi32, #tpu.memory_space<vmem>> -> memref<200xi32, #tpu.memory_space<vmem>>
        %dma_start3A_1713 = arith.constant 0 : i32
        %dma_start3A_1714 = tpu.memref_slice %arg2[%add3A_1057, %dma_start3A_1713] : memref<4096x200xi32, #tpu.memory_space<hbm>> -> memref<1x200xi32, #tpu.memory_space<hbm>>
        %dma_start3A_1715 = tpu.memref_squeeze %dma_start3A_1714 : memref<1x200xi32, #tpu.memory_space<hbm>> -> memref<200xi32, #tpu.memory_space<hbm>>
        tpu.enqueue_dma source(%dma_start3A_1715 : memref<200xi32, #tpu.memory_space<hbm>>) target(%dma_start3A_1712 : memref<200xi32, #tpu.memory_space<vmem>>) target_semaphore(%run_scoped3A_1703 : memref<!tpu.dma_semaphore, #tpu.memory_space<semaphore_mem>>)
        %dma_wait3A_1716 = arith.constant 0 : i32
        %dma_wait3A_1717 = tpu.memref_slice %arg8[%run_scoped3A_1090, %dma_wait3A_1716] : memref<8x200xi32, #tpu.memory_space<vmem>> -> memref<1x200xi32, #tpu.memory_space<vmem>>
        %dma_wait3A_1718 = tpu.memref_squeeze %dma_wait3A_1717 : memref<1x200xi32, #tpu.memory_space<vmem>> -> memref<200xi32, #tpu.memory_space<vmem>>
        %dma_wait3A_1719 = arith.constant 0 : i32
        %dma_wait3A_1720 = tpu.memref_slice %arg2[%add3A_1057, %dma_wait3A_1719] : memref<4096x200xi32, #tpu.memory_space<hbm>> -> memref<1x200xi32, #tpu.memory_space<hbm>>
        %dma_wait3A_1721 = tpu.memref_squeeze %dma_wait3A_1720 : memref<1x200xi32, #tpu.memory_space<hbm>> -> memref<200xi32, #tpu.memory_space<hbm>>
        %dma_wait3A_1722 = arith.constant 0 : i32
        %dma_wait3A_1723 = tpu.memref_slice %arg8[%run_scoped3A_1090, %dma_wait3A_1722] : memref<8x200xi32, #tpu.memory_space<vmem>> -> memref<1x200xi32, #tpu.memory_space<vmem>>
        %dma_wait3A_1724 = tpu.memref_squeeze %dma_wait3A_1723 : memref<1x200xi32, #tpu.memory_space<vmem>> -> memref<200xi32, #tpu.memory_space<vmem>>
        %dma_wait3A_1725 = arith.constant 0 : i32
        %dma_wait3A_1726 = tpu.memref_slice %arg2[%add3A_1057, %dma_wait3A_1725] : memref<4096x200xi32, #tpu.memory_space<hbm>> -> memref<1x200xi32, #tpu.memory_space<hbm>>
        %dma_wait3A_1727 = tpu.memref_squeeze %dma_wait3A_1726 : memref<1x200xi32, #tpu.memory_space<hbm>> -> memref<200xi32, #tpu.memory_space<hbm>>
        tpu.wait_dma2 semaphore(%run_scoped3A_1703 : memref<!tpu.dma_semaphore, #tpu.memory_space<semaphore_mem>>) src(%dma_wait3A_1727 : memref<200xi32, #tpu.memory_space<hbm>>) dst(%dma_wait3A_1724 : memref<200xi32, #tpu.memory_space<vmem>>)
        tpu.yield
      }) : () -> ()
      %mul3A_1091 = arith.constant 8 : i32
      %mul3A_1092 = arith.muli %scan3A_862, %mul3A_1091 : i32
      %add3A_1093 = arith.addi %mul3A_2, %mul3A_1092 : i32
      %add3A_1094 = arith.constant 6 : i32
      %add3A_1095 = arith.addi %add3A_1093, %add3A_1094 : i32
      %dma_wait3A_1096 = arith.constant 6 : i32
      %dma_wait3A_1097 = arith.constant 6 : i32
      %dma_wait3A_1098 = arith.constant 0 : i32
      %dma_wait3A_1099 = arith.constant 0 : i32
      %dma_wait3A_1100 = tpu.memref_slice %arg7[%dma_wait3A_1096, %dma_wait3A_1098, %dma_wait3A_1099] : memref<8x200x64xf32, #tpu.memory_space<vmem>> -> memref<1x200x64xf32, #tpu.memory_space<vmem>>
      %dma_wait3A_1101 = tpu.memref_squeeze %dma_wait3A_1100 : memref<1x200x64xf32, #tpu.memory_space<vmem>> -> memref<200x64xf32, #tpu.memory_space<vmem>>
      %dma_wait3A_1102 = arith.constant 0 : i32
      %dma_wait3A_1103 = arith.constant 0 : i32
      %dma_wait3A_1104 = tpu.memref_slice %arg5[%add3A_1095, %dma_wait3A_1102, %dma_wait3A_1103] : memref<4096x200x64xf32, #tpu.memory_space<hbm>> -> memref<1x200x64xf32, #tpu.memory_space<hbm>>
      %dma_wait3A_1105 = tpu.memref_squeeze %dma_wait3A_1104 : memref<1x200x64xf32, #tpu.memory_space<hbm>> -> memref<200x64xf32, #tpu.memory_space<hbm>>
      %dma_wait3A_1106 = tpu.memref_slice %arg11[%dma_wait3A_1097] : memref<8x!tpu.dma_semaphore, #tpu.memory_space<semaphore_mem>> -> memref<1x!tpu.dma_semaphore, #tpu.memory_space<semaphore_mem>>
      %dma_wait3A_1107 = tpu.memref_squeeze %dma_wait3A_1106 : memref<1x!tpu.dma_semaphore, #tpu.memory_space<semaphore_mem>> -> memref<!tpu.dma_semaphore, #tpu.memory_space<semaphore_mem>>
      %dma_wait3A_1108 = arith.constant 0 : i32
      %dma_wait3A_1109 = arith.constant 0 : i32
      %dma_wait3A_1110 = tpu.memref_slice %arg5[%add3A_1095, %dma_wait3A_1108, %dma_wait3A_1109] : memref<4096x200x64xf32, #tpu.memory_space<hbm>> -> memref<1x200x64xf32, #tpu.memory_space<hbm>>
      %dma_wait3A_1111 = tpu.memref_squeeze %dma_wait3A_1110 : memref<1x200x64xf32, #tpu.memory_space<hbm>> -> memref<200x64xf32, #tpu.memory_space<hbm>>
      %dma_wait3A_1112 = arith.constant 0 : i32
      %dma_wait3A_1113 = arith.constant 0 : i32
      %dma_wait3A_1114 = tpu.memref_slice %arg7[%dma_wait3A_1096, %dma_wait3A_1112, %dma_wait3A_1113] : memref<8x200x64xf32, #tpu.memory_space<vmem>> -> memref<1x200x64xf32, #tpu.memory_space<vmem>>
      %dma_wait3A_1115 = tpu.memref_squeeze %dma_wait3A_1114 : memref<1x200x64xf32, #tpu.memory_space<vmem>> -> memref<200x64xf32, #tpu.memory_space<vmem>>
      tpu.wait_dma2 semaphore(%dma_wait3A_1107 : memref<!tpu.dma_semaphore, #tpu.memory_space<semaphore_mem>>) src(%dma_wait3A_1115 : memref<200x64xf32, #tpu.memory_space<vmem>>) dst(%dma_wait3A_1111 : memref<200x64xf32, #tpu.memory_space<hbm>>)
      %dma_start3A_1116 = arith.constant 6 : i32
      %dma_start3A_1117 = arith.constant 6 : i32
      %dma_start3A_1118 = arith.constant 0 : i32
      %dma_start3A_1119 = arith.constant 0 : i32
      %dma_start3A_1120 = tpu.memref_slice %arg7[%dma_start3A_1116, %dma_start3A_1118, %dma_start3A_1119] : memref<8x200x64xf32, #tpu.memory_space<vmem>> -> memref<1x200x64xf32, #tpu.memory_space<vmem>>
      %dma_start3A_1121 = tpu.memref_squeeze %dma_start3A_1120 : memref<1x200x64xf32, #tpu.memory_space<vmem>> -> memref<200x64xf32, #tpu.memory_space<vmem>>
      %dma_start3A_1122 = tpu.memref_slice %arg9[%dma_start3A_1117] : memref<8x!tpu.dma_semaphore, #tpu.memory_space<semaphore_mem>> -> memref<1x!tpu.dma_semaphore, #tpu.memory_space<semaphore_mem>>
      %dma_start3A_1123 = tpu.memref_squeeze %dma_start3A_1122 : memref<1x!tpu.dma_semaphore, #tpu.memory_space<semaphore_mem>> -> memref<!tpu.dma_semaphore, #tpu.memory_space<semaphore_mem>>
      %dma_start3A_1124 = arith.constant 0 : i32
      %dma_start3A_1125 = arith.constant 0 : i32
      %dma_start3A_1126 = tpu.memref_slice %arg7[%dma_start3A_1116, %dma_start3A_1124, %dma_start3A_1125] : memref<8x200x64xf32, #tpu.memory_space<vmem>> -> memref<1x200x64xf32, #tpu.memory_space<vmem>>
      %dma_start3A_1127 = tpu.memref_squeeze %dma_start3A_1126 : memref<1x200x64xf32, #tpu.memory_space<vmem>> -> memref<200x64xf32, #tpu.memory_space<vmem>>
      tpu.enqueue_dma source(%arg6 : memref<200x64xf32, #tpu.memory_space<vmem_shared>>) target(%dma_start3A_1127 : memref<200x64xf32, #tpu.memory_space<vmem>>) target_semaphore(%dma_start3A_1123 : memref<!tpu.dma_semaphore, #tpu.memory_space<semaphore_mem>>)
      %run_scoped3A_1128 = arith.constant 6 : i32
      "tpu.region"() ({
        %run_scoped3A_1703 = tpu.sem_alloc : memref<!tpu.dma_semaphore, #tpu.memory_space<semaphore_mem>>
        %dma_start3A_1704 = arith.constant 0 : i32
        %dma_start3A_1705 = tpu.memref_slice %arg8[%run_scoped3A_1128, %dma_start3A_1704] : memref<8x200xi32, #tpu.memory_space<vmem>> -> memref<1x200xi32, #tpu.memory_space<vmem>>
        %dma_start3A_1706 = tpu.memref_squeeze %dma_start3A_1705 : memref<1x200xi32, #tpu.memory_space<vmem>> -> memref<200xi32, #tpu.memory_space<vmem>>
        %dma_start3A_1707 = arith.constant 0 : i32
        %dma_start3A_1708 = tpu.memref_slice %arg2[%add3A_1095, %dma_start3A_1707] : memref<4096x200xi32, #tpu.memory_space<hbm>> -> memref<1x200xi32, #tpu.memory_space<hbm>>
        %dma_start3A_1709 = tpu.memref_squeeze %dma_start3A_1708 : memref<1x200xi32, #tpu.memory_space<hbm>> -> memref<200xi32, #tpu.memory_space<hbm>>
        %dma_start3A_1710 = arith.constant 0 : i32
        %dma_start3A_1711 = tpu.memref_slice %arg8[%run_scoped3A_1128, %dma_start3A_1710] : memref<8x200xi32, #tpu.memory_space<vmem>> -> memref<1x200xi32, #tpu.memory_space<vmem>>
        %dma_start3A_1712 = tpu.memref_squeeze %dma_start3A_1711 : memref<1x200xi32, #tpu.memory_space<vmem>> -> memref<200xi32, #tpu.memory_space<vmem>>
        %dma_start3A_1713 = arith.constant 0 : i32
        %dma_start3A_1714 = tpu.memref_slice %arg2[%add3A_1095, %dma_start3A_1713] : memref<4096x200xi32, #tpu.memory_space<hbm>> -> memref<1x200xi32, #tpu.memory_space<hbm>>
        %dma_start3A_1715 = tpu.memref_squeeze %dma_start3A_1714 : memref<1x200xi32, #tpu.memory_space<hbm>> -> memref<200xi32, #tpu.memory_space<hbm>>
        tpu.enqueue_dma source(%dma_start3A_1715 : memref<200xi32, #tpu.memory_space<hbm>>) target(%dma_start3A_1712 : memref<200xi32, #tpu.memory_space<vmem>>) target_semaphore(%run_scoped3A_1703 : memref<!tpu.dma_semaphore, #tpu.memory_space<semaphore_mem>>)
        %dma_wait3A_1716 = arith.constant 0 : i32
        %dma_wait3A_1717 = tpu.memref_slice %arg8[%run_scoped3A_1128, %dma_wait3A_1716] : memref<8x200xi32, #tpu.memory_space<vmem>> -> memref<1x200xi32, #tpu.memory_space<vmem>>
        %dma_wait3A_1718 = tpu.memref_squeeze %dma_wait3A_1717 : memref<1x200xi32, #tpu.memory_space<vmem>> -> memref<200xi32, #tpu.memory_space<vmem>>
        %dma_wait3A_1719 = arith.constant 0 : i32
        %dma_wait3A_1720 = tpu.memref_slice %arg2[%add3A_1095, %dma_wait3A_1719] : memref<4096x200xi32, #tpu.memory_space<hbm>> -> memref<1x200xi32, #tpu.memory_space<hbm>>
        %dma_wait3A_1721 = tpu.memref_squeeze %dma_wait3A_1720 : memref<1x200xi32, #tpu.memory_space<hbm>> -> memref<200xi32, #tpu.memory_space<hbm>>
        %dma_wait3A_1722 = arith.constant 0 : i32
        %dma_wait3A_1723 = tpu.memref_slice %arg8[%run_scoped3A_1128, %dma_wait3A_1722] : memref<8x200xi32, #tpu.memory_space<vmem>> -> memref<1x200xi32, #tpu.memory_space<vmem>>
        %dma_wait3A_1724 = tpu.memref_squeeze %dma_wait3A_1723 : memref<1x200xi32, #tpu.memory_space<vmem>> -> memref<200xi32, #tpu.memory_space<vmem>>
        %dma_wait3A_1725 = arith.constant 0 : i32
        %dma_wait3A_1726 = tpu.memref_slice %arg2[%add3A_1095, %dma_wait3A_1725] : memref<4096x200xi32, #tpu.memory_space<hbm>> -> memref<1x200xi32, #tpu.memory_space<hbm>>
        %dma_wait3A_1727 = tpu.memref_squeeze %dma_wait3A_1726 : memref<1x200xi32, #tpu.memory_space<hbm>> -> memref<200xi32, #tpu.memory_space<hbm>>
        tpu.wait_dma2 semaphore(%run_scoped3A_1703 : memref<!tpu.dma_semaphore, #tpu.memory_space<semaphore_mem>>) src(%dma_wait3A_1727 : memref<200xi32, #tpu.memory_space<hbm>>) dst(%dma_wait3A_1724 : memref<200xi32, #tpu.memory_space<vmem>>)
        tpu.yield
      }) : () -> ()
      %mul3A_1129 = arith.constant 8 : i32
      %mul3A_1130 = arith.muli %scan3A_862, %mul3A_1129 : i32
      %add3A_1131 = arith.addi %mul3A_2, %mul3A_1130 : i32
      %add3A_1132 = arith.constant 7 : i32
      %add3A_1133 = arith.addi %add3A_1131, %add3A_1132 : i32
      %dma_wait3A_1134 = arith.constant 7 : i32
      %dma_wait3A_1135 = arith.constant 7 : i32
      %dma_wait3A_1136 = arith.constant 0 : i32
      %dma_wait3A_1137 = arith.constant 0 : i32
      %dma_wait3A_1138 = tpu.memref_slice %arg7[%dma_wait3A_1134, %dma_wait3A_1136, %dma_wait3A_1137] : memref<8x200x64xf32, #tpu.memory_space<vmem>> -> memref<1x200x64xf32, #tpu.memory_space<vmem>>
      %dma_wait3A_1139 = tpu.memref_squeeze %dma_wait3A_1138 : memref<1x200x64xf32, #tpu.memory_space<vmem>> -> memref<200x64xf32, #tpu.memory_space<vmem>>
      %dma_wait3A_1140 = arith.constant 0 : i32
      %dma_wait3A_1141 = arith.constant 0 : i32
      %dma_wait3A_1142 = tpu.memref_slice %arg5[%add3A_1133, %dma_wait3A_1140, %dma_wait3A_1141] : memref<4096x200x64xf32, #tpu.memory_space<hbm>> -> memref<1x200x64xf32, #tpu.memory_space<hbm>>
      %dma_wait3A_1143 = tpu.memref_squeeze %dma_wait3A_1142 : memref<1x200x64xf32, #tpu.memory_space<hbm>> -> memref<200x64xf32, #tpu.memory_space<hbm>>
      %dma_wait3A_1144 = tpu.memref_slice %arg11[%dma_wait3A_1135] : memref<8x!tpu.dma_semaphore, #tpu.memory_space<semaphore_mem>> -> memref<1x!tpu.dma_semaphore, #tpu.memory_space<semaphore_mem>>
      %dma_wait3A_1145 = tpu.memref_squeeze %dma_wait3A_1144 : memref<1x!tpu.dma_semaphore, #tpu.memory_space<semaphore_mem>> -> memref<!tpu.dma_semaphore, #tpu.memory_space<semaphore_mem>>
      %dma_wait3A_1146 = arith.constant 0 : i32
      %dma_wait3A_1147 = arith.constant 0 : i32
      %dma_wait3A_1148 = tpu.memref_slice %arg5[%add3A_1133, %dma_wait3A_1146, %dma_wait3A_1147] : memref<4096x200x64xf32, #tpu.memory_space<hbm>> -> memref<1x200x64xf32, #tpu.memory_space<hbm>>
      %dma_wait3A_1149 = tpu.memref_squeeze %dma_wait3A_1148 : memref<1x200x64xf32, #tpu.memory_space<hbm>> -> memref<200x64xf32, #tpu.memory_space<hbm>>
      %dma_wait3A_1150 = arith.constant 0 : i32
      %dma_wait3A_1151 = arith.constant 0 : i32
      %dma_wait3A_1152 = tpu.memref_slice %arg7[%dma_wait3A_1134, %dma_wait3A_1150, %dma_wait3A_1151] : memref<8x200x64xf32, #tpu.memory_space<vmem>> -> memref<1x200x64xf32, #tpu.memory_space<vmem>>
      %dma_wait3A_1153 = tpu.memref_squeeze %dma_wait3A_1152 : memref<1x200x64xf32, #tpu.memory_space<vmem>> -> memref<200x64xf32, #tpu.memory_space<vmem>>
      tpu.wait_dma2 semaphore(%dma_wait3A_1145 : memref<!tpu.dma_semaphore, #tpu.memory_space<semaphore_mem>>) src(%dma_wait3A_1153 : memref<200x64xf32, #tpu.memory_space<vmem>>) dst(%dma_wait3A_1149 : memref<200x64xf32, #tpu.memory_space<hbm>>)
      %dma_start3A_1154 = arith.constant 7 : i32
      %dma_start3A_1155 = arith.constant 7 : i32
      %dma_start3A_1156 = arith.constant 0 : i32
      %dma_start3A_1157 = arith.constant 0 : i32
      %dma_start3A_1158 = tpu.memref_slice %arg7[%dma_start3A_1154, %dma_start3A_1156, %dma_start3A_1157] : memref<8x200x64xf32, #tpu.memory_space<vmem>> -> memref<1x200x64xf32, #tpu.memory_space<vmem>>
      %dma_start3A_1159 = tpu.memref_squeeze %dma_start3A_1158 : memref<1x200x64xf32, #tpu.memory_space<vmem>> -> memref<200x64xf32, #tpu.memory_space<vmem>>
      %dma_start3A_1160 = tpu.memref_slice %arg9[%dma_start3A_1155] : memref<8x!tpu.dma_semaphore, #tpu.memory_space<semaphore_mem>> -> memref<1x!tpu.dma_semaphore, #tpu.memory_space<semaphore_mem>>
      %dma_start3A_1161 = tpu.memref_squeeze %dma_start3A_1160 : memref<1x!tpu.dma_semaphore, #tpu.memory_space<semaphore_mem>> -> memref<!tpu.dma_semaphore, #tpu.memory_space<semaphore_mem>>
      %dma_start3A_1162 = arith.constant 0 : i32
      %dma_start3A_1163 = arith.constant 0 : i32
      %dma_start3A_1164 = tpu.memref_slice %arg7[%dma_start3A_1154, %dma_start3A_1162, %dma_start3A_1163] : memref<8x200x64xf32, #tpu.memory_space<vmem>> -> memref<1x200x64xf32, #tpu.memory_space<vmem>>
      %dma_start3A_1165 = tpu.memref_squeeze %dma_start3A_1164 : memref<1x200x64xf32, #tpu.memory_space<vmem>> -> memref<200x64xf32, #tpu.memory_space<vmem>>
      tpu.enqueue_dma source(%arg6 : memref<200x64xf32, #tpu.memory_space<vmem_shared>>) target(%dma_start3A_1165 : memref<200x64xf32, #tpu.memory_space<vmem>>) target_semaphore(%dma_start3A_1161 : memref<!tpu.dma_semaphore, #tpu.memory_space<semaphore_mem>>)
      %run_scoped3A_1166 = arith.constant 7 : i32
      "tpu.region"() ({
        %run_scoped3A_1703 = tpu.sem_alloc : memref<!tpu.dma_semaphore, #tpu.memory_space<semaphore_mem>>
        %dma_start3A_1704 = arith.constant 0 : i32
        %dma_start3A_1705 = tpu.memref_slice %arg8[%run_scoped3A_1166, %dma_start3A_1704] : memref<8x200xi32, #tpu.memory_space<vmem>> -> memref<1x200xi32, #tpu.memory_space<vmem>>
        %dma_start3A_1706 = tpu.memref_squeeze %dma_start3A_1705 : memref<1x200xi32, #tpu.memory_space<vmem>> -> memref<200xi32, #tpu.memory_space<vmem>>
        %dma_start3A_1707 = arith.constant 0 : i32
        %dma_start3A_1708 = tpu.memref_slice %arg2[%add3A_1133, %dma_start3A_1707] : memref<4096x200xi32, #tpu.memory_space<hbm>> -> memref<1x200xi32, #tpu.memory_space<hbm>>
        %dma_start3A_1709 = tpu.memref_squeeze %dma_start3A_1708 : memref<1x200xi32, #tpu.memory_space<hbm>> -> memref<200xi32, #tpu.memory_space<hbm>>
        %dma_start3A_1710 = arith.constant 0 : i32
        %dma_start3A_1711 = tpu.memref_slice %arg8[%run_scoped3A_1166, %dma_start3A_1710] : memref<8x200xi32, #tpu.memory_space<vmem>> -> memref<1x200xi32, #tpu.memory_space<vmem>>
        %dma_start3A_1712 = tpu.memref_squeeze %dma_start3A_1711 : memref<1x200xi32, #tpu.memory_space<vmem>> -> memref<200xi32, #tpu.memory_space<vmem>>
        %dma_start3A_1713 = arith.constant 0 : i32
        %dma_start3A_1714 = tpu.memref_slice %arg2[%add3A_1133, %dma_start3A_1713] : memref<4096x200xi32, #tpu.memory_space<hbm>> -> memref<1x200xi32, #tpu.memory_space<hbm>>
        %dma_start3A_1715 = tpu.memref_squeeze %dma_start3A_1714 : memref<1x200xi32, #tpu.memory_space<hbm>> -> memref<200xi32, #tpu.memory_space<hbm>>
        tpu.enqueue_dma source(%dma_start3A_1715 : memref<200xi32, #tpu.memory_space<hbm>>) target(%dma_start3A_1712 : memref<200xi32, #tpu.memory_space<vmem>>) target_semaphore(%run_scoped3A_1703 : memref<!tpu.dma_semaphore, #tpu.memory_space<semaphore_mem>>)
        %dma_wait3A_1716 = arith.constant 0 : i32
        %dma_wait3A_1717 = tpu.memref_slice %arg8[%run_scoped3A_1166, %dma_wait3A_1716] : memref<8x200xi32, #tpu.memory_space<vmem>> -> memref<1x200xi32, #tpu.memory_space<vmem>>
        %dma_wait3A_1718 = tpu.memref_squeeze %dma_wait3A_1717 : memref<1x200xi32, #tpu.memory_space<vmem>> -> memref<200xi32, #tpu.memory_space<vmem>>
        %dma_wait3A_1719 = arith.constant 0 : i32
        %dma_wait3A_1720 = tpu.memref_slice %arg2[%add3A_1133, %dma_wait3A_1719] : memref<4096x200xi32, #tpu.memory_space<hbm>> -> memref<1x200xi32, #tpu.memory_space<hbm>>
        %dma_wait3A_1721 = tpu.memref_squeeze %dma_wait3A_1720 : memref<1x200xi32, #tpu.memory_space<hbm>> -> memref<200xi32, #tpu.memory_space<hbm>>
        %dma_wait3A_1722 = arith.constant 0 : i32
        %dma_wait3A_1723 = tpu.memref_slice %arg8[%run_scoped3A_1166, %dma_wait3A_1722] : memref<8x200xi32, #tpu.memory_space<vmem>> -> memref<1x200xi32, #tpu.memory_space<vmem>>
        %dma_wait3A_1724 = tpu.memref_squeeze %dma_wait3A_1723 : memref<1x200xi32, #tpu.memory_space<vmem>> -> memref<200xi32, #tpu.memory_space<vmem>>
        %dma_wait3A_1725 = arith.constant 0 : i32
        %dma_wait3A_1726 = tpu.memref_slice %arg2[%add3A_1133, %dma_wait3A_1725] : memref<4096x200xi32, #tpu.memory_space<hbm>> -> memref<1x200xi32, #tpu.memory_space<hbm>>
        %dma_wait3A_1727 = tpu.memref_squeeze %dma_wait3A_1726 : memref<1x200xi32, #tpu.memory_space<hbm>> -> memref<200xi32, #tpu.memory_space<hbm>>
        tpu.wait_dma2 semaphore(%run_scoped3A_1703 : memref<!tpu.dma_semaphore, #tpu.memory_space<semaphore_mem>>) src(%dma_wait3A_1727 : memref<200xi32, #tpu.memory_space<hbm>>) dst(%dma_wait3A_1724 : memref<200xi32, #tpu.memory_space<vmem>>)
        tpu.yield
      }) : () -> ()
      %dma_wait3A_1167 = arith.constant 0 : i32
      %dma_wait3A_1168 = arith.constant 0 : i32
      %dma_wait3A_1169 = arith.constant 0 : i32
      %dma_wait3A_1170 = arith.constant 0 : i32
      %dma_wait3A_1171 = tpu.memref_slice %arg7[%dma_wait3A_1167, %dma_wait3A_1169, %dma_wait3A_1170] : memref<8x200x64xf32, #tpu.memory_space<vmem>> -> memref<1x200x64xf32, #tpu.memory_space<vmem>>
      %dma_wait3A_1172 = tpu.memref_squeeze %dma_wait3A_1171 : memref<1x200x64xf32, #tpu.memory_space<vmem>> -> memref<200x64xf32, #tpu.memory_space<vmem>>
      %dma_wait3A_1173 = tpu.memref_slice %arg9[%dma_wait3A_1168] : memref<8x!tpu.dma_semaphore, #tpu.memory_space<semaphore_mem>> -> memref<1x!tpu.dma_semaphore, #tpu.memory_space<semaphore_mem>>
      %dma_wait3A_1174 = tpu.memref_squeeze %dma_wait3A_1173 : memref<1x!tpu.dma_semaphore, #tpu.memory_space<semaphore_mem>> -> memref<!tpu.dma_semaphore, #tpu.memory_space<semaphore_mem>>
      %dma_wait3A_1175 = arith.constant 0 : i32
      %dma_wait3A_1176 = arith.constant 0 : i32
      %dma_wait3A_1177 = tpu.memref_slice %arg7[%dma_wait3A_1167, %dma_wait3A_1175, %dma_wait3A_1176] : memref<8x200x64xf32, #tpu.memory_space<vmem>> -> memref<1x200x64xf32, #tpu.memory_space<vmem>>
      %dma_wait3A_1178 = tpu.memref_squeeze %dma_wait3A_1177 : memref<1x200x64xf32, #tpu.memory_space<vmem>> -> memref<200x64xf32, #tpu.memory_space<vmem>>
      tpu.wait_dma2 semaphore(%dma_wait3A_1174 : memref<!tpu.dma_semaphore, #tpu.memory_space<semaphore_mem>>) src(%arg6 : memref<200x64xf32, #tpu.memory_space<vmem_shared>>) dst(%dma_wait3A_1178 : memref<200x64xf32, #tpu.memory_space<vmem>>)
      %dma_start3A_1179 = arith.constant 0 : i32
      %dma_start3A_1180 = arith.constant 0 : i32
      %dma_start3A_1181 = arith.constant 0 : i32
      %dma_start3A_1182 = arith.constant 0 : i32
      %dma_start3A_1183 = arith.constant 0 : i32
      %dma_start3A_1184 = tpu.memref_slice %arg7[%dma_start3A_1180, %dma_start3A_1182, %dma_start3A_1183] : memref<8x200x64xf32, #tpu.memory_space<vmem>> -> memref<1x200x64xf32, #tpu.memory_space<vmem>>
      %dma_start3A_1185 = tpu.memref_squeeze %dma_start3A_1184 : memref<1x200x64xf32, #tpu.memory_space<vmem>> -> memref<200x64xf32, #tpu.memory_space<vmem>>
      %dma_start3A_1186 = arith.constant 0 : i32
      %dma_start3A_1187 = tpu.memref_slice %arg8[%dma_start3A_1179, %dma_start3A_1186] : memref<8x200xi32, #tpu.memory_space<vmem>> -> memref<1x200xi32, #tpu.memory_space<vmem>>
      %dma_start3A_1188 = tpu.memref_squeeze %dma_start3A_1187 : memref<1x200xi32, #tpu.memory_space<vmem>> -> memref<200xi32, #tpu.memory_space<vmem>>
      %dma_start3A_1189 = arith.constant 0 : i32
      %dma_start3A_1190 = arith.constant 0 : i32
      %dma_start3A_1191 = tpu.memref_slice %arg3[%dma_start3A_1189, %dma_start3A_1190] : memref<1000000x64xf32, #tpu.memory_space<hbm>> -> memref<1000000x64xf32, #tpu.memory_space<hbm>>
      %dma_start3A_1192 = tpu.memref_slice %arg10[%dma_start3A_1181] : memref<8x!tpu.dma_semaphore, #tpu.memory_space<semaphore_mem>> -> memref<1x!tpu.dma_semaphore, #tpu.memory_space<semaphore_mem>>
      %dma_start3A_1193 = tpu.memref_squeeze %dma_start3A_1192 : memref<1x!tpu.dma_semaphore, #tpu.memory_space<semaphore_mem>> -> memref<!tpu.dma_semaphore, #tpu.memory_space<semaphore_mem>>
      tpu.enqueue_indirect_dma source(%dma_start3A_1191 : memref<1000000x64xf32, #tpu.memory_space<hbm>>) target(%dma_start3A_1185 : memref<200x64xf32, #tpu.memory_space<vmem>>) offsets(%dma_start3A_1188 : memref<200xi32, #tpu.memory_space<vmem>>) semaphore(%dma_start3A_1193 : memref<!tpu.dma_semaphore, #tpu.memory_space<semaphore_mem>>) {add = true}
      %dma_wait3A_1194 = arith.constant 1 : i32
      %dma_wait3A_1195 = arith.constant 1 : i32
      %dma_wait3A_1196 = arith.constant 0 : i32
      %dma_wait3A_1197 = arith.constant 0 : i32
      %dma_wait3A_1198 = tpu.memref_slice %arg7[%dma_wait3A_1194, %dma_wait3A_1196, %dma_wait3A_1197] : memref<8x200x64xf32, #tpu.memory_space<vmem>> -> memref<1x200x64xf32, #tpu.memory_space<vmem>>
      %dma_wait3A_1199 = tpu.memref_squeeze %dma_wait3A_1198 : memref<1x200x64xf32, #tpu.memory_space<vmem>> -> memref<200x64xf32, #tpu.memory_space<vmem>>
      %dma_wait3A_1200 = tpu.memref_slice %arg9[%dma_wait3A_1195] : memref<8x!tpu.dma_semaphore, #tpu.memory_space<semaphore_mem>> -> memref<1x!tpu.dma_semaphore, #tpu.memory_space<semaphore_mem>>
      %dma_wait3A_1201 = tpu.memref_squeeze %dma_wait3A_1200 : memref<1x!tpu.dma_semaphore, #tpu.memory_space<semaphore_mem>> -> memref<!tpu.dma_semaphore, #tpu.memory_space<semaphore_mem>>
      %dma_wait3A_1202 = arith.constant 0 : i32
      %dma_wait3A_1203 = arith.constant 0 : i32
      %dma_wait3A_1204 = tpu.memref_slice %arg7[%dma_wait3A_1194, %dma_wait3A_1202, %dma_wait3A_1203] : memref<8x200x64xf32, #tpu.memory_space<vmem>> -> memref<1x200x64xf32, #tpu.memory_space<vmem>>
      %dma_wait3A_1205 = tpu.memref_squeeze %dma_wait3A_1204 : memref<1x200x64xf32, #tpu.memory_space<vmem>> -> memref<200x64xf32, #tpu.memory_space<vmem>>
      tpu.wait_dma2 semaphore(%dma_wait3A_1201 : memref<!tpu.dma_semaphore, #tpu.memory_space<semaphore_mem>>) src(%arg6 : memref<200x64xf32, #tpu.memory_space<vmem_shared>>) dst(%dma_wait3A_1205 : memref<200x64xf32, #tpu.memory_space<vmem>>)
      %dma_start3A_1206 = arith.constant 1 : i32
      %dma_start3A_1207 = arith.constant 1 : i32
      %dma_start3A_1208 = arith.constant 1 : i32
      %dma_start3A_1209 = arith.constant 0 : i32
      %dma_start3A_1210 = arith.constant 0 : i32
      %dma_start3A_1211 = tpu.memref_slice %arg7[%dma_start3A_1207, %dma_start3A_1209, %dma_start3A_1210] : memref<8x200x64xf32, #tpu.memory_space<vmem>> -> memref<1x200x64xf32, #tpu.memory_space<vmem>>
      %dma_start3A_1212 = tpu.memref_squeeze %dma_start3A_1211 : memref<1x200x64xf32, #tpu.memory_space<vmem>> -> memref<200x64xf32, #tpu.memory_space<vmem>>
      %dma_start3A_1213 = arith.constant 0 : i32
      %dma_start3A_1214 = tpu.memref_slice %arg8[%dma_start3A_1206, %dma_start3A_1213] : memref<8x200xi32, #tpu.memory_space<vmem>> -> memref<1x200xi32, #tpu.memory_space<vmem>>
      %dma_start3A_1215 = tpu.memref_squeeze %dma_start3A_1214 : memref<1x200xi32, #tpu.memory_space<vmem>> -> memref<200xi32, #tpu.memory_space<vmem>>
      %dma_start3A_1216 = arith.constant 0 : i32
      %dma_start3A_1217 = arith.constant 0 : i32
      %dma_start3A_1218 = tpu.memref_slice %arg3[%dma_start3A_1216, %dma_start3A_1217] : memref<1000000x64xf32, #tpu.memory_space<hbm>> -> memref<1000000x64xf32, #tpu.memory_space<hbm>>
      %dma_start3A_1219 = tpu.memref_slice %arg10[%dma_start3A_1208] : memref<8x!tpu.dma_semaphore, #tpu.memory_space<semaphore_mem>> -> memref<1x!tpu.dma_semaphore, #tpu.memory_space<semaphore_mem>>
      %dma_start3A_1220 = tpu.memref_squeeze %dma_start3A_1219 : memref<1x!tpu.dma_semaphore, #tpu.memory_space<semaphore_mem>> -> memref<!tpu.dma_semaphore, #tpu.memory_space<semaphore_mem>>
      tpu.enqueue_indirect_dma source(%dma_start3A_1218 : memref<1000000x64xf32, #tpu.memory_space<hbm>>) target(%dma_start3A_1212 : memref<200x64xf32, #tpu.memory_space<vmem>>) offsets(%dma_start3A_1215 : memref<200xi32, #tpu.memory_space<vmem>>) semaphore(%dma_start3A_1220 : memref<!tpu.dma_semaphore, #tpu.memory_space<semaphore_mem>>) {add = true}
      %dma_wait3A_1221 = arith.constant 2 : i32
      %dma_wait3A_1222 = arith.constant 2 : i32
      %dma_wait3A_1223 = arith.constant 0 : i32
      %dma_wait3A_1224 = arith.constant 0 : i32
      %dma_wait3A_1225 = tpu.memref_slice %arg7[%dma_wait3A_1221, %dma_wait3A_1223, %dma_wait3A_1224] : memref<8x200x64xf32, #tpu.memory_space<vmem>> -> memref<1x200x64xf32, #tpu.memory_space<vmem>>
      %dma_wait3A_1226 = tpu.memref_squeeze %dma_wait3A_1225 : memref<1x200x64xf32, #tpu.memory_space<vmem>> -> memref<200x64xf32, #tpu.memory_space<vmem>>
      %dma_wait3A_1227 = tpu.memref_slice %arg9[%dma_wait3A_1222] : memref<8x!tpu.dma_semaphore, #tpu.memory_space<semaphore_mem>> -> memref<1x!tpu.dma_semaphore, #tpu.memory_space<semaphore_mem>>
      %dma_wait3A_1228 = tpu.memref_squeeze %dma_wait3A_1227 : memref<1x!tpu.dma_semaphore, #tpu.memory_space<semaphore_mem>> -> memref<!tpu.dma_semaphore, #tpu.memory_space<semaphore_mem>>
      %dma_wait3A_1229 = arith.constant 0 : i32
      %dma_wait3A_1230 = arith.constant 0 : i32
      %dma_wait3A_1231 = tpu.memref_slice %arg7[%dma_wait3A_1221, %dma_wait3A_1229, %dma_wait3A_1230] : memref<8x200x64xf32, #tpu.memory_space<vmem>> -> memref<1x200x64xf32, #tpu.memory_space<vmem>>
      %dma_wait3A_1232 = tpu.memref_squeeze %dma_wait3A_1231 : memref<1x200x64xf32, #tpu.memory_space<vmem>> -> memref<200x64xf32, #tpu.memory_space<vmem>>
      tpu.wait_dma2 semaphore(%dma_wait3A_1228 : memref<!tpu.dma_semaphore, #tpu.memory_space<semaphore_mem>>) src(%arg6 : memref<200x64xf32, #tpu.memory_space<vmem_shared>>) dst(%dma_wait3A_1232 : memref<200x64xf32, #tpu.memory_space<vmem>>)
      %dma_start3A_1233 = arith.constant 2 : i32
      %dma_start3A_1234 = arith.constant 2 : i32
      %dma_start3A_1235 = arith.constant 2 : i32
      %dma_start3A_1236 = arith.constant 0 : i32
      %dma_start3A_1237 = arith.constant 0 : i32
      %dma_start3A_1238 = tpu.memref_slice %arg7[%dma_start3A_1234, %dma_start3A_1236, %dma_start3A_1237] : memref<8x200x64xf32, #tpu.memory_space<vmem>> -> memref<1x200x64xf32, #tpu.memory_space<vmem>>
      %dma_start3A_1239 = tpu.memref_squeeze %dma_start3A_1238 : memref<1x200x64xf32, #tpu.memory_space<vmem>> -> memref<200x64xf32, #tpu.memory_space<vmem>>
      %dma_start3A_1240 = arith.constant 0 : i32
      %dma_start3A_1241 = tpu.memref_slice %arg8[%dma_start3A_1233, %dma_start3A_1240] : memref<8x200xi32, #tpu.memory_space<vmem>> -> memref<1x200xi32, #tpu.memory_space<vmem>>
      %dma_start3A_1242 = tpu.memref_squeeze %dma_start3A_1241 : memref<1x200xi32, #tpu.memory_space<vmem>> -> memref<200xi32, #tpu.memory_space<vmem>>
      %dma_start3A_1243 = arith.constant 0 : i32
      %dma_start3A_1244 = arith.constant 0 : i32
      %dma_start3A_1245 = tpu.memref_slice %arg3[%dma_start3A_1243, %dma_start3A_1244] : memref<1000000x64xf32, #tpu.memory_space<hbm>> -> memref<1000000x64xf32, #tpu.memory_space<hbm>>
      %dma_start3A_1246 = tpu.memref_slice %arg10[%dma_start3A_1235] : memref<8x!tpu.dma_semaphore, #tpu.memory_space<semaphore_mem>> -> memref<1x!tpu.dma_semaphore, #tpu.memory_space<semaphore_mem>>
      %dma_start3A_1247 = tpu.memref_squeeze %dma_start3A_1246 : memref<1x!tpu.dma_semaphore, #tpu.memory_space<semaphore_mem>> -> memref<!tpu.dma_semaphore, #tpu.memory_space<semaphore_mem>>
      tpu.enqueue_indirect_dma source(%dma_start3A_1245 : memref<1000000x64xf32, #tpu.memory_space<hbm>>) target(%dma_start3A_1239 : memref<200x64xf32, #tpu.memory_space<vmem>>) offsets(%dma_start3A_1242 : memref<200xi32, #tpu.memory_space<vmem>>) semaphore(%dma_start3A_1247 : memref<!tpu.dma_semaphore, #tpu.memory_space<semaphore_mem>>) {add = true}
      %dma_wait3A_1248 = arith.constant 3 : i32
      %dma_wait3A_1249 = arith.constant 3 : i32
      %dma_wait3A_1250 = arith.constant 0 : i32
      %dma_wait3A_1251 = arith.constant 0 : i32
      %dma_wait3A_1252 = tpu.memref_slice %arg7[%dma_wait3A_1248, %dma_wait3A_1250, %dma_wait3A_1251] : memref<8x200x64xf32, #tpu.memory_space<vmem>> -> memref<1x200x64xf32, #tpu.memory_space<vmem>>
      %dma_wait3A_1253 = tpu.memref_squeeze %dma_wait3A_1252 : memref<1x200x64xf32, #tpu.memory_space<vmem>> -> memref<200x64xf32, #tpu.memory_space<vmem>>
      %dma_wait3A_1254 = tpu.memref_slice %arg9[%dma_wait3A_1249] : memref<8x!tpu.dma_semaphore, #tpu.memory_space<semaphore_mem>> -> memref<1x!tpu.dma_semaphore, #tpu.memory_space<semaphore_mem>>
      %dma_wait3A_1255 = tpu.memref_squeeze %dma_wait3A_1254 : memref<1x!tpu.dma_semaphore, #tpu.memory_space<semaphore_mem>> -> memref<!tpu.dma_semaphore, #tpu.memory_space<semaphore_mem>>
      %dma_wait3A_1256 = arith.constant 0 : i32
      %dma_wait3A_1257 = arith.constant 0 : i32
      %dma_wait3A_1258 = tpu.memref_slice %arg7[%dma_wait3A_1248, %dma_wait3A_1256, %dma_wait3A_1257] : memref<8x200x64xf32, #tpu.memory_space<vmem>> -> memref<1x200x64xf32, #tpu.memory_space<vmem>>
      %dma_wait3A_1259 = tpu.memref_squeeze %dma_wait3A_1258 : memref<1x200x64xf32, #tpu.memory_space<vmem>> -> memref<200x64xf32, #tpu.memory_space<vmem>>
      tpu.wait_dma2 semaphore(%dma_wait3A_1255 : memref<!tpu.dma_semaphore, #tpu.memory_space<semaphore_mem>>) src(%arg6 : memref<200x64xf32, #tpu.memory_space<vmem_shared>>) dst(%dma_wait3A_1259 : memref<200x64xf32, #tpu.memory_space<vmem>>)
      %dma_start3A_1260 = arith.constant 3 : i32
      %dma_start3A_1261 = arith.constant 3 : i32
      %dma_start3A_1262 = arith.constant 3 : i32
      %dma_start3A_1263 = arith.constant 0 : i32
      %dma_start3A_1264 = arith.constant 0 : i32
      %dma_start3A_1265 = tpu.memref_slice %arg7[%dma_start3A_1261, %dma_start3A_1263, %dma_start3A_1264] : memref<8x200x64xf32, #tpu.memory_space<vmem>> -> memref<1x200x64xf32, #tpu.memory_space<vmem>>
      %dma_start3A_1266 = tpu.memref_squeeze %dma_start3A_1265 : memref<1x200x64xf32, #tpu.memory_space<vmem>> -> memref<200x64xf32, #tpu.memory_space<vmem>>
      %dma_start3A_1267 = arith.constant 0 : i32
      %dma_start3A_1268 = tpu.memref_slice %arg8[%dma_start3A_1260, %dma_start3A_1267] : memref<8x200xi32, #tpu.memory_space<vmem>> -> memref<1x200xi32, #tpu.memory_space<vmem>>
      %dma_start3A_1269 = tpu.memref_squeeze %dma_start3A_1268 : memref<1x200xi32, #tpu.memory_space<vmem>> -> memref<200xi32, #tpu.memory_space<vmem>>
      %dma_start3A_1270 = arith.constant 0 : i32
      %dma_start3A_1271 = arith.constant 0 : i32
      %dma_start3A_1272 = tpu.memref_slice %arg3[%dma_start3A_1270, %dma_start3A_1271] : memref<1000000x64xf32, #tpu.memory_space<hbm>> -> memref<1000000x64xf32, #tpu.memory_space<hbm>>
      %dma_start3A_1273 = tpu.memref_slice %arg10[%dma_start3A_1262] : memref<8x!tpu.dma_semaphore, #tpu.memory_space<semaphore_mem>> -> memref<1x!tpu.dma_semaphore, #tpu.memory_space<semaphore_mem>>
      %dma_start3A_1274 = tpu.memref_squeeze %dma_start3A_1273 : memref<1x!tpu.dma_semaphore, #tpu.memory_space<semaphore_mem>> -> memref<!tpu.dma_semaphore, #tpu.memory_space<semaphore_mem>>
      tpu.enqueue_indirect_dma source(%dma_start3A_1272 : memref<1000000x64xf32, #tpu.memory_space<hbm>>) target(%dma_start3A_1266 : memref<200x64xf32, #tpu.memory_space<vmem>>) offsets(%dma_start3A_1269 : memref<200xi32, #tpu.memory_space<vmem>>) semaphore(%dma_start3A_1274 : memref<!tpu.dma_semaphore, #tpu.memory_space<semaphore_mem>>) {add = true}
      %dma_wait3A_1275 = arith.constant 4 : i32
      %dma_wait3A_1276 = arith.constant 4 : i32
      %dma_wait3A_1277 = arith.constant 0 : i32
      %dma_wait3A_1278 = arith.constant 0 : i32
      %dma_wait3A_1279 = tpu.memref_slice %arg7[%dma_wait3A_1275, %dma_wait3A_1277, %dma_wait3A_1278] : memref<8x200x64xf32, #tpu.memory_space<vmem>> -> memref<1x200x64xf32, #tpu.memory_space<vmem>>
      %dma_wait3A_1280 = tpu.memref_squeeze %dma_wait3A_1279 : memref<1x200x64xf32, #tpu.memory_space<vmem>> -> memref<200x64xf32, #tpu.memory_space<vmem>>
      %dma_wait3A_1281 = tpu.memref_slice %arg9[%dma_wait3A_1276] : memref<8x!tpu.dma_semaphore, #tpu.memory_space<semaphore_mem>> -> memref<1x!tpu.dma_semaphore, #tpu.memory_space<semaphore_mem>>
      %dma_wait3A_1282 = tpu.memref_squeeze %dma_wait3A_1281 : memref<1x!tpu.dma_semaphore, #tpu.memory_space<semaphore_mem>> -> memref<!tpu.dma_semaphore, #tpu.memory_space<semaphore_mem>>
      %dma_wait3A_1283 = arith.constant 0 : i32
      %dma_wait3A_1284 = arith.constant 0 : i32
      %dma_wait3A_1285 = tpu.memref_slice %arg7[%dma_wait3A_1275, %dma_wait3A_1283, %dma_wait3A_1284] : memref<8x200x64xf32, #tpu.memory_space<vmem>> -> memref<1x200x64xf32, #tpu.memory_space<vmem>>
      %dma_wait3A_1286 = tpu.memref_squeeze %dma_wait3A_1285 : memref<1x200x64xf32, #tpu.memory_space<vmem>> -> memref<200x64xf32, #tpu.memory_space<vmem>>
      tpu.wait_dma2 semaphore(%dma_wait3A_1282 : memref<!tpu.dma_semaphore, #tpu.memory_space<semaphore_mem>>) src(%arg6 : memref<200x64xf32, #tpu.memory_space<vmem_shared>>) dst(%dma_wait3A_1286 : memref<200x64xf32, #tpu.memory_space<vmem>>)
      %dma_start3A_1287 = arith.constant 4 : i32
      %dma_start3A_1288 = arith.constant 4 : i32
      %dma_start3A_1289 = arith.constant 4 : i32
      %dma_start3A_1290 = arith.constant 0 : i32
      %dma_start3A_1291 = arith.constant 0 : i32
      %dma_start3A_1292 = tpu.memref_slice %arg7[%dma_start3A_1288, %dma_start3A_1290, %dma_start3A_1291] : memref<8x200x64xf32, #tpu.memory_space<vmem>> -> memref<1x200x64xf32, #tpu.memory_space<vmem>>
      %dma_start3A_1293 = tpu.memref_squeeze %dma_start3A_1292 : memref<1x200x64xf32, #tpu.memory_space<vmem>> -> memref<200x64xf32, #tpu.memory_space<vmem>>
      %dma_start3A_1294 = arith.constant 0 : i32
      %dma_start3A_1295 = tpu.memref_slice %arg8[%dma_start3A_1287, %dma_start3A_1294] : memref<8x200xi32, #tpu.memory_space<vmem>> -> memref<1x200xi32, #tpu.memory_space<vmem>>
      %dma_start3A_1296 = tpu.memref_squeeze %dma_start3A_1295 : memref<1x200xi32, #tpu.memory_space<vmem>> -> memref<200xi32, #tpu.memory_space<vmem>>
      %dma_start3A_1297 = arith.constant 0 : i32
      %dma_start3A_1298 = arith.constant 0 : i32
      %dma_start3A_1299 = tpu.memref_slice %arg3[%dma_start3A_1297, %dma_start3A_1298] : memref<1000000x64xf32, #tpu.memory_space<hbm>> -> memref<1000000x64xf32, #tpu.memory_space<hbm>>
      %dma_start3A_1300 = tpu.memref_slice %arg10[%dma_start3A_1289] : memref<8x!tpu.dma_semaphore, #tpu.memory_space<semaphore_mem>> -> memref<1x!tpu.dma_semaphore, #tpu.memory_space<semaphore_mem>>
      %dma_start3A_1301 = tpu.memref_squeeze %dma_start3A_1300 : memref<1x!tpu.dma_semaphore, #tpu.memory_space<semaphore_mem>> -> memref<!tpu.dma_semaphore, #tpu.memory_space<semaphore_mem>>
      tpu.enqueue_indirect_dma source(%dma_start3A_1299 : memref<1000000x64xf32, #tpu.memory_space<hbm>>) target(%dma_start3A_1293 : memref<200x64xf32, #tpu.memory_space<vmem>>) offsets(%dma_start3A_1296 : memref<200xi32, #tpu.memory_space<vmem>>) semaphore(%dma_start3A_1301 : memref<!tpu.dma_semaphore, #tpu.memory_space<semaphore_mem>>) {add = true}
      %dma_wait3A_1302 = arith.constant 5 : i32
      %dma_wait3A_1303 = arith.constant 5 : i32
      %dma_wait3A_1304 = arith.constant 0 : i32
      %dma_wait3A_1305 = arith.constant 0 : i32
      %dma_wait3A_1306 = tpu.memref_slice %arg7[%dma_wait3A_1302, %dma_wait3A_1304, %dma_wait3A_1305] : memref<8x200x64xf32, #tpu.memory_space<vmem>> -> memref<1x200x64xf32, #tpu.memory_space<vmem>>
      %dma_wait3A_1307 = tpu.memref_squeeze %dma_wait3A_1306 : memref<1x200x64xf32, #tpu.memory_space<vmem>> -> memref<200x64xf32, #tpu.memory_space<vmem>>
      %dma_wait3A_1308 = tpu.memref_slice %arg9[%dma_wait3A_1303] : memref<8x!tpu.dma_semaphore, #tpu.memory_space<semaphore_mem>> -> memref<1x!tpu.dma_semaphore, #tpu.memory_space<semaphore_mem>>
      %dma_wait3A_1309 = tpu.memref_squeeze %dma_wait3A_1308 : memref<1x!tpu.dma_semaphore, #tpu.memory_space<semaphore_mem>> -> memref<!tpu.dma_semaphore, #tpu.memory_space<semaphore_mem>>
      %dma_wait3A_1310 = arith.constant 0 : i32
      %dma_wait3A_1311 = arith.constant 0 : i32
      %dma_wait3A_1312 = tpu.memref_slice %arg7[%dma_wait3A_1302, %dma_wait3A_1310, %dma_wait3A_1311] : memref<8x200x64xf32, #tpu.memory_space<vmem>> -> memref<1x200x64xf32, #tpu.memory_space<vmem>>
      %dma_wait3A_1313 = tpu.memref_squeeze %dma_wait3A_1312 : memref<1x200x64xf32, #tpu.memory_space<vmem>> -> memref<200x64xf32, #tpu.memory_space<vmem>>
      tpu.wait_dma2 semaphore(%dma_wait3A_1309 : memref<!tpu.dma_semaphore, #tpu.memory_space<semaphore_mem>>) src(%arg6 : memref<200x64xf32, #tpu.memory_space<vmem_shared>>) dst(%dma_wait3A_1313 : memref<200x64xf32, #tpu.memory_space<vmem>>)
      %dma_start3A_1314 = arith.constant 5 : i32
      %dma_start3A_1315 = arith.constant 5 : i32
      %dma_start3A_1316 = arith.constant 5 : i32
      %dma_start3A_1317 = arith.constant 0 : i32
      %dma_start3A_1318 = arith.constant 0 : i32
      %dma_start3A_1319 = tpu.memref_slice %arg7[%dma_start3A_1315, %dma_start3A_1317, %dma_start3A_1318] : memref<8x200x64xf32, #tpu.memory_space<vmem>> -> memref<1x200x64xf32, #tpu.memory_space<vmem>>
      %dma_start3A_1320 = tpu.memref_squeeze %dma_start3A_1319 : memref<1x200x64xf32, #tpu.memory_space<vmem>> -> memref<200x64xf32, #tpu.memory_space<vmem>>
      %dma_start3A_1321 = arith.constant 0 : i32
      %dma_start3A_1322 = tpu.memref_slice %arg8[%dma_start3A_1314, %dma_start3A_1321] : memref<8x200xi32, #tpu.memory_space<vmem>> -> memref<1x200xi32, #tpu.memory_space<vmem>>
      %dma_start3A_1323 = tpu.memref_squeeze %dma_start3A_1322 : memref<1x200xi32, #tpu.memory_space<vmem>> -> memref<200xi32, #tpu.memory_space<vmem>>
      %dma_start3A_1324 = arith.constant 0 : i32
      %dma_start3A_1325 = arith.constant 0 : i32
      %dma_start3A_1326 = tpu.memref_slice %arg3[%dma_start3A_1324, %dma_start3A_1325] : memref<1000000x64xf32, #tpu.memory_space<hbm>> -> memref<1000000x64xf32, #tpu.memory_space<hbm>>
      %dma_start3A_1327 = tpu.memref_slice %arg10[%dma_start3A_1316] : memref<8x!tpu.dma_semaphore, #tpu.memory_space<semaphore_mem>> -> memref<1x!tpu.dma_semaphore, #tpu.memory_space<semaphore_mem>>
      %dma_start3A_1328 = tpu.memref_squeeze %dma_start3A_1327 : memref<1x!tpu.dma_semaphore, #tpu.memory_space<semaphore_mem>> -> memref<!tpu.dma_semaphore, #tpu.memory_space<semaphore_mem>>
      tpu.enqueue_indirect_dma source(%dma_start3A_1326 : memref<1000000x64xf32, #tpu.memory_space<hbm>>) target(%dma_start3A_1320 : memref<200x64xf32, #tpu.memory_space<vmem>>) offsets(%dma_start3A_1323 : memref<200xi32, #tpu.memory_space<vmem>>) semaphore(%dma_start3A_1328 : memref<!tpu.dma_semaphore, #tpu.memory_space<semaphore_mem>>) {add = true}
      %dma_wait3A_1329 = arith.constant 6 : i32
      %dma_wait3A_1330 = arith.constant 6 : i32
      %dma_wait3A_1331 = arith.constant 0 : i32
      %dma_wait3A_1332 = arith.constant 0 : i32
      %dma_wait3A_1333 = tpu.memref_slice %arg7[%dma_wait3A_1329, %dma_wait3A_1331, %dma_wait3A_1332] : memref<8x200x64xf32, #tpu.memory_space<vmem>> -> memref<1x200x64xf32, #tpu.memory_space<vmem>>
      %dma_wait3A_1334 = tpu.memref_squeeze %dma_wait3A_1333 : memref<1x200x64xf32, #tpu.memory_space<vmem>> -> memref<200x64xf32, #tpu.memory_space<vmem>>
      %dma_wait3A_1335 = tpu.memref_slice %arg9[%dma_wait3A_1330] : memref<8x!tpu.dma_semaphore, #tpu.memory_space<semaphore_mem>> -> memref<1x!tpu.dma_semaphore, #tpu.memory_space<semaphore_mem>>
      %dma_wait3A_1336 = tpu.memref_squeeze %dma_wait3A_1335 : memref<1x!tpu.dma_semaphore, #tpu.memory_space<semaphore_mem>> -> memref<!tpu.dma_semaphore, #tpu.memory_space<semaphore_mem>>
      %dma_wait3A_1337 = arith.constant 0 : i32
      %dma_wait3A_1338 = arith.constant 0 : i32
      %dma_wait3A_1339 = tpu.memref_slice %arg7[%dma_wait3A_1329, %dma_wait3A_1337, %dma_wait3A_1338] : memref<8x200x64xf32, #tpu.memory_space<vmem>> -> memref<1x200x64xf32, #tpu.memory_space<vmem>>
      %dma_wait3A_1340 = tpu.memref_squeeze %dma_wait3A_1339 : memref<1x200x64xf32, #tpu.memory_space<vmem>> -> memref<200x64xf32, #tpu.memory_space<vmem>>
      tpu.wait_dma2 semaphore(%dma_wait3A_1336 : memref<!tpu.dma_semaphore, #tpu.memory_space<semaphore_mem>>) src(%arg6 : memref<200x64xf32, #tpu.memory_space<vmem_shared>>) dst(%dma_wait3A_1340 : memref<200x64xf32, #tpu.memory_space<vmem>>)
      %dma_start3A_1341 = arith.constant 6 : i32
      %dma_start3A_1342 = arith.constant 6 : i32
      %dma_start3A_1343 = arith.constant 6 : i32
      %dma_start3A_1344 = arith.constant 0 : i32
      %dma_start3A_1345 = arith.constant 0 : i32
      %dma_start3A_1346 = tpu.memref_slice %arg7[%dma_start3A_1342, %dma_start3A_1344, %dma_start3A_1345] : memref<8x200x64xf32, #tpu.memory_space<vmem>> -> memref<1x200x64xf32, #tpu.memory_space<vmem>>
      %dma_start3A_1347 = tpu.memref_squeeze %dma_start3A_1346 : memref<1x200x64xf32, #tpu.memory_space<vmem>> -> memref<200x64xf32, #tpu.memory_space<vmem>>
      %dma_start3A_1348 = arith.constant 0 : i32
      %dma_start3A_1349 = tpu.memref_slice %arg8[%dma_start3A_1341, %dma_start3A_1348] : memref<8x200xi32, #tpu.memory_space<vmem>> -> memref<1x200xi32, #tpu.memory_space<vmem>>
      %dma_start3A_1350 = tpu.memref_squeeze %dma_start3A_1349 : memref<1x200xi32, #tpu.memory_space<vmem>> -> memref<200xi32, #tpu.memory_space<vmem>>
      %dma_start3A_1351 = arith.constant 0 : i32
      %dma_start3A_1352 = arith.constant 0 : i32
      %dma_start3A_1353 = tpu.memref_slice %arg3[%dma_start3A_1351, %dma_start3A_1352] : memref<1000000x64xf32, #tpu.memory_space<hbm>> -> memref<1000000x64xf32, #tpu.memory_space<hbm>>
      %dma_start3A_1354 = tpu.memref_slice %arg10[%dma_start3A_1343] : memref<8x!tpu.dma_semaphore, #tpu.memory_space<semaphore_mem>> -> memref<1x!tpu.dma_semaphore, #tpu.memory_space<semaphore_mem>>
      %dma_start3A_1355 = tpu.memref_squeeze %dma_start3A_1354 : memref<1x!tpu.dma_semaphore, #tpu.memory_space<semaphore_mem>> -> memref<!tpu.dma_semaphore, #tpu.memory_space<semaphore_mem>>
      tpu.enqueue_indirect_dma source(%dma_start3A_1353 : memref<1000000x64xf32, #tpu.memory_space<hbm>>) target(%dma_start3A_1347 : memref<200x64xf32, #tpu.memory_space<vmem>>) offsets(%dma_start3A_1350 : memref<200xi32, #tpu.memory_space<vmem>>) semaphore(%dma_start3A_1355 : memref<!tpu.dma_semaphore, #tpu.memory_space<semaphore_mem>>) {add = true}
      %dma_wait3A_1356 = arith.constant 7 : i32
      %dma_wait3A_1357 = arith.constant 7 : i32
      %dma_wait3A_1358 = arith.constant 0 : i32
      %dma_wait3A_1359 = arith.constant 0 : i32
      %dma_wait3A_1360 = tpu.memref_slice %arg7[%dma_wait3A_1356, %dma_wait3A_1358, %dma_wait3A_1359] : memref<8x200x64xf32, #tpu.memory_space<vmem>> -> memref<1x200x64xf32, #tpu.memory_space<vmem>>
      %dma_wait3A_1361 = tpu.memref_squeeze %dma_wait3A_1360 : memref<1x200x64xf32, #tpu.memory_space<vmem>> -> memref<200x64xf32, #tpu.memory_space<vmem>>
      %dma_wait3A_1362 = tpu.memref_slice %arg9[%dma_wait3A_1357] : memref<8x!tpu.dma_semaphore, #tpu.memory_space<semaphore_mem>> -> memref<1x!tpu.dma_semaphore, #tpu.memory_space<semaphore_mem>>
      %dma_wait3A_1363 = tpu.memref_squeeze %dma_wait3A_1362 : memref<1x!tpu.dma_semaphore, #tpu.memory_space<semaphore_mem>> -> memref<!tpu.dma_semaphore, #tpu.memory_space<semaphore_mem>>
      %dma_wait3A_1364 = arith.constant 0 : i32
      %dma_wait3A_1365 = arith.constant 0 : i32
      %dma_wait3A_1366 = tpu.memref_slice %arg7[%dma_wait3A_1356, %dma_wait3A_1364, %dma_wait3A_1365] : memref<8x200x64xf32, #tpu.memory_space<vmem>> -> memref<1x200x64xf32, #tpu.memory_space<vmem>>
      %dma_wait3A_1367 = tpu.memref_squeeze %dma_wait3A_1366 : memref<1x200x64xf32, #tpu.memory_space<vmem>> -> memref<200x64xf32, #tpu.memory_space<vmem>>
      tpu.wait_dma2 semaphore(%dma_wait3A_1363 : memref<!tpu.dma_semaphore, #tpu.memory_space<semaphore_mem>>) src(%arg6 : memref<200x64xf32, #tpu.memory_space<vmem_shared>>) dst(%dma_wait3A_1367 : memref<200x64xf32, #tpu.memory_space<vmem>>)
      %dma_start3A_1368 = arith.constant 7 : i32
      %dma_start3A_1369 = arith.constant 7 : i32
      %dma_start3A_1370 = arith.constant 7 : i32
      %dma_start3A_1371 = arith.constant 0 : i32
      %dma_start3A_1372 = arith.constant 0 : i32
      %dma_start3A_1373 = tpu.memref_slice %arg7[%dma_start3A_1369, %dma_start3A_1371, %dma_start3A_1372] : memref<8x200x64xf32, #tpu.memory_space<vmem>> -> memref<1x200x64xf32, #tpu.memory_space<vmem>>
      %dma_start3A_1374 = tpu.memref_squeeze %dma_start3A_1373 : memref<1x200x64xf32, #tpu.memory_space<vmem>> -> memref<200x64xf32, #tpu.memory_space<vmem>>
      %dma_start3A_1375 = arith.constant 0 : i32
      %dma_start3A_1376 = tpu.memref_slice %arg8[%dma_start3A_1368, %dma_start3A_1375] : memref<8x200xi32, #tpu.memory_space<vmem>> -> memref<1x200xi32, #tpu.memory_space<vmem>>
      %dma_start3A_1377 = tpu.memref_squeeze %dma_start3A_1376 : memref<1x200xi32, #tpu.memory_space<vmem>> -> memref<200xi32, #tpu.memory_space<vmem>>
      %dma_start3A_1378 = arith.constant 0 : i32
      %dma_start3A_1379 = arith.constant 0 : i32
      %dma_start3A_1380 = tpu.memref_slice %arg3[%dma_start3A_1378, %dma_start3A_1379] : memref<1000000x64xf32, #tpu.memory_space<hbm>> -> memref<1000000x64xf32, #tpu.memory_space<hbm>>
      %dma_start3A_1381 = tpu.memref_slice %arg10[%dma_start3A_1370] : memref<8x!tpu.dma_semaphore, #tpu.memory_space<semaphore_mem>> -> memref<1x!tpu.dma_semaphore, #tpu.memory_space<semaphore_mem>>
      %dma_start3A_1382 = tpu.memref_squeeze %dma_start3A_1381 : memref<1x!tpu.dma_semaphore, #tpu.memory_space<semaphore_mem>> -> memref<!tpu.dma_semaphore, #tpu.memory_space<semaphore_mem>>
      tpu.enqueue_indirect_dma source(%dma_start3A_1380 : memref<1000000x64xf32, #tpu.memory_space<hbm>>) target(%dma_start3A_1374 : memref<200x64xf32, #tpu.memory_space<vmem>>) offsets(%dma_start3A_1377 : memref<200xi32, #tpu.memory_space<vmem>>) semaphore(%dma_start3A_1382 : memref<!tpu.dma_semaphore, #tpu.memory_space<semaphore_mem>>) {add = true}
      %mul3A_1383 = arith.constant 8 : i32
      %mul3A_1384 = arith.muli %scan3A_862, %mul3A_1383 : i32
      %add3A_1385 = arith.addi %mul3A_2, %mul3A_1384 : i32
      %add3A_1386 = arith.constant 0 : i32
      %add3A_1387 = arith.addi %add3A_1385, %add3A_1386 : i32
      %dma_wait3A_1388 = arith.constant 0 : i32
      %dma_wait3A_1389 = arith.constant 0 : i32
      %dma_wait3A_1390 = arith.constant 0 : i32
      %dma_wait3A_1391 = arith.constant 0 : i32
      %dma_wait3A_1392 = arith.constant 0 : i32
      %dma_wait3A_1393 = tpu.memref_slice %arg7[%dma_wait3A_1389, %dma_wait3A_1391, %dma_wait3A_1392] : memref<8x200x64xf32, #tpu.memory_space<vmem>> -> memref<1x200x64xf32, #tpu.memory_space<vmem>>
      %dma_wait3A_1394 = tpu.memref_squeeze %dma_wait3A_1393 : memref<1x200x64xf32, #tpu.memory_space<vmem>> -> memref<200x64xf32, #tpu.memory_space<vmem>>
      %dma_wait3A_1395 = arith.constant 0 : i32
      %dma_wait3A_1396 = tpu.memref_slice %arg8[%dma_wait3A_1388, %dma_wait3A_1395] : memref<8x200xi32, #tpu.memory_space<vmem>> -> memref<1x200xi32, #tpu.memory_space<vmem>>
      %dma_wait3A_1397 = tpu.memref_squeeze %dma_wait3A_1396 : memref<1x200xi32, #tpu.memory_space<vmem>> -> memref<200xi32, #tpu.memory_space<vmem>>
      %dma_wait3A_1398 = arith.constant 0 : i32
      %dma_wait3A_1399 = arith.constant 0 : i32
      %dma_wait3A_1400 = tpu.memref_slice %arg3[%dma_wait3A_1398, %dma_wait3A_1399] : memref<1000000x64xf32, #tpu.memory_space<hbm>> -> memref<1000000x64xf32, #tpu.memory_space<hbm>>
      %dma_wait3A_1401 = tpu.memref_slice %arg10[%dma_wait3A_1390] : memref<8x!tpu.dma_semaphore, #tpu.memory_space<semaphore_mem>> -> memref<1x!tpu.dma_semaphore, #tpu.memory_space<semaphore_mem>>
      %dma_wait3A_1402 = tpu.memref_squeeze %dma_wait3A_1401 : memref<1x!tpu.dma_semaphore, #tpu.memory_space<semaphore_mem>> -> memref<!tpu.dma_semaphore, #tpu.memory_space<semaphore_mem>>
      tpu.wait_indirect_dma semaphore(%dma_wait3A_1402 : memref<!tpu.dma_semaphore, #tpu.memory_space<semaphore_mem>>) src(%dma_wait3A_1400 : memref<1000000x64xf32, #tpu.memory_space<hbm>>) dst(%dma_wait3A_1394 : memref<200x64xf32, #tpu.memory_space<vmem>>)
      %dma_start3A_1403 = arith.constant 0 : i32
      %dma_start3A_1404 = arith.constant 0 : i32
      %dma_start3A_1405 = arith.constant 0 : i32
      %dma_start3A_1406 = arith.constant 0 : i32
      %dma_start3A_1407 = tpu.memref_slice %arg7[%dma_start3A_1403, %dma_start3A_1405, %dma_start3A_1406] : memref<8x200x64xf32, #tpu.memory_space<vmem>> -> memref<1x200x64xf32, #tpu.memory_space<vmem>>
      %dma_start3A_1408 = tpu.memref_squeeze %dma_start3A_1407 : memref<1x200x64xf32, #tpu.memory_space<vmem>> -> memref<200x64xf32, #tpu.memory_space<vmem>>
      %dma_start3A_1409 = arith.constant 0 : i32
      %dma_start3A_1410 = arith.constant 0 : i32
      %dma_start3A_1411 = tpu.memref_slice %arg5[%add3A_1387, %dma_start3A_1409, %dma_start3A_1410] : memref<4096x200x64xf32, #tpu.memory_space<hbm>> -> memref<1x200x64xf32, #tpu.memory_space<hbm>>
      %dma_start3A_1412 = tpu.memref_squeeze %dma_start3A_1411 : memref<1x200x64xf32, #tpu.memory_space<hbm>> -> memref<200x64xf32, #tpu.memory_space<hbm>>
      %dma_start3A_1413 = tpu.memref_slice %arg11[%dma_start3A_1404] : memref<8x!tpu.dma_semaphore, #tpu.memory_space<semaphore_mem>> -> memref<1x!tpu.dma_semaphore, #tpu.memory_space<semaphore_mem>>
      %dma_start3A_1414 = tpu.memref_squeeze %dma_start3A_1413 : memref<1x!tpu.dma_semaphore, #tpu.memory_space<semaphore_mem>> -> memref<!tpu.dma_semaphore, #tpu.memory_space<semaphore_mem>>
      %dma_start3A_1415 = arith.constant 0 : i32
      %dma_start3A_1416 = arith.constant 0 : i32
      %dma_start3A_1417 = tpu.memref_slice %arg5[%add3A_1387, %dma_start3A_1415, %dma_start3A_1416] : memref<4096x200x64xf32, #tpu.memory_space<hbm>> -> memref<1x200x64xf32, #tpu.memory_space<hbm>>
      %dma_start3A_1418 = tpu.memref_squeeze %dma_start3A_1417 : memref<1x200x64xf32, #tpu.memory_space<hbm>> -> memref<200x64xf32, #tpu.memory_space<hbm>>
      %dma_start3A_1419 = arith.constant 0 : i32
      %dma_start3A_1420 = arith.constant 0 : i32
      %dma_start3A_1421 = tpu.memref_slice %arg7[%dma_start3A_1403, %dma_start3A_1419, %dma_start3A_1420] : memref<8x200x64xf32, #tpu.memory_space<vmem>> -> memref<1x200x64xf32, #tpu.memory_space<vmem>>
      %dma_start3A_1422 = tpu.memref_squeeze %dma_start3A_1421 : memref<1x200x64xf32, #tpu.memory_space<vmem>> -> memref<200x64xf32, #tpu.memory_space<vmem>>
      tpu.enqueue_dma source(%dma_start3A_1422 : memref<200x64xf32, #tpu.memory_space<vmem>>) target(%dma_start3A_1418 : memref<200x64xf32, #tpu.memory_space<hbm>>) target_semaphore(%dma_start3A_1414 : memref<!tpu.dma_semaphore, #tpu.memory_space<semaphore_mem>>)
      %mul3A_1423 = arith.constant 8 : i32
      %mul3A_1424 = arith.muli %scan3A_862, %mul3A_1423 : i32
      %add3A_1425 = arith.addi %mul3A_2, %mul3A_1424 : i32
      %add3A_1426 = arith.constant 1 : i32
      %add3A_1427 = arith.addi %add3A_1425, %add3A_1426 : i32
      %dma_wait3A_1428 = arith.constant 1 : i32
      %dma_wait3A_1429 = arith.constant 1 : i32
      %dma_wait3A_1430 = arith.constant 1 : i32
      %dma_wait3A_1431 = arith.constant 0 : i32
      %dma_wait3A_1432 = arith.constant 0 : i32
      %dma_wait3A_1433 = tpu.memref_slice %arg7[%dma_wait3A_1429, %dma_wait3A_1431, %dma_wait3A_1432] : memref<8x200x64xf32, #tpu.memory_space<vmem>> -> memref<1x200x64xf32, #tpu.memory_space<vmem>>
      %dma_wait3A_1434 = tpu.memref_squeeze %dma_wait3A_1433 : memref<1x200x64xf32, #tpu.memory_space<vmem>> -> memref<200x64xf32, #tpu.memory_space<vmem>>
      %dma_wait3A_1435 = arith.constant 0 : i32
      %dma_wait3A_1436 = tpu.memref_slice %arg8[%dma_wait3A_1428, %dma_wait3A_1435] : memref<8x200xi32, #tpu.memory_space<vmem>> -> memref<1x200xi32, #tpu.memory_space<vmem>>
      %dma_wait3A_1437 = tpu.memref_squeeze %dma_wait3A_1436 : memref<1x200xi32, #tpu.memory_space<vmem>> -> memref<200xi32, #tpu.memory_space<vmem>>
      %dma_wait3A_1438 = arith.constant 0 : i32
      %dma_wait3A_1439 = arith.constant 0 : i32
      %dma_wait3A_1440 = tpu.memref_slice %arg3[%dma_wait3A_1438, %dma_wait3A_1439] : memref<1000000x64xf32, #tpu.memory_space<hbm>> -> memref<1000000x64xf32, #tpu.memory_space<hbm>>
      %dma_wait3A_1441 = tpu.memref_slice %arg10[%dma_wait3A_1430] : memref<8x!tpu.dma_semaphore, #tpu.memory_space<semaphore_mem>> -> memref<1x!tpu.dma_semaphore, #tpu.memory_space<semaphore_mem>>
      %dma_wait3A_1442 = tpu.memref_squeeze %dma_wait3A_1441 : memref<1x!tpu.dma_semaphore, #tpu.memory_space<semaphore_mem>> -> memref<!tpu.dma_semaphore, #tpu.memory_space<semaphore_mem>>
      tpu.wait_indirect_dma semaphore(%dma_wait3A_1442 : memref<!tpu.dma_semaphore, #tpu.memory_space<semaphore_mem>>) src(%dma_wait3A_1440 : memref<1000000x64xf32, #tpu.memory_space<hbm>>) dst(%dma_wait3A_1434 : memref<200x64xf32, #tpu.memory_space<vmem>>)
      %dma_start3A_1443 = arith.constant 1 : i32
      %dma_start3A_1444 = arith.constant 1 : i32
      %dma_start3A_1445 = arith.constant 0 : i32
      %dma_start3A_1446 = arith.constant 0 : i32
      %dma_start3A_1447 = tpu.memref_slice %arg7[%dma_start3A_1443, %dma_start3A_1445, %dma_start3A_1446] : memref<8x200x64xf32, #tpu.memory_space<vmem>> -> memref<1x200x64xf32, #tpu.memory_space<vmem>>
      %dma_start3A_1448 = tpu.memref_squeeze %dma_start3A_1447 : memref<1x200x64xf32, #tpu.memory_space<vmem>> -> memref<200x64xf32, #tpu.memory_space<vmem>>
      %dma_start3A_1449 = arith.constant 0 : i32
      %dma_start3A_1450 = arith.constant 0 : i32
      %dma_start3A_1451 = tpu.memref_slice %arg5[%add3A_1427, %dma_start3A_1449, %dma_start3A_1450] : memref<4096x200x64xf32, #tpu.memory_space<hbm>> -> memref<1x200x64xf32, #tpu.memory_space<hbm>>
      %dma_start3A_1452 = tpu.memref_squeeze %dma_start3A_1451 : memref<1x200x64xf32, #tpu.memory_space<hbm>> -> memref<200x64xf32, #tpu.memory_space<hbm>>
      %dma_start3A_1453 = tpu.memref_slice %arg11[%dma_start3A_1444] : memref<8x!tpu.dma_semaphore, #tpu.memory_space<semaphore_mem>> -> memref<1x!tpu.dma_semaphore, #tpu.memory_space<semaphore_mem>>
      %dma_start3A_1454 = tpu.memref_squeeze %dma_start3A_1453 : memref<1x!tpu.dma_semaphore, #tpu.memory_space<semaphore_mem>> -> memref<!tpu.dma_semaphore, #tpu.memory_space<semaphore_mem>>
      %dma_start3A_1455 = arith.constant 0 : i32
      %dma_start3A_1456 = arith.constant 0 : i32
      %dma_start3A_1457 = tpu.memref_slice %arg5[%add3A_1427, %dma_start3A_1455, %dma_start3A_1456] : memref<4096x200x64xf32, #tpu.memory_space<hbm>> -> memref<1x200x64xf32, #tpu.memory_space<hbm>>
      %dma_start3A_1458 = tpu.memref_squeeze %dma_start3A_1457 : memref<1x200x64xf32, #tpu.memory_space<hbm>> -> memref<200x64xf32, #tpu.memory_space<hbm>>
      %dma_start3A_1459 = arith.constant 0 : i32
      %dma_start3A_1460 = arith.constant 0 : i32
      %dma_start3A_1461 = tpu.memref_slice %arg7[%dma_start3A_1443, %dma_start3A_1459, %dma_start3A_1460] : memref<8x200x64xf32, #tpu.memory_space<vmem>> -> memref<1x200x64xf32, #tpu.memory_space<vmem>>
      %dma_start3A_1462 = tpu.memref_squeeze %dma_start3A_1461 : memref<1x200x64xf32, #tpu.memory_space<vmem>> -> memref<200x64xf32, #tpu.memory_space<vmem>>
      tpu.enqueue_dma source(%dma_start3A_1462 : memref<200x64xf32, #tpu.memory_space<vmem>>) target(%dma_start3A_1458 : memref<200x64xf32, #tpu.memory_space<hbm>>) target_semaphore(%dma_start3A_1454 : memref<!tpu.dma_semaphore, #tpu.memory_space<semaphore_mem>>)
      %mul3A_1463 = arith.constant 8 : i32
      %mul3A_1464 = arith.muli %scan3A_862, %mul3A_1463 : i32
      %add3A_1465 = arith.addi %mul3A_2, %mul3A_1464 : i32
      %add3A_1466 = arith.constant 2 : i32
      %add3A_1467 = arith.addi %add3A_1465, %add3A_1466 : i32
      %dma_wait3A_1468 = arith.constant 2 : i32
      %dma_wait3A_1469 = arith.constant 2 : i32
      %dma_wait3A_1470 = arith.constant 2 : i32
      %dma_wait3A_1471 = arith.constant 0 : i32
      %dma_wait3A_1472 = arith.constant 0 : i32
      %dma_wait3A_1473 = tpu.memref_slice %arg7[%dma_wait3A_1469, %dma_wait3A_1471, %dma_wait3A_1472] : memref<8x200x64xf32, #tpu.memory_space<vmem>> -> memref<1x200x64xf32, #tpu.memory_space<vmem>>
      %dma_wait3A_1474 = tpu.memref_squeeze %dma_wait3A_1473 : memref<1x200x64xf32, #tpu.memory_space<vmem>> -> memref<200x64xf32, #tpu.memory_space<vmem>>
      %dma_wait3A_1475 = arith.constant 0 : i32
      %dma_wait3A_1476 = tpu.memref_slice %arg8[%dma_wait3A_1468, %dma_wait3A_1475] : memref<8x200xi32, #tpu.memory_space<vmem>> -> memref<1x200xi32, #tpu.memory_space<vmem>>
      %dma_wait3A_1477 = tpu.memref_squeeze %dma_wait3A_1476 : memref<1x200xi32, #tpu.memory_space<vmem>> -> memref<200xi32, #tpu.memory_space<vmem>>
      %dma_wait3A_1478 = arith.constant 0 : i32
      %dma_wait3A_1479 = arith.constant 0 : i32
      %dma_wait3A_1480 = tpu.memref_slice %arg3[%dma_wait3A_1478, %dma_wait3A_1479] : memref<1000000x64xf32, #tpu.memory_space<hbm>> -> memref<1000000x64xf32, #tpu.memory_space<hbm>>
      %dma_wait3A_1481 = tpu.memref_slice %arg10[%dma_wait3A_1470] : memref<8x!tpu.dma_semaphore, #tpu.memory_space<semaphore_mem>> -> memref<1x!tpu.dma_semaphore, #tpu.memory_space<semaphore_mem>>
      %dma_wait3A_1482 = tpu.memref_squeeze %dma_wait3A_1481 : memref<1x!tpu.dma_semaphore, #tpu.memory_space<semaphore_mem>> -> memref<!tpu.dma_semaphore, #tpu.memory_space<semaphore_mem>>
      tpu.wait_indirect_dma semaphore(%dma_wait3A_1482 : memref<!tpu.dma_semaphore, #tpu.memory_space<semaphore_mem>>) src(%dma_wait3A_1480 : memref<1000000x64xf32, #tpu.memory_space<hbm>>) dst(%dma_wait3A_1474 : memref<200x64xf32, #tpu.memory_space<vmem>>)
      %dma_start3A_1483 = arith.constant 2 : i32
      %dma_start3A_1484 = arith.constant 2 : i32
      %dma_start3A_1485 = arith.constant 0 : i32
      %dma_start3A_1486 = arith.constant 0 : i32
      %dma_start3A_1487 = tpu.memref_slice %arg7[%dma_start3A_1483, %dma_start3A_1485, %dma_start3A_1486] : memref<8x200x64xf32, #tpu.memory_space<vmem>> -> memref<1x200x64xf32, #tpu.memory_space<vmem>>
      %dma_start3A_1488 = tpu.memref_squeeze %dma_start3A_1487 : memref<1x200x64xf32, #tpu.memory_space<vmem>> -> memref<200x64xf32, #tpu.memory_space<vmem>>
      %dma_start3A_1489 = arith.constant 0 : i32
      %dma_start3A_1490 = arith.constant 0 : i32
      %dma_start3A_1491 = tpu.memref_slice %arg5[%add3A_1467, %dma_start3A_1489, %dma_start3A_1490] : memref<4096x200x64xf32, #tpu.memory_space<hbm>> -> memref<1x200x64xf32, #tpu.memory_space<hbm>>
      %dma_start3A_1492 = tpu.memref_squeeze %dma_start3A_1491 : memref<1x200x64xf32, #tpu.memory_space<hbm>> -> memref<200x64xf32, #tpu.memory_space<hbm>>
      %dma_start3A_1493 = tpu.memref_slice %arg11[%dma_start3A_1484] : memref<8x!tpu.dma_semaphore, #tpu.memory_space<semaphore_mem>> -> memref<1x!tpu.dma_semaphore, #tpu.memory_space<semaphore_mem>>
      %dma_start3A_1494 = tpu.memref_squeeze %dma_start3A_1493 : memref<1x!tpu.dma_semaphore, #tpu.memory_space<semaphore_mem>> -> memref<!tpu.dma_semaphore, #tpu.memory_space<semaphore_mem>>
      %dma_start3A_1495 = arith.constant 0 : i32
      %dma_start3A_1496 = arith.constant 0 : i32
      %dma_start3A_1497 = tpu.memref_slice %arg5[%add3A_1467, %dma_start3A_1495, %dma_start3A_1496] : memref<4096x200x64xf32, #tpu.memory_space<hbm>> -> memref<1x200x64xf32, #tpu.memory_space<hbm>>
      %dma_start3A_1498 = tpu.memref_squeeze %dma_start3A_1497 : memref<1x200x64xf32, #tpu.memory_space<hbm>> -> memref<200x64xf32, #tpu.memory_space<hbm>>
      %dma_start3A_1499 = arith.constant 0 : i32
      %dma_start3A_1500 = arith.constant 0 : i32
      %dma_start3A_1501 = tpu.memref_slice %arg7[%dma_start3A_1483, %dma_start3A_1499, %dma_start3A_1500] : memref<8x200x64xf32, #tpu.memory_space<vmem>> -> memref<1x200x64xf32, #tpu.memory_space<vmem>>
      %dma_start3A_1502 = tpu.memref_squeeze %dma_start3A_1501 : memref<1x200x64xf32, #tpu.memory_space<vmem>> -> memref<200x64xf32, #tpu.memory_space<vmem>>
      tpu.enqueue_dma source(%dma_start3A_1502 : memref<200x64xf32, #tpu.memory_space<vmem>>) target(%dma_start3A_1498 : memref<200x64xf32, #tpu.memory_space<hbm>>) target_semaphore(%dma_start3A_1494 : memref<!tpu.dma_semaphore, #tpu.memory_space<semaphore_mem>>)
      %mul3A_1503 = arith.constant 8 : i32
      %mul3A_1504 = arith.muli %scan3A_862, %mul3A_1503 : i32
      %add3A_1505 = arith.addi %mul3A_2, %mul3A_1504 : i32
      %add3A_1506 = arith.constant 3 : i32
      %add3A_1507 = arith.addi %add3A_1505, %add3A_1506 : i32
      %dma_wait3A_1508 = arith.constant 3 : i32
      %dma_wait3A_1509 = arith.constant 3 : i32
      %dma_wait3A_1510 = arith.constant 3 : i32
      %dma_wait3A_1511 = arith.constant 0 : i32
      %dma_wait3A_1512 = arith.constant 0 : i32
      %dma_wait3A_1513 = tpu.memref_slice %arg7[%dma_wait3A_1509, %dma_wait3A_1511, %dma_wait3A_1512] : memref<8x200x64xf32, #tpu.memory_space<vmem>> -> memref<1x200x64xf32, #tpu.memory_space<vmem>>
      %dma_wait3A_1514 = tpu.memref_squeeze %dma_wait3A_1513 : memref<1x200x64xf32, #tpu.memory_space<vmem>> -> memref<200x64xf32, #tpu.memory_space<vmem>>
      %dma_wait3A_1515 = arith.constant 0 : i32
      %dma_wait3A_1516 = tpu.memref_slice %arg8[%dma_wait3A_1508, %dma_wait3A_1515] : memref<8x200xi32, #tpu.memory_space<vmem>> -> memref<1x200xi32, #tpu.memory_space<vmem>>
      %dma_wait3A_1517 = tpu.memref_squeeze %dma_wait3A_1516 : memref<1x200xi32, #tpu.memory_space<vmem>> -> memref<200xi32, #tpu.memory_space<vmem>>
      %dma_wait3A_1518 = arith.constant 0 : i32
      %dma_wait3A_1519 = arith.constant 0 : i32
      %dma_wait3A_1520 = tpu.memref_slice %arg3[%dma_wait3A_1518, %dma_wait3A_1519] : memref<1000000x64xf32, #tpu.memory_space<hbm>> -> memref<1000000x64xf32, #tpu.memory_space<hbm>>
      %dma_wait3A_1521 = tpu.memref_slice %arg10[%dma_wait3A_1510] : memref<8x!tpu.dma_semaphore, #tpu.memory_space<semaphore_mem>> -> memref<1x!tpu.dma_semaphore, #tpu.memory_space<semaphore_mem>>
      %dma_wait3A_1522 = tpu.memref_squeeze %dma_wait3A_1521 : memref<1x!tpu.dma_semaphore, #tpu.memory_space<semaphore_mem>> -> memref<!tpu.dma_semaphore, #tpu.memory_space<semaphore_mem>>
      tpu.wait_indirect_dma semaphore(%dma_wait3A_1522 : memref<!tpu.dma_semaphore, #tpu.memory_space<semaphore_mem>>) src(%dma_wait3A_1520 : memref<1000000x64xf32, #tpu.memory_space<hbm>>) dst(%dma_wait3A_1514 : memref<200x64xf32, #tpu.memory_space<vmem>>)
      %dma_start3A_1523 = arith.constant 3 : i32
      %dma_start3A_1524 = arith.constant 3 : i32
      %dma_start3A_1525 = arith.constant 0 : i32
      %dma_start3A_1526 = arith.constant 0 : i32
      %dma_start3A_1527 = tpu.memref_slice %arg7[%dma_start3A_1523, %dma_start3A_1525, %dma_start3A_1526] : memref<8x200x64xf32, #tpu.memory_space<vmem>> -> memref<1x200x64xf32, #tpu.memory_space<vmem>>
      %dma_start3A_1528 = tpu.memref_squeeze %dma_start3A_1527 : memref<1x200x64xf32, #tpu.memory_space<vmem>> -> memref<200x64xf32, #tpu.memory_space<vmem>>
      %dma_start3A_1529 = arith.constant 0 : i32
      %dma_start3A_1530 = arith.constant 0 : i32
      %dma_start3A_1531 = tpu.memref_slice %arg5[%add3A_1507, %dma_start3A_1529, %dma_start3A_1530] : memref<4096x200x64xf32, #tpu.memory_space<hbm>> -> memref<1x200x64xf32, #tpu.memory_space<hbm>>
      %dma_start3A_1532 = tpu.memref_squeeze %dma_start3A_1531 : memref<1x200x64xf32, #tpu.memory_space<hbm>> -> memref<200x64xf32, #tpu.memory_space<hbm>>
      %dma_start3A_1533 = tpu.memref_slice %arg11[%dma_start3A_1524] : memref<8x!tpu.dma_semaphore, #tpu.memory_space<semaphore_mem>> -> memref<1x!tpu.dma_semaphore, #tpu.memory_space<semaphore_mem>>
      %dma_start3A_1534 = tpu.memref_squeeze %dma_start3A_1533 : memref<1x!tpu.dma_semaphore, #tpu.memory_space<semaphore_mem>> -> memref<!tpu.dma_semaphore, #tpu.memory_space<semaphore_mem>>
      %dma_start3A_1535 = arith.constant 0 : i32
      %dma_start3A_1536 = arith.constant 0 : i32
      %dma_start3A_1537 = tpu.memref_slice %arg5[%add3A_1507, %dma_start3A_1535, %dma_start3A_1536] : memref<4096x200x64xf32, #tpu.memory_space<hbm>> -> memref<1x200x64xf32, #tpu.memory_space<hbm>>
      %dma_start3A_1538 = tpu.memref_squeeze %dma_start3A_1537 : memref<1x200x64xf32, #tpu.memory_space<hbm>> -> memref<200x64xf32, #tpu.memory_space<hbm>>
      %dma_start3A_1539 = arith.constant 0 : i32
      %dma_start3A_1540 = arith.constant 0 : i32
      %dma_start3A_1541 = tpu.memref_slice %arg7[%dma_start3A_1523, %dma_start3A_1539, %dma_start3A_1540] : memref<8x200x64xf32, #tpu.memory_space<vmem>> -> memref<1x200x64xf32, #tpu.memory_space<vmem>>
      %dma_start3A_1542 = tpu.memref_squeeze %dma_start3A_1541 : memref<1x200x64xf32, #tpu.memory_space<vmem>> -> memref<200x64xf32, #tpu.memory_space<vmem>>
      tpu.enqueue_dma source(%dma_start3A_1542 : memref<200x64xf32, #tpu.memory_space<vmem>>) target(%dma_start3A_1538 : memref<200x64xf32, #tpu.memory_space<hbm>>) target_semaphore(%dma_start3A_1534 : memref<!tpu.dma_semaphore, #tpu.memory_space<semaphore_mem>>)
      %mul3A_1543 = arith.constant 8 : i32
      %mul3A_1544 = arith.muli %scan3A_862, %mul3A_1543 : i32
      %add3A_1545 = arith.addi %mul3A_2, %mul3A_1544 : i32
      %add3A_1546 = arith.constant 4 : i32
      %add3A_1547 = arith.addi %add3A_1545, %add3A_1546 : i32
      %dma_wait3A_1548 = arith.constant 4 : i32
      %dma_wait3A_1549 = arith.constant 4 : i32
      %dma_wait3A_1550 = arith.constant 4 : i32
      %dma_wait3A_1551 = arith.constant 0 : i32
      %dma_wait3A_1552 = arith.constant 0 : i32
      %dma_wait3A_1553 = tpu.memref_slice %arg7[%dma_wait3A_1549, %dma_wait3A_1551, %dma_wait3A_1552] : memref<8x200x64xf32, #tpu.memory_space<vmem>> -> memref<1x200x64xf32, #tpu.memory_space<vmem>>
      %dma_wait3A_1554 = tpu.memref_squeeze %dma_wait3A_1553 : memref<1x200x64xf32, #tpu.memory_space<vmem>> -> memref<200x64xf32, #tpu.memory_space<vmem>>
      %dma_wait3A_1555 = arith.constant 0 : i32
      %dma_wait3A_1556 = tpu.memref_slice %arg8[%dma_wait3A_1548, %dma_wait3A_1555] : memref<8x200xi32, #tpu.memory_space<vmem>> -> memref<1x200xi32, #tpu.memory_space<vmem>>
      %dma_wait3A_1557 = tpu.memref_squeeze %dma_wait3A_1556 : memref<1x200xi32, #tpu.memory_space<vmem>> -> memref<200xi32, #tpu.memory_space<vmem>>
      %dma_wait3A_1558 = arith.constant 0 : i32
      %dma_wait3A_1559 = arith.constant 0 : i32
      %dma_wait3A_1560 = tpu.memref_slice %arg3[%dma_wait3A_1558, %dma_wait3A_1559] : memref<1000000x64xf32, #tpu.memory_space<hbm>> -> memref<1000000x64xf32, #tpu.memory_space<hbm>>
      %dma_wait3A_1561 = tpu.memref_slice %arg10[%dma_wait3A_1550] : memref<8x!tpu.dma_semaphore, #tpu.memory_space<semaphore_mem>> -> memref<1x!tpu.dma_semaphore, #tpu.memory_space<semaphore_mem>>
      %dma_wait3A_1562 = tpu.memref_squeeze %dma_wait3A_1561 : memref<1x!tpu.dma_semaphore, #tpu.memory_space<semaphore_mem>> -> memref<!tpu.dma_semaphore, #tpu.memory_space<semaphore_mem>>
      tpu.wait_indirect_dma semaphore(%dma_wait3A_1562 : memref<!tpu.dma_semaphore, #tpu.memory_space<semaphore_mem>>) src(%dma_wait3A_1560 : memref<1000000x64xf32, #tpu.memory_space<hbm>>) dst(%dma_wait3A_1554 : memref<200x64xf32, #tpu.memory_space<vmem>>)
      %dma_start3A_1563 = arith.constant 4 : i32
      %dma_start3A_1564 = arith.constant 4 : i32
      %dma_start3A_1565 = arith.constant 0 : i32
      %dma_start3A_1566 = arith.constant 0 : i32
      %dma_start3A_1567 = tpu.memref_slice %arg7[%dma_start3A_1563, %dma_start3A_1565, %dma_start3A_1566] : memref<8x200x64xf32, #tpu.memory_space<vmem>> -> memref<1x200x64xf32, #tpu.memory_space<vmem>>
      %dma_start3A_1568 = tpu.memref_squeeze %dma_start3A_1567 : memref<1x200x64xf32, #tpu.memory_space<vmem>> -> memref<200x64xf32, #tpu.memory_space<vmem>>
      %dma_start3A_1569 = arith.constant 0 : i32
      %dma_start3A_1570 = arith.constant 0 : i32
      %dma_start3A_1571 = tpu.memref_slice %arg5[%add3A_1547, %dma_start3A_1569, %dma_start3A_1570] : memref<4096x200x64xf32, #tpu.memory_space<hbm>> -> memref<1x200x64xf32, #tpu.memory_space<hbm>>
      %dma_start3A_1572 = tpu.memref_squeeze %dma_start3A_1571 : memref<1x200x64xf32, #tpu.memory_space<hbm>> -> memref<200x64xf32, #tpu.memory_space<hbm>>
      %dma_start3A_1573 = tpu.memref_slice %arg11[%dma_start3A_1564] : memref<8x!tpu.dma_semaphore, #tpu.memory_space<semaphore_mem>> -> memref<1x!tpu.dma_semaphore, #tpu.memory_space<semaphore_mem>>
      %dma_start3A_1574 = tpu.memref_squeeze %dma_start3A_1573 : memref<1x!tpu.dma_semaphore, #tpu.memory_space<semaphore_mem>> -> memref<!tpu.dma_semaphore, #tpu.memory_space<semaphore_mem>>
      %dma_start3A_1575 = arith.constant 0 : i32
      %dma_start3A_1576 = arith.constant 0 : i32
      %dma_start3A_1577 = tpu.memref_slice %arg5[%add3A_1547, %dma_start3A_1575, %dma_start3A_1576] : memref<4096x200x64xf32, #tpu.memory_space<hbm>> -> memref<1x200x64xf32, #tpu.memory_space<hbm>>
      %dma_start3A_1578 = tpu.memref_squeeze %dma_start3A_1577 : memref<1x200x64xf32, #tpu.memory_space<hbm>> -> memref<200x64xf32, #tpu.memory_space<hbm>>
      %dma_start3A_1579 = arith.constant 0 : i32
      %dma_start3A_1580 = arith.constant 0 : i32
      %dma_start3A_1581 = tpu.memref_slice %arg7[%dma_start3A_1563, %dma_start3A_1579, %dma_start3A_1580] : memref<8x200x64xf32, #tpu.memory_space<vmem>> -> memref<1x200x64xf32, #tpu.memory_space<vmem>>
      %dma_start3A_1582 = tpu.memref_squeeze %dma_start3A_1581 : memref<1x200x64xf32, #tpu.memory_space<vmem>> -> memref<200x64xf32, #tpu.memory_space<vmem>>
      tpu.enqueue_dma source(%dma_start3A_1582 : memref<200x64xf32, #tpu.memory_space<vmem>>) target(%dma_start3A_1578 : memref<200x64xf32, #tpu.memory_space<hbm>>) target_semaphore(%dma_start3A_1574 : memref<!tpu.dma_semaphore, #tpu.memory_space<semaphore_mem>>)
      %mul3A_1583 = arith.constant 8 : i32
      %mul3A_1584 = arith.muli %scan3A_862, %mul3A_1583 : i32
      %add3A_1585 = arith.addi %mul3A_2, %mul3A_1584 : i32
      %add3A_1586 = arith.constant 5 : i32
      %add3A_1587 = arith.addi %add3A_1585, %add3A_1586 : i32
      %dma_wait3A_1588 = arith.constant 5 : i32
      %dma_wait3A_1589 = arith.constant 5 : i32
      %dma_wait3A_1590 = arith.constant 5 : i32
      %dma_wait3A_1591 = arith.constant 0 : i32
      %dma_wait3A_1592 = arith.constant 0 : i32
      %dma_wait3A_1593 = tpu.memref_slice %arg7[%dma_wait3A_1589, %dma_wait3A_1591, %dma_wait3A_1592] : memref<8x200x64xf32, #tpu.memory_space<vmem>> -> memref<1x200x64xf32, #tpu.memory_space<vmem>>
      %dma_wait3A_1594 = tpu.memref_squeeze %dma_wait3A_1593 : memref<1x200x64xf32, #tpu.memory_space<vmem>> -> memref<200x64xf32, #tpu.memory_space<vmem>>
      %dma_wait3A_1595 = arith.constant 0 : i32
      %dma_wait3A_1596 = tpu.memref_slice %arg8[%dma_wait3A_1588, %dma_wait3A_1595] : memref<8x200xi32, #tpu.memory_space<vmem>> -> memref<1x200xi32, #tpu.memory_space<vmem>>
      %dma_wait3A_1597 = tpu.memref_squeeze %dma_wait3A_1596 : memref<1x200xi32, #tpu.memory_space<vmem>> -> memref<200xi32, #tpu.memory_space<vmem>>
      %dma_wait3A_1598 = arith.constant 0 : i32
      %dma_wait3A_1599 = arith.constant 0 : i32
      %dma_wait3A_1600 = tpu.memref_slice %arg3[%dma_wait3A_1598, %dma_wait3A_1599] : memref<1000000x64xf32, #tpu.memory_space<hbm>> -> memref<1000000x64xf32, #tpu.memory_space<hbm>>
      %dma_wait3A_1601 = tpu.memref_slice %arg10[%dma_wait3A_1590] : memref<8x!tpu.dma_semaphore, #tpu.memory_space<semaphore_mem>> -> memref<1x!tpu.dma_semaphore, #tpu.memory_space<semaphore_mem>>
      %dma_wait3A_1602 = tpu.memref_squeeze %dma_wait3A_1601 : memref<1x!tpu.dma_semaphore, #tpu.memory_space<semaphore_mem>> -> memref<!tpu.dma_semaphore, #tpu.memory_space<semaphore_mem>>
      tpu.wait_indirect_dma semaphore(%dma_wait3A_1602 : memref<!tpu.dma_semaphore, #tpu.memory_space<semaphore_mem>>) src(%dma_wait3A_1600 : memref<1000000x64xf32, #tpu.memory_space<hbm>>) dst(%dma_wait3A_1594 : memref<200x64xf32, #tpu.memory_space<vmem>>)
      %dma_start3A_1603 = arith.constant 5 : i32
      %dma_start3A_1604 = arith.constant 5 : i32
      %dma_start3A_1605 = arith.constant 0 : i32
      %dma_start3A_1606 = arith.constant 0 : i32
      %dma_start3A_1607 = tpu.memref_slice %arg7[%dma_start3A_1603, %dma_start3A_1605, %dma_start3A_1606] : memref<8x200x64xf32, #tpu.memory_space<vmem>> -> memref<1x200x64xf32, #tpu.memory_space<vmem>>
      %dma_start3A_1608 = tpu.memref_squeeze %dma_start3A_1607 : memref<1x200x64xf32, #tpu.memory_space<vmem>> -> memref<200x64xf32, #tpu.memory_space<vmem>>
      %dma_start3A_1609 = arith.constant 0 : i32
      %dma_start3A_1610 = arith.constant 0 : i32
      %dma_start3A_1611 = tpu.memref_slice %arg5[%add3A_1587, %dma_start3A_1609, %dma_start3A_1610] : memref<4096x200x64xf32, #tpu.memory_space<hbm>> -> memref<1x200x64xf32, #tpu.memory_space<hbm>>
      %dma_start3A_1612 = tpu.memref_squeeze %dma_start3A_1611 : memref<1x200x64xf32, #tpu.memory_space<hbm>> -> memref<200x64xf32, #tpu.memory_space<hbm>>
      %dma_start3A_1613 = tpu.memref_slice %arg11[%dma_start3A_1604] : memref<8x!tpu.dma_semaphore, #tpu.memory_space<semaphore_mem>> -> memref<1x!tpu.dma_semaphore, #tpu.memory_space<semaphore_mem>>
      %dma_start3A_1614 = tpu.memref_squeeze %dma_start3A_1613 : memref<1x!tpu.dma_semaphore, #tpu.memory_space<semaphore_mem>> -> memref<!tpu.dma_semaphore, #tpu.memory_space<semaphore_mem>>
      %dma_start3A_1615 = arith.constant 0 : i32
      %dma_start3A_1616 = arith.constant 0 : i32
      %dma_start3A_1617 = tpu.memref_slice %arg5[%add3A_1587, %dma_start3A_1615, %dma_start3A_1616] : memref<4096x200x64xf32, #tpu.memory_space<hbm>> -> memref<1x200x64xf32, #tpu.memory_space<hbm>>
      %dma_start3A_1618 = tpu.memref_squeeze %dma_start3A_1617 : memref<1x200x64xf32, #tpu.memory_space<hbm>> -> memref<200x64xf32, #tpu.memory_space<hbm>>
      %dma_start3A_1619 = arith.constant 0 : i32
      %dma_start3A_1620 = arith.constant 0 : i32
      %dma_start3A_1621 = tpu.memref_slice %arg7[%dma_start3A_1603, %dma_start3A_1619, %dma_start3A_1620] : memref<8x200x64xf32, #tpu.memory_space<vmem>> -> memref<1x200x64xf32, #tpu.memory_space<vmem>>
      %dma_start3A_1622 = tpu.memref_squeeze %dma_start3A_1621 : memref<1x200x64xf32, #tpu.memory_space<vmem>> -> memref<200x64xf32, #tpu.memory_space<vmem>>
      tpu.enqueue_dma source(%dma_start3A_1622 : memref<200x64xf32, #tpu.memory_space<vmem>>) target(%dma_start3A_1618 : memref<200x64xf32, #tpu.memory_space<hbm>>) target_semaphore(%dma_start3A_1614 : memref<!tpu.dma_semaphore, #tpu.memory_space<semaphore_mem>>)
      %mul3A_1623 = arith.constant 8 : i32
      %mul3A_1624 = arith.muli %scan3A_862, %mul3A_1623 : i32
      %add3A_1625 = arith.addi %mul3A_2, %mul3A_1624 : i32
      %add3A_1626 = arith.constant 6 : i32
      %add3A_1627 = arith.addi %add3A_1625, %add3A_1626 : i32
      %dma_wait3A_1628 = arith.constant 6 : i32
      %dma_wait3A_1629 = arith.constant 6 : i32
      %dma_wait3A_1630 = arith.constant 6 : i32
      %dma_wait3A_1631 = arith.constant 0 : i32
      %dma_wait3A_1632 = arith.constant 0 : i32
      %dma_wait3A_1633 = tpu.memref_slice %arg7[%dma_wait3A_1629, %dma_wait3A_1631, %dma_wait3A_1632] : memref<8x200x64xf32, #tpu.memory_space<vmem>> -> memref<1x200x64xf32, #tpu.memory_space<vmem>>
      %dma_wait3A_1634 = tpu.memref_squeeze %dma_wait3A_1633 : memref<1x200x64xf32, #tpu.memory_space<vmem>> -> memref<200x64xf32, #tpu.memory_space<vmem>>
      %dma_wait3A_1635 = arith.constant 0 : i32
      %dma_wait3A_1636 = tpu.memref_slice %arg8[%dma_wait3A_1628, %dma_wait3A_1635] : memref<8x200xi32, #tpu.memory_space<vmem>> -> memref<1x200xi32, #tpu.memory_space<vmem>>
      %dma_wait3A_1637 = tpu.memref_squeeze %dma_wait3A_1636 : memref<1x200xi32, #tpu.memory_space<vmem>> -> memref<200xi32, #tpu.memory_space<vmem>>
      %dma_wait3A_1638 = arith.constant 0 : i32
      %dma_wait3A_1639 = arith.constant 0 : i32
      %dma_wait3A_1640 = tpu.memref_slice %arg3[%dma_wait3A_1638, %dma_wait3A_1639] : memref<1000000x64xf32, #tpu.memory_space<hbm>> -> memref<1000000x64xf32, #tpu.memory_space<hbm>>
      %dma_wait3A_1641 = tpu.memref_slice %arg10[%dma_wait3A_1630] : memref<8x!tpu.dma_semaphore, #tpu.memory_space<semaphore_mem>> -> memref<1x!tpu.dma_semaphore, #tpu.memory_space<semaphore_mem>>
      %dma_wait3A_1642 = tpu.memref_squeeze %dma_wait3A_1641 : memref<1x!tpu.dma_semaphore, #tpu.memory_space<semaphore_mem>> -> memref<!tpu.dma_semaphore, #tpu.memory_space<semaphore_mem>>
      tpu.wait_indirect_dma semaphore(%dma_wait3A_1642 : memref<!tpu.dma_semaphore, #tpu.memory_space<semaphore_mem>>) src(%dma_wait3A_1640 : memref<1000000x64xf32, #tpu.memory_space<hbm>>) dst(%dma_wait3A_1634 : memref<200x64xf32, #tpu.memory_space<vmem>>)
      %dma_start3A_1643 = arith.constant 6 : i32
      %dma_start3A_1644 = arith.constant 6 : i32
      %dma_start3A_1645 = arith.constant 0 : i32
      %dma_start3A_1646 = arith.constant 0 : i32
      %dma_start3A_1647 = tpu.memref_slice %arg7[%dma_start3A_1643, %dma_start3A_1645, %dma_start3A_1646] : memref<8x200x64xf32, #tpu.memory_space<vmem>> -> memref<1x200x64xf32, #tpu.memory_space<vmem>>
      %dma_start3A_1648 = tpu.memref_squeeze %dma_start3A_1647 : memref<1x200x64xf32, #tpu.memory_space<vmem>> -> memref<200x64xf32, #tpu.memory_space<vmem>>
      %dma_start3A_1649 = arith.constant 0 : i32
      %dma_start3A_1650 = arith.constant 0 : i32
      %dma_start3A_1651 = tpu.memref_slice %arg5[%add3A_1627, %dma_start3A_1649, %dma_start3A_1650] : memref<4096x200x64xf32, #tpu.memory_space<hbm>> -> memref<1x200x64xf32, #tpu.memory_space<hbm>>
      %dma_start3A_1652 = tpu.memref_squeeze %dma_start3A_1651 : memref<1x200x64xf32, #tpu.memory_space<hbm>> -> memref<200x64xf32, #tpu.memory_space<hbm>>
      %dma_start3A_1653 = tpu.memref_slice %arg11[%dma_start3A_1644] : memref<8x!tpu.dma_semaphore, #tpu.memory_space<semaphore_mem>> -> memref<1x!tpu.dma_semaphore, #tpu.memory_space<semaphore_mem>>
      %dma_start3A_1654 = tpu.memref_squeeze %dma_start3A_1653 : memref<1x!tpu.dma_semaphore, #tpu.memory_space<semaphore_mem>> -> memref<!tpu.dma_semaphore, #tpu.memory_space<semaphore_mem>>
      %dma_start3A_1655 = arith.constant 0 : i32
      %dma_start3A_1656 = arith.constant 0 : i32
      %dma_start3A_1657 = tpu.memref_slice %arg5[%add3A_1627, %dma_start3A_1655, %dma_start3A_1656] : memref<4096x200x64xf32, #tpu.memory_space<hbm>> -> memref<1x200x64xf32, #tpu.memory_space<hbm>>
      %dma_start3A_1658 = tpu.memref_squeeze %dma_start3A_1657 : memref<1x200x64xf32, #tpu.memory_space<hbm>> -> memref<200x64xf32, #tpu.memory_space<hbm>>
      %dma_start3A_1659 = arith.constant 0 : i32
      %dma_start3A_1660 = arith.constant 0 : i32
      %dma_start3A_1661 = tpu.memref_slice %arg7[%dma_start3A_1643, %dma_start3A_1659, %dma_start3A_1660] : memref<8x200x64xf32, #tpu.memory_space<vmem>> -> memref<1x200x64xf32, #tpu.memory_space<vmem>>
      %dma_start3A_1662 = tpu.memref_squeeze %dma_start3A_1661 : memref<1x200x64xf32, #tpu.memory_space<vmem>> -> memref<200x64xf32, #tpu.memory_space<vmem>>
      tpu.enqueue_dma source(%dma_start3A_1662 : memref<200x64xf32, #tpu.memory_space<vmem>>) target(%dma_start3A_1658 : memref<200x64xf32, #tpu.memory_space<hbm>>) target_semaphore(%dma_start3A_1654 : memref<!tpu.dma_semaphore, #tpu.memory_space<semaphore_mem>>)
      %mul3A_1663 = arith.constant 8 : i32
      %mul3A_1664 = arith.muli %scan3A_862, %mul3A_1663 : i32
      %add3A_1665 = arith.addi %mul3A_2, %mul3A_1664 : i32
      %add3A_1666 = arith.constant 7 : i32
      %add3A_1667 = arith.addi %add3A_1665, %add3A_1666 : i32
      %dma_wait3A_1668 = arith.constant 7 : i32
      %dma_wait3A_1669 = arith.constant 7 : i32
      %dma_wait3A_1670 = arith.constant 7 : i32
      %dma_wait3A_1671 = arith.constant 0 : i32
      %dma_wait3A_1672 = arith.constant 0 : i32
      %dma_wait3A_1673 = tpu.memref_slice %arg7[%dma_wait3A_1669, %dma_wait3A_1671, %dma_wait3A_1672] : memref<8x200x64xf32, #tpu.memory_space<vmem>> -> memref<1x200x64xf32, #tpu.memory_space<vmem>>
      %dma_wait3A_1674 = tpu.memref_squeeze %dma_wait3A_1673 : memref<1x200x64xf32, #tpu.memory_space<vmem>> -> memref<200x64xf32, #tpu.memory_space<vmem>>
      %dma_wait3A_1675 = arith.constant 0 : i32
      %dma_wait3A_1676 = tpu.memref_slice %arg8[%dma_wait3A_1668, %dma_wait3A_1675] : memref<8x200xi32, #tpu.memory_space<vmem>> -> memref<1x200xi32, #tpu.memory_space<vmem>>
      %dma_wait3A_1677 = tpu.memref_squeeze %dma_wait3A_1676 : memref<1x200xi32, #tpu.memory_space<vmem>> -> memref<200xi32, #tpu.memory_space<vmem>>
      %dma_wait3A_1678 = arith.constant 0 : i32
      %dma_wait3A_1679 = arith.constant 0 : i32
      %dma_wait3A_1680 = tpu.memref_slice %arg3[%dma_wait3A_1678, %dma_wait3A_1679] : memref<1000000x64xf32, #tpu.memory_space<hbm>> -> memref<1000000x64xf32, #tpu.memory_space<hbm>>
      %dma_wait3A_1681 = tpu.memref_slice %arg10[%dma_wait3A_1670] : memref<8x!tpu.dma_semaphore, #tpu.memory_space<semaphore_mem>> -> memref<1x!tpu.dma_semaphore, #tpu.memory_space<semaphore_mem>>
      %dma_wait3A_1682 = tpu.memref_squeeze %dma_wait3A_1681 : memref<1x!tpu.dma_semaphore, #tpu.memory_space<semaphore_mem>> -> memref<!tpu.dma_semaphore, #tpu.memory_space<semaphore_mem>>
      tpu.wait_indirect_dma semaphore(%dma_wait3A_1682 : memref<!tpu.dma_semaphore, #tpu.memory_space<semaphore_mem>>) src(%dma_wait3A_1680 : memref<1000000x64xf32, #tpu.memory_space<hbm>>) dst(%dma_wait3A_1674 : memref<200x64xf32, #tpu.memory_space<vmem>>)
      %dma_start3A_1683 = arith.constant 7 : i32
      %dma_start3A_1684 = arith.constant 7 : i32
      %dma_start3A_1685 = arith.constant 0 : i32
      %dma_start3A_1686 = arith.constant 0 : i32
      %dma_start3A_1687 = tpu.memref_slice %arg7[%dma_start3A_1683, %dma_start3A_1685, %dma_start3A_1686] : memref<8x200x64xf32, #tpu.memory_space<vmem>> -> memref<1x200x64xf32, #tpu.memory_space<vmem>>
      %dma_start3A_1688 = tpu.memref_squeeze %dma_start3A_1687 : memref<1x200x64xf32, #tpu.memory_space<vmem>> -> memref<200x64xf32, #tpu.memory_space<vmem>>
      %dma_start3A_1689 = arith.constant 0 : i32
      %dma_start3A_1690 = arith.constant 0 : i32
      %dma_start3A_1691 = tpu.memref_slice %arg5[%add3A_1667, %dma_start3A_1689, %dma_start3A_1690] : memref<4096x200x64xf32, #tpu.memory_space<hbm>> -> memref<1x200x64xf32, #tpu.memory_space<hbm>>
      %dma_start3A_1692 = tpu.memref_squeeze %dma_start3A_1691 : memref<1x200x64xf32, #tpu.memory_space<hbm>> -> memref<200x64xf32, #tpu.memory_space<hbm>>
      %dma_start3A_1693 = tpu.memref_slice %arg11[%dma_start3A_1684] : memref<8x!tpu.dma_semaphore, #tpu.memory_space<semaphore_mem>> -> memref<1x!tpu.dma_semaphore, #tpu.memory_space<semaphore_mem>>
      %dma_start3A_1694 = tpu.memref_squeeze %dma_start3A_1693 : memref<1x!tpu.dma_semaphore, #tpu.memory_space<semaphore_mem>> -> memref<!tpu.dma_semaphore, #tpu.memory_space<semaphore_mem>>
      %dma_start3A_1695 = arith.constant 0 : i32
      %dma_start3A_1696 = arith.constant 0 : i32
      %dma_start3A_1697 = tpu.memref_slice %arg5[%add3A_1667, %dma_start3A_1695, %dma_start3A_1696] : memref<4096x200x64xf32, #tpu.memory_space<hbm>> -> memref<1x200x64xf32, #tpu.memory_space<hbm>>
      %dma_start3A_1698 = tpu.memref_squeeze %dma_start3A_1697 : memref<1x200x64xf32, #tpu.memory_space<hbm>> -> memref<200x64xf32, #tpu.memory_space<hbm>>
      %dma_start3A_1699 = arith.constant 0 : i32
      %dma_start3A_1700 = arith.constant 0 : i32
      %dma_start3A_1701 = tpu.memref_slice %arg7[%dma_start3A_1683, %dma_start3A_1699, %dma_start3A_1700] : memref<8x200x64xf32, #tpu.memory_space<vmem>> -> memref<1x200x64xf32, #tpu.memory_space<vmem>>
      %dma_start3A_1702 = tpu.memref_squeeze %dma_start3A_1701 : memref<1x200x64xf32, #tpu.memory_space<vmem>> -> memref<200x64xf32, #tpu.memory_space<vmem>>
      tpu.enqueue_dma source(%dma_start3A_1702 : memref<200x64xf32, #tpu.memory_space<vmem>>) target(%dma_start3A_1698 : memref<200x64xf32, #tpu.memory_space<hbm>>) target_semaphore(%dma_start3A_1694 : memref<!tpu.dma_semaphore, #tpu.memory_space<semaphore_mem>>)
    }
    %scan3A_669 = arith.constant 15 : i32
    %add3A_670 = arith.constant 120 : i32
    %add3A_671 = arith.addi %mul3A_2, %add3A_670 : i32
    %add3A_672 = arith.constant 0 : i32
    %add3A_673 = arith.addi %add3A_671, %add3A_672 : i32
    %dma_wait3A_674 = arith.constant 0 : i32
    %dma_wait3A_675 = arith.constant 0 : i32
    %dma_wait3A_676 = arith.constant 0 : i32
    %dma_wait3A_677 = arith.constant 0 : i32
    %dma_wait3A_678 = tpu.memref_slice %arg7[%dma_wait3A_674, %dma_wait3A_676, %dma_wait3A_677] : memref<8x200x64xf32, #tpu.memory_space<vmem>> -> memref<1x200x64xf32, #tpu.memory_space<vmem>>
    %dma_wait3A_679 = tpu.memref_squeeze %dma_wait3A_678 : memref<1x200x64xf32, #tpu.memory_space<vmem>> -> memref<200x64xf32, #tpu.memory_space<vmem>>
    %dma_wait3A_680 = arith.constant 0 : i32
    %dma_wait3A_681 = arith.constant 0 : i32
    %dma_wait3A_682 = tpu.memref_slice %arg5[%add3A_673, %dma_wait3A_680, %dma_wait3A_681] : memref<4096x200x64xf32, #tpu.memory_space<hbm>> -> memref<1x200x64xf32, #tpu.memory_space<hbm>>
    %dma_wait3A_683 = tpu.memref_squeeze %dma_wait3A_682 : memref<1x200x64xf32, #tpu.memory_space<hbm>> -> memref<200x64xf32, #tpu.memory_space<hbm>>
    %dma_wait3A_684 = tpu.memref_slice %arg11[%dma_wait3A_675] : memref<8x!tpu.dma_semaphore, #tpu.memory_space<semaphore_mem>> -> memref<1x!tpu.dma_semaphore, #tpu.memory_space<semaphore_mem>>
    %dma_wait3A_685 = tpu.memref_squeeze %dma_wait3A_684 : memref<1x!tpu.dma_semaphore, #tpu.memory_space<semaphore_mem>> -> memref<!tpu.dma_semaphore, #tpu.memory_space<semaphore_mem>>
    %dma_wait3A_686 = arith.constant 0 : i32
    %dma_wait3A_687 = arith.constant 0 : i32
    %dma_wait3A_688 = tpu.memref_slice %arg5[%add3A_673, %dma_wait3A_686, %dma_wait3A_687] : memref<4096x200x64xf32, #tpu.memory_space<hbm>> -> memref<1x200x64xf32, #tpu.memory_space<hbm>>
    %dma_wait3A_689 = tpu.memref_squeeze %dma_wait3A_688 : memref<1x200x64xf32, #tpu.memory_space<hbm>> -> memref<200x64xf32, #tpu.memory_space<hbm>>
    %dma_wait3A_690 = arith.constant 0 : i32
    %dma_wait3A_691 = arith.constant 0 : i32
    %dma_wait3A_692 = tpu.memref_slice %arg7[%dma_wait3A_674, %dma_wait3A_690, %dma_wait3A_691] : memref<8x200x64xf32, #tpu.memory_space<vmem>> -> memref<1x200x64xf32, #tpu.memory_space<vmem>>
    %dma_wait3A_693 = tpu.memref_squeeze %dma_wait3A_692 : memref<1x200x64xf32, #tpu.memory_space<vmem>> -> memref<200x64xf32, #tpu.memory_space<vmem>>
    tpu.wait_dma2 semaphore(%dma_wait3A_685 : memref<!tpu.dma_semaphore, #tpu.memory_space<semaphore_mem>>) src(%dma_wait3A_693 : memref<200x64xf32, #tpu.memory_space<vmem>>) dst(%dma_wait3A_689 : memref<200x64xf32, #tpu.memory_space<hbm>>)
    %add3A_694 = arith.constant 120 : i32
    %add3A_695 = arith.addi %mul3A_2, %add3A_694 : i32
    %add3A_696 = arith.constant 1 : i32
    %add3A_697 = arith.addi %add3A_695, %add3A_696 : i32
    %dma_wait3A_698 = arith.constant 1 : i32
    %dma_wait3A_699 = arith.constant 1 : i32
    %dma_wait3A_700 = arith.constant 0 : i32
    %dma_wait3A_701 = arith.constant 0 : i32
    %dma_wait3A_702 = tpu.memref_slice %arg7[%dma_wait3A_698, %dma_wait3A_700, %dma_wait3A_701] : memref<8x200x64xf32, #tpu.memory_space<vmem>> -> memref<1x200x64xf32, #tpu.memory_space<vmem>>
    %dma_wait3A_703 = tpu.memref_squeeze %dma_wait3A_702 : memref<1x200x64xf32, #tpu.memory_space<vmem>> -> memref<200x64xf32, #tpu.memory_space<vmem>>
    %dma_wait3A_704 = arith.constant 0 : i32
    %dma_wait3A_705 = arith.constant 0 : i32
    %dma_wait3A_706 = tpu.memref_slice %arg5[%add3A_697, %dma_wait3A_704, %dma_wait3A_705] : memref<4096x200x64xf32, #tpu.memory_space<hbm>> -> memref<1x200x64xf32, #tpu.memory_space<hbm>>
    %dma_wait3A_707 = tpu.memref_squeeze %dma_wait3A_706 : memref<1x200x64xf32, #tpu.memory_space<hbm>> -> memref<200x64xf32, #tpu.memory_space<hbm>>
    %dma_wait3A_708 = tpu.memref_slice %arg11[%dma_wait3A_699] : memref<8x!tpu.dma_semaphore, #tpu.memory_space<semaphore_mem>> -> memref<1x!tpu.dma_semaphore, #tpu.memory_space<semaphore_mem>>
    %dma_wait3A_709 = tpu.memref_squeeze %dma_wait3A_708 : memref<1x!tpu.dma_semaphore, #tpu.memory_space<semaphore_mem>> -> memref<!tpu.dma_semaphore, #tpu.memory_space<semaphore_mem>>
    %dma_wait3A_710 = arith.constant 0 : i32
    %dma_wait3A_711 = arith.constant 0 : i32
    %dma_wait3A_712 = tpu.memref_slice %arg5[%add3A_697, %dma_wait3A_710, %dma_wait3A_711] : memref<4096x200x64xf32, #tpu.memory_space<hbm>> -> memref<1x200x64xf32, #tpu.memory_space<hbm>>
    %dma_wait3A_713 = tpu.memref_squeeze %dma_wait3A_712 : memref<1x200x64xf32, #tpu.memory_space<hbm>> -> memref<200x64xf32, #tpu.memory_space<hbm>>
    %dma_wait3A_714 = arith.constant 0 : i32
    %dma_wait3A_715 = arith.constant 0 : i32
    %dma_wait3A_716 = tpu.memref_slice %arg7[%dma_wait3A_698, %dma_wait3A_714, %dma_wait3A_715] : memref<8x200x64xf32, #tpu.memory_space<vmem>> -> memref<1x200x64xf32, #tpu.memory_space<vmem>>
    %dma_wait3A_717 = tpu.memref_squeeze %dma_wait3A_716 : memref<1x200x64xf32, #tpu.memory_space<vmem>> -> memref<200x64xf32, #tpu.memory_space<vmem>>
    tpu.wait_dma2 semaphore(%dma_wait3A_709 : memref<!tpu.dma_semaphore, #tpu.memory_space<semaphore_mem>>) src(%dma_wait3A_717 : memref<200x64xf32, #tpu.memory_space<vmem>>) dst(%dma_wait3A_713 : memref<200x64xf32, #tpu.memory_space<hbm>>)
    %add3A_718 = arith.constant 120 : i32
    %add3A_719 = arith.addi %mul3A_2, %add3A_718 : i32
    %add3A_720 = arith.constant 2 : i32
    %add3A_721 = arith.addi %add3A_719, %add3A_720 : i32
    %dma_wait3A_722 = arith.constant 2 : i32
    %dma_wait3A_723 = arith.constant 2 : i32
    %dma_wait3A_724 = arith.constant 0 : i32
    %dma_wait3A_725 = arith.constant 0 : i32
    %dma_wait3A_726 = tpu.memref_slice %arg7[%dma_wait3A_722, %dma_wait3A_724, %dma_wait3A_725] : memref<8x200x64xf32, #tpu.memory_space<vmem>> -> memref<1x200x64xf32, #tpu.memory_space<vmem>>
    %dma_wait3A_727 = tpu.memref_squeeze %dma_wait3A_726 : memref<1x200x64xf32, #tpu.memory_space<vmem>> -> memref<200x64xf32, #tpu.memory_space<vmem>>
    %dma_wait3A_728 = arith.constant 0 : i32
    %dma_wait3A_729 = arith.constant 0 : i32
    %dma_wait3A_730 = tpu.memref_slice %arg5[%add3A_721, %dma_wait3A_728, %dma_wait3A_729] : memref<4096x200x64xf32, #tpu.memory_space<hbm>> -> memref<1x200x64xf32, #tpu.memory_space<hbm>>
    %dma_wait3A_731 = tpu.memref_squeeze %dma_wait3A_730 : memref<1x200x64xf32, #tpu.memory_space<hbm>> -> memref<200x64xf32, #tpu.memory_space<hbm>>
    %dma_wait3A_732 = tpu.memref_slice %arg11[%dma_wait3A_723] : memref<8x!tpu.dma_semaphore, #tpu.memory_space<semaphore_mem>> -> memref<1x!tpu.dma_semaphore, #tpu.memory_space<semaphore_mem>>
    %dma_wait3A_733 = tpu.memref_squeeze %dma_wait3A_732 : memref<1x!tpu.dma_semaphore, #tpu.memory_space<semaphore_mem>> -> memref<!tpu.dma_semaphore, #tpu.memory_space<semaphore_mem>>
    %dma_wait3A_734 = arith.constant 0 : i32
    %dma_wait3A_735 = arith.constant 0 : i32
    %dma_wait3A_736 = tpu.memref_slice %arg5[%add3A_721, %dma_wait3A_734, %dma_wait3A_735] : memref<4096x200x64xf32, #tpu.memory_space<hbm>> -> memref<1x200x64xf32, #tpu.memory_space<hbm>>
    %dma_wait3A_737 = tpu.memref_squeeze %dma_wait3A_736 : memref<1x200x64xf32, #tpu.memory_space<hbm>> -> memref<200x64xf32, #tpu.memory_space<hbm>>
    %dma_wait3A_738 = arith.constant 0 : i32
    %dma_wait3A_739 = arith.constant 0 : i32
    %dma_wait3A_740 = tpu.memref_slice %arg7[%dma_wait3A_722, %dma_wait3A_738, %dma_wait3A_739] : memref<8x200x64xf32, #tpu.memory_space<vmem>> -> memref<1x200x64xf32, #tpu.memory_space<vmem>>
    %dma_wait3A_741 = tpu.memref_squeeze %dma_wait3A_740 : memref<1x200x64xf32, #tpu.memory_space<vmem>> -> memref<200x64xf32, #tpu.memory_space<vmem>>
    tpu.wait_dma2 semaphore(%dma_wait3A_733 : memref<!tpu.dma_semaphore, #tpu.memory_space<semaphore_mem>>) src(%dma_wait3A_741 : memref<200x64xf32, #tpu.memory_space<vmem>>) dst(%dma_wait3A_737 : memref<200x64xf32, #tpu.memory_space<hbm>>)
    %add3A_742 = arith.constant 120 : i32
    %add3A_743 = arith.addi %mul3A_2, %add3A_742 : i32
    %add3A_744 = arith.constant 3 : i32
    %add3A_745 = arith.addi %add3A_743, %add3A_744 : i32
    %dma_wait3A_746 = arith.constant 3 : i32
    %dma_wait3A_747 = arith.constant 3 : i32
    %dma_wait3A_748 = arith.constant 0 : i32
    %dma_wait3A_749 = arith.constant 0 : i32
    %dma_wait3A_750 = tpu.memref_slice %arg7[%dma_wait3A_746, %dma_wait3A_748, %dma_wait3A_749] : memref<8x200x64xf32, #tpu.memory_space<vmem>> -> memref<1x200x64xf32, #tpu.memory_space<vmem>>
    %dma_wait3A_751 = tpu.memref_squeeze %dma_wait3A_750 : memref<1x200x64xf32, #tpu.memory_space<vmem>> -> memref<200x64xf32, #tpu.memory_space<vmem>>
    %dma_wait3A_752 = arith.constant 0 : i32
    %dma_wait3A_753 = arith.constant 0 : i32
    %dma_wait3A_754 = tpu.memref_slice %arg5[%add3A_745, %dma_wait3A_752, %dma_wait3A_753] : memref<4096x200x64xf32, #tpu.memory_space<hbm>> -> memref<1x200x64xf32, #tpu.memory_space<hbm>>
    %dma_wait3A_755 = tpu.memref_squeeze %dma_wait3A_754 : memref<1x200x64xf32, #tpu.memory_space<hbm>> -> memref<200x64xf32, #tpu.memory_space<hbm>>
    %dma_wait3A_756 = tpu.memref_slice %arg11[%dma_wait3A_747] : memref<8x!tpu.dma_semaphore, #tpu.memory_space<semaphore_mem>> -> memref<1x!tpu.dma_semaphore, #tpu.memory_space<semaphore_mem>>
    %dma_wait3A_757 = tpu.memref_squeeze %dma_wait3A_756 : memref<1x!tpu.dma_semaphore, #tpu.memory_space<semaphore_mem>> -> memref<!tpu.dma_semaphore, #tpu.memory_space<semaphore_mem>>
    %dma_wait3A_758 = arith.constant 0 : i32
    %dma_wait3A_759 = arith.constant 0 : i32
    %dma_wait3A_760 = tpu.memref_slice %arg5[%add3A_745, %dma_wait3A_758, %dma_wait3A_759] : memref<4096x200x64xf32, #tpu.memory_space<hbm>> -> memref<1x200x64xf32, #tpu.memory_space<hbm>>
    %dma_wait3A_761 = tpu.memref_squeeze %dma_wait3A_760 : memref<1x200x64xf32, #tpu.memory_space<hbm>> -> memref<200x64xf32, #tpu.memory_space<hbm>>
    %dma_wait3A_762 = arith.constant 0 : i32
    %dma_wait3A_763 = arith.constant 0 : i32
    %dma_wait3A_764 = tpu.memref_slice %arg7[%dma_wait3A_746, %dma_wait3A_762, %dma_wait3A_763] : memref<8x200x64xf32, #tpu.memory_space<vmem>> -> memref<1x200x64xf32, #tpu.memory_space<vmem>>
    %dma_wait3A_765 = tpu.memref_squeeze %dma_wait3A_764 : memref<1x200x64xf32, #tpu.memory_space<vmem>> -> memref<200x64xf32, #tpu.memory_space<vmem>>
    tpu.wait_dma2 semaphore(%dma_wait3A_757 : memref<!tpu.dma_semaphore, #tpu.memory_space<semaphore_mem>>) src(%dma_wait3A_765 : memref<200x64xf32, #tpu.memory_space<vmem>>) dst(%dma_wait3A_761 : memref<200x64xf32, #tpu.memory_space<hbm>>)
    %add3A_766 = arith.constant 120 : i32
    %add3A_767 = arith.addi %mul3A_2, %add3A_766 : i32
    %add3A_768 = arith.constant 4 : i32
    %add3A_769 = arith.addi %add3A_767, %add3A_768 : i32
    %dma_wait3A_770 = arith.constant 4 : i32
    %dma_wait3A_771 = arith.constant 4 : i32
    %dma_wait3A_772 = arith.constant 0 : i32
    %dma_wait3A_773 = arith.constant 0 : i32
    %dma_wait3A_774 = tpu.memref_slice %arg7[%dma_wait3A_770, %dma_wait3A_772, %dma_wait3A_773] : memref<8x200x64xf32, #tpu.memory_space<vmem>> -> memref<1x200x64xf32, #tpu.memory_space<vmem>>
    %dma_wait3A_775 = tpu.memref_squeeze %dma_wait3A_774 : memref<1x200x64xf32, #tpu.memory_space<vmem>> -> memref<200x64xf32, #tpu.memory_space<vmem>>
    %dma_wait3A_776 = arith.constant 0 : i32
    %dma_wait3A_777 = arith.constant 0 : i32
    %dma_wait3A_778 = tpu.memref_slice %arg5[%add3A_769, %dma_wait3A_776, %dma_wait3A_777] : memref<4096x200x64xf32, #tpu.memory_space<hbm>> -> memref<1x200x64xf32, #tpu.memory_space<hbm>>
    %dma_wait3A_779 = tpu.memref_squeeze %dma_wait3A_778 : memref<1x200x64xf32, #tpu.memory_space<hbm>> -> memref<200x64xf32, #tpu.memory_space<hbm>>
    %dma_wait3A_780 = tpu.memref_slice %arg11[%dma_wait3A_771] : memref<8x!tpu.dma_semaphore, #tpu.memory_space<semaphore_mem>> -> memref<1x!tpu.dma_semaphore, #tpu.memory_space<semaphore_mem>>
    %dma_wait3A_781 = tpu.memref_squeeze %dma_wait3A_780 : memref<1x!tpu.dma_semaphore, #tpu.memory_space<semaphore_mem>> -> memref<!tpu.dma_semaphore, #tpu.memory_space<semaphore_mem>>
    %dma_wait3A_782 = arith.constant 0 : i32
    %dma_wait3A_783 = arith.constant 0 : i32
    %dma_wait3A_784 = tpu.memref_slice %arg5[%add3A_769, %dma_wait3A_782, %dma_wait3A_783] : memref<4096x200x64xf32, #tpu.memory_space<hbm>> -> memref<1x200x64xf32, #tpu.memory_space<hbm>>
    %dma_wait3A_785 = tpu.memref_squeeze %dma_wait3A_784 : memref<1x200x64xf32, #tpu.memory_space<hbm>> -> memref<200x64xf32, #tpu.memory_space<hbm>>
    %dma_wait3A_786 = arith.constant 0 : i32
    %dma_wait3A_787 = arith.constant 0 : i32
    %dma_wait3A_788 = tpu.memref_slice %arg7[%dma_wait3A_770, %dma_wait3A_786, %dma_wait3A_787] : memref<8x200x64xf32, #tpu.memory_space<vmem>> -> memref<1x200x64xf32, #tpu.memory_space<vmem>>
    %dma_wait3A_789 = tpu.memref_squeeze %dma_wait3A_788 : memref<1x200x64xf32, #tpu.memory_space<vmem>> -> memref<200x64xf32, #tpu.memory_space<vmem>>
    tpu.wait_dma2 semaphore(%dma_wait3A_781 : memref<!tpu.dma_semaphore, #tpu.memory_space<semaphore_mem>>) src(%dma_wait3A_789 : memref<200x64xf32, #tpu.memory_space<vmem>>) dst(%dma_wait3A_785 : memref<200x64xf32, #tpu.memory_space<hbm>>)
    %add3A_790 = arith.constant 120 : i32
    %add3A_791 = arith.addi %mul3A_2, %add3A_790 : i32
    %add3A_792 = arith.constant 5 : i32
    %add3A_793 = arith.addi %add3A_791, %add3A_792 : i32
    %dma_wait3A_794 = arith.constant 5 : i32
    %dma_wait3A_795 = arith.constant 5 : i32
    %dma_wait3A_796 = arith.constant 0 : i32
    %dma_wait3A_797 = arith.constant 0 : i32
    %dma_wait3A_798 = tpu.memref_slice %arg7[%dma_wait3A_794, %dma_wait3A_796, %dma_wait3A_797] : memref<8x200x64xf32, #tpu.memory_space<vmem>> -> memref<1x200x64xf32, #tpu.memory_space<vmem>>
    %dma_wait3A_799 = tpu.memref_squeeze %dma_wait3A_798 : memref<1x200x64xf32, #tpu.memory_space<vmem>> -> memref<200x64xf32, #tpu.memory_space<vmem>>
    %dma_wait3A_800 = arith.constant 0 : i32
    %dma_wait3A_801 = arith.constant 0 : i32
    %dma_wait3A_802 = tpu.memref_slice %arg5[%add3A_793, %dma_wait3A_800, %dma_wait3A_801] : memref<4096x200x64xf32, #tpu.memory_space<hbm>> -> memref<1x200x64xf32, #tpu.memory_space<hbm>>
    %dma_wait3A_803 = tpu.memref_squeeze %dma_wait3A_802 : memref<1x200x64xf32, #tpu.memory_space<hbm>> -> memref<200x64xf32, #tpu.memory_space<hbm>>
    %dma_wait3A_804 = tpu.memref_slice %arg11[%dma_wait3A_795] : memref<8x!tpu.dma_semaphore, #tpu.memory_space<semaphore_mem>> -> memref<1x!tpu.dma_semaphore, #tpu.memory_space<semaphore_mem>>
    %dma_wait3A_805 = tpu.memref_squeeze %dma_wait3A_804 : memref<1x!tpu.dma_semaphore, #tpu.memory_space<semaphore_mem>> -> memref<!tpu.dma_semaphore, #tpu.memory_space<semaphore_mem>>
    %dma_wait3A_806 = arith.constant 0 : i32
    %dma_wait3A_807 = arith.constant 0 : i32
    %dma_wait3A_808 = tpu.memref_slice %arg5[%add3A_793, %dma_wait3A_806, %dma_wait3A_807] : memref<4096x200x64xf32, #tpu.memory_space<hbm>> -> memref<1x200x64xf32, #tpu.memory_space<hbm>>
    %dma_wait3A_809 = tpu.memref_squeeze %dma_wait3A_808 : memref<1x200x64xf32, #tpu.memory_space<hbm>> -> memref<200x64xf32, #tpu.memory_space<hbm>>
    %dma_wait3A_810 = arith.constant 0 : i32
    %dma_wait3A_811 = arith.constant 0 : i32
    %dma_wait3A_812 = tpu.memref_slice %arg7[%dma_wait3A_794, %dma_wait3A_810, %dma_wait3A_811] : memref<8x200x64xf32, #tpu.memory_space<vmem>> -> memref<1x200x64xf32, #tpu.memory_space<vmem>>
    %dma_wait3A_813 = tpu.memref_squeeze %dma_wait3A_812 : memref<1x200x64xf32, #tpu.memory_space<vmem>> -> memref<200x64xf32, #tpu.memory_space<vmem>>
    tpu.wait_dma2 semaphore(%dma_wait3A_805 : memref<!tpu.dma_semaphore, #tpu.memory_space<semaphore_mem>>) src(%dma_wait3A_813 : memref<200x64xf32, #tpu.memory_space<vmem>>) dst(%dma_wait3A_809 : memref<200x64xf32, #tpu.memory_space<hbm>>)
    %add3A_814 = arith.constant 120 : i32
    %add3A_815 = arith.addi %mul3A_2, %add3A_814 : i32
    %add3A_816 = arith.constant 6 : i32
    %add3A_817 = arith.addi %add3A_815, %add3A_816 : i32
    %dma_wait3A_818 = arith.constant 6 : i32
    %dma_wait3A_819 = arith.constant 6 : i32
    %dma_wait3A_820 = arith.constant 0 : i32
    %dma_wait3A_821 = arith.constant 0 : i32
    %dma_wait3A_822 = tpu.memref_slice %arg7[%dma_wait3A_818, %dma_wait3A_820, %dma_wait3A_821] : memref<8x200x64xf32, #tpu.memory_space<vmem>> -> memref<1x200x64xf32, #tpu.memory_space<vmem>>
    %dma_wait3A_823 = tpu.memref_squeeze %dma_wait3A_822 : memref<1x200x64xf32, #tpu.memory_space<vmem>> -> memref<200x64xf32, #tpu.memory_space<vmem>>
    %dma_wait3A_824 = arith.constant 0 : i32
    %dma_wait3A_825 = arith.constant 0 : i32
    %dma_wait3A_826 = tpu.memref_slice %arg5[%add3A_817, %dma_wait3A_824, %dma_wait3A_825] : memref<4096x200x64xf32, #tpu.memory_space<hbm>> -> memref<1x200x64xf32, #tpu.memory_space<hbm>>
    %dma_wait3A_827 = tpu.memref_squeeze %dma_wait3A_826 : memref<1x200x64xf32, #tpu.memory_space<hbm>> -> memref<200x64xf32, #tpu.memory_space<hbm>>
    %dma_wait3A_828 = tpu.memref_slice %arg11[%dma_wait3A_819] : memref<8x!tpu.dma_semaphore, #tpu.memory_space<semaphore_mem>> -> memref<1x!tpu.dma_semaphore, #tpu.memory_space<semaphore_mem>>
    %dma_wait3A_829 = tpu.memref_squeeze %dma_wait3A_828 : memref<1x!tpu.dma_semaphore, #tpu.memory_space<semaphore_mem>> -> memref<!tpu.dma_semaphore, #tpu.memory_space<semaphore_mem>>
    %dma_wait3A_830 = arith.constant 0 : i32
    %dma_wait3A_831 = arith.constant 0 : i32
    %dma_wait3A_832 = tpu.memref_slice %arg5[%add3A_817, %dma_wait3A_830, %dma_wait3A_831] : memref<4096x200x64xf32, #tpu.memory_space<hbm>> -> memref<1x200x64xf32, #tpu.memory_space<hbm>>
    %dma_wait3A_833 = tpu.memref_squeeze %dma_wait3A_832 : memref<1x200x64xf32, #tpu.memory_space<hbm>> -> memref<200x64xf32, #tpu.memory_space<hbm>>
    %dma_wait3A_834 = arith.constant 0 : i32
    %dma_wait3A_835 = arith.constant 0 : i32
    %dma_wait3A_836 = tpu.memref_slice %arg7[%dma_wait3A_818, %dma_wait3A_834, %dma_wait3A_835] : memref<8x200x64xf32, #tpu.memory_space<vmem>> -> memref<1x200x64xf32, #tpu.memory_space<vmem>>
    %dma_wait3A_837 = tpu.memref_squeeze %dma_wait3A_836 : memref<1x200x64xf32, #tpu.memory_space<vmem>> -> memref<200x64xf32, #tpu.memory_space<vmem>>
    tpu.wait_dma2 semaphore(%dma_wait3A_829 : memref<!tpu.dma_semaphore, #tpu.memory_space<semaphore_mem>>) src(%dma_wait3A_837 : memref<200x64xf32, #tpu.memory_space<vmem>>) dst(%dma_wait3A_833 : memref<200x64xf32, #tpu.memory_space<hbm>>)
    %add3A_838 = arith.constant 120 : i32
    %add3A_839 = arith.addi %mul3A_2, %add3A_838 : i32
    %add3A_840 = arith.constant 7 : i32
    %add3A_841 = arith.addi %add3A_839, %add3A_840 : i32
    %dma_wait3A_842 = arith.constant 7 : i32
    %dma_wait3A_843 = arith.constant 7 : i32
    %dma_wait3A_844 = arith.constant 0 : i32
    %dma_wait3A_845 = arith.constant 0 : i32
    %dma_wait3A_846 = tpu.memref_slice %arg7[%dma_wait3A_842, %dma_wait3A_844, %dma_wait3A_845] : memref<8x200x64xf32, #tpu.memory_space<vmem>> -> memref<1x200x64xf32, #tpu.memory_space<vmem>>
    %dma_wait3A_847 = tpu.memref_squeeze %dma_wait3A_846 : memref<1x200x64xf32, #tpu.memory_space<vmem>> -> memref<200x64xf32, #tpu.memory_space<vmem>>
    %dma_wait3A_848 = arith.constant 0 : i32
    %dma_wait3A_849 = arith.constant 0 : i32
    %dma_wait3A_850 = tpu.memref_slice %arg5[%add3A_841, %dma_wait3A_848, %dma_wait3A_849] : memref<4096x200x64xf32, #tpu.memory_space<hbm>> -> memref<1x200x64xf32, #tpu.memory_space<hbm>>
    %dma_wait3A_851 = tpu.memref_squeeze %dma_wait3A_850 : memref<1x200x64xf32, #tpu.memory_space<hbm>> -> memref<200x64xf32, #tpu.memory_space<hbm>>
    %dma_wait3A_852 = tpu.memref_slice %arg11[%dma_wait3A_843] : memref<8x!tpu.dma_semaphore, #tpu.memory_space<semaphore_mem>> -> memref<1x!tpu.dma_semaphore, #tpu.memory_space<semaphore_mem>>
    %dma_wait3A_853 = tpu.memref_squeeze %dma_wait3A_852 : memref<1x!tpu.dma_semaphore, #tpu.memory_space<semaphore_mem>> -> memref<!tpu.dma_semaphore, #tpu.memory_space<semaphore_mem>>
    %dma_wait3A_854 = arith.constant 0 : i32
    %dma_wait3A_855 = arith.constant 0 : i32
    %dma_wait3A_856 = tpu.memref_slice %arg5[%add3A_841, %dma_wait3A_854, %dma_wait3A_855] : memref<4096x200x64xf32, #tpu.memory_space<hbm>> -> memref<1x200x64xf32, #tpu.memory_space<hbm>>
    %dma_wait3A_857 = tpu.memref_squeeze %dma_wait3A_856 : memref<1x200x64xf32, #tpu.memory_space<hbm>> -> memref<200x64xf32, #tpu.memory_space<hbm>>
    %dma_wait3A_858 = arith.constant 0 : i32
    %dma_wait3A_859 = arith.constant 0 : i32
    %dma_wait3A_860 = tpu.memref_slice %arg7[%dma_wait3A_842, %dma_wait3A_858, %dma_wait3A_859] : memref<8x200x64xf32, #tpu.memory_space<vmem>> -> memref<1x200x64xf32, #tpu.memory_space<vmem>>
    %dma_wait3A_861 = tpu.memref_squeeze %dma_wait3A_860 : memref<1x200x64xf32, #tpu.memory_space<vmem>> -> memref<200x64xf32, #tpu.memory_space<vmem>>
    tpu.wait_dma2 semaphore(%dma_wait3A_853 : memref<!tpu.dma_semaphore, #tpu.memory_space<semaphore_mem>>) src(%dma_wait3A_861 : memref<200x64xf32, #tpu.memory_space<vmem>>) dst(%dma_wait3A_857 : memref<200x64xf32, #tpu.memory_space<hbm>>)
    return
  }
}

</mosaic_0001>

<sc_bundles>
// kernel: kernel.3.cloned.1.call-start
scs
__scs_entry_jumppad:
0x0: {  	(pc) =	sbr.rel $0x88, $3  }
0x1: {  	(tag) =	ssettag $0x0;
	lr =	simm.s32 $0x1  }
0x2: {  	[smem:$0x3F9E] =	sst lr;
	_ =	strace $0xD0000000  }
0x3: {  	_ = 	snop  }
0x4: {  	_ = 	snop  }
0x5: {  	_ = 	snop  }
0x6: {  	_ = 	snop  }
0x7: {  	_ = 	snop  }
__scs_overlays_trampoline_lowered:
0x8: {  	[smem:$0x3FAD] =	sst s0  }
0x9: {  	[smem:$0x3FAE] =	sst s1  }
0xa: {  	[smem:$0x3FAF] =	sst s2  }
0xb: {  	[smem:$0x3FB0] =	sst s3  }
0xc: {  	[smem:$0x3FB1] =	sst s4  }
0xd: {  	[smem:$0x3FB2] =	sst s5  }
0xe: {  	[smem:$0x3FB3] =	sst s6  }
0xf: {  	[smem:$0x3FB4] =	sst s7  }
0x10: {  	[smem:$0x3FB5] =	sst s8  }
0x11: {  	[smem:$0x3FB6] =	sst s9;
	s0 =	simm.s32 @!p0 $0x0  }
0x12: {  	s1 =	sld [smem:$0x3F9C];
	s0 =	simm.s32 @p0 $0x1  }
0x13: {  	[smem:$0x3FB7] =	sst s0;
	s0 =	simm.s32 @!p1 $0x0  }
0x14: {  	s2 =	sld [smem:$0x3F9B];
	s0 =	simm.s32 @p1 $0x1  }
0x15: {  	[smem:$0x3FB8] =	sst s0;
	s0 =	simm.s32 @!p2 $0x0  }
0x16: {  	s3 =	sld [smem:$0x3FDB];
	s0 =	simm.s32 @p2 $0x1  }
0x17: {  	s4 =	simm.s32 $0x1BF5;
	[smem:$0x3FBA] =	sst s0  }
0x18: {  	s0 =	sld [smem:$0x3F9D];
	_ =	swait.ge [sflag:s4], $0x0  }
0x19: {  	s7 =	sld [smem:$0x3F9E]  }
0x1a: {  	s8 =	sadd.s32 $0xFFFFE003, lr  }
0x1b: {  	s9 =	sadd.s32 $0xFFFFFEF7, lr;
	s5 =	simm.s32 $0xFFFFFFFF;
	p2 =	slt.u32 s8, $0xFFFFF086  }
0x1c: {  	p1 =	slt.u32 s9, $0xF7A;
	s5 =	simm.s32 @!p2 $0x0  }
0x1d: {  	s5 =	simm.s32 @p1 $0x1;
	p0 =	seq.s32 s7, s2  }
0x1e: {  	s7 =	smul.u32 @!p0 $0xF7A, s2;
	p2 =	seq.s32 @!p0 s5, $0x0  }
0x1f: {  	s9 =	smul.u32 $0xF7A, s1;
	s8 =	simm.s32 @!p0 $0x1BF5;
	p2 =	por !p2, p0  }
0x20: {  	[sflag:s8] =	ssyncset.s32 @!p0 $0xFFFFF086;
	s6 =	sadd.s32 @!p0 s3, s7;
	s7 =	simm.s32 @!p0 $0x108  }
0x21: {  	s3 =	sadd.s32 s3, s9;
	s6 =	sadd.s32 @!p0 $0x88, s6;
	s7 =	simm.s32 @p2 $0x1082  }
0x22: {  	[simem:s7], [sflag:s8] =	dma.local @!p0 [hbm:s6], $0xF7A  }
0x23: {  	s9 =	sor.u32 $0xD0000000, s2;
	s6 =	simm.s32 $0x108;
	_ =	swait.ge @!p0 [sflag:s8], $0x0  }
0x24: {  	s3 =	sadd.s32 $0x88, s3;
	s6 =	simm.s32 @!p1 $0x1082;
	[sflag:s4] =	ssyncset.s32 $0xFFFFF086  }
0x25: {  	[simem:s6], [sflag:s4] =	dma.local [hbm:s3], $0xF7A  }
0x26: {  	[smem:$0x3F9E] =	sst s1;
	(tag) =	ssettag s2;
	_ =	strace s9  }
0x27: {  	s1 =	sld [smem:$0x3FAE]  }
0x28: {  	s2 =	sld [smem:$0x3FAF]  }
0x29: {  	s4 =	sld [smem:$0x3FB1]  }
0x2a: {  	p0 =	seq.s32 s5, $0x0;
	s5 =	sld [smem:$0x3FB2]  }
0x2b: {  	s6 =	sld [smem:$0x3FB3]  }
0x2c: {  	s7 =	sld [smem:$0x3FB4]  }
0x2d: {  	s3 =	simm.s32 $0x108;
	s8 =	sld [smem:$0x3FB5]  }
0x2e: {  	s3 =	simm.s32 @!p0 $0x1082;
	s9 =	sld [smem:$0x3FB6]  }
0x2f: {  	lr =	sadd.s32 s0, s3;
	s0 =	sld [smem:$0x3FAD]  }
0x30: {  	s3 =	sld [smem:$0x3FB0]  }
0x31: {  	[smem:$0x3FB9] =	sst s10  }
0x32: {  	s10 =	sld [smem:$0x3FB7];
	_ =	sdelay $0x3  }
0x33: {  	p0 =	seq.s32 s10, $0x1;
	s10 =	sld [smem:$0x3FB9];
	_ =	sdelay $0x3  }
0x34: {  	[smem:$0x3FB9] =	sst s10  }
0x35: {  	s10 =	sld [smem:$0x3FB8];
	_ =	sdelay $0x3  }
0x36: {  	p1 =	seq.s32 s10, $0x1;
	s10 =	sld [smem:$0x3FB9];
	_ =	sdelay $0x3  }
0x37: {  	[smem:$0x3FB9] =	sst s10  }
0x38: {  	s10 =	sld [smem:$0x3FBA]  }
0x39: {  	_ = 	snop;
	(pc) =	sbr.ind lr, $3  }
0x3a: {  	_ = 	snop  }
0x3b: {  	_ = 	snop  }
0x3c: {  	p2 =	seq.s32 s10, $0x1;
	s10 =	sld [smem:$0x3FB9]  }
0x3d: {  	_ =	shalt  }
0x3e: {  	_ =	shalt  }
0x3f: {  	_ =	shalt  }
0x40: {  	_ =	shalt  }
0x41: {  	_ =	shalt  }
0x42: {  	_ =	shalt  }
0x43: {  	_ =	shalt  }
0x44: {  	_ =	shalt  }
0x45: {  	_ =	shalt  }
0x46: {  	_ =	shalt  }
0x47: {  	_ =	shalt  }
0x48: {  	_ =	shalt  }
0x49: {  	_ =	shalt  }
0x4a: {  	_ =	shalt  }
0x4b: {  	_ =	shalt  }
0x4c: {  	_ =	shalt  }
0x4d: {  	_ =	shalt  }
0x4e: {  	_ =	shalt  }
0x4f: {  	_ =	shalt  }
0x50: {  	_ =	shalt  }
0x51: {  	_ =	shalt  }
0x52: {  	_ =	shalt  }
0x53: {  	_ =	shalt  }
0x54: {  	_ =	shalt  }
0x55: {  	_ =	shalt  }
0x56: {  	_ =	shalt  }
0x57: {  	_ =	shalt  }
0x58: {  	_ =	shalt  }
0x59: {  	_ =	shalt  }
0x5a: {  	_ =	shalt  }
0x5b: {  	_ =	shalt  }
0x5c: {  	_ =	shalt  }
0x5d: {  	_ =	shalt  }
0x5e: {  	_ =	shalt  }
0x5f: {  	_ =	shalt  }
0x60: {  	_ =	shalt  }
0x61: {  	_ =	shalt  }
0x62: {  	_ =	shalt  }
0x63: {  	_ =	shalt  }
0x64: {  	_ =	shalt  }
0x65: {  	_ =	shalt  }
0x66: {  	_ =	shalt  }
0x67: {  	_ =	shalt  }
0x68: {  	_ =	shalt  }
0x69: {  	_ =	shalt  }
0x6a: {  	_ =	shalt  }
0x6b: {  	_ =	shalt  }
0x6c: {  	_ =	shalt  }
0x6d: {  	_ =	shalt  }
0x6e: {  	_ =	shalt  }
0x6f: {  	_ =	shalt  }
0x70: {  	_ =	shalt  }
0x71: {  	_ =	shalt  }
0x72: {  	_ =	shalt  }
0x73: {  	_ =	shalt  }
0x74: {  	_ =	shalt  }
0x75: {  	_ =	shalt  }
0x76: {  	_ =	shalt  }
0x77: {  	_ =	shalt  }
0x78: {  	_ =	shalt  }
0x79: {  	_ =	shalt  }
0x7a: {  	_ =	shalt  }
0x7b: {  	_ =	shalt  }
0x7c: {  	_ =	shalt  }
0x7d: {  	_ =	shalt  }
0x7e: {  	_ =	shalt  }
0x7f: {  	_ =	shalt  }
0x80: {  	_ =	shalt  }
0x81: {  	_ =	shalt  }
0x82: {  	_ =	shalt  }
0x83: {  	_ =	shalt  }
0x84: {  	_ =	shalt  }
0x85: {  	_ =	shalt  }
0x86: {  	_ =	shalt  }
0x87: {  	_ =	shalt  }
.Lfunc_end0:
.L_simem_size_0:
called_computation.1_lowered:
.L_overlay_start_0:
0x88: {  	s2 =	sld [smem:$0x3FD9]  }
0x89: {  	s3 =	sld [smem:$0x3FFE];
	_ =	sdelay $0x1  }
0x8a: {  	s1 =	srdreg.scid  }
0x8b: {  	s0 =	sand.u32 $0x1, s1  }
0x8c: {  	s17 =	sshll.u32 s0, $0xA;
	s2 =	sadd.s32 s3, s2  }
0x8d: {  	s2 =	sadd.s32 s2, s17  }
0x8e: {  	[smem:$0x3FC5] =	sst s2  }
0x8f: {  	_ = 	snop  }
0x90: {  	s2 =	sld [smem:$0x3FD0];
	(tm) =	ssettm $0x1  }
0x91: {  	s18 =	sld [smem:$0x3FFB];
	_ =	sdelay $0x3  }
0x92: {  	_ =	strace s18  }
0x93: {  	s3 =	sld [smem:$0x3FFC];
	_ =	sdelay $0x3  }
0x94: {  	_ =	strace s3  }
0x95: {  	s3 =	sld [smem:$0x3FFD];
	_ =	sdelay $0x3  }
0x96: {  	_ =	strace s3  }
0x97: {  	_ =	strace $0x8FFFFFFF  }
0x98: {  	s19 =	sld [smem:$0x3FDB];
	_ =	sdelay $0x1  }
0x99: {  	s4 =	simm.s32 $_scs_section_size  }
0x9a: {  	s5 =	simm.s32 $_size__tile_overlayer_lowered;
	s6 =	simm.s32 $_tile_overlayer_lowered  }
0x9b: {  	s22 =	simm.s32 $0x1BFF;
	s21 =	sshll.u32 s6, $0x1;
	s3 =	sadd.s32 s4, s19  }
0x9c: {  	s7 =	simm.s32 $0x0;
	s20 =	sshll.u32 s5, $0x1;
	s5 =	sadd.s32 s21, s3  }
0x9d: {  	[timem:s7], [sflag:s22] =	dma.local [hbm:s5], s20  }
0x9e: {  	_ =	swait.ge [sflag:s22], s20  }
0x9f: {  	s4 =	ssub.s32 $0x0, s20;
	[sflag:s22] =	ssyncset.done $0x0  }
0xa0: {  	[sflag:s22] =	ssyncadd.s32 s4;
	_ =	sdelay $0x1  }
0xa1: {  	s23 =	simm.s32 $0x1B8B  }
0xa2: {  	_ =	swait.ge [sflag:s23], $0x1  }
0xa3: {  	[sflag:s23] =	ssyncset.done $0x0  }
0xa4: {  	s25 =	simm.s32 $0x1B8E;
	s24 =	sld [smem:$0x3FFE];
	[sflag:s23] =	ssyncadd.s32 $0xFFFFFFFF  }
0xa5: {  	s26 =	simm.s32 $execute0_lowered;
	[smem:$0x3FD2] =	sst s25  }
0xa6: {  	s5 =	sshll.u32 s26, $0x1;
	_ =	strace $0x80000046;
	[dreg:$0x1] =	wrdreg $0xFFFFFFFF  }
0xa7: {  	s28 =	simm.s32 $_size_execute0_lowered;
	s3 =	sadd.s32 s3, s5;
	[dreg:$0x0] =	wrdreg $0x0  }
0xa8: {  	s5 =	sshll.u32 s28, $0x1;
	[dreg:$0x2] =	wrdreg s3  }
0xa9: {  	[dreg:$0x3] =	wrdreg s5  }
0xaa: {  	[dreg:$0x4] =	wrdreg $0xC0  }
0xab: {  	_ =	task [dreg:s7], $0x5FFFF  }
0xac: {  	[dreg:$0x1] =	wrdreg $0xFFFFFFFF  }
0xad: {  	[dreg:$0x0] =	wrdreg $0x60  }
0xae: {  	[dreg:$0x2] =	wrdreg s24  }
0xaf: {  	[dreg:$0x3] =	wrdreg s2  }
0xb0: {  	[dreg:$0x4] =	wrdreg $0x0  }
0xb1: {  	[dreg:$0x5] =	wrdreg $0x9  }
0xb2: {  	_ =	task.clear_ibuf [dreg:s7], $0x6FFFF;
	_ =	strace $0x90000046  }
0xb3: {  	s29 =	simm.s32 $0x9;
	_ =	strace $0x80000048  }
0xb4: {  	_ =	swait.ge [sflag:s29], $0x1  }
0xb5: {  	[sflag:s29] =	ssyncadd.s32 $0xFFFFFFFF  }
0xb6: {  	_ =	strace $0x90000048  }
0xb7: {  	_ =	sfence  }
0xb8: {  	s30 =	sld [smem:$0x0];
	_ =	sdelay $0x2  }
0xb9: {  	s31 =	sshll.u32 s1, $0xD;
	s1 =	sshrl.u32 s1, $0x2  }
0xba: {  	s3 =	sand.u32 $0x4000, s31;
	s1 =	sadd.s32 s1, s30  }
0xbb: {  	s0 =	sor.u32 s3, s0;
	s1 =	sshll.u32 s1, $0x11  }
0xbc: {  	s0 =	sor.u32 s1, s0  }
0xbd: {  	s0 =	sadd.s32 $0x8F2B, s0  }
0xbe: {  	[sflag:s0] =	ssyncadd.remote.s32 $0x1  }
0xbf: {  	_ =	sfence.sel $0xFFFF  }
0xc0: {  	[dreg:$0x0] =	wrdreg $0xFFFFFFFF;
	(pc) =	sbr.abs _section_cstart, $3  }
0xc1: {  	[dreg:$0x1] =	wrdreg $0xFFFFFFFF  }
0xc2: {  	_ =	task.clear_ibuf [dreg:s7], $0x2FFFF;
	_ =	strace $0x9FFFFFFF  }
0xc3: {  	(tm) =	ssettm $0x7FFFFFFF  }
tec
execute0_lowered:
.L_overlay_start_1:
0x0: {  	(tag) =	ssettag $0x1  }
0x1: {  	s1 =	srdreg.scid  }
0x2: {  	s0 =	stileid.u32;
	s3 =	sand.u32 $0x1, s1  }
0x3: {  	s6 =	sshll.u32 s0, $0x8;
	s2 =	sshll.u32 s3, $0x7  }
0x4: {  	s4 =	sor.u32 s2, s6  }
0x5: {  	s5 =	smul.u32 $0x19, s4;
	s6 =	sor.u32 $0x1, s4;
	s8 =	sor.u32 $0x2, s4  }
0x6: {  	s10 =	sor.u32 $0x3, s4;
	s12 =	sor.u32 $0x4, s4;
	s15 =	sor.u32 $0x5, s4  }
0x7: {  	s18 =	sor.u32 $0x6, s4;
	s20 =	sor.u32 $0x7, s4;
	s4 =	smul.u32 $0x640, s4  }
0x8: {  	s13 =	rddreg [dreg:$0x0];
	s7 =	smul.u32 $0x19, s6  }
0x9: {  	s16 =	rddreg [dreg:$0x1];
	s28 =	simm.s32 $0x2;
	s9 =	smul.u32 $0x19, s8  }
0xa: {  	s29 =	simm.s32 $0x3;
	s31 =	simm.s32 $0x7;
	s11 =	smul.u32 $0x19, s10  }
0xb: {  	s1 =	rddreg [dreg:$0x2];
	s24 =	sadd.s32 $0xC00, s13;
	s14 =	smul.u32 $0x19, s12  }
0xc: {  	p0 =	sne.s32 s0, $0x0;
	s22 =	ssub.s32 $0x2, s3;
	s17 =	smul.u32 $0x19, s15  }
0xd: {  	s2 =	simm.s32 $0x0;
	s23 =	sshrl.u32 s22, $0x1;
	s19 =	smul.u32 $0x19, s18  }
0xe: {  	[smem:$0x7FF] =	sst s2;
	s22 =	ssub.s32 s22, s23;
	s21 =	smul.u32 $0x19, s20  }
0xf: {  	_ =	strace $0x80000047;
	s6 =	smul.u32 $0x640, s6;
	s5 =	sadd.s32 s24, s5  }
0x10: {  	s8 =	smul.u32 $0x640, s8;
	s4 =	sadd.s32 s16, s4;
	[dreg:$0x5] =	wrdreg s5  }
0x11: {  	s25 =	smul.u32 $0x640, s15;
	s7 =	sadd.s32 s24, s7;
	[dreg:$0xd] =	wrdreg s4  }
0x12: {  	s5 =	smul.u32 $0x640, s10;
	s10 =	sadd.s32 s24, s9;
	[dreg:$0x6] =	wrdreg s7  }
0x13: {  	s20 =	smul.u32 $0x640, s20;
	s11 =	sadd.s32 s24, s11;
	[dreg:$0x7] =	wrdreg s10  }
0x14: {  	s14 =	sadd.s32 s24, s14;
	s23 =	sadd.s32 s24, s17;
	[dreg:$0x8] =	wrdreg s11  }
0x15: {  	s26 =	sadd.s32 s24, s19;
	s30 =	sadd.s32 s24, s21;
	[dreg:$0x9] =	wrdreg s14  }
0x16: {  	s15 =	sadd.s32 s16, s8;
	s7 =	smul.u32 $0x640, s12;
	[dreg:$0xa] =	wrdreg s23  }
0x17: {  	s21 =	sadd.s32 s16, s25;
	[dreg:$0xb] =	wrdreg s26;
	s11 =	smul.u32 $0x1900, s0  }
0x18: {  	s8 =	simm.s32 $0x197D0;
	[dreg:$0xc] =	wrdreg s30;
	s14 =	smul.u32 $0x640, s18  }
0x19: {  	s9 =	simm.s32 $0x0;
	[dreg:$0xf] =	wrdreg s15;
	s18 =	smul.u32 $0xC80, s3  }
0x1a: {  	s12 =	sadd.s32 s16, s6;
	[dreg:$0x12] =	wrdreg s21;
	s23 =	smul.u32 $0x64000, s0  }
0x1b: {  	s3 =	smul.u32 $0x32000, s3;
	s26 =	sadd.s32 $0x19C00, s13;
	s30 =	smax.u32 s22, $0x1  }
0x1c: {  	s15 =	simm.s32 $0x3520;
	s21 =	simm.s32 $0x19578;
	[dreg:$0xe] =	wrdreg s12  }
0x1d: {  	s22 =	simm.s32 $0xCB20;
	s0 =	simm.s32 $0xFD20;
	[dreg:$0x15] =	wrdreg s26  }
0x1e: {  	s10 =	simm.s32 $0x6;
	s5 =	sadd.s32 s16, s5;
	[dreg:$0x16] =	wrdreg s30  }
0x1f: {  	s26 =	simm.s32 $0x1;
	s12 =	simm.s32 $0xC8;
	s17 =	sadd.s32 s11, s24  }
0x20: {  	[dreg:$0x10] =	wrdreg s5;
	s19 =	sadd.s32 s16, s7;
	s4 =	sadd.s32 s16, s14  }
0x21: {  	s24 =	sadd.s32 s16, s20;
	s25 =	sadd.s32 s23, s16;
	s14 =	simm.s32 $0x19320  }
0x22: {  	s16 =	simm.s32 $0x193E8;
	s23 =	simm.s32 $0x194B0;
	[dreg:$0x11] =	wrdreg s19  }
0x23: {  	s20 =	simm.s32 $0x9920;
	s5 =	simm.s32 $0x5;
	[dreg:$0x13] =	wrdreg s4  }
0x24: {  	s6 =	sadd.s32 s18, s17;
	[dreg:$0x14] =	wrdreg s24;
	s19 =	sadd.s32 $0xF43000, s13  }
0x25: {  	s3 =	sadd.s32 s3, s25;
	s13 =	simm.s32 $0x320;
	s25 =	simm.s32 $0x19  }
0x26: {  	s17 =	simm.s32 $0x6720;
	s24 =	simm.s32 $0x19640;
	s4 =	simm.s32 $0x19708  }
0x27: {  	s18 =	simm.s32 $0x19898;
	[dreg:$0x4] =	wrdreg s6;
	s3 =	sadd.s32 $0x5DC0, s3  }
0x28: {  	s6 =	simm.s32 $0x12F20;
	[dreg:$0x17] =	wrdreg s3;
	s3 =	simm.s32 $0x4  }
.LBB2_1:
0x29: {  	[dreg:$0x18] =	wrdreg s9  }
0x2a: {  	s7 =	sshrl.u32 @!p0 s1, $0x3;
	s9 =	simm.s32 @!p0 $0x1C19;
	s11 =	rddreg [dreg:$0x15]  }
0x2b: {  	[spmem:s7], [sflag:s9] =	dma.local @!p0 [hbm:s11], $0x640  }
0x2c: {  	s7 =	simm.s32 @!p0 $0x19  }
0x2d: {  	_ =	swait.ge @!p0 [sflag:s7], $0x640  }
0x2e: {  	[sflag:s7] =	ssyncset.done @!p0 $0x0  }
0x2f: {  	[sflag:s7] =	ssyncadd.s32 @!p0 $0xFFFFF9C0  }
0x30: {  	[bflag:$0x0] =	sbarrier.arrive $0xFFFF  }
0x31: {  	[tilespmem:s13], [sflag:$0x1] =	stream.linear.gather [spmem:s1], $0x3200, $0x38;
	[tilespmem:$0x19960] =	vst v63  }
0x32: {  	s11 =	rddreg [dreg:$0x5]  }
0x33: {  	[tilespmem:s14], [sflag:$0x19] =	stream.linear.gather [hbm4b:s11+s2], $0xC8, $0x38;
	[tilespmem:$0x19960] =	vst v63  }
0x34: {  	_ =	swait.ge [sflag:s25], $0xC8  }
0x35: {  	[sflag:s25] =	ssyncset.done $0x0  }
0x36: {  	[sflag:s25] =	ssyncadd.s32 $0xFFFFFF38  }
0x37: {  	[tilespmem:s15], [sflag:$0x2] =	stream.linear.gather [spmem:s1], $0x3200, $0x38;
	[tilespmem:$0x19960] =	vst v63  }
0x38: {  	s30 =	rddreg [dreg:$0x6]  }
0x39: {  	[tilespmem:s16], [sflag:$0x19] =	stream.linear.gather [hbm4b:s30+s2], $0xC8, $0x38;
	[tilespmem:$0x19960] =	vst v63  }
0x3a: {  	_ =	swait.ge [sflag:s25], $0xC8  }
0x3b: {  	[sflag:s25] =	ssyncset.done $0x0  }
0x3c: {  	[sflag:s25] =	ssyncadd.s32 $0xFFFFFF38  }
0x3d: {  	[tilespmem:s17], [sflag:$0x3] =	stream.linear.gather [spmem:s1], $0x3200, $0x38;
	[tilespmem:$0x19960] =	vst v63  }
0x3e: {  	s9 =	rddreg [dreg:$0x7]  }
0x3f: {  	[tilespmem:s23], [sflag:$0x19] =	stream.linear.gather [hbm4b:s9+s2], $0xC8, $0x38;
	[tilespmem:$0x19960] =	vst v63  }
0x40: {  	_ =	swait.ge [sflag:s25], $0xC8  }
0x41: {  	[sflag:s25] =	ssyncset.done $0x0  }
0x42: {  	[sflag:s25] =	ssyncadd.s32 $0xFFFFFF38  }
0x43: {  	[tilespmem:s20], [sflag:$0x4] =	stream.linear.gather [spmem:s1], $0x3200, $0x38;
	[tilespmem:$0x19960] =	vst v63  }
0x44: {  	s11 =	rddreg [dreg:$0x8]  }
0x45: {  	[tilespmem:s21], [sflag:$0x19] =	stream.linear.gather [hbm4b:s11+s2], $0xC8, $0x38;
	[tilespmem:$0x19960] =	vst v63  }
0x46: {  	_ =	swait.ge [sflag:s25], $0xC8  }
0x47: {  	[sflag:s25] =	ssyncset.done $0x0  }
0x48: {  	[sflag:s25] =	ssyncadd.s32 $0xFFFFFF38  }
0x49: {  	[tilespmem:s22], [sflag:$0x5] =	stream.linear.gather [spmem:s1], $0x3200, $0x38;
	[tilespmem:$0x19960] =	vst v63  }
0x4a: {  	s30 =	rddreg [dreg:$0x9]  }
0x4b: {  	[tilespmem:s24], [sflag:$0x19] =	stream.linear.gather [hbm4b:s30+s2], $0xC8, $0x38;
	[tilespmem:$0x19960] =	vst v63  }
0x4c: {  	_ =	swait.ge [sflag:s25], $0xC8  }
0x4d: {  	[sflag:s25] =	ssyncset.done $0x0  }
0x4e: {  	[sflag:s25] =	ssyncadd.s32 $0xFFFFFF38  }
0x4f: {  	[tilespmem:s0], [sflag:$0x6] =	stream.linear.gather [spmem:s1], $0x3200, $0x38;
	[tilespmem:$0x19960] =	vst v63  }
0x50: {  	s9 =	rddreg [dreg:$0xa]  }
0x51: {  	[tilespmem:s4], [sflag:$0x19] =	stream.linear.gather [hbm4b:s9+s2], $0xC8, $0x38;
	[tilespmem:$0x19960] =	vst v63  }
0x52: {  	_ =	swait.ge [sflag:s25], $0xC8  }
0x53: {  	[sflag:s25] =	ssyncset.done $0x0  }
0x54: {  	[sflag:s25] =	ssyncadd.s32 $0xFFFFFF38  }
0x55: {  	[tilespmem:s6], [sflag:$0x7] =	stream.linear.gather [spmem:s1], $0x3200, $0x38;
	[tilespmem:$0x19960] =	vst v63  }
0x56: {  	s11 =	rddreg [dreg:$0xb]  }
0x57: {  	[tilespmem:s8], [sflag:$0x19] =	stream.linear.gather [hbm4b:s11+s2], $0xC8, $0x38;
	[tilespmem:$0x19960] =	vst v63  }
0x58: {  	_ =	swait.ge [sflag:s25], $0xC8  }
0x59: {  	[sflag:s25] =	ssyncset.done $0x0  }
0x5a: {  	s11 =	simm.s32 $0x16120;
	[sflag:s25] =	ssyncadd.s32 $0xFFFFFF38  }
0x5b: {  	[tilespmem:s11], [sflag:$0x8] =	stream.linear.gather [spmem:s1], $0x3200, $0x38;
	[tilespmem:$0x19960] =	vst v63  }
0x5c: {  	s30 =	rddreg [dreg:$0xc]  }
0x5d: {  	[tilespmem:s18], [sflag:$0x19] =	stream.linear.gather [hbm4b:s30+s2], $0xC8, $0x38;
	[tilespmem:$0x19960] =	vst v63  }
0x5e: {  	_ =	swait.ge [sflag:s25], $0xC8  }
0x5f: {  	[sflag:s25] =	ssyncset.done $0x0  }
0x60: {  	[sflag:s25] =	ssyncadd.s32 $0xFFFFFF38  }
0x61: {  	_ =	swait.ge [sflag:s26], $0x3200  }
0x62: {  	[sflag:s26] =	ssyncset.done $0x0  }
0x63: {  	[sflag:s26] =	ssyncadd.s32 $0xFFFFCE00  }
0x64: {  	[tilespmem:s13], [sflag:$0x9] =	stream.indirect.gather.add.f32 [hbm:s19], $0x40, s14, s12, $0xb8;
	[tilespmem:$0x19960] =	vst v63  }
0x65: {  	_ =	swait.ge [sflag:s28], $0x3200  }
0x66: {  	[sflag:s28] =	ssyncset.done $0x0  }
0x67: {  	[sflag:s28] =	ssyncadd.s32 $0xFFFFCE00  }
0x68: {  	[tilespmem:s15], [sflag:$0xA] =	stream.indirect.gather.add.f32 [hbm:s19], $0x40, s16, s12, $0xb8;
	[tilespmem:$0x19960] =	vst v63  }
0x69: {  	_ =	swait.ge [sflag:s29], $0x3200  }
0x6a: {  	[sflag:s29] =	ssyncset.done $0x0  }
0x6b: {  	[sflag:s29] =	ssyncadd.s32 $0xFFFFCE00  }
0x6c: {  	[tilespmem:s17], [sflag:$0xB] =	stream.indirect.gather.add.f32 [hbm:s19], $0x40, s23, s12, $0xb8;
	[tilespmem:$0x19960] =	vst v63  }
0x6d: {  	_ =	swait.ge [sflag:s3], $0x3200  }
0x6e: {  	[sflag:s3] =	ssyncset.done $0x0  }
0x6f: {  	[sflag:s3] =	ssyncadd.s32 $0xFFFFCE00  }
0x70: {  	[tilespmem:s20], [sflag:$0xC] =	stream.indirect.gather.add.f32 [hbm:s19], $0x40, s21, s12, $0xb8;
	[tilespmem:$0x19960] =	vst v63  }
0x71: {  	_ =	swait.ge [sflag:s5], $0x3200  }
0x72: {  	[sflag:s5] =	ssyncset.done $0x0  }
0x73: {  	[sflag:s5] =	ssyncadd.s32 $0xFFFFCE00  }
0x74: {  	[tilespmem:s22], [sflag:$0xD] =	stream.indirect.gather.add.f32 [hbm:s19], $0x40, s24, s12, $0xb8;
	[tilespmem:$0x19960] =	vst v63  }
0x75: {  	_ =	swait.ge [sflag:s10], $0x3200  }
0x76: {  	[sflag:s10] =	ssyncset.done $0x0  }
0x77: {  	[sflag:s10] =	ssyncadd.s32 $0xFFFFCE00  }
0x78: {  	[tilespmem:s0], [sflag:$0xE] =	stream.indirect.gather.add.f32 [hbm:s19], $0x40, s4, s12, $0xb8;
	[tilespmem:$0x19960] =	vst v63  }
0x79: {  	_ =	swait.ge [sflag:s31], $0x3200  }
0x7a: {  	[sflag:s31] =	ssyncset.done $0x0  }
0x7b: {  	s30 =	simm.s32 $0x8;
	[sflag:s31] =	ssyncadd.s32 $0xFFFFCE00  }
0x7c: {  	[tilespmem:s6], [sflag:$0xF] =	stream.indirect.gather.add.f32 [hbm:s19], $0x40, s8, s12, $0xb8;
	[tilespmem:$0x19960] =	vst v63  }
0x7d: {  	_ =	swait.ge [sflag:s30], $0x3200  }
0x7e: {  	[sflag:s30] =	ssyncset.done $0x0  }
0x7f: {  	s9 =	simm.s32 $0x9;
	[sflag:s30] =	ssyncadd.s32 $0xFFFFCE00  }
0x80: {  	[tilespmem:s11], [sflag:$0x10] =	stream.indirect.gather.add.f32 [hbm:s19], $0x40, s18, s12, $0xb8;
	[tilespmem:$0x19960] =	vst v63  }
0x81: {  	_ =	swait.ge [sflag:s9], $0x3200  }
0x82: {  	[sflag:s9] =	ssyncset.done $0x0  }
0x83: {  	s18 =	rddreg [dreg:$0xd];
	[sflag:s9] =	ssyncadd.s32 $0xFFFFCE00;
	s9 =	simm.s32 $0xA  }
0x84: {  	[hbm4b:s18+s2] =	stream.linear.scatter [tilespmem:s13], [sflag:$0x11], $0x3200, $0x38;
	[tilespmem:$0x19960] =	vst v63  }
0x85: {  	_ =	swait.ge [sflag:s9], $0x3200  }
0x86: {  	[sflag:s9] =	ssyncset.done $0x0  }
0x87: {  	s18 =	rddreg [dreg:$0xe];
	[sflag:s9] =	ssyncadd.s32 $0xFFFFCE00;
	s9 =	simm.s32 $0xB  }
0x88: {  	[hbm4b:s18+s2] =	stream.linear.scatter [tilespmem:s15], [sflag:$0x12], $0x3200, $0x38;
	[tilespmem:$0x19960] =	vst v63  }
0x89: {  	_ =	swait.ge [sflag:s9], $0x3200  }
0x8a: {  	[sflag:s9] =	ssyncset.done $0x0  }
0x8b: {  	s18 =	rddreg [dreg:$0xf];
	[sflag:s9] =	ssyncadd.s32 $0xFFFFCE00;
	s9 =	simm.s32 $0xC  }
0x8c: {  	[hbm4b:s18+s2] =	stream.linear.scatter [tilespmem:s17], [sflag:$0x13], $0x3200, $0x38;
	[tilespmem:$0x19960] =	vst v63  }
0x8d: {  	_ =	swait.ge [sflag:s9], $0x3200  }
0x8e: {  	[sflag:s9] =	ssyncset.done $0x0  }
0x8f: {  	s18 =	rddreg [dreg:$0x10];
	[sflag:s9] =	ssyncadd.s32 $0xFFFFCE00;
	s9 =	simm.s32 $0xD  }
0x90: {  	[hbm4b:s18+s2] =	stream.linear.scatter [tilespmem:s20], [sflag:$0x14], $0x3200, $0x38;
	[tilespmem:$0x19960] =	vst v63  }
0x91: {  	_ =	swait.ge [sflag:s9], $0x3200  }
0x92: {  	[sflag:s9] =	ssyncset.done $0x0  }
0x93: {  	s18 =	rddreg [dreg:$0x11];
	[sflag:s9] =	ssyncadd.s32 $0xFFFFCE00;
	s9 =	simm.s32 $0xE  }
0x94: {  	[hbm4b:s18+s2] =	stream.linear.scatter [tilespmem:s22], [sflag:$0x15], $0x3200, $0x38;
	[tilespmem:$0x19960] =	vst v63  }
0x95: {  	_ =	swait.ge [sflag:s9], $0x3200  }
0x96: {  	[sflag:s9] =	ssyncset.done $0x0  }
0x97: {  	s18 =	rddreg [dreg:$0x12];
	[sflag:s9] =	ssyncadd.s32 $0xFFFFCE00  }
0x98: {  	[hbm4b:s18+s2] =	stream.linear.scatter [tilespmem:s0], [sflag:$0x16], $0x3200, $0x38;
	[tilespmem:$0x19960] =	vst v63  }
0x99: {  	s18 =	simm.s32 $0xF  }
0x9a: {  	_ =	swait.ge [sflag:s18], $0x3200  }
0x9b: {  	[sflag:s18] =	ssyncset.done $0x0  }
0x9c: {  	s9 =	rddreg [dreg:$0x13];
	[sflag:s18] =	ssyncadd.s32 $0xFFFFCE00  }
0x9d: {  	[hbm4b:s9+s2] =	stream.linear.scatter [tilespmem:s6], [sflag:$0x17], $0x3200, $0x38;
	[tilespmem:$0x19960] =	vst v63  }
0x9e: {  	s9 =	simm.s32 $0x10  }
0x9f: {  	_ =	swait.ge [sflag:s9], $0x3200  }
0xa0: {  	[sflag:s9] =	ssyncset.done $0x0  }
0xa1: {  	[sflag:s9] =	ssyncadd.s32 $0xFFFFCE00;
	s9 =	rddreg [dreg:$0x14]  }
0xa2: {  	[hbm4b:s9+s2] =	stream.linear.scatter [tilespmem:s11], [sflag:$0x18], $0x3200, $0x38;
	[tilespmem:$0x19960] =	vst v63  }
0xa3: {  	s9 =	simm.s32 $0x11  }
0xa4: {  	_ =	swait.ge [sflag:s9], $0x3200  }
0xa5: {  	[sflag:s9] =	ssyncset.done $0x0;
	s7 =	rddreg [dreg:$0x4]  }
0xa6: {  	[sflag:s9] =	ssyncadd.s32 $0xFFFFCE00;
	s7 =	sadd.s32 $0x0, s7  }
0xa7: {  	[tilespmem:s13], [sflag:$0x1] =	stream.linear.gather [spmem:s1], $0x3200, $0x38;
	[tilespmem:$0x19960] =	vst v63  }
0xa8: {  	s9 =	sadd.s32 $0xC8, s7  }
0xa9: {  	[tilespmem:s14], [sflag:$0x19] =	stream.linear.gather [hbm4b:s9+s2], $0xC8, $0x38;
	[tilespmem:$0x19960] =	vst v63  }
0xaa: {  	_ =	swait.ge [sflag:s25], $0xC8  }
0xab: {  	[sflag:s25] =	ssyncset.done $0x0  }
0xac: {  	s9 =	simm.s32 $0x12;
	[sflag:s25] =	ssyncadd.s32 $0xFFFFFF38  }
0xad: {  	_ =	swait.ge [sflag:s9], $0x3200  }
0xae: {  	[sflag:s9] =	ssyncset.done $0x0  }
0xaf: {  	[sflag:s9] =	ssyncadd.s32 $0xFFFFCE00  }
0xb0: {  	[tilespmem:s15], [sflag:$0x2] =	stream.linear.gather [spmem:s1], $0x3200, $0x38;
	[tilespmem:$0x19960] =	vst v63  }
0xb1: {  	s9 =	sadd.s32 $0xE1, s7  }
0xb2: {  	[tilespmem:s16], [sflag:$0x19] =	stream.linear.gather [hbm4b:s9+s2], $0xC8, $0x38;
	[tilespmem:$0x19960] =	vst v63  }
0xb3: {  	_ =	swait.ge [sflag:s25], $0xC8  }
0xb4: {  	[sflag:s25] =	ssyncset.done $0x0  }
0xb5: {  	s9 =	simm.s32 $0x13;
	[sflag:s25] =	ssyncadd.s32 $0xFFFFFF38  }
0xb6: {  	_ =	swait.ge [sflag:s9], $0x3200  }
0xb7: {  	[sflag:s9] =	ssyncset.done $0x0  }
0xb8: {  	[sflag:s9] =	ssyncadd.s32 $0xFFFFCE00  }
0xb9: {  	[tilespmem:s17], [sflag:$0x3] =	stream.linear.gather [spmem:s1], $0x3200, $0x38;
	[tilespmem:$0x19960] =	vst v63  }
0xba: {  	s9 =	sadd.s32 $0xFA, s7  }
0xbb: {  	[tilespmem:s23], [sflag:$0x19] =	stream.linear.gather [hbm4b:s9+s2], $0xC8, $0x38;
	[tilespmem:$0x19960] =	vst v63  }
0xbc: {  	_ =	swait.ge [sflag:s25], $0xC8  }
0xbd: {  	[sflag:s25] =	ssyncset.done $0x0  }
0xbe: {  	s9 =	simm.s32 $0x14;
	[sflag:s25] =	ssyncadd.s32 $0xFFFFFF38  }
0xbf: {  	_ =	swait.ge [sflag:s9], $0x3200  }
0xc0: {  	[sflag:s9] =	ssyncset.done $0x0  }
0xc1: {  	[sflag:s9] =	ssyncadd.s32 $0xFFFFCE00  }
0xc2: {  	[tilespmem:s20], [sflag:$0x4] =	stream.linear.gather [spmem:s1], $0x3200, $0x38;
	[tilespmem:$0x19960] =	vst v63  }
0xc3: {  	s9 =	sadd.s32 $0x113, s7  }
0xc4: {  	[tilespmem:s21], [sflag:$0x19] =	stream.linear.gather [hbm4b:s9+s2], $0xC8, $0x38;
	[tilespmem:$0x19960] =	vst v63  }
0xc5: {  	_ =	swait.ge [sflag:s25], $0xC8  }
0xc6: {  	[sflag:s25] =	ssyncset.done $0x0  }
0xc7: {  	s9 =	simm.s32 $0x15;
	[sflag:s25] =	ssyncadd.s32 $0xFFFFFF38  }
0xc8: {  	_ =	swait.ge [sflag:s9], $0x3200  }
0xc9: {  	[sflag:s9] =	ssyncset.done $0x0  }
0xca: {  	[sflag:s9] =	ssyncadd.s32 $0xFFFFCE00  }
0xcb: {  	[tilespmem:s22], [sflag:$0x5] =	stream.linear.gather [spmem:s1], $0x3200, $0x38;
	[tilespmem:$0x19960] =	vst v63  }
0xcc: {  	s9 =	sadd.s32 $0x12C, s7  }
0xcd: {  	[tilespmem:s24], [sflag:$0x19] =	stream.linear.gather [hbm4b:s9+s2], $0xC8, $0x38;
	[tilespmem:$0x19960] =	vst v63  }
0xce: {  	_ =	swait.ge [sflag:s25], $0xC8  }
0xcf: {  	[sflag:s25] =	ssyncset.done $0x0  }
0xd0: {  	s9 =	simm.s32 $0x16;
	[sflag:s25] =	ssyncadd.s32 $0xFFFFFF38  }
0xd1: {  	_ =	swait.ge [sflag:s9], $0x3200  }
0xd2: {  	[sflag:s9] =	ssyncset.done $0x0  }
0xd3: {  	[sflag:s9] =	ssyncadd.s32 $0xFFFFCE00  }
0xd4: {  	[tilespmem:s0], [sflag:$0x6] =	stream.linear.gather [spmem:s1], $0x3200, $0x38;
	[tilespmem:$0x19960] =	vst v63  }
0xd5: {  	s9 =	sadd.s32 $0x145, s7  }
0xd6: {  	[tilespmem:s4], [sflag:$0x19] =	stream.linear.gather [hbm4b:s9+s2], $0xC8, $0x38;
	[tilespmem:$0x19960] =	vst v63  }
0xd7: {  	_ =	swait.ge [sflag:s25], $0xC8  }
0xd8: {  	[sflag:s25] =	ssyncset.done $0x0  }
0xd9: {  	s9 =	simm.s32 $0x17;
	[sflag:s25] =	ssyncadd.s32 $0xFFFFFF38  }
0xda: {  	_ =	swait.ge [sflag:s9], $0x3200  }
0xdb: {  	[sflag:s9] =	ssyncset.done $0x0  }
0xdc: {  	[sflag:s9] =	ssyncadd.s32 $0xFFFFCE00  }
0xdd: {  	[tilespmem:s6], [sflag:$0x7] =	stream.linear.gather [spmem:s1], $0x3200, $0x38;
	[tilespmem:$0x19960] =	vst v63  }
0xde: {  	s9 =	sadd.s32 $0x15E, s7  }
0xdf: {  	[tilespmem:s8], [sflag:$0x19] =	stream.linear.gather [hbm4b:s9+s2], $0xC8, $0x38;
	[tilespmem:$0x19960] =	vst v63  }
0xe0: {  	_ =	swait.ge [sflag:s25], $0xC8  }
0xe1: {  	[sflag:s25] =	ssyncset.done $0x0  }
0xe2: {  	s9 =	simm.s32 $0x18;
	[sflag:s25] =	ssyncadd.s32 $0xFFFFFF38  }
0xe3: {  	_ =	swait.ge [sflag:s9], $0x3200  }
0xe4: {  	[sflag:s9] =	ssyncset.done $0x0  }
0xe5: {  	[sflag:s9] =	ssyncadd.s32 $0xFFFFCE00  }
0xe6: {  	[tilespmem:s11], [sflag:$0x8] =	stream.linear.gather [spmem:s1], $0x3200, $0x38;
	[tilespmem:$0x19960] =	vst v63  }
0xe7: {  	s7 =	sadd.s32 $0x177, s7;
	s9 =	simm.s32 $0x19898  }
0xe8: {  	[tilespmem:s9], [sflag:$0x19] =	stream.linear.gather [hbm4b:s7+s2], $0xC8, $0x38;
	[tilespmem:$0x19960] =	vst v63  }
0xe9: {  	_ =	swait.ge [sflag:s25], $0xC8  }
0xea: {  	[sflag:s25] =	ssyncset.done $0x0  }
0xeb: {  	[sflag:s25] =	ssyncadd.s32 $0xFFFFFF38  }
0xec: {  	_ =	swait.ge [sflag:s26], $0x3200  }
0xed: {  	[sflag:s26] =	ssyncset.done $0x0  }
0xee: {  	[sflag:s26] =	ssyncadd.s32 $0xFFFFCE00  }
0xef: {  	[tilespmem:s13], [sflag:$0x9] =	stream.indirect.gather.add.f32 [hbm:s19], $0x40, s14, s12, $0xb8;
	[tilespmem:$0x19960] =	vst v63  }
0xf0: {  	_ =	swait.ge [sflag:s28], $0x3200  }
0xf1: {  	[sflag:s28] =	ssyncset.done $0x0  }
0xf2: {  	[sflag:s28] =	ssyncadd.s32 $0xFFFFCE00  }
0xf3: {  	[tilespmem:s15], [sflag:$0xA] =	stream.indirect.gather.add.f32 [hbm:s19], $0x40, s16, s12, $0xb8;
	[tilespmem:$0x19960] =	vst v63  }
0xf4: {  	_ =	swait.ge [sflag:s29], $0x3200  }
0xf5: {  	[sflag:s29] =	ssyncset.done $0x0  }
0xf6: {  	[sflag:s29] =	ssyncadd.s32 $0xFFFFCE00  }
0xf7: {  	[tilespmem:s17], [sflag:$0xB] =	stream.indirect.gather.add.f32 [hbm:s19], $0x40, s23, s12, $0xb8;
	[tilespmem:$0x19960] =	vst v63  }
0xf8: {  	_ =	swait.ge [sflag:s3], $0x3200  }
0xf9: {  	[sflag:s3] =	ssyncset.done $0x0  }
0xfa: {  	[sflag:s3] =	ssyncadd.s32 $0xFFFFCE00  }
0xfb: {  	[tilespmem:s20], [sflag:$0xC] =	stream.indirect.gather.add.f32 [hbm:s19], $0x40, s21, s12, $0xb8;
	[tilespmem:$0x19960] =	vst v63  }
0xfc: {  	_ =	swait.ge [sflag:s5], $0x3200  }
0xfd: {  	[sflag:s5] =	ssyncset.done $0x0  }
0xfe: {  	[sflag:s5] =	ssyncadd.s32 $0xFFFFCE00  }
0xff: {  	[tilespmem:s22], [sflag:$0xD] =	stream.indirect.gather.add.f32 [hbm:s19], $0x40, s24, s12, $0xb8;
	[tilespmem:$0x19960] =	vst v63  }
0x100: {  	_ =	swait.ge [sflag:s10], $0x3200  }
0x101: {  	[sflag:s10] =	ssyncset.done $0x0  }
0x102: {  	[sflag:s10] =	ssyncadd.s32 $0xFFFFCE00  }
0x103: {  	[tilespmem:s0], [sflag:$0xE] =	stream.indirect.gather.add.f32 [hbm:s19], $0x40, s4, s12, $0xb8;
	[tilespmem:$0x19960] =	vst v63  }
0x104: {  	_ =	swait.ge [sflag:s31], $0x3200  }
0x105: {  	[sflag:s31] =	ssyncset.done $0x0  }
0x106: {  	[sflag:s31] =	ssyncadd.s32 $0xFFFFCE00  }
0x107: {  	[tilespmem:s6], [sflag:$0xF] =	stream.indirect.gather.add.f32 [hbm:s19], $0x40, s8, s12, $0xb8;
	[tilespmem:$0x19960] =	vst v63  }
0x108: {  	_ =	swait.ge [sflag:s30], $0x3200  }
0x109: {  	[sflag:s30] =	ssyncset.done $0x0  }
0x10a: {  	s26 =	simm.s32 $0x9;
	[sflag:s30] =	ssyncadd.s32 $0xFFFFCE00  }
0x10b: {  	[tilespmem:s11], [sflag:$0x10] =	stream.indirect.gather.add.f32 [hbm:s19], $0x40, s9, s12, $0xb8;
	[tilespmem:$0x19960] =	vst v63  }
0x10c: {  	_ =	swait.ge [sflag:s26], $0x3200  }
0x10d: {  	s30 =	simm.s32 $0x9;
	[sflag:s26] =	ssyncset.done $0x0;
	s11 =	rddreg [dreg:$0x17]  }
0x10e: {  	s5 =	simm.s32 $0xA;
	s4 =	sadd.s32 $0xFFFFD440, s11;
	[sflag:s30] =	ssyncadd.s32 $0xFFFFCE00  }
0x10f: {  	[hbm4b:s4+s2] =	stream.linear.scatter [tilespmem:s13], [sflag:$0x11], $0x3200, $0x38;
	[tilespmem:$0x19960] =	vst v63  }
0x110: {  	_ =	swait.ge [sflag:s5], $0x3200  }
0x111: {  	s7 =	simm.s32 $0xA;
	[sflag:s5] =	ssyncset.done $0x0  }
0x112: {  	s9 =	simm.s32 $0xB;
	s8 =	sadd.s32 $0xFFFFDA80, s11;
	[sflag:s7] =	ssyncadd.s32 $0xFFFFCE00  }
0x113: {  	[hbm4b:s8+s2] =	stream.linear.scatter [tilespmem:s15], [sflag:$0x12], $0x3200, $0x38;
	[tilespmem:$0x19960] =	vst v63  }
0x114: {  	_ =	swait.ge [sflag:s9], $0x3200  }
0x115: {  	s10 =	simm.s32 $0xB;
	[sflag:s9] =	ssyncset.done $0x0  }
0x116: {  	s14 =	simm.s32 $0xC;
	s13 =	sadd.s32 $0xFFFFE0C0, s11;
	[sflag:s10] =	ssyncadd.s32 $0xFFFFCE00  }
0x117: {  	[hbm4b:s13+s2] =	stream.linear.scatter [tilespmem:s17], [sflag:$0x13], $0x3200, $0x38;
	[tilespmem:$0x19960] =	vst v63  }
0x118: {  	_ =	swait.ge [sflag:s14], $0x3200  }
0x119: {  	s15 =	simm.s32 $0xC;
	[sflag:s14] =	ssyncset.done $0x0  }
0x11a: {  	s16 =	sadd.s32 $0xFFFFE700, s11;
	s17 =	simm.s32 $0xD;
	[sflag:s15] =	ssyncadd.s32 $0xFFFFCE00  }
0x11b: {  	[hbm4b:s16+s2] =	stream.linear.scatter [tilespmem:s20], [sflag:$0x14], $0x3200, $0x38;
	[tilespmem:$0x19960] =	vst v63  }
0x11c: {  	_ =	swait.ge [sflag:s17], $0x3200  }
0x11d: {  	s20 =	simm.s32 $0xD;
	[sflag:s17] =	ssyncset.done $0x0  }
0x11e: {  	s21 =	sadd.s32 $0xFFFFED40, s11;
	[sflag:s20] =	ssyncadd.s32 $0xFFFFCE00  }
0x11f: {  	[hbm4b:s21+s2] =	stream.linear.scatter [tilespmem:s22], [sflag:$0x15], $0x3200, $0x38;
	[tilespmem:$0x19960] =	vst v63  }
0x120: {  	s22 =	simm.s32 $0xE  }
0x121: {  	s28 =	simm.s32 $0xCB20;
	_ =	swait.ge [sflag:s22], $0x3200  }
0x122: {  	s29 =	simm.s32 $0x2;
	s23 =	simm.s32 $0xE;
	[sflag:s22] =	ssyncset.done $0x0  }
0x123: {  	s31 =	simm.s32 $0x3;
	s24 =	sadd.s32 $0xFFFFF380, s11;
	[sflag:s23] =	ssyncadd.s32 $0xFFFFCE00  }
0x124: {  	[hbm4b:s24+s2] =	stream.linear.scatter [tilespmem:s0], [sflag:$0x16], $0x3200, $0x38;
	[tilespmem:$0x19960] =	vst v63  }
0x125: {  	s26 =	sadd.s32 $0xFFFFF9C0, s11;
	s30 =	simm.s32 $0x10;
	_ =	swait.ge [sflag:s18], $0x3200  }
0x126: {  	s7 =	simm.s32 $0xC8;
	s9 =	smov.u32 s11;
	[sflag:s18] =	ssyncset.done $0x0  }
0x127: {  	s20 =	simm.s32 $0x6720;
	s21 =	simm.s32 $0x7;
	[sflag:s18] =	ssyncadd.s32 $0xFFFFCE00  }
0x128: {  	[hbm4b:s26+s2] =	stream.linear.scatter [tilespmem:s6], [sflag:$0x17], $0x3200, $0x38;
	[tilespmem:$0x19960] =	vst v63  }
0x129: {  	s22 =	simm.s32 $0x9920;
	s0 =	simm.s32 $0xFD20;
	_ =	swait.ge [sflag:s30], $0x3200  }
0x12a: {  	s6 =	simm.s32 $0x12F20;
	s26 =	simm.s32 $0x1;
	[sflag:s30] =	ssyncset.done $0x0  }
.LBB2_2:
0x12b: {  	s24 =	simm.s32 $0x10  }
0x12c: {  	s10 =	simm.s32 $0x16120;
	s30 =	simm.s32 $0x11;
	[sflag:s24] =	ssyncadd.s32 $0xFFFFCE00  }
0x12d: {  	[hbm4b:s11+s2] =	stream.linear.scatter [tilespmem:s10], [sflag:$0x18], $0x3200, $0x38;
	[tilespmem:$0x19960] =	vst v63  }
0x12e: {  	_ =	swait.ge [sflag:s30], $0x3200  }
0x12f: {  	s13 =	smov.u32 s7;
	[sflag:s30] =	ssyncset.done $0x0;
	s14 =	rddreg [dreg:$0x4]  }
0x130: {  	s17 =	simm.s32 $0x320;
	[sflag:s30] =	ssyncadd.s32 $0xFFFFCE00;
	s13 =	sadd.s32 s13, s14  }
0x131: {  	[tilespmem:s17], [sflag:$0x1] =	stream.linear.gather [spmem:s1], $0x3200, $0x38;
	[tilespmem:$0x19960] =	vst v63  }
0x132: {  	s23 =	simm.s32 $0x19320;
	s14 =	sadd.s32 $0xC8, s13  }
0x133: {  	[tilespmem:s23], [sflag:$0x19] =	stream.linear.gather [hbm4b:s14+s2], $0xC8, $0x38;
	[tilespmem:$0x19960] =	vst v63  }
0x134: {  	_ =	swait.ge [sflag:s25], $0xC8  }
0x135: {  	[sflag:s25] =	ssyncset.done $0x0  }
0x136: {  	s4 =	simm.s32 $0x12;
	[sflag:s25] =	ssyncadd.s32 $0xFFFFFF38  }
0x137: {  	_ =	swait.ge [sflag:s4], $0x3200  }
0x138: {  	[sflag:s4] =	ssyncset.done $0x0  }
0x139: {  	s16 =	simm.s32 $0x3520;
	[sflag:s4] =	ssyncadd.s32 $0xFFFFCE00  }
0x13a: {  	[tilespmem:s16], [sflag:$0x2] =	stream.linear.gather [spmem:s1], $0x3200, $0x38;
	[tilespmem:$0x19960] =	vst v63  }
0x13b: {  	s18 =	simm.s32 $0x193E8;
	s5 =	sadd.s32 $0xE1, s13  }
0x13c: {  	[tilespmem:s18], [sflag:$0x19] =	stream.linear.gather [hbm4b:s5+s2], $0xC8, $0x38;
	[tilespmem:$0x19960] =	vst v63  }
0x13d: {  	_ =	swait.ge [sflag:s25], $0xC8  }
0x13e: {  	[sflag:s25] =	ssyncset.done $0x0  }
0x13f: {  	s8 =	simm.s32 $0x13;
	[sflag:s25] =	ssyncadd.s32 $0xFFFFFF38  }
0x140: {  	_ =	swait.ge [sflag:s8], $0x3200  }
0x141: {  	[sflag:s8] =	ssyncset.done $0x0  }
0x142: {  	[sflag:s8] =	ssyncadd.s32 $0xFFFFCE00  }
0x143: {  	[tilespmem:s20], [sflag:$0x3] =	stream.linear.gather [spmem:s1], $0x3200, $0x38;
	[tilespmem:$0x19960] =	vst v63  }
0x144: {  	s15 =	sadd.s32 $0xFA, s13;
	s8 =	simm.s32 $0x194B0  }
0x145: {  	[tilespmem:s8], [sflag:$0x19] =	stream.linear.gather [hbm4b:s15+s2], $0xC8, $0x38;
	[tilespmem:$0x19960] =	vst v63  }
0x146: {  	_ =	swait.ge [sflag:s25], $0xC8  }
0x147: {  	[sflag:s25] =	ssyncset.done $0x0  }
0x148: {  	s30 =	simm.s32 $0x14;
	[sflag:s25] =	ssyncadd.s32 $0xFFFFFF38  }
0x149: {  	_ =	swait.ge [sflag:s30], $0x3200  }
0x14a: {  	[sflag:s30] =	ssyncset.done $0x0  }
0x14b: {  	[sflag:s30] =	ssyncadd.s32 $0xFFFFCE00  }
0x14c: {  	[tilespmem:s22], [sflag:$0x4] =	stream.linear.gather [spmem:s1], $0x3200, $0x38;
	[tilespmem:$0x19960] =	vst v63  }
0x14d: {  	s3 =	sadd.s32 $0x113, s13;
	s4 =	simm.s32 $0x19578  }
0x14e: {  	[tilespmem:s4], [sflag:$0x19] =	stream.linear.gather [hbm4b:s3+s2], $0xC8, $0x38;
	[tilespmem:$0x19960] =	vst v63  }
0x14f: {  	_ =	swait.ge [sflag:s25], $0xC8  }
0x150: {  	[sflag:s25] =	ssyncset.done $0x0  }
0x151: {  	s5 =	simm.s32 $0x15;
	[sflag:s25] =	ssyncadd.s32 $0xFFFFFF38  }
0x152: {  	_ =	swait.ge [sflag:s5], $0x3200  }
0x153: {  	[sflag:s5] =	ssyncset.done $0x0  }
0x154: {  	[sflag:s5] =	ssyncadd.s32 $0xFFFFCE00  }
0x155: {  	[tilespmem:s28], [sflag:$0x5] =	stream.linear.gather [spmem:s1], $0x3200, $0x38;
	[tilespmem:$0x19960] =	vst v63  }
0x156: {  	s15 =	sadd.s32 $0x12C, s13;
	s30 =	simm.s32 $0x19640  }
0x157: {  	[tilespmem:s30], [sflag:$0x19] =	stream.linear.gather [hbm4b:s15+s2], $0xC8, $0x38;
	[tilespmem:$0x19960] =	vst v63  }
0x158: {  	_ =	swait.ge [sflag:s25], $0xC8  }
0x159: {  	[sflag:s25] =	ssyncset.done $0x0  }
0x15a: {  	s3 =	simm.s32 $0x16;
	[sflag:s25] =	ssyncadd.s32 $0xFFFFFF38  }
0x15b: {  	_ =	swait.ge [sflag:s3], $0x3200  }
0x15c: {  	[sflag:s3] =	ssyncset.done $0x0  }
0x15d: {  	[sflag:s3] =	ssyncadd.s32 $0xFFFFCE00  }
0x15e: {  	[tilespmem:s0], [sflag:$0x6] =	stream.linear.gather [spmem:s1], $0x3200, $0x38;
	[tilespmem:$0x19960] =	vst v63  }
0x15f: {  	s5 =	sadd.s32 $0x145, s13;
	s3 =	simm.s32 $0x19708  }
0x160: {  	[tilespmem:s3], [sflag:$0x19] =	stream.linear.gather [hbm4b:s5+s2], $0xC8, $0x38;
	[tilespmem:$0x19960] =	vst v63  }
0x161: {  	_ =	swait.ge [sflag:s25], $0xC8  }
0x162: {  	[sflag:s25] =	ssyncset.done $0x0  }
0x163: {  	s15 =	simm.s32 $0x17;
	[sflag:s25] =	ssyncadd.s32 $0xFFFFFF38  }
0x164: {  	_ =	swait.ge [sflag:s15], $0x3200  }
0x165: {  	[sflag:s15] =	ssyncset.done $0x0  }
0x166: {  	[sflag:s15] =	ssyncadd.s32 $0xFFFFCE00  }
0x167: {  	[tilespmem:s6], [sflag:$0x7] =	stream.linear.gather [spmem:s1], $0x3200, $0x38;
	[tilespmem:$0x19960] =	vst v63  }
0x168: {  	s5 =	sadd.s32 $0x15E, s13;
	s15 =	simm.s32 $0x197D0  }
0x169: {  	[tilespmem:s15], [sflag:$0x19] =	stream.linear.gather [hbm4b:s5+s2], $0xC8, $0x38;
	[tilespmem:$0x19960] =	vst v63  }
0x16a: {  	_ =	swait.ge [sflag:s25], $0xC8  }
0x16b: {  	[sflag:s25] =	ssyncset.done $0x0  }
0x16c: {  	s5 =	simm.s32 $0x18;
	[sflag:s25] =	ssyncadd.s32 $0xFFFFFF38  }
0x16d: {  	_ =	swait.ge [sflag:s5], $0x3200  }
0x16e: {  	[sflag:s5] =	ssyncset.done $0x0  }
0x16f: {  	[sflag:s5] =	ssyncadd.s32 $0xFFFFCE00  }
0x170: {  	[tilespmem:s10], [sflag:$0x8] =	stream.linear.gather [spmem:s1], $0x3200, $0x38;
	[tilespmem:$0x19960] =	vst v63  }
0x171: {  	s13 =	sadd.s32 $0x177, s13;
	s5 =	simm.s32 $0x19898  }
0x172: {  	[tilespmem:s5], [sflag:$0x19] =	stream.linear.gather [hbm4b:s13+s2], $0xC8, $0x38;
	[tilespmem:$0x19960] =	vst v63  }
0x173: {  	_ =	swait.ge [sflag:s25], $0xC8  }
0x174: {  	[sflag:s25] =	ssyncset.done $0x0  }
0x175: {  	[sflag:s25] =	ssyncadd.s32 $0xFFFFFF38  }
0x176: {  	_ =	swait.ge [sflag:s26], $0x3200  }
0x177: {  	[sflag:s26] =	ssyncset.done $0x0  }
0x178: {  	[sflag:s26] =	ssyncadd.s32 $0xFFFFCE00  }
0x179: {  	[tilespmem:s17], [sflag:$0x9] =	stream.indirect.gather.add.f32 [hbm:s19], $0x40, s23, s12, $0xb8;
	[tilespmem:$0x19960] =	vst v63  }
0x17a: {  	_ =	swait.ge [sflag:s29], $0x3200  }
0x17b: {  	[sflag:s29] =	ssyncset.done $0x0  }
0x17c: {  	[sflag:s29] =	ssyncadd.s32 $0xFFFFCE00  }
0x17d: {  	[tilespmem:s16], [sflag:$0xA] =	stream.indirect.gather.add.f32 [hbm:s19], $0x40, s18, s12, $0xb8;
	[tilespmem:$0x19960] =	vst v63  }
0x17e: {  	_ =	swait.ge [sflag:s31], $0x3200  }
0x17f: {  	[sflag:s31] =	ssyncset.done $0x0  }
0x180: {  	s23 =	simm.s32 $0x4;
	[sflag:s31] =	ssyncadd.s32 $0xFFFFCE00  }
0x181: {  	[tilespmem:s20], [sflag:$0xB] =	stream.indirect.gather.add.f32 [hbm:s19], $0x40, s8, s12, $0xb8;
	[tilespmem:$0x19960] =	vst v63  }
0x182: {  	_ =	swait.ge [sflag:s23], $0x3200  }
0x183: {  	[sflag:s23] =	ssyncset.done $0x0  }
0x184: {  	s8 =	simm.s32 $0x5;
	[sflag:s23] =	ssyncadd.s32 $0xFFFFCE00  }
0x185: {  	[tilespmem:s22], [sflag:$0xC] =	stream.indirect.gather.add.f32 [hbm:s19], $0x40, s4, s12, $0xb8;
	[tilespmem:$0x19960] =	vst v63  }
0x186: {  	_ =	swait.ge [sflag:s8], $0x3200  }
0x187: {  	[sflag:s8] =	ssyncset.done $0x0  }
0x188: {  	s13 =	simm.s32 $0x6;
	[sflag:s8] =	ssyncadd.s32 $0xFFFFCE00  }
0x189: {  	[tilespmem:s28], [sflag:$0xD] =	stream.indirect.gather.add.f32 [hbm:s19], $0x40, s30, s12, $0xb8;
	[tilespmem:$0x19960] =	vst v63  }
0x18a: {  	_ =	swait.ge [sflag:s13], $0x3200  }
0x18b: {  	[sflag:s13] =	ssyncset.done $0x0  }
0x18c: {  	[sflag:s13] =	ssyncadd.s32 $0xFFFFCE00  }
0x18d: {  	[tilespmem:s0], [sflag:$0xE] =	stream.indirect.gather.add.f32 [hbm:s19], $0x40, s3, s12, $0xb8;
	[tilespmem:$0x19960] =	vst v63  }
0x18e: {  	_ =	swait.ge [sflag:s21], $0x3200  }
0x18f: {  	[sflag:s21] =	ssyncset.done $0x0  }
0x190: {  	s14 =	simm.s32 $0x8;
	[sflag:s21] =	ssyncadd.s32 $0xFFFFCE00  }
0x191: {  	[tilespmem:s6], [sflag:$0xF] =	stream.indirect.gather.add.f32 [hbm:s19], $0x40, s15, s12, $0xb8;
	[tilespmem:$0x19960] =	vst v63  }
0x192: {  	_ =	swait.ge [sflag:s14], $0x3200  }
0x193: {  	[sflag:s14] =	ssyncset.done $0x0  }
0x194: {  	s15 =	simm.s32 $0x9;
	[sflag:s14] =	ssyncadd.s32 $0xFFFFCE00  }
0x195: {  	[tilespmem:s10], [sflag:$0x10] =	stream.indirect.gather.add.f32 [hbm:s19], $0x40, s5, s12, $0xb8;
	[tilespmem:$0x19960] =	vst v63  }
0x196: {  	_ =	swait.ge [sflag:s15], $0x3200  }
0x197: {  	s9 =	sadd.s32 $0x3200, s9;
	[sflag:s15] =	ssyncset.done $0x0  }
0x198: {  	s18 =	sadd.s32 $0xFFFFD440, s9;
	s23 =	simm.s32 $0xA;
	[sflag:s15] =	ssyncadd.s32 $0xFFFFCE00  }
0x199: {  	[hbm4b:s18+s2] =	stream.linear.scatter [tilespmem:s17], [sflag:$0x11], $0x3200, $0x38;
	[tilespmem:$0x19960] =	vst v63  }
0x19a: {  	_ =	swait.ge [sflag:s23], $0x3200  }
0x19b: {  	[sflag:s23] =	ssyncset.done $0x0  }
0x19c: {  	s30 =	sadd.s32 $0xFFFFDA80, s9;
	s3 =	simm.s32 $0xB;
	[sflag:s23] =	ssyncadd.s32 $0xFFFFCE00  }
0x19d: {  	[hbm4b:s30+s2] =	stream.linear.scatter [tilespmem:s16], [sflag:$0x12], $0x3200, $0x38;
	[tilespmem:$0x19960] =	vst v63  }
0x19e: {  	_ =	swait.ge [sflag:s3], $0x3200  }
0x19f: {  	[sflag:s3] =	ssyncset.done $0x0  }
0x1a0: {  	s4 =	sadd.s32 $0xFFFFE0C0, s9;
	s5 =	simm.s32 $0xC;
	[sflag:s3] =	ssyncadd.s32 $0xFFFFCE00  }
0x1a1: {  	[hbm4b:s4+s2] =	stream.linear.scatter [tilespmem:s20], [sflag:$0x13], $0x3200, $0x38;
	[tilespmem:$0x19960] =	vst v63  }
0x1a2: {  	_ =	swait.ge [sflag:s5], $0x3200  }
0x1a3: {  	[sflag:s5] =	ssyncset.done $0x0  }
0x1a4: {  	s8 =	sadd.s32 $0xFFFFE700, s9;
	s15 =	simm.s32 $0xD;
	[sflag:s5] =	ssyncadd.s32 $0xFFFFCE00  }
0x1a5: {  	[hbm4b:s8+s2] =	stream.linear.scatter [tilespmem:s22], [sflag:$0x14], $0x3200, $0x38;
	[tilespmem:$0x19960] =	vst v63  }
0x1a6: {  	_ =	swait.ge [sflag:s15], $0x3200  }
0x1a7: {  	[sflag:s15] =	ssyncset.done $0x0  }
0x1a8: {  	s17 =	simm.s32 $0xE;
	s16 =	sadd.s32 $0xFFFFED40, s9;
	[sflag:s15] =	ssyncadd.s32 $0xFFFFCE00  }
0x1a9: {  	[hbm4b:s16+s2] =	stream.linear.scatter [tilespmem:s28], [sflag:$0x15], $0x3200, $0x38;
	[tilespmem:$0x19960] =	vst v63  }
0x1aa: {  	_ =	swait.ge [sflag:s17], $0x3200  }
0x1ab: {  	[sflag:s17] =	ssyncset.done $0x0  }
0x1ac: {  	s18 =	sadd.s32 $0xFFFFF380, s9;
	s23 =	simm.s32 $0xF;
	[sflag:s17] =	ssyncadd.s32 $0xFFFFCE00  }
0x1ad: {  	[hbm4b:s18+s2] =	stream.linear.scatter [tilespmem:s0], [sflag:$0x16], $0x3200, $0x38;
	[tilespmem:$0x19960] =	vst v63  }
0x1ae: {  	p1 =	sne.s32 s7, $0xAF0;
	_ =	swait.ge [sflag:s23], $0x3200  }
.Ltmp0:
0x1af: {  	[sflag:s23] =	ssyncset.done $0x0;
	(pc) =	sbr.rel @p1 .LBB2_2-.Ltmp0, $4  }
0x1b0: {  	s30 =	sadd.s32 $0xFFFFF9C0, s9;
	[sflag:s23] =	ssyncadd.s32 $0xFFFFCE00  }
0x1b1: {  	[hbm4b:s30+s2] =	stream.linear.scatter [tilespmem:s6], [sflag:$0x17], $0x3200, $0x38;
	[tilespmem:$0x19960] =	vst v63  }
0x1b2: {  	s7 =	sadd.s32 $0xC8, s7;
	s11 =	smov.u32 s9;
	_ =	swait.ge [sflag:s24], $0x3200  }
0x1b3: {  	s14 =	simm.s32 $0x16120;
	s10 =	simm.s32 $0x10;
	[sflag:s24] =	ssyncset.done $0x0  }
0x1b4: {  	[sflag:s10] =	ssyncadd.s32 $0xFFFFCE00;
	s0 =	simm.s32 $0x11  }
0x1b5: {  	[hbm4b:s11+s2] =	stream.linear.scatter [tilespmem:s14], [sflag:$0x18], $0x3200, $0x38;
	[tilespmem:$0x19960] =	vst v63  }
0x1b6: {  	_ =	swait.ge [sflag:s0], $0x3200  }
0x1b7: {  	[sflag:s0] =	ssyncset.done $0x0  }
0x1b8: {  	s20 =	simm.s32 $0x12;
	[sflag:s0] =	ssyncadd.s32 $0xFFFFCE00  }
0x1b9: {  	_ =	swait.ge [sflag:s20], $0x3200  }
0x1ba: {  	[sflag:s20] =	ssyncset.done $0x0  }
0x1bb: {  	s21 =	simm.s32 $0x13;
	[sflag:s20] =	ssyncadd.s32 $0xFFFFCE00  }
0x1bc: {  	_ =	swait.ge [sflag:s21], $0x3200  }
0x1bd: {  	[sflag:s21] =	ssyncset.done $0x0  }
0x1be: {  	s22 =	simm.s32 $0x14;
	[sflag:s21] =	ssyncadd.s32 $0xFFFFCE00  }
0x1bf: {  	_ =	swait.ge [sflag:s22], $0x3200  }
0x1c0: {  	[sflag:s22] =	ssyncset.done $0x0  }
0x1c1: {  	s23 =	simm.s32 $0x15;
	[sflag:s22] =	ssyncadd.s32 $0xFFFFCE00  }
0x1c2: {  	_ =	swait.ge [sflag:s23], $0x3200  }
0x1c3: {  	[sflag:s23] =	ssyncset.done $0x0  }
0x1c4: {  	s24 =	simm.s32 $0x16;
	[sflag:s23] =	ssyncadd.s32 $0xFFFFCE00  }
0x1c5: {  	_ =	swait.ge [sflag:s24], $0x3200  }
0x1c6: {  	[sflag:s24] =	ssyncset.done $0x0  }
0x1c7: {  	s26 =	simm.s32 $0x17;
	[sflag:s24] =	ssyncadd.s32 $0xFFFFCE00  }
0x1c8: {  	_ =	swait.ge [sflag:s26], $0x3200  }
0x1c9: {  	s30 =	simm.s32 $0x18;
	s13 =	simm.s32 $0x320;
	[sflag:s26] =	ssyncset.done $0x0  }
0x1ca: {  	s15 =	simm.s32 $0x3520;
	s16 =	simm.s32 $0x193E8;
	[sflag:s26] =	ssyncadd.s32 $0xFFFFCE00  }
0x1cb: {  	s17 =	simm.s32 $0x6720;
	s4 =	simm.s32 $0x19708;
	_ =	swait.ge [sflag:s30], $0x3200  }
0x1cc: {  	s6 =	simm.s32 $0x12F20;
	s8 =	simm.s32 $0x197D0;
	s9 =	rddreg [dreg:$0x18]  }
0x1cd: {  	s18 =	simm.s32 $0x19898;
	s7 =	rddreg [dreg:$0x16];
	s9 =	sadd.s32 $0x1, s9  }
0x1ce: {  	s28 =	simm.s32 $0x2;
	s29 =	simm.s32 $0x3;
	p1 =	sne.s32 s9, s7  }
.Ltmp1:
0x1cf: {  	s3 =	simm.s32 $0x4;
	s5 =	simm.s32 $0x5;
	(pc) =	sbr.rel @p1 .LBB2_1-.Ltmp1, $4  }
0x1d0: {  	s10 =	simm.s32 $0x6;
	s31 =	simm.s32 $0x7;
	s14 =	simm.s32 $0x19320  }
0x1d1: {  	s0 =	simm.s32 $0xFD20;
	s20 =	simm.s32 $0x9920;
	s21 =	simm.s32 $0x19578  }
0x1d2: {  	s22 =	simm.s32 $0xCB20;
	s23 =	simm.s32 $0x194B0;
	[sflag:s30] =	ssyncset.done $0x0  }
0x1d3: {  	s24 =	simm.s32 $0x19640;
	s26 =	simm.s32 $0x1;
	[sflag:s30] =	ssyncadd.s32 $0xFFFFCE00  }
0x1d4: {  	_ =	sfence.sel $0x180000  }
0x1d5: {  	[bflag:$0x0] =	sbarrier.arrive $0xFFFF  }
0x1d6: {  	_ =	strace $0x90000047  }
0x1d7: {  	[bflag:$0x2] =	sbarrier.arrive $0xFFFF  }
0x1d8: {  	s0 =	rddreg [dreg:$0x3]  }
0x1d9: {  	s0 =	sadd.s32 @!p0 $0x100000, s0  }
0x1da: {  	[sflag:s0] =	ssyncadd.tile.s32 @!p0 $0x1;
	_ =	shalt  }
.Lfunc_end2:
_tile_overlayer_lowered:
.L_overlay_start_2:
0x1db: {  	(tag) =	ssettag $0x2  }
0x1dc: {  	s0 =	rddreg [dreg:$0x0];
	s2 =	stileid.u32  }
0x1dd: {  	s1 =	rddreg [dreg:$0x1];
	p0 =	sne.s32 s2, $0x0  }
0x1de: {  	s3 =	rddreg [dreg:$0x2];
	[bflag:$0x3] =	sbarrier.arrive $0xFFFF;
	s2 =	simm.s32 @!p0 $0x1C19  }
0x1df: {  	[timem:s3], [sflag:s2] =	dma.local @!p0 [hbm:s0], s1  }
0x1e0: {  	s0 =	simm.s32 @!p0 $0x19  }
0x1e1: {  	_ =	swait.ge @!p0 [sflag:s0], s1  }
0x1e2: {  	s1 =	ssub.s32 @!p0 $0x0, s1;
	[sflag:s0] =	ssyncset.done @!p0 $0x0  }
0x1e3: {  	[sflag:s0] =	ssyncadd.s32 @!p0 s1  }
0x1e4: {  	[bflag:$0x3] =	sbarrier.arrive $0xFFFF  }
0x1e5: {  	_ =	shalt  }

// kernel: sparse-core-data-format-call.cloned.1.call-start
scs
called_computation_lowered:
.L_overlay_start_0:
0x0: {  	s2 =	sld [smem:$0x3FD9]  }
0x1: {  	s3 =	sld [smem:$0x3FFE];
	_ =	sdelay $0x1  }
0x2: {  	s1 =	srdreg.scid  }
0x3: {  	s0 =	sand.u32 $0x1, s1  }
0x4: {  	s18 =	sshll.u32 s0, $0xA;
	s2 =	sadd.s32 s3, s2  }
0x5: {  	s2 =	sadd.s32 s2, s18  }
0x6: {  	[smem:$0x3FC5] =	sst s2  }
0x7: {  	_ = 	snop  }
0x8: {  	s2 =	sld [smem:$0x3FD0];
	(tm) =	ssettm $0x1  }
0x9: {  	s19 =	sld [smem:$0x3FFB];
	_ =	sdelay $0x3  }
0xa: {  	_ =	strace s19  }
0xb: {  	s3 =	sld [smem:$0x3FFC];
	_ =	sdelay $0x3  }
0xc: {  	_ =	strace s3  }
0xd: {  	s3 =	sld [smem:$0x3FFD];
	_ =	sdelay $0x3  }
0xe: {  	_ =	strace s3  }
0xf: {  	_ =	strace $0x8FFFFFFF  }
0x10: {  	s20 =	sld [smem:$0x3FDB];
	_ =	sdelay $0x1  }
0x11: {  	s4 =	simm.s32 $_scs_section_size  }
0x12: {  	s5 =	simm.s32 $_size__tile_overlayer_lowered;
	s6 =	simm.s32 $_tile_overlayer_lowered  }
0x13: {  	s23 =	simm.s32 $0x1BFF;
	s22 =	sshll.u32 s6, $0x1;
	s3 =	sadd.s32 s4, s20  }
0x14: {  	s7 =	simm.s32 $0x0;
	s21 =	sshll.u32 s5, $0x1;
	s5 =	sadd.s32 s22, s3  }
0x15: {  	[timem:s7], [sflag:s23] =	dma.local [hbm:s5], s21  }
0x16: {  	_ =	swait.ge [sflag:s23], s21  }
0x17: {  	s4 =	ssub.s32 $0x0, s21;
	[sflag:s23] =	ssyncset.done $0x0  }
0x18: {  	[sflag:s23] =	ssyncadd.s32 s4;
	_ =	sdelay $0x1  }
0x19: {  	s24 =	simm.s32 $0x1B8B  }
0x1a: {  	_ =	swait.ge [sflag:s24], $0x1  }
0x1b: {  	[sflag:s24] =	ssyncset.done $0x0  }
0x1c: {  	s26 =	simm.s32 $0x1B8E;
	s25 =	sld [smem:$0x3FFE];
	[sflag:s24] =	ssyncadd.s32 $0xFFFFFFFF  }
0x1d: {  	s27 =	simm.s32 $execute0_lowered;
	[smem:$0x3FD2] =	sst s26  }
0x1e: {  	s5 =	sshll.u32 s27, $0x1;
	_ =	strace $0x80000049;
	[dreg:$0x1] =	wrdreg $0xFFFFFFFF  }
0x1f: {  	s28 =	simm.s32 $_size_execute0_lowered;
	s3 =	sadd.s32 s3, s5;
	[dreg:$0x0] =	wrdreg $0x0  }
0x20: {  	s5 =	sshll.u32 s28, $0x1;
	[dreg:$0x2] =	wrdreg s3  }
0x21: {  	[dreg:$0x3] =	wrdreg s5  }
0x22: {  	[dreg:$0x4] =	wrdreg $0xC0  }
0x23: {  	_ =	task [dreg:s7], $0x5FFFF  }
0x24: {  	[dreg:$0x1] =	wrdreg $0xFFFFFFFF  }
0x25: {  	[dreg:$0x0] =	wrdreg $0x60  }
0x26: {  	[dreg:$0x2] =	wrdreg s25  }
0x27: {  	[dreg:$0x3] =	wrdreg s2  }
0x28: {  	[dreg:$0x4] =	wrdreg $0x9  }
0x29: {  	_ =	task.clear_ibuf [dreg:s7], $0x5FFFF;
	_ =	strace $0x90000049  }
0x2a: {  	s29 =	simm.s32 $0x9;
	_ =	strace $0x8000004B  }
0x2b: {  	_ =	swait.ge [sflag:s29], $0x1  }
0x2c: {  	[sflag:s29] =	ssyncadd.s32 $0xFFFFFFFF  }
0x2d: {  	_ =	strace $0x9000004B  }
0x2e: {  	_ =	sfence  }
0x2f: {  	s30 =	sld [smem:$0x0];
	_ =	sdelay $0x2  }
0x30: {  	s31 =	sshll.u32 s1, $0xD;
	s1 =	sshrl.u32 s1, $0x2  }
0x31: {  	s3 =	sand.u32 $0x4000, s31;
	s1 =	sadd.s32 s1, s30  }
0x32: {  	s0 =	sor.u32 s3, s0;
	s1 =	sshll.u32 s1, $0x11  }
0x33: {  	s0 =	sor.u32 s1, s0  }
0x34: {  	s0 =	sadd.s32 $0x8F2B, s0  }
0x35: {  	[sflag:s0] =	ssyncadd.remote.s32 $0x1  }
0x36: {  	_ =	sfence.sel $0xFFFF  }
0x37: {  	[dreg:$0x0] =	wrdreg $0xFFFFFFFF;
	(pc) =	sbr.abs _section_cstart, $3  }
0x38: {  	[dreg:$0x1] =	wrdreg $0xFFFFFFFF  }
0x39: {  	_ =	task.clear_ibuf [dreg:s7], $0x2FFFF;
	_ =	strace $0x9FFFFFFF  }
0x3a: {  	(tm) =	ssettm $0x7FFFFFFF  }
0x3b: {  	_ =	shalt  }
tec
execute0_lowered:
.L_overlay_start_1:
0x0: {  	(tag) =	ssettag $0x1  }
0x1: {  	s0 =	srdreg.scid  }
0x2: {  	s1 =	sshll.u32 s0, $0x4  }
0x3: {  	s0 =	stileid.u32;
	s1 =	sand.u32 $0x10, s1  }
0x4: {  	s1 =	sor.u32 s0, s1  }
0x5: {  	s6 =	rddreg [dreg:$0x0];
	s4 =	simm.s32 $0x1;
	s2 =	sshll.u32 s1, $0x7  }
0x6: {  	s7 =	simm.s32 $0x2;
	s12 =	simm.s32 $0x0;
	s1 =	ssub.s32 $0x1000, s2  }
0x7: {  	s8 =	simm.s32 $0x8000;
	s13 =	simm.s32 $0x0;
	s3 =	sand.u32 $0xF80, s1  }
0x8: {  	s9 =	simm.s32 $0x0;
	s5 =	sshrl.u32 s1, $0xC;
	p0 =	sne.s32 s3, $0x0  }
.Ltmp0:
0x9: {  	s1 =	rddreg [dreg:$0x2];
	s4 =	simm.s32 @!p0 $0x0;
	(pc) =	sbr.rel .LBB1_1-.Ltmp0, $4  }
0xa: {  	s11 =	simm.s32 $0x0;
	s3 =	rddreg [dreg:$0x1];
	s5 =	sadd.s32 s4, s5  }
0xb: {  	_ =	strace $0x8000004A;
	s4 =	simm.s32 $0x1;
	s5 =	smul.u32 $0xC8, s5  }
0xc: {  	s6 =	sadd.s32 $0xC00, s6;
	s10 =	smov.u32 s2;
	[sflag:s4] =	ssyncpa.u1 $0x0  }
0xd: {  	p0 =	por $0x0, $0x0;
	[sflag:s7] =	ssyncpa.u1 $0x0;
	s7 =	sor.u32 $0x1, s5  }
.LBB1_4:
0xe: {  	s16 =	sshll.u32 s13, $0x3;
	s17 =	sand.u32 $0x78, s13  }
0xf: {  	s30 =	sand.u32 $0x7E00, s13;
	s12 =	sshll.u32 s12, $0xF;
	s16 =	sand.u32 $0xC00, s16  }
0x10: {  	[tilespmem:s15+$0x810 ss:$0x81] =	vst.msk $0xffff, v2;
	s31 =	sand.u32 $0x7, s13;
	s16 =	sor.u32 s17, s16;
	s17 =	sadd.s32 s3, s30  }
0x11: {  	[tilespmem:s15+$0x1020 ss:$0x81] =	vst.msk $0xffff, v0;
	s13 =	sshll.u32 s31, $0x12;
	s12 =	sadd.s32 s12, s17;
	s16 =	sshrl.u32 s16, $0x3  }
0x12: {  	[tilespmem:s15+$0x0 ss:$0x81] =	vst.msk $0xffff, v1;
	s13 =	sor.u32 $0x400, s13;
	s12 =	sadd.s32 s16, s12  }
0x13: {  	[hbm4b:s12+s13] =	stream.strided.scatter [tilespmem:s14], [sflag:$0x2], $0x2000, s8, s13, $0x20;
	[tilespmem:$0x8080] =	vst v63  }
.LBB1_5:
0x14: {  	s14 =	sadd.s32 $0x1, s9  }
0x15: {  	s12 =	sadd.s32 $0x1000, s10;
	s16 =	smov.u32 s10;
	p2 =	sgt.s32 s14, $0xC7  }
0x16: {  	s16 =	smov.u32 @p2 s12  }
0x17: {  	s14 =	simm.s32 @p2 $0x0;
	p2 =	sgt.s32 s16, $0xFFF  }
0x18: {  	s16 =	smov.u32 @p2 s2;
	p2 =	sne.s32 s11, s7  }
.Ltmp1:
0x19: {  	p1 =	slt.u32 s11, $0x2;
	(pc) =	sbr.rel @!p2 .LBB1_6-.Ltmp1, $4  }
0x1a: {  	s15 =	simm.s32 @!p1 $0x2  }
0x1b: {  	s13 =	smov.u32 s10;
	p0 =	por !p0, !p0;
	_ =	swait.ge @!p1 [sflag:s15], $0x2000  }
0x1c: {  	s12 =	smov.u32 s9;
	[sflag:s15] =	ssyncset.done @!p1 $0x0;
	s9 =	smov.u32 s14  }
0x1d: {  	s11 =	sadd.s32 $0x1, s11;
	[sflag:s15] =	ssyncadd.s32 @!p1 $0xFFFFE000;
	s10 =	smov.u32 s16  }
.LBB1_1:
0x1e: {  	p1 =	sge.u32 s11, s5  }
0x1f: {  	s14 =	sand.u32 @!p1 $0x1FFFFFF, s9  }
0x20: {  	s15 =	smulhi.u32 @!p1 $0x147AE15, s14;
	_ =	sdelay $0x1  }
0x21: {  	s15 =	smul.u32 @!p1 $0xC8, s15  }
0x22: {  	s16 =	sxor.u32 @!p1 $0xFFFFFFFF, s11;
	s17 =	smul.u32 @!p1 $0xC80, s10  }
0x23: {  	s31 =	sadd.s32 $0xFFFFFFFF, s11;
	s16 =	sshll.u32 @!p1 s16, $0xD;
	s14 =	ssub.s32 @!p1 s14, s15  }
0x24: {  	s15 =	sand.u32 @!p1 $0x2000, s16;
	s16 =	sadd.s32 @!p1 s6, s17;
	s14 =	sshll.u32 @!p1 s14, $0x4  }
0x25: {  	s17 =	simm.s32 @!p1 $0x6400;
	s14 =	sadd.s32 @!p1 s14, s16;
	s16 =	simm.s32 @!p1 $0x40  }
0x26: {  	[tilespmem:s15], [sflag:$0x1] =	stream.strided.gather @!p1 [hbm4b:s14+s16], $0x2000, s17, s16, $0x38;
	[tilespmem:$0x8080] =	vst v63  }
0x27: {  	p1 =	sge.u32 s31, s5  }
.Ltmp2:
0x28: {  	_ = 	snop;
	(pc) =	sbr.rel @p1 .LBB1_5-.Ltmp2, $1  }
0x29: {  	_ =	sdelay $0x3  }
0x2a: {  	s14 =	simm.s32 $0x1  }
0x2b: {  	_ =	swait.ge [sflag:s4], $0x2000;
	s14 =	simm.s32 @!p0 $0x0  }
0x2c: {  	[sflag:s4] =	ssyncset.done $0x0;
	s15 =	sshll.u32 s14, $0xD  }
0x2d: {  	[sflag:s4] =	ssyncadd.s32 $0xFFFFE000;
	s18 =	sor.u32 $0x20, s15  }
0x2e: {  	s14 =	smul.u32 $0x8100, s14;
	v3 =	vld [tilespmem:s18+$0x10]  }
0x2f: {  	s30 =	sand.u32 $0x1, s11;
	v2 =	vld [tilespmem:s18+$0xFFFFFFF0]  }
0x30: {  	s15 =	smul.u32 $0x8100, s30;
	s14 =	sshrl.u32 s14, $0x2;
	v0 =	vld [tilespmem:s18+$0x0]  }
0x31: {  	v1 =	vld [tilespmem:s18+$0xFFFFFFE0];
	s16 =	sor.u32 $0x4000, s14  }
0x32: {  	s31 =	sshrl.u32 s15, $0x2;
	s15 =	sadd.s32 $0x0, s16  }
0x33: {  	s17 =	simm.s32 $0x4;
	s18 =	sadd.s32 $0x40, s18;
	s14 =	sor.u32 $0x4000, s31;
	[tilespmem:s15+$0x1830 ss:$0x81] =	vst.msk $0xffff, v3  }
.LBB1_3:
0x34: {  	v3 =	vld [tilespmem:s18+$0x10];
	p1 =	sne.s32 s17, $0x1FC;
	[tilespmem:s15+$0x810 ss:$0x81] =	vst.msk $0xffff, v2;
	s19 =	smov.u32 s17;
	s17 =	sadd.s32 $0x4, s17  }
.Ltmp3:
0x35: {  	v2 =	vld [tilespmem:s18+$0xFFFFFFF0];
	[tilespmem:s15+$0x1020 ss:$0x81] =	vst.msk $0xffff, v0;
	(pc) =	sbr.rel @p1 .LBB1_3-.Ltmp3, $4  }
0x36: {  	v0 =	vld [tilespmem:s18+$0x0];
	[tilespmem:s15+$0x0 ss:$0x81] =	vst.msk $0xffff, v1  }
0x37: {  	s15 =	sshra.s32 s19, $0x2;
	v1 =	vld [tilespmem:s18+$0xFFFFFFE0]  }
0x38: {  	s15 =	sadd.s32 s15, s16  }
0x39: {  	s18 =	sadd.s32 $0x40, s18;
	[tilespmem:s15+$0x1830 ss:$0x81] =	vst.msk $0xffff, v3  }
.Ltmp4:
0x3a: {  	_ = 	snop;
	(pc) =	sbr.rel .LBB1_4-.Ltmp4, $1  }
0x3b: {  	_ =	sdelay $0x3  }
.LBB1_6:
0x3c: {  	_ =	sfence.sel $0x180000  }
0x3d: {  	s2 =	simm.s32 $0x1;
	[bflag:$0x0] =	sbarrier.arrive $0xFFFF  }
0x3e: {  	s31 =	simm.s32 $0x2;
	[sflag:s2] =	ssyncpa.u1 $0x1  }
0x3f: {  	[sflag:s31] =	ssyncpa.u1 $0x1  }
0x40: {  	p0 =	sne.s32 s0, $0x0;
	_ =	strace $0x9000004A  }
0x41: {  	s0 =	sadd.s32 @!p0 $0x100000, s1;
	[bflag:$0x2] =	sbarrier.arrive $0xFFFF  }
0x42: {  	[sflag:s0] =	ssyncadd.tile.s32 @!p0 $0x1;
	_ =	shalt  }
.Lfunc_end1:
_tile_overlayer_lowered:
.L_overlay_start_2:
0x43: {  	(tag) =	ssettag $0x2  }
0x44: {  	s0 =	rddreg [dreg:$0x0];
	s2 =	stileid.u32  }
0x45: {  	s1 =	rddreg [dreg:$0x1];
	p0 =	sne.s32 s2, $0x0  }
0x46: {  	s3 =	rddreg [dreg:$0x2];
	[bflag:$0x3] =	sbarrier.arrive $0xFFFF;
	s2 =	simm.s32 @!p0 $0x1C01  }
0x47: {  	[timem:s3], [sflag:s2] =	dma.local @!p0 [hbm:s0], s1  }
0x48: {  	s0 =	simm.s32 @!p0 $0x1  }
0x49: {  	_ =	swait.ge @!p0 [sflag:s0], s1  }
0x4a: {  	s1 =	ssub.s32 @!p0 $0x0, s1;
	[sflag:s0] =	ssyncset.done @!p0 $0x0  }
0x4b: {  	[sflag:s0] =	ssyncadd.s32 @!p0 s1  }
0x4c: {  	[bflag:$0x3] =	sbarrier.arrive $0xFFFF  }
0x4d: {  	_ =	shalt  }

</sc_bundles>
